<compile_context>
chip_gen: v7x
topology: tpu7x:2x2x1
jax: 0.10.2.dev20260603
libtpu: 0.0.44.dev20260713+nightly
codegen_flags: <defaults>
</compile_context>

<pallas_src>
import functools

import jax
import jax.numpy as jnp
from jax import lax
from jax.experimental import pallas as pl
from jax.experimental.pallas import tpu as pltpu
from jax.experimental.pallas import tpu_sc as plsc

N_ROWS = 50000
D = 256
NUM_SEG = 128


_ROWS_PER_BLK = 10240
_N_BLKS = (N_ROWS + _ROWS_PER_BLK - 1) // _ROWS_PER_BLK
_N_PAD = _N_BLKS * _ROWS_PER_BLK


_BLK_SUB = _ROWS_PER_BLK // 128


def _rowdot_body(x_ref, w_ref, o_ref):
    s = jnp.sum(x_ref[...] * w_ref[...], axis=1)
    o_ref[...] = s.reshape(_BLK_SUB, 128)


def _rowdot(x, w):
    return pl.pallas_call(
        _rowdot_body,
        grid=(_N_BLKS,),
        in_specs=[
            pl.BlockSpec((_ROWS_PER_BLK, D), lambda i: (i, 0)),
            pl.BlockSpec((1, D), lambda i: (0, 0)),
        ],
        out_specs=pl.BlockSpec((_BLK_SUB, 128), lambda i: (i, 0)),
        out_shape=jax.ShapeDtypeStruct((_N_PAD // 128, 128), jnp.float32),
    )(x, w)



_NSUB = 16
_CHUNK = _N_PAD // _NSUB
_VSTEPS = _CHUNK // 16
_UNROLL = 4
_ACC_W = NUM_SEG + 16


@functools.partial(
    pl.kernel,
    mesh=plsc.VectorSubcoreMesh(
        core_axis_name="c", subcore_axis_name="s", num_cores=1),
    out_type=jax.ShapeDtypeStruct((NUM_SEG,), jnp.float32),
    compiler_params=pltpu.CompilerParams(needs_layout_passes=False),
    scratch_types=[
        pltpu.VMEM((_CHUNK,), jnp.float32),
        pltpu.VMEM((_CHUNK,), jnp.int32),
        pltpu.VMEM((16 * _ACC_W,), jnp.float32),
        pltpu.VMEM((16 * _ACC_W,), jnp.float32),
        pltpu.VMEM((NUM_SEG,), jnp.float32),
        pltpu.VMEM((NUM_SEG,), jnp.float32),
        pltpu.VMEM_SHARED((_NSUB * NUM_SEG,), jnp.float32),
        pltpu.VMEM_SHARED((_NSUB * NUM_SEG,), jnp.float32),
        pltpu.VMEM((_NSUB * NUM_SEG,), jnp.float32),
        pltpu.VMEM((_NSUB * NUM_SEG,), jnp.float32),
        pltpu.VMEM((16,), jnp.float32),
        pltpu.VMEM((NUM_SEG,), jnp.float32),
    ],
)
def _seg_mean(y_hbm, seg_hbm, b_hbm, out_hbm,
              y_v, s_v, acc, cnt, row_s, row_c,
              sh_s, sh_c, all_s, all_c, b_v, o_v):
    sid = lax.axis_index("s")
    base = sid * _CHUNK
    pltpu.sync_copy(y_hbm.at[pl.ds(base, _CHUNK)], y_v)
    pltpu.sync_copy(seg_hbm.at[pl.ds(base, _CHUNK)], s_v)

    zeros = jnp.zeros((16,), jnp.float32)
    ones = jnp.ones((16,), jnp.float32)
    lane = lax.iota(jnp.int32, 16)
    lane_off = lane * _ACC_W

    for j in range(16 * _ACC_W // 16):
        acc[pl.ds(j * 16, 16)] = zeros
        cnt[pl.ds(j * 16, 16)] = zeros

    def body(k, carry):
        yv = y_v[pl.ds(k * 16, 16)]
        sv = s_v[pl.ds(k * 16, 16)]
        idx = lane_off + sv
        plsc.addupdate_scatter(acc, [idx], yv)
        plsc.addupdate_scatter(cnt, [idx], ones)
        return carry

    lax.fori_loop(0, _VSTEPS, body, 0)

    for j in range(NUM_SEG // 16):
        s = acc[pl.ds(j * 16, 16)]
        c = cnt[pl.ds(j * 16, 16)]
        for i in range(1, 16):
            s = s + acc[pl.ds(i * _ACC_W + j * 16, 16)]
            c = c + cnt[pl.ds(i * _ACC_W + j * 16, 16)]
        row_s[pl.ds(j * 16, 16)] = s
        row_c[pl.ds(j * 16, 16)] = c

    pltpu.sync_copy(row_s, sh_s.at[pl.ds(sid * NUM_SEG, NUM_SEG)])
    pltpu.sync_copy(row_c, sh_c.at[pl.ds(sid * NUM_SEG, NUM_SEG)])
    plsc.subcore_barrier()

    @pl.when(sid == 0)
    def _():
        pltpu.sync_copy(sh_s, all_s)
        pltpu.sync_copy(sh_c, all_c)
        pltpu.sync_copy(b_hbm, b_v.at[pl.ds(0, 1)])
        bvec = plsc.load_gather(b_v, [jnp.zeros((16,), jnp.int32)])
        for j in range(NUM_SEG // 16):
            s = all_s[pl.ds(j * 16, 16)]
            c = all_c[pl.ds(j * 16, 16)]
            for i in range(1, _NSUB):
                s = s + all_s[pl.ds(i * NUM_SEG + j * 16, 16)]
                c = c + all_c[pl.ds(i * NUM_SEG + j * 16, 16)]
            o_v[pl.ds(j * 16, 16)] = s / jnp.maximum(c, 1.0) + bvec
        pltpu.sync_copy(o_v, out_hbm)



def kernel(x, segment_ids, W, b):
    y = _rowdot(x, W.astype(jnp.float32)).reshape(_N_PAD)
    seg = jnp.pad(segment_ids.astype(jnp.int32), (0, _N_PAD - N_ROWS),
                  constant_values=NUM_SEG)
    return _seg_mean(y, seg, b.astype(jnp.float32))

# --- scband reference (transcript-rebuilt; emitter-appended) ---
"""Pipeline reference for scband-te-decoder-8177617732209 (READ-ONLY COPY).

The authoritative reference and input builder live on the scoring server;
editing this copy changes nothing except your own understanding.
"""

import jax, jax.numpy as jnp
import numpy as np

NUM_SEGMENTS = 128

def setup_inputs(seed: int = 0) -> dict:
    key = jax.random.key(seed)
    k1, k2, k3 = jax.random.split(key, 3)
    x = jax.random.normal(k1, (50000, 256), dtype=jnp.float32)
    segment_ids = jnp.sort(jax.random.randint(k2, (50000,), 0, NUM_SEGMENTS, dtype=jnp.int64))
    W = jax.random.normal(k3, (1, 256), dtype=jnp.float32) * (1.0 / np.sqrt(256.0))
    b = jnp.zeros((1,), dtype=jnp.float32)
    return {"x": x, "segment_ids": segment_ids, "W": W, "b": b}

def reference(x, segment_ids, W, b):
    # global_mean_pool: segment-sum of node features divided by per-graph node counts
    sums = jax.ops.segment_sum(x, segment_ids, num_segments=NUM_SEGMENTS)
    counts = jax.ops.segment_sum(jnp.ones((x.shape[0],), dtype=x.dtype), segment_ids, num_segments=NUM_SEGMENTS)
    means = sums / jnp.clip(counts, 1.0, None)[:, None]
    # Linear(input_channels, 1)
    out = means @ W.T + b
    # x.squeeze()
    return out.squeeze()

if __name__ == "__main__":
    import jax
    _d = setup_inputs()
    print(jax.jit(kernel)(*tuple(_d.values())))

</pallas_src>

<mosaic_0001>
#map = affine_map<(d0, d1) -> (0)>
module attributes {stable_mosaic.version = 14 : i64} {
  func.func @_seg_mean(%arg0: i32, %arg1: i32, %arg2: memref<51200xf32, #tpu.memory_space<hbm>>, %arg3: memref<51200xi32, #tpu.memory_space<hbm>>, %arg4: memref<1xf32, #tpu.memory_space<hbm>>, %arg5: memref<128xf32, #tpu.memory_space<hbm>>, %arg6: memref<3200xf32, #tpu.memory_space<vmem>>, %arg7: memref<3200xi32, #tpu.memory_space<vmem>>, %arg8: memref<2304xf32, #tpu.memory_space<vmem>>, %arg9: memref<2304xf32, #tpu.memory_space<vmem>>, %arg10: memref<128xf32, #tpu.memory_space<vmem>>, %arg11: memref<128xf32, #tpu.memory_space<vmem>>, %arg12: memref<2048xf32, #tpu.memory_space<vmem_shared>>, %arg13: memref<2048xf32, #tpu.memory_space<vmem_shared>>, %arg14: memref<2048xf32, #tpu.memory_space<vmem>>, %arg15: memref<2048xf32, #tpu.memory_space<vmem>>, %arg16: memref<16xf32, #tpu.memory_space<vmem>>, %arg17: memref<128xf32, #tpu.memory_space<vmem>>) attributes {dimension_semantics = [#tpu.dimension_semantics<core_parallel>, #tpu.dimension_semantics<subcore_parallel>], iteration_bounds = array<i64: 1, 16>, scalar_prefetch = 0 : i64, scratch_operands = 12 : i64, tpu.core_type = #tpu.core_type<sc_vector_subcore>, window_params = [{transform_indices = #map}, {transform_indices = #map}, {transform_indices = #map}, {transform_indices = #map}]} {
    %mul3A = arith.constant 3200 : i32
    %mul3A_0 = arith.muli %arg1, %mul3A : i32
    "tpu.region"() ({
      %run_scoped3A = tpu.sem_alloc : memref<!tpu.dma_semaphore, #tpu.memory_space<semaphore_mem>>
      %dma_start3A = tpu.memref_slice %arg2[%mul3A_0] : memref<51200xf32, #tpu.memory_space<hbm>> -> memref<3200xf32, #tpu.memory_space<hbm>>
      %dma_start3A_1375 = tpu.memref_slice %arg2[%mul3A_0] : memref<51200xf32, #tpu.memory_space<hbm>> -> memref<3200xf32, #tpu.memory_space<hbm>>
      tpu.enqueue_dma source(%dma_start3A_1375 : memref<3200xf32, #tpu.memory_space<hbm>>) target(%arg6 : memref<3200xf32, #tpu.memory_space<vmem>>) target_semaphore(%run_scoped3A : memref<!tpu.dma_semaphore, #tpu.memory_space<semaphore_mem>>)
      %dma_wait3A = tpu.memref_slice %arg2[%mul3A_0] : memref<51200xf32, #tpu.memory_space<hbm>> -> memref<3200xf32, #tpu.memory_space<hbm>>
      %dma_wait3A_1376 = tpu.memref_slice %arg2[%mul3A_0] : memref<51200xf32, #tpu.memory_space<hbm>> -> memref<3200xf32, #tpu.memory_space<hbm>>
      tpu.wait_dma2 semaphore(%run_scoped3A : memref<!tpu.dma_semaphore, #tpu.memory_space<semaphore_mem>>) src(%dma_wait3A_1376 : memref<3200xf32, #tpu.memory_space<hbm>>) dst(%arg6 : memref<3200xf32, #tpu.memory_space<vmem>>)
      tpu.yield
    }) : () -> ()
    "tpu.region"() ({
      %run_scoped3A = tpu.sem_alloc : memref<!tpu.dma_semaphore, #tpu.memory_space<semaphore_mem>>
      %dma_start3A = tpu.memref_slice %arg3[%mul3A_0] : memref<51200xi32, #tpu.memory_space<hbm>> -> memref<3200xi32, #tpu.memory_space<hbm>>
      %dma_start3A_1375 = tpu.memref_slice %arg3[%mul3A_0] : memref<51200xi32, #tpu.memory_space<hbm>> -> memref<3200xi32, #tpu.memory_space<hbm>>
      tpu.enqueue_dma source(%dma_start3A_1375 : memref<3200xi32, #tpu.memory_space<hbm>>) target(%arg7 : memref<3200xi32, #tpu.memory_space<vmem>>) target_semaphore(%run_scoped3A : memref<!tpu.dma_semaphore, #tpu.memory_space<semaphore_mem>>)
      %dma_wait3A = tpu.memref_slice %arg3[%mul3A_0] : memref<51200xi32, #tpu.memory_space<hbm>> -> memref<3200xi32, #tpu.memory_space<hbm>>
      %dma_wait3A_1376 = tpu.memref_slice %arg3[%mul3A_0] : memref<51200xi32, #tpu.memory_space<hbm>> -> memref<3200xi32, #tpu.memory_space<hbm>>
      tpu.wait_dma2 semaphore(%run_scoped3A : memref<!tpu.dma_semaphore, #tpu.memory_space<semaphore_mem>>) src(%dma_wait3A_1376 : memref<3200xi32, #tpu.memory_space<hbm>>) dst(%arg7 : memref<3200xi32, #tpu.memory_space<vmem>>)
      tpu.yield
    }) : () -> ()
    %broadcast_in_dim3A = arith.constant 0.000000e+00 : f32
    %broadcast_in_dim3A_1 = vector.broadcast %broadcast_in_dim3A : f32 to vector<16xf32>
    %broadcast_in_dim3A_2 = arith.constant 1.000000e+00 : f32
    %broadcast_in_dim3A_3 = vector.broadcast %broadcast_in_dim3A_2 : f32 to vector<16xf32>
    %iota3A = tpu.iota {dimensions = array<i32: 0>} : vector<16xi32>
    %mul3A_4 = arith.constant 144 : i32
    %mul3A_5 = vector.broadcast %mul3A_4 : i32 to vector<16xi32>
    %mul3A_6 = arith.muli %iota3A, %mul3A_5 : vector<16xi32>
    %swap3A = arith.constant 0 : index
    %swap3A_7 = tpu.vector_load %arg8[%swap3A] {strides = array<i32>} : memref<2304xf32, #tpu.memory_space<vmem>>, vector<16xf32>,
    tpu.vector_store %arg8[%swap3A], %broadcast_in_dim3A_1 {strides = array<i32>} : memref<2304xf32, #tpu.memory_space<vmem>>, vector<16xf32>,
    %swap3A_8 = arith.constant 0 : index
    %swap3A_9 = tpu.vector_load %arg9[%swap3A_8] {strides = array<i32>} : memref<2304xf32, #tpu.memory_space<vmem>>, vector<16xf32>,
    tpu.vector_store %arg9[%swap3A_8], %broadcast_in_dim3A_1 {strides = array<i32>} : memref<2304xf32, #tpu.memory_space<vmem>>, vector<16xf32>,
    %swap3A_10 = arith.constant 16 : index
    %swap3A_11 = tpu.vector_load %arg8[%swap3A_10] {strides = array<i32>} : memref<2304xf32, #tpu.memory_space<vmem>>, vector<16xf32>,
    tpu.vector_store %arg8[%swap3A_10], %broadcast_in_dim3A_1 {strides = array<i32>} : memref<2304xf32, #tpu.memory_space<vmem>>, vector<16xf32>,
    %swap3A_12 = arith.constant 16 : index
    %swap3A_13 = tpu.vector_load %arg9[%swap3A_12] {strides = array<i32>} : memref<2304xf32, #tpu.memory_space<vmem>>, vector<16xf32>,
    tpu.vector_store %arg9[%swap3A_12], %broadcast_in_dim3A_1 {strides = array<i32>} : memref<2304xf32, #tpu.memory_space<vmem>>, vector<16xf32>,
    %swap3A_14 = arith.constant 32 : index
    %swap3A_15 = tpu.vector_load %arg8[%swap3A_14] {strides = array<i32>} : memref<2304xf32, #tpu.memory_space<vmem>>, vector<16xf32>,
    tpu.vector_store %arg8[%swap3A_14], %broadcast_in_dim3A_1 {strides = array<i32>} : memref<2304xf32, #tpu.memory_space<vmem>>, vector<16xf32>,
    %swap3A_16 = arith.constant 32 : index
    %swap3A_17 = tpu.vector_load %arg9[%swap3A_16] {strides = array<i32>} : memref<2304xf32, #tpu.memory_space<vmem>>, vector<16xf32>,
    tpu.vector_store %arg9[%swap3A_16], %broadcast_in_dim3A_1 {strides = array<i32>} : memref<2304xf32, #tpu.memory_space<vmem>>, vector<16xf32>,
    %swap3A_18 = arith.constant 48 : index
    %swap3A_19 = tpu.vector_load %arg8[%swap3A_18] {strides = array<i32>} : memref<2304xf32, #tpu.memory_space<vmem>>, vector<16xf32>,
    tpu.vector_store %arg8[%swap3A_18], %broadcast_in_dim3A_1 {strides = array<i32>} : memref<2304xf32, #tpu.memory_space<vmem>>, vector<16xf32>,
    %swap3A_20 = arith.constant 48 : index
    %swap3A_21 = tpu.vector_load %arg9[%swap3A_20] {strides = array<i32>} : memref<2304xf32, #tpu.memory_space<vmem>>, vector<16xf32>,
    tpu.vector_store %arg9[%swap3A_20], %broadcast_in_dim3A_1 {strides = array<i32>} : memref<2304xf32, #tpu.memory_space<vmem>>, vector<16xf32>,
    %swap3A_22 = arith.constant 64 : index
    %swap3A_23 = tpu.vector_load %arg8[%swap3A_22] {strides = array<i32>} : memref<2304xf32, #tpu.memory_space<vmem>>, vector<16xf32>,
    tpu.vector_store %arg8[%swap3A_22], %broadcast_in_dim3A_1 {strides = array<i32>} : memref<2304xf32, #tpu.memory_space<vmem>>, vector<16xf32>,
    %swap3A_24 = arith.constant 64 : index
    %swap3A_25 = tpu.vector_load %arg9[%swap3A_24] {strides = array<i32>} : memref<2304xf32, #tpu.memory_space<vmem>>, vector<16xf32>,
    tpu.vector_store %arg9[%swap3A_24], %broadcast_in_dim3A_1 {strides = array<i32>} : memref<2304xf32, #tpu.memory_space<vmem>>, vector<16xf32>,
    %swap3A_26 = arith.constant 80 : index
    %swap3A_27 = tpu.vector_load %arg8[%swap3A_26] {strides = array<i32>} : memref<2304xf32, #tpu.memory_space<vmem>>, vector<16xf32>,
    tpu.vector_store %arg8[%swap3A_26], %broadcast_in_dim3A_1 {strides = array<i32>} : memref<2304xf32, #tpu.memory_space<vmem>>, vector<16xf32>,
    %swap3A_28 = arith.constant 80 : index
    %swap3A_29 = tpu.vector_load %arg9[%swap3A_28] {strides = array<i32>} : memref<2304xf32, #tpu.memory_space<vmem>>, vector<16xf32>,
    tpu.vector_store %arg9[%swap3A_28], %broadcast_in_dim3A_1 {strides = array<i32>} : memref<2304xf32, #tpu.memory_space<vmem>>, vector<16xf32>,
    %swap3A_30 = arith.constant 96 : index
    %swap3A_31 = tpu.vector_load %arg8[%swap3A_30] {strides = array<i32>} : memref<2304xf32, #tpu.memory_space<vmem>>, vector<16xf32>,
    tpu.vector_store %arg8[%swap3A_30], %broadcast_in_dim3A_1 {strides = array<i32>} : memref<2304xf32, #tpu.memory_space<vmem>>, vector<16xf32>,
    %swap3A_32 = arith.constant 96 : index
    %swap3A_33 = tpu.vector_load %arg9[%swap3A_32] {strides = array<i32>} : memref<2304xf32, #tpu.memory_space<vmem>>, vector<16xf32>,
    tpu.vector_store %arg9[%swap3A_32], %broadcast_in_dim3A_1 {strides = array<i32>} : memref<2304xf32, #tpu.memory_space<vmem>>, vector<16xf32>,
    %swap3A_34 = arith.constant 112 : index
    %swap3A_35 = tpu.vector_load %arg8[%swap3A_34] {strides = array<i32>} : memref<2304xf32, #tpu.memory_space<vmem>>, vector<16xf32>,
    tpu.vector_store %arg8[%swap3A_34], %broadcast_in_dim3A_1 {strides = array<i32>} : memref<2304xf32, #tpu.memory_space<vmem>>, vector<16xf32>,
    %swap3A_36 = arith.constant 112 : index
    %swap3A_37 = tpu.vector_load %arg9[%swap3A_36] {strides = array<i32>} : memref<2304xf32, #tpu.memory_space<vmem>>, vector<16xf32>,
    tpu.vector_store %arg9[%swap3A_36], %broadcast_in_dim3A_1 {strides = array<i32>} : memref<2304xf32, #tpu.memory_space<vmem>>, vector<16xf32>,
    %swap3A_38 = arith.constant 128 : index
    %swap3A_39 = tpu.vector_load %arg8[%swap3A_38] {strides = array<i32>} : memref<2304xf32, #tpu.memory_space<vmem>>, vector<16xf32>,
    tpu.vector_store %arg8[%swap3A_38], %broadcast_in_dim3A_1 {strides = array<i32>} : memref<2304xf32, #tpu.memory_space<vmem>>, vector<16xf32>,
    %swap3A_40 = arith.constant 128 : index
    %swap3A_41 = tpu.vector_load %arg9[%swap3A_40] {strides = array<i32>} : memref<2304xf32, #tpu.memory_space<vmem>>, vector<16xf32>,
    tpu.vector_store %arg9[%swap3A_40], %broadcast_in_dim3A_1 {strides = array<i32>} : memref<2304xf32, #tpu.memory_space<vmem>>, vector<16xf32>,
    %swap3A_42 = arith.constant 144 : index
    %swap3A_43 = tpu.vector_load %arg8[%swap3A_42] {strides = array<i32>} : memref<2304xf32, #tpu.memory_space<vmem>>, vector<16xf32>,
    tpu.vector_store %arg8[%swap3A_42], %broadcast_in_dim3A_1 {strides = array<i32>} : memref<2304xf32, #tpu.memory_space<vmem>>, vector<16xf32>,
    %swap3A_44 = arith.constant 144 : index
    %swap3A_45 = tpu.vector_load %arg9[%swap3A_44] {strides = array<i32>} : memref<2304xf32, #tpu.memory_space<vmem>>, vector<16xf32>,
    tpu.vector_store %arg9[%swap3A_44], %broadcast_in_dim3A_1 {strides = array<i32>} : memref<2304xf32, #tpu.memory_space<vmem>>, vector<16xf32>,
    %swap3A_46 = arith.constant 160 : index
    %swap3A_47 = tpu.vector_load %arg8[%swap3A_46] {strides = array<i32>} : memref<2304xf32, #tpu.memory_space<vmem>>, vector<16xf32>,
    tpu.vector_store %arg8[%swap3A_46], %broadcast_in_dim3A_1 {strides = array<i32>} : memref<2304xf32, #tpu.memory_space<vmem>>, vector<16xf32>,
    %swap3A_48 = arith.constant 160 : index
    %swap3A_49 = tpu.vector_load %arg9[%swap3A_48] {strides = array<i32>} : memref<2304xf32, #tpu.memory_space<vmem>>, vector<16xf32>,
    tpu.vector_store %arg9[%swap3A_48], %broadcast_in_dim3A_1 {strides = array<i32>} : memref<2304xf32, #tpu.memory_space<vmem>>, vector<16xf32>,
    %swap3A_50 = arith.constant 176 : index
    %swap3A_51 = tpu.vector_load %arg8[%swap3A_50] {strides = array<i32>} : memref<2304xf32, #tpu.memory_space<vmem>>, vector<16xf32>,
    tpu.vector_store %arg8[%swap3A_50], %broadcast_in_dim3A_1 {strides = array<i32>} : memref<2304xf32, #tpu.memory_space<vmem>>, vector<16xf32>,
    %swap3A_52 = arith.constant 176 : index
    %swap3A_53 = tpu.vector_load %arg9[%swap3A_52] {strides = array<i32>} : memref<2304xf32, #tpu.memory_space<vmem>>, vector<16xf32>,
    tpu.vector_store %arg9[%swap3A_52], %broadcast_in_dim3A_1 {strides = array<i32>} : memref<2304xf32, #tpu.memory_space<vmem>>, vector<16xf32>,
    %swap3A_54 = arith.constant 192 : index
    %swap3A_55 = tpu.vector_load %arg8[%swap3A_54] {strides = array<i32>} : memref<2304xf32, #tpu.memory_space<vmem>>, vector<16xf32>,
    tpu.vector_store %arg8[%swap3A_54], %broadcast_in_dim3A_1 {strides = array<i32>} : memref<2304xf32, #tpu.memory_space<vmem>>, vector<16xf32>,
    %swap3A_56 = arith.constant 192 : index
    %swap3A_57 = tpu.vector_load %arg9[%swap3A_56] {strides = array<i32>} : memref<2304xf32, #tpu.memory_space<vmem>>, vector<16xf32>,
    tpu.vector_store %arg9[%swap3A_56], %broadcast_in_dim3A_1 {strides = array<i32>} : memref<2304xf32, #tpu.memory_space<vmem>>, vector<16xf32>,
    %swap3A_58 = arith.constant 208 : index
    %swap3A_59 = tpu.vector_load %arg8[%swap3A_58] {strides = array<i32>} : memref<2304xf32, #tpu.memory_space<vmem>>, vector<16xf32>,
    tpu.vector_store %arg8[%swap3A_58], %broadcast_in_dim3A_1 {strides = array<i32>} : memref<2304xf32, #tpu.memory_space<vmem>>, vector<16xf32>,
    %swap3A_60 = arith.constant 208 : index
    %swap3A_61 = tpu.vector_load %arg9[%swap3A_60] {strides = array<i32>} : memref<2304xf32, #tpu.memory_space<vmem>>, vector<16xf32>,
    tpu.vector_store %arg9[%swap3A_60], %broadcast_in_dim3A_1 {strides = array<i32>} : memref<2304xf32, #tpu.memory_space<vmem>>, vector<16xf32>,
    %swap3A_62 = arith.constant 224 : index
    %swap3A_63 = tpu.vector_load %arg8[%swap3A_62] {strides = array<i32>} : memref<2304xf32, #tpu.memory_space<vmem>>, vector<16xf32>,
    tpu.vector_store %arg8[%swap3A_62], %broadcast_in_dim3A_1 {strides = array<i32>} : memref<2304xf32, #tpu.memory_space<vmem>>, vector<16xf32>,
    %swap3A_64 = arith.constant 224 : index
    %swap3A_65 = tpu.vector_load %arg9[%swap3A_64] {strides = array<i32>} : memref<2304xf32, #tpu.memory_space<vmem>>, vector<16xf32>,
    tpu.vector_store %arg9[%swap3A_64], %broadcast_in_dim3A_1 {strides = array<i32>} : memref<2304xf32, #tpu.memory_space<vmem>>, vector<16xf32>,
    %swap3A_66 = arith.constant 240 : index
    %swap3A_67 = tpu.vector_load %arg8[%swap3A_66] {strides = array<i32>} : memref<2304xf32, #tpu.memory_space<vmem>>, vector<16xf32>,
    tpu.vector_store %arg8[%swap3A_66], %broadcast_in_dim3A_1 {strides = array<i32>} : memref<2304xf32, #tpu.memory_space<vmem>>, vector<16xf32>,
    %swap3A_68 = arith.constant 240 : index
    %swap3A_69 = tpu.vector_load %arg9[%swap3A_68] {strides = array<i32>} : memref<2304xf32, #tpu.memory_space<vmem>>, vector<16xf32>,
    tpu.vector_store %arg9[%swap3A_68], %broadcast_in_dim3A_1 {strides = array<i32>} : memref<2304xf32, #tpu.memory_space<vmem>>, vector<16xf32>,
    %swap3A_70 = arith.constant 256 : index
    %swap3A_71 = tpu.vector_load %arg8[%swap3A_70] {strides = array<i32>} : memref<2304xf32, #tpu.memory_space<vmem>>, vector<16xf32>,
    tpu.vector_store %arg8[%swap3A_70], %broadcast_in_dim3A_1 {strides = array<i32>} : memref<2304xf32, #tpu.memory_space<vmem>>, vector<16xf32>,
    %swap3A_72 = arith.constant 256 : index
    %swap3A_73 = tpu.vector_load %arg9[%swap3A_72] {strides = array<i32>} : memref<2304xf32, #tpu.memory_space<vmem>>, vector<16xf32>,
    tpu.vector_store %arg9[%swap3A_72], %broadcast_in_dim3A_1 {strides = array<i32>} : memref<2304xf32, #tpu.memory_space<vmem>>, vector<16xf32>,
    %swap3A_74 = arith.constant 272 : index
    %swap3A_75 = tpu.vector_load %arg8[%swap3A_74] {strides = array<i32>} : memref<2304xf32, #tpu.memory_space<vmem>>, vector<16xf32>,
    tpu.vector_store %arg8[%swap3A_74], %broadcast_in_dim3A_1 {strides = array<i32>} : memref<2304xf32, #tpu.memory_space<vmem>>, vector<16xf32>,
    %swap3A_76 = arith.constant 272 : index
    %swap3A_77 = tpu.vector_load %arg9[%swap3A_76] {strides = array<i32>} : memref<2304xf32, #tpu.memory_space<vmem>>, vector<16xf32>,
    tpu.vector_store %arg9[%swap3A_76], %broadcast_in_dim3A_1 {strides = array<i32>} : memref<2304xf32, #tpu.memory_space<vmem>>, vector<16xf32>,
    %swap3A_78 = arith.constant 288 : index
    %swap3A_79 = tpu.vector_load %arg8[%swap3A_78] {strides = array<i32>} : memref<2304xf32, #tpu.memory_space<vmem>>, vector<16xf32>,
    tpu.vector_store %arg8[%swap3A_78], %broadcast_in_dim3A_1 {strides = array<i32>} : memref<2304xf32, #tpu.memory_space<vmem>>, vector<16xf32>,
    %swap3A_80 = arith.constant 288 : index
    %swap3A_81 = tpu.vector_load %arg9[%swap3A_80] {strides = array<i32>} : memref<2304xf32, #tpu.memory_space<vmem>>, vector<16xf32>,
    tpu.vector_store %arg9[%swap3A_80], %broadcast_in_dim3A_1 {strides = array<i32>} : memref<2304xf32, #tpu.memory_space<vmem>>, vector<16xf32>,
    %swap3A_82 = arith.constant 304 : index
    %swap3A_83 = tpu.vector_load %arg8[%swap3A_82] {strides = array<i32>} : memref<2304xf32, #tpu.memory_space<vmem>>, vector<16xf32>,
    tpu.vector_store %arg8[%swap3A_82], %broadcast_in_dim3A_1 {strides = array<i32>} : memref<2304xf32, #tpu.memory_space<vmem>>, vector<16xf32>,
    %swap3A_84 = arith.constant 304 : index
    %swap3A_85 = tpu.vector_load %arg9[%swap3A_84] {strides = array<i32>} : memref<2304xf32, #tpu.memory_space<vmem>>, vector<16xf32>,
    tpu.vector_store %arg9[%swap3A_84], %broadcast_in_dim3A_1 {strides = array<i32>} : memref<2304xf32, #tpu.memory_space<vmem>>, vector<16xf32>,
    %swap3A_86 = arith.constant 320 : index
    %swap3A_87 = tpu.vector_load %arg8[%swap3A_86] {strides = array<i32>} : memref<2304xf32, #tpu.memory_space<vmem>>, vector<16xf32>,
    tpu.vector_store %arg8[%swap3A_86], %broadcast_in_dim3A_1 {strides = array<i32>} : memref<2304xf32, #tpu.memory_space<vmem>>, vector<16xf32>,
    %swap3A_88 = arith.constant 320 : index
    %swap3A_89 = tpu.vector_load %arg9[%swap3A_88] {strides = array<i32>} : memref<2304xf32, #tpu.memory_space<vmem>>, vector<16xf32>,
    tpu.vector_store %arg9[%swap3A_88], %broadcast_in_dim3A_1 {strides = array<i32>} : memref<2304xf32, #tpu.memory_space<vmem>>, vector<16xf32>,
    %swap3A_90 = arith.constant 336 : index
    %swap3A_91 = tpu.vector_load %arg8[%swap3A_90] {strides = array<i32>} : memref<2304xf32, #tpu.memory_space<vmem>>, vector<16xf32>,
    tpu.vector_store %arg8[%swap3A_90], %broadcast_in_dim3A_1 {strides = array<i32>} : memref<2304xf32, #tpu.memory_space<vmem>>, vector<16xf32>,
    %swap3A_92 = arith.constant 336 : index
    %swap3A_93 = tpu.vector_load %arg9[%swap3A_92] {strides = array<i32>} : memref<2304xf32, #tpu.memory_space<vmem>>, vector<16xf32>,
    tpu.vector_store %arg9[%swap3A_92], %broadcast_in_dim3A_1 {strides = array<i32>} : memref<2304xf32, #tpu.memory_space<vmem>>, vector<16xf32>,
    %swap3A_94 = arith.constant 352 : index
    %swap3A_95 = tpu.vector_load %arg8[%swap3A_94] {strides = array<i32>} : memref<2304xf32, #tpu.memory_space<vmem>>, vector<16xf32>,
    tpu.vector_store %arg8[%swap3A_94], %broadcast_in_dim3A_1 {strides = array<i32>} : memref<2304xf32, #tpu.memory_space<vmem>>, vector<16xf32>,
    %swap3A_96 = arith.constant 352 : index
    %swap3A_97 = tpu.vector_load %arg9[%swap3A_96] {strides = array<i32>} : memref<2304xf32, #tpu.memory_space<vmem>>, vector<16xf32>,
    tpu.vector_store %arg9[%swap3A_96], %broadcast_in_dim3A_1 {strides = array<i32>} : memref<2304xf32, #tpu.memory_space<vmem>>, vector<16xf32>,
    %swap3A_98 = arith.constant 368 : index
    %swap3A_99 = tpu.vector_load %arg8[%swap3A_98] {strides = array<i32>} : memref<2304xf32, #tpu.memory_space<vmem>>, vector<16xf32>,
    tpu.vector_store %arg8[%swap3A_98], %broadcast_in_dim3A_1 {strides = array<i32>} : memref<2304xf32, #tpu.memory_space<vmem>>, vector<16xf32>,
    %swap3A_100 = arith.constant 368 : index
    %swap3A_101 = tpu.vector_load %arg9[%swap3A_100] {strides = array<i32>} : memref<2304xf32, #tpu.memory_space<vmem>>, vector<16xf32>,
    tpu.vector_store %arg9[%swap3A_100], %broadcast_in_dim3A_1 {strides = array<i32>} : memref<2304xf32, #tpu.memory_space<vmem>>, vector<16xf32>,
    %swap3A_102 = arith.constant 384 : index
    %swap3A_103 = tpu.vector_load %arg8[%swap3A_102] {strides = array<i32>} : memref<2304xf32, #tpu.memory_space<vmem>>, vector<16xf32>,
    tpu.vector_store %arg8[%swap3A_102], %broadcast_in_dim3A_1 {strides = array<i32>} : memref<2304xf32, #tpu.memory_space<vmem>>, vector<16xf32>,
    %swap3A_104 = arith.constant 384 : index
    %swap3A_105 = tpu.vector_load %arg9[%swap3A_104] {strides = array<i32>} : memref<2304xf32, #tpu.memory_space<vmem>>, vector<16xf32>,
    tpu.vector_store %arg9[%swap3A_104], %broadcast_in_dim3A_1 {strides = array<i32>} : memref<2304xf32, #tpu.memory_space<vmem>>, vector<16xf32>,
    %swap3A_106 = arith.constant 400 : index
    %swap3A_107 = tpu.vector_load %arg8[%swap3A_106] {strides = array<i32>} : memref<2304xf32, #tpu.memory_space<vmem>>, vector<16xf32>,
    tpu.vector_store %arg8[%swap3A_106], %broadcast_in_dim3A_1 {strides = array<i32>} : memref<2304xf32, #tpu.memory_space<vmem>>, vector<16xf32>,
    %swap3A_108 = arith.constant 400 : index
    %swap3A_109 = tpu.vector_load %arg9[%swap3A_108] {strides = array<i32>} : memref<2304xf32, #tpu.memory_space<vmem>>, vector<16xf32>,
    tpu.vector_store %arg9[%swap3A_108], %broadcast_in_dim3A_1 {strides = array<i32>} : memref<2304xf32, #tpu.memory_space<vmem>>, vector<16xf32>,
    %swap3A_110 = arith.constant 416 : index
    %swap3A_111 = tpu.vector_load %arg8[%swap3A_110] {strides = array<i32>} : memref<2304xf32, #tpu.memory_space<vmem>>, vector<16xf32>,
    tpu.vector_store %arg8[%swap3A_110], %broadcast_in_dim3A_1 {strides = array<i32>} : memref<2304xf32, #tpu.memory_space<vmem>>, vector<16xf32>,
    %swap3A_112 = arith.constant 416 : index
    %swap3A_113 = tpu.vector_load %arg9[%swap3A_112] {strides = array<i32>} : memref<2304xf32, #tpu.memory_space<vmem>>, vector<16xf32>,
    tpu.vector_store %arg9[%swap3A_112], %broadcast_in_dim3A_1 {strides = array<i32>} : memref<2304xf32, #tpu.memory_space<vmem>>, vector<16xf32>,
    %swap3A_114 = arith.constant 432 : index
    %swap3A_115 = tpu.vector_load %arg8[%swap3A_114] {strides = array<i32>} : memref<2304xf32, #tpu.memory_space<vmem>>, vector<16xf32>,
    tpu.vector_store %arg8[%swap3A_114], %broadcast_in_dim3A_1 {strides = array<i32>} : memref<2304xf32, #tpu.memory_space<vmem>>, vector<16xf32>,
    %swap3A_116 = arith.constant 432 : index
    %swap3A_117 = tpu.vector_load %arg9[%swap3A_116] {strides = array<i32>} : memref<2304xf32, #tpu.memory_space<vmem>>, vector<16xf32>,
    tpu.vector_store %arg9[%swap3A_116], %broadcast_in_dim3A_1 {strides = array<i32>} : memref<2304xf32, #tpu.memory_space<vmem>>, vector<16xf32>,
    %swap3A_118 = arith.constant 448 : index
    %swap3A_119 = tpu.vector_load %arg8[%swap3A_118] {strides = array<i32>} : memref<2304xf32, #tpu.memory_space<vmem>>, vector<16xf32>,
    tpu.vector_store %arg8[%swap3A_118], %broadcast_in_dim3A_1 {strides = array<i32>} : memref<2304xf32, #tpu.memory_space<vmem>>, vector<16xf32>,
    %swap3A_120 = arith.constant 448 : index
    %swap3A_121 = tpu.vector_load %arg9[%swap3A_120] {strides = array<i32>} : memref<2304xf32, #tpu.memory_space<vmem>>, vector<16xf32>,
    tpu.vector_store %arg9[%swap3A_120], %broadcast_in_dim3A_1 {strides = array<i32>} : memref<2304xf32, #tpu.memory_space<vmem>>, vector<16xf32>,
    %swap3A_122 = arith.constant 464 : index
    %swap3A_123 = tpu.vector_load %arg8[%swap3A_122] {strides = array<i32>} : memref<2304xf32, #tpu.memory_space<vmem>>, vector<16xf32>,
    tpu.vector_store %arg8[%swap3A_122], %broadcast_in_dim3A_1 {strides = array<i32>} : memref<2304xf32, #tpu.memory_space<vmem>>, vector<16xf32>,
    %swap3A_124 = arith.constant 464 : index
    %swap3A_125 = tpu.vector_load %arg9[%swap3A_124] {strides = array<i32>} : memref<2304xf32, #tpu.memory_space<vmem>>, vector<16xf32>,
    tpu.vector_store %arg9[%swap3A_124], %broadcast_in_dim3A_1 {strides = array<i32>} : memref<2304xf32, #tpu.memory_space<vmem>>, vector<16xf32>,
    %swap3A_126 = arith.constant 480 : index
    %swap3A_127 = tpu.vector_load %arg8[%swap3A_126] {strides = array<i32>} : memref<2304xf32, #tpu.memory_space<vmem>>, vector<16xf32>,
    tpu.vector_store %arg8[%swap3A_126], %broadcast_in_dim3A_1 {strides = array<i32>} : memref<2304xf32, #tpu.memory_space<vmem>>, vector<16xf32>,
    %swap3A_128 = arith.constant 480 : index
    %swap3A_129 = tpu.vector_load %arg9[%swap3A_128] {strides = array<i32>} : memref<2304xf32, #tpu.memory_space<vmem>>, vector<16xf32>,
    tpu.vector_store %arg9[%swap3A_128], %broadcast_in_dim3A_1 {strides = array<i32>} : memref<2304xf32, #tpu.memory_space<vmem>>, vector<16xf32>,
    %swap3A_130 = arith.constant 496 : index
    %swap3A_131 = tpu.vector_load %arg8[%swap3A_130] {strides = array<i32>} : memref<2304xf32, #tpu.memory_space<vmem>>, vector<16xf32>,
    tpu.vector_store %arg8[%swap3A_130], %broadcast_in_dim3A_1 {strides = array<i32>} : memref<2304xf32, #tpu.memory_space<vmem>>, vector<16xf32>,
    %swap3A_132 = arith.constant 496 : index
    %swap3A_133 = tpu.vector_load %arg9[%swap3A_132] {strides = array<i32>} : memref<2304xf32, #tpu.memory_space<vmem>>, vector<16xf32>,
    tpu.vector_store %arg9[%swap3A_132], %broadcast_in_dim3A_1 {strides = array<i32>} : memref<2304xf32, #tpu.memory_space<vmem>>, vector<16xf32>,
    %swap3A_134 = arith.constant 512 : index
    %swap3A_135 = tpu.vector_load %arg8[%swap3A_134] {strides = array<i32>} : memref<2304xf32, #tpu.memory_space<vmem>>, vector<16xf32>,
    tpu.vector_store %arg8[%swap3A_134], %broadcast_in_dim3A_1 {strides = array<i32>} : memref<2304xf32, #tpu.memory_space<vmem>>, vector<16xf32>,
    %swap3A_136 = arith.constant 512 : index
    %swap3A_137 = tpu.vector_load %arg9[%swap3A_136] {strides = array<i32>} : memref<2304xf32, #tpu.memory_space<vmem>>, vector<16xf32>,
    tpu.vector_store %arg9[%swap3A_136], %broadcast_in_dim3A_1 {strides = array<i32>} : memref<2304xf32, #tpu.memory_space<vmem>>, vector<16xf32>,
    %swap3A_138 = arith.constant 528 : index
    %swap3A_139 = tpu.vector_load %arg8[%swap3A_138] {strides = array<i32>} : memref<2304xf32, #tpu.memory_space<vmem>>, vector<16xf32>,
    tpu.vector_store %arg8[%swap3A_138], %broadcast_in_dim3A_1 {strides = array<i32>} : memref<2304xf32, #tpu.memory_space<vmem>>, vector<16xf32>,
    %swap3A_140 = arith.constant 528 : index
    %swap3A_141 = tpu.vector_load %arg9[%swap3A_140] {strides = array<i32>} : memref<2304xf32, #tpu.memory_space<vmem>>, vector<16xf32>,
    tpu.vector_store %arg9[%swap3A_140], %broadcast_in_dim3A_1 {strides = array<i32>} : memref<2304xf32, #tpu.memory_space<vmem>>, vector<16xf32>,
    %swap3A_142 = arith.constant 544 : index
    %swap3A_143 = tpu.vector_load %arg8[%swap3A_142] {strides = array<i32>} : memref<2304xf32, #tpu.memory_space<vmem>>, vector<16xf32>,
    tpu.vector_store %arg8[%swap3A_142], %broadcast_in_dim3A_1 {strides = array<i32>} : memref<2304xf32, #tpu.memory_space<vmem>>, vector<16xf32>,
    %swap3A_144 = arith.constant 544 : index
    %swap3A_145 = tpu.vector_load %arg9[%swap3A_144] {strides = array<i32>} : memref<2304xf32, #tpu.memory_space<vmem>>, vector<16xf32>,
    tpu.vector_store %arg9[%swap3A_144], %broadcast_in_dim3A_1 {strides = array<i32>} : memref<2304xf32, #tpu.memory_space<vmem>>, vector<16xf32>,
    %swap3A_146 = arith.constant 560 : index
    %swap3A_147 = tpu.vector_load %arg8[%swap3A_146] {strides = array<i32>} : memref<2304xf32, #tpu.memory_space<vmem>>, vector<16xf32>,
    tpu.vector_store %arg8[%swap3A_146], %broadcast_in_dim3A_1 {strides = array<i32>} : memref<2304xf32, #tpu.memory_space<vmem>>, vector<16xf32>,
    %swap3A_148 = arith.constant 560 : index
    %swap3A_149 = tpu.vector_load %arg9[%swap3A_148] {strides = array<i32>} : memref<2304xf32, #tpu.memory_space<vmem>>, vector<16xf32>,
    tpu.vector_store %arg9[%swap3A_148], %broadcast_in_dim3A_1 {strides = array<i32>} : memref<2304xf32, #tpu.memory_space<vmem>>, vector<16xf32>,
    %swap3A_150 = arith.constant 576 : index
    %swap3A_151 = tpu.vector_load %arg8[%swap3A_150] {strides = array<i32>} : memref<2304xf32, #tpu.memory_space<vmem>>, vector<16xf32>,
    tpu.vector_store %arg8[%swap3A_150], %broadcast_in_dim3A_1 {strides = array<i32>} : memref<2304xf32, #tpu.memory_space<vmem>>, vector<16xf32>,
    %swap3A_152 = arith.constant 576 : index
    %swap3A_153 = tpu.vector_load %arg9[%swap3A_152] {strides = array<i32>} : memref<2304xf32, #tpu.memory_space<vmem>>, vector<16xf32>,
    tpu.vector_store %arg9[%swap3A_152], %broadcast_in_dim3A_1 {strides = array<i32>} : memref<2304xf32, #tpu.memory_space<vmem>>, vector<16xf32>,
    %swap3A_154 = arith.constant 592 : index
    %swap3A_155 = tpu.vector_load %arg8[%swap3A_154] {strides = array<i32>} : memref<2304xf32, #tpu.memory_space<vmem>>, vector<16xf32>,
    tpu.vector_store %arg8[%swap3A_154], %broadcast_in_dim3A_1 {strides = array<i32>} : memref<2304xf32, #tpu.memory_space<vmem>>, vector<16xf32>,
    %swap3A_156 = arith.constant 592 : index
    %swap3A_157 = tpu.vector_load %arg9[%swap3A_156] {strides = array<i32>} : memref<2304xf32, #tpu.memory_space<vmem>>, vector<16xf32>,
    tpu.vector_store %arg9[%swap3A_156], %broadcast_in_dim3A_1 {strides = array<i32>} : memref<2304xf32, #tpu.memory_space<vmem>>, vector<16xf32>,
    %swap3A_158 = arith.constant 608 : index
    %swap3A_159 = tpu.vector_load %arg8[%swap3A_158] {strides = array<i32>} : memref<2304xf32, #tpu.memory_space<vmem>>, vector<16xf32>,
    tpu.vector_store %arg8[%swap3A_158], %broadcast_in_dim3A_1 {strides = array<i32>} : memref<2304xf32, #tpu.memory_space<vmem>>, vector<16xf32>,
    %swap3A_160 = arith.constant 608 : index
    %swap3A_161 = tpu.vector_load %arg9[%swap3A_160] {strides = array<i32>} : memref<2304xf32, #tpu.memory_space<vmem>>, vector<16xf32>,
    tpu.vector_store %arg9[%swap3A_160], %broadcast_in_dim3A_1 {strides = array<i32>} : memref<2304xf32, #tpu.memory_space<vmem>>, vector<16xf32>,
    %swap3A_162 = arith.constant 624 : index
    %swap3A_163 = tpu.vector_load %arg8[%swap3A_162] {strides = array<i32>} : memref<2304xf32, #tpu.memory_space<vmem>>, vector<16xf32>,
    tpu.vector_store %arg8[%swap3A_162], %broadcast_in_dim3A_1 {strides = array<i32>} : memref<2304xf32, #tpu.memory_space<vmem>>, vector<16xf32>,
    %swap3A_164 = arith.constant 624 : index
    %swap3A_165 = tpu.vector_load %arg9[%swap3A_164] {strides = array<i32>} : memref<2304xf32, #tpu.memory_space<vmem>>, vector<16xf32>,
    tpu.vector_store %arg9[%swap3A_164], %broadcast_in_dim3A_1 {strides = array<i32>} : memref<2304xf32, #tpu.memory_space<vmem>>, vector<16xf32>,
    %swap3A_166 = arith.constant 640 : index
    %swap3A_167 = tpu.vector_load %arg8[%swap3A_166] {strides = array<i32>} : memref<2304xf32, #tpu.memory_space<vmem>>, vector<16xf32>,
    tpu.vector_store %arg8[%swap3A_166], %broadcast_in_dim3A_1 {strides = array<i32>} : memref<2304xf32, #tpu.memory_space<vmem>>, vector<16xf32>,
    %swap3A_168 = arith.constant 640 : index
    %swap3A_169 = tpu.vector_load %arg9[%swap3A_168] {strides = array<i32>} : memref<2304xf32, #tpu.memory_space<vmem>>, vector<16xf32>,
    tpu.vector_store %arg9[%swap3A_168], %broadcast_in_dim3A_1 {strides = array<i32>} : memref<2304xf32, #tpu.memory_space<vmem>>, vector<16xf32>,
    %swap3A_170 = arith.constant 656 : index
    %swap3A_171 = tpu.vector_load %arg8[%swap3A_170] {strides = array<i32>} : memref<2304xf32, #tpu.memory_space<vmem>>, vector<16xf32>,
    tpu.vector_store %arg8[%swap3A_170], %broadcast_in_dim3A_1 {strides = array<i32>} : memref<2304xf32, #tpu.memory_space<vmem>>, vector<16xf32>,
    %swap3A_172 = arith.constant 656 : index
    %swap3A_173 = tpu.vector_load %arg9[%swap3A_172] {strides = array<i32>} : memref<2304xf32, #tpu.memory_space<vmem>>, vector<16xf32>,
    tpu.vector_store %arg9[%swap3A_172], %broadcast_in_dim3A_1 {strides = array<i32>} : memref<2304xf32, #tpu.memory_space<vmem>>, vector<16xf32>,
    %swap3A_174 = arith.constant 672 : index
    %swap3A_175 = tpu.vector_load %arg8[%swap3A_174] {strides = array<i32>} : memref<2304xf32, #tpu.memory_space<vmem>>, vector<16xf32>,
    tpu.vector_store %arg8[%swap3A_174], %broadcast_in_dim3A_1 {strides = array<i32>} : memref<2304xf32, #tpu.memory_space<vmem>>, vector<16xf32>,
    %swap3A_176 = arith.constant 672 : index
    %swap3A_177 = tpu.vector_load %arg9[%swap3A_176] {strides = array<i32>} : memref<2304xf32, #tpu.memory_space<vmem>>, vector<16xf32>,
    tpu.vector_store %arg9[%swap3A_176], %broadcast_in_dim3A_1 {strides = array<i32>} : memref<2304xf32, #tpu.memory_space<vmem>>, vector<16xf32>,
    %swap3A_178 = arith.constant 688 : index
    %swap3A_179 = tpu.vector_load %arg8[%swap3A_178] {strides = array<i32>} : memref<2304xf32, #tpu.memory_space<vmem>>, vector<16xf32>,
    tpu.vector_store %arg8[%swap3A_178], %broadcast_in_dim3A_1 {strides = array<i32>} : memref<2304xf32, #tpu.memory_space<vmem>>, vector<16xf32>,
    %swap3A_180 = arith.constant 688 : index
    %swap3A_181 = tpu.vector_load %arg9[%swap3A_180] {strides = array<i32>} : memref<2304xf32, #tpu.memory_space<vmem>>, vector<16xf32>,
    tpu.vector_store %arg9[%swap3A_180], %broadcast_in_dim3A_1 {strides = array<i32>} : memref<2304xf32, #tpu.memory_space<vmem>>, vector<16xf32>,
    %swap3A_182 = arith.constant 704 : index
    %swap3A_183 = tpu.vector_load %arg8[%swap3A_182] {strides = array<i32>} : memref<2304xf32, #tpu.memory_space<vmem>>, vector<16xf32>,
    tpu.vector_store %arg8[%swap3A_182], %broadcast_in_dim3A_1 {strides = array<i32>} : memref<2304xf32, #tpu.memory_space<vmem>>, vector<16xf32>,
    %swap3A_184 = arith.constant 704 : index
    %swap3A_185 = tpu.vector_load %arg9[%swap3A_184] {strides = array<i32>} : memref<2304xf32, #tpu.memory_space<vmem>>, vector<16xf32>,
    tpu.vector_store %arg9[%swap3A_184], %broadcast_in_dim3A_1 {strides = array<i32>} : memref<2304xf32, #tpu.memory_space<vmem>>, vector<16xf32>,
    %swap3A_186 = arith.constant 720 : index
    %swap3A_187 = tpu.vector_load %arg8[%swap3A_186] {strides = array<i32>} : memref<2304xf32, #tpu.memory_space<vmem>>, vector<16xf32>,
    tpu.vector_store %arg8[%swap3A_186], %broadcast_in_dim3A_1 {strides = array<i32>} : memref<2304xf32, #tpu.memory_space<vmem>>, vector<16xf32>,
    %swap3A_188 = arith.constant 720 : index
    %swap3A_189 = tpu.vector_load %arg9[%swap3A_188] {strides = array<i32>} : memref<2304xf32, #tpu.memory_space<vmem>>, vector<16xf32>,
    tpu.vector_store %arg9[%swap3A_188], %broadcast_in_dim3A_1 {strides = array<i32>} : memref<2304xf32, #tpu.memory_space<vmem>>, vector<16xf32>,
    %swap3A_190 = arith.constant 736 : index
    %swap3A_191 = tpu.vector_load %arg8[%swap3A_190] {strides = array<i32>} : memref<2304xf32, #tpu.memory_space<vmem>>, vector<16xf32>,
    tpu.vector_store %arg8[%swap3A_190], %broadcast_in_dim3A_1 {strides = array<i32>} : memref<2304xf32, #tpu.memory_space<vmem>>, vector<16xf32>,
    %swap3A_192 = arith.constant 736 : index
    %swap3A_193 = tpu.vector_load %arg9[%swap3A_192] {strides = array<i32>} : memref<2304xf32, #tpu.memory_space<vmem>>, vector<16xf32>,
    tpu.vector_store %arg9[%swap3A_192], %broadcast_in_dim3A_1 {strides = array<i32>} : memref<2304xf32, #tpu.memory_space<vmem>>, vector<16xf32>,
    %swap3A_194 = arith.constant 752 : index
    %swap3A_195 = tpu.vector_load %arg8[%swap3A_194] {strides = array<i32>} : memref<2304xf32, #tpu.memory_space<vmem>>, vector<16xf32>,
    tpu.vector_store %arg8[%swap3A_194], %broadcast_in_dim3A_1 {strides = array<i32>} : memref<2304xf32, #tpu.memory_space<vmem>>, vector<16xf32>,
    %swap3A_196 = arith.constant 752 : index
    %swap3A_197 = tpu.vector_load %arg9[%swap3A_196] {strides = array<i32>} : memref<2304xf32, #tpu.memory_space<vmem>>, vector<16xf32>,
    tpu.vector_store %arg9[%swap3A_196], %broadcast_in_dim3A_1 {strides = array<i32>} : memref<2304xf32, #tpu.memory_space<vmem>>, vector<16xf32>,
    %swap3A_198 = arith.constant 768 : index
    %swap3A_199 = tpu.vector_load %arg8[%swap3A_198] {strides = array<i32>} : memref<2304xf32, #tpu.memory_space<vmem>>, vector<16xf32>,
    tpu.vector_store %arg8[%swap3A_198], %broadcast_in_dim3A_1 {strides = array<i32>} : memref<2304xf32, #tpu.memory_space<vmem>>, vector<16xf32>,
    %swap3A_200 = arith.constant 768 : index
    %swap3A_201 = tpu.vector_load %arg9[%swap3A_200] {strides = array<i32>} : memref<2304xf32, #tpu.memory_space<vmem>>, vector<16xf32>,
    tpu.vector_store %arg9[%swap3A_200], %broadcast_in_dim3A_1 {strides = array<i32>} : memref<2304xf32, #tpu.memory_space<vmem>>, vector<16xf32>,
    %swap3A_202 = arith.constant 784 : index
    %swap3A_203 = tpu.vector_load %arg8[%swap3A_202] {strides = array<i32>} : memref<2304xf32, #tpu.memory_space<vmem>>, vector<16xf32>,
    tpu.vector_store %arg8[%swap3A_202], %broadcast_in_dim3A_1 {strides = array<i32>} : memref<2304xf32, #tpu.memory_space<vmem>>, vector<16xf32>,
    %swap3A_204 = arith.constant 784 : index
    %swap3A_205 = tpu.vector_load %arg9[%swap3A_204] {strides = array<i32>} : memref<2304xf32, #tpu.memory_space<vmem>>, vector<16xf32>,
    tpu.vector_store %arg9[%swap3A_204], %broadcast_in_dim3A_1 {strides = array<i32>} : memref<2304xf32, #tpu.memory_space<vmem>>, vector<16xf32>,
    %swap3A_206 = arith.constant 800 : index
    %swap3A_207 = tpu.vector_load %arg8[%swap3A_206] {strides = array<i32>} : memref<2304xf32, #tpu.memory_space<vmem>>, vector<16xf32>,
    tpu.vector_store %arg8[%swap3A_206], %broadcast_in_dim3A_1 {strides = array<i32>} : memref<2304xf32, #tpu.memory_space<vmem>>, vector<16xf32>,
    %swap3A_208 = arith.constant 800 : index
    %swap3A_209 = tpu.vector_load %arg9[%swap3A_208] {strides = array<i32>} : memref<2304xf32, #tpu.memory_space<vmem>>, vector<16xf32>,
    tpu.vector_store %arg9[%swap3A_208], %broadcast_in_dim3A_1 {strides = array<i32>} : memref<2304xf32, #tpu.memory_space<vmem>>, vector<16xf32>,
    %swap3A_210 = arith.constant 816 : index
    %swap3A_211 = tpu.vector_load %arg8[%swap3A_210] {strides = array<i32>} : memref<2304xf32, #tpu.memory_space<vmem>>, vector<16xf32>,
    tpu.vector_store %arg8[%swap3A_210], %broadcast_in_dim3A_1 {strides = array<i32>} : memref<2304xf32, #tpu.memory_space<vmem>>, vector<16xf32>,
    %swap3A_212 = arith.constant 816 : index
    %swap3A_213 = tpu.vector_load %arg9[%swap3A_212] {strides = array<i32>} : memref<2304xf32, #tpu.memory_space<vmem>>, vector<16xf32>,
    tpu.vector_store %arg9[%swap3A_212], %broadcast_in_dim3A_1 {strides = array<i32>} : memref<2304xf32, #tpu.memory_space<vmem>>, vector<16xf32>,
    %swap3A_214 = arith.constant 832 : index
    %swap3A_215 = tpu.vector_load %arg8[%swap3A_214] {strides = array<i32>} : memref<2304xf32, #tpu.memory_space<vmem>>, vector<16xf32>,
    tpu.vector_store %arg8[%swap3A_214], %broadcast_in_dim3A_1 {strides = array<i32>} : memref<2304xf32, #tpu.memory_space<vmem>>, vector<16xf32>,
    %swap3A_216 = arith.constant 832 : index
    %swap3A_217 = tpu.vector_load %arg9[%swap3A_216] {strides = array<i32>} : memref<2304xf32, #tpu.memory_space<vmem>>, vector<16xf32>,
    tpu.vector_store %arg9[%swap3A_216], %broadcast_in_dim3A_1 {strides = array<i32>} : memref<2304xf32, #tpu.memory_space<vmem>>, vector<16xf32>,
    %swap3A_218 = arith.constant 848 : index
    %swap3A_219 = tpu.vector_load %arg8[%swap3A_218] {strides = array<i32>} : memref<2304xf32, #tpu.memory_space<vmem>>, vector<16xf32>,
    tpu.vector_store %arg8[%swap3A_218], %broadcast_in_dim3A_1 {strides = array<i32>} : memref<2304xf32, #tpu.memory_space<vmem>>, vector<16xf32>,
    %swap3A_220 = arith.constant 848 : index
    %swap3A_221 = tpu.vector_load %arg9[%swap3A_220] {strides = array<i32>} : memref<2304xf32, #tpu.memory_space<vmem>>, vector<16xf32>,
    tpu.vector_store %arg9[%swap3A_220], %broadcast_in_dim3A_1 {strides = array<i32>} : memref<2304xf32, #tpu.memory_space<vmem>>, vector<16xf32>,
    %swap3A_222 = arith.constant 864 : index
    %swap3A_223 = tpu.vector_load %arg8[%swap3A_222] {strides = array<i32>} : memref<2304xf32, #tpu.memory_space<vmem>>, vector<16xf32>,
    tpu.vector_store %arg8[%swap3A_222], %broadcast_in_dim3A_1 {strides = array<i32>} : memref<2304xf32, #tpu.memory_space<vmem>>, vector<16xf32>,
    %swap3A_224 = arith.constant 864 : index
    %swap3A_225 = tpu.vector_load %arg9[%swap3A_224] {strides = array<i32>} : memref<2304xf32, #tpu.memory_space<vmem>>, vector<16xf32>,
    tpu.vector_store %arg9[%swap3A_224], %broadcast_in_dim3A_1 {strides = array<i32>} : memref<2304xf32, #tpu.memory_space<vmem>>, vector<16xf32>,
    %swap3A_226 = arith.constant 880 : index
    %swap3A_227 = tpu.vector_load %arg8[%swap3A_226] {strides = array<i32>} : memref<2304xf32, #tpu.memory_space<vmem>>, vector<16xf32>,
    tpu.vector_store %arg8[%swap3A_226], %broadcast_in_dim3A_1 {strides = array<i32>} : memref<2304xf32, #tpu.memory_space<vmem>>, vector<16xf32>,
    %swap3A_228 = arith.constant 880 : index
    %swap3A_229 = tpu.vector_load %arg9[%swap3A_228] {strides = array<i32>} : memref<2304xf32, #tpu.memory_space<vmem>>, vector<16xf32>,
    tpu.vector_store %arg9[%swap3A_228], %broadcast_in_dim3A_1 {strides = array<i32>} : memref<2304xf32, #tpu.memory_space<vmem>>, vector<16xf32>,
    %swap3A_230 = arith.constant 896 : index
    %swap3A_231 = tpu.vector_load %arg8[%swap3A_230] {strides = array<i32>} : memref<2304xf32, #tpu.memory_space<vmem>>, vector<16xf32>,
    tpu.vector_store %arg8[%swap3A_230], %broadcast_in_dim3A_1 {strides = array<i32>} : memref<2304xf32, #tpu.memory_space<vmem>>, vector<16xf32>,
    %swap3A_232 = arith.constant 896 : index
    %swap3A_233 = tpu.vector_load %arg9[%swap3A_232] {strides = array<i32>} : memref<2304xf32, #tpu.memory_space<vmem>>, vector<16xf32>,
    tpu.vector_store %arg9[%swap3A_232], %broadcast_in_dim3A_1 {strides = array<i32>} : memref<2304xf32, #tpu.memory_space<vmem>>, vector<16xf32>,
    %swap3A_234 = arith.constant 912 : index
    %swap3A_235 = tpu.vector_load %arg8[%swap3A_234] {strides = array<i32>} : memref<2304xf32, #tpu.memory_space<vmem>>, vector<16xf32>,
    tpu.vector_store %arg8[%swap3A_234], %broadcast_in_dim3A_1 {strides = array<i32>} : memref<2304xf32, #tpu.memory_space<vmem>>, vector<16xf32>,
    %swap3A_236 = arith.constant 912 : index
    %swap3A_237 = tpu.vector_load %arg9[%swap3A_236] {strides = array<i32>} : memref<2304xf32, #tpu.memory_space<vmem>>, vector<16xf32>,
    tpu.vector_store %arg9[%swap3A_236], %broadcast_in_dim3A_1 {strides = array<i32>} : memref<2304xf32, #tpu.memory_space<vmem>>, vector<16xf32>,
    %swap3A_238 = arith.constant 928 : index
    %swap3A_239 = tpu.vector_load %arg8[%swap3A_238] {strides = array<i32>} : memref<2304xf32, #tpu.memory_space<vmem>>, vector<16xf32>,
    tpu.vector_store %arg8[%swap3A_238], %broadcast_in_dim3A_1 {strides = array<i32>} : memref<2304xf32, #tpu.memory_space<vmem>>, vector<16xf32>,
    %swap3A_240 = arith.constant 928 : index
    %swap3A_241 = tpu.vector_load %arg9[%swap3A_240] {strides = array<i32>} : memref<2304xf32, #tpu.memory_space<vmem>>, vector<16xf32>,
    tpu.vector_store %arg9[%swap3A_240], %broadcast_in_dim3A_1 {strides = array<i32>} : memref<2304xf32, #tpu.memory_space<vmem>>, vector<16xf32>,
    %swap3A_242 = arith.constant 944 : index
    %swap3A_243 = tpu.vector_load %arg8[%swap3A_242] {strides = array<i32>} : memref<2304xf32, #tpu.memory_space<vmem>>, vector<16xf32>,
    tpu.vector_store %arg8[%swap3A_242], %broadcast_in_dim3A_1 {strides = array<i32>} : memref<2304xf32, #tpu.memory_space<vmem>>, vector<16xf32>,
    %swap3A_244 = arith.constant 944 : index
    %swap3A_245 = tpu.vector_load %arg9[%swap3A_244] {strides = array<i32>} : memref<2304xf32, #tpu.memory_space<vmem>>, vector<16xf32>,
    tpu.vector_store %arg9[%swap3A_244], %broadcast_in_dim3A_1 {strides = array<i32>} : memref<2304xf32, #tpu.memory_space<vmem>>, vector<16xf32>,
    %swap3A_246 = arith.constant 960 : index
    %swap3A_247 = tpu.vector_load %arg8[%swap3A_246] {strides = array<i32>} : memref<2304xf32, #tpu.memory_space<vmem>>, vector<16xf32>,
    tpu.vector_store %arg8[%swap3A_246], %broadcast_in_dim3A_1 {strides = array<i32>} : memref<2304xf32, #tpu.memory_space<vmem>>, vector<16xf32>,
    %swap3A_248 = arith.constant 960 : index
    %swap3A_249 = tpu.vector_load %arg9[%swap3A_248] {strides = array<i32>} : memref<2304xf32, #tpu.memory_space<vmem>>, vector<16xf32>,
    tpu.vector_store %arg9[%swap3A_248], %broadcast_in_dim3A_1 {strides = array<i32>} : memref<2304xf32, #tpu.memory_space<vmem>>, vector<16xf32>,
    %swap3A_250 = arith.constant 976 : index
    %swap3A_251 = tpu.vector_load %arg8[%swap3A_250] {strides = array<i32>} : memref<2304xf32, #tpu.memory_space<vmem>>, vector<16xf32>,
    tpu.vector_store %arg8[%swap3A_250], %broadcast_in_dim3A_1 {strides = array<i32>} : memref<2304xf32, #tpu.memory_space<vmem>>, vector<16xf32>,
    %swap3A_252 = arith.constant 976 : index
    %swap3A_253 = tpu.vector_load %arg9[%swap3A_252] {strides = array<i32>} : memref<2304xf32, #tpu.memory_space<vmem>>, vector<16xf32>,
    tpu.vector_store %arg9[%swap3A_252], %broadcast_in_dim3A_1 {strides = array<i32>} : memref<2304xf32, #tpu.memory_space<vmem>>, vector<16xf32>,
    %swap3A_254 = arith.constant 992 : index
    %swap3A_255 = tpu.vector_load %arg8[%swap3A_254] {strides = array<i32>} : memref<2304xf32, #tpu.memory_space<vmem>>, vector<16xf32>,
    tpu.vector_store %arg8[%swap3A_254], %broadcast_in_dim3A_1 {strides = array<i32>} : memref<2304xf32, #tpu.memory_space<vmem>>, vector<16xf32>,
    %swap3A_256 = arith.constant 992 : index
    %swap3A_257 = tpu.vector_load %arg9[%swap3A_256] {strides = array<i32>} : memref<2304xf32, #tpu.memory_space<vmem>>, vector<16xf32>,
    tpu.vector_store %arg9[%swap3A_256], %broadcast_in_dim3A_1 {strides = array<i32>} : memref<2304xf32, #tpu.memory_space<vmem>>, vector<16xf32>,
    %swap3A_258 = arith.constant 1008 : index
    %swap3A_259 = tpu.vector_load %arg8[%swap3A_258] {strides = array<i32>} : memref<2304xf32, #tpu.memory_space<vmem>>, vector<16xf32>,
    tpu.vector_store %arg8[%swap3A_258], %broadcast_in_dim3A_1 {strides = array<i32>} : memref<2304xf32, #tpu.memory_space<vmem>>, vector<16xf32>,
    %swap3A_260 = arith.constant 1008 : index
    %swap3A_261 = tpu.vector_load %arg9[%swap3A_260] {strides = array<i32>} : memref<2304xf32, #tpu.memory_space<vmem>>, vector<16xf32>,
    tpu.vector_store %arg9[%swap3A_260], %broadcast_in_dim3A_1 {strides = array<i32>} : memref<2304xf32, #tpu.memory_space<vmem>>, vector<16xf32>,
    %swap3A_262 = arith.constant 1024 : index
    %swap3A_263 = tpu.vector_load %arg8[%swap3A_262] {strides = array<i32>} : memref<2304xf32, #tpu.memory_space<vmem>>, vector<16xf32>,
    tpu.vector_store %arg8[%swap3A_262], %broadcast_in_dim3A_1 {strides = array<i32>} : memref<2304xf32, #tpu.memory_space<vmem>>, vector<16xf32>,
    %swap3A_264 = arith.constant 1024 : index
    %swap3A_265 = tpu.vector_load %arg9[%swap3A_264] {strides = array<i32>} : memref<2304xf32, #tpu.memory_space<vmem>>, vector<16xf32>,
    tpu.vector_store %arg9[%swap3A_264], %broadcast_in_dim3A_1 {strides = array<i32>} : memref<2304xf32, #tpu.memory_space<vmem>>, vector<16xf32>,
    %swap3A_266 = arith.constant 1040 : index
    %swap3A_267 = tpu.vector_load %arg8[%swap3A_266] {strides = array<i32>} : memref<2304xf32, #tpu.memory_space<vmem>>, vector<16xf32>,
    tpu.vector_store %arg8[%swap3A_266], %broadcast_in_dim3A_1 {strides = array<i32>} : memref<2304xf32, #tpu.memory_space<vmem>>, vector<16xf32>,
    %swap3A_268 = arith.constant 1040 : index
    %swap3A_269 = tpu.vector_load %arg9[%swap3A_268] {strides = array<i32>} : memref<2304xf32, #tpu.memory_space<vmem>>, vector<16xf32>,
    tpu.vector_store %arg9[%swap3A_268], %broadcast_in_dim3A_1 {strides = array<i32>} : memref<2304xf32, #tpu.memory_space<vmem>>, vector<16xf32>,
    %swap3A_270 = arith.constant 1056 : index
    %swap3A_271 = tpu.vector_load %arg8[%swap3A_270] {strides = array<i32>} : memref<2304xf32, #tpu.memory_space<vmem>>, vector<16xf32>,
    tpu.vector_store %arg8[%swap3A_270], %broadcast_in_dim3A_1 {strides = array<i32>} : memref<2304xf32, #tpu.memory_space<vmem>>, vector<16xf32>,
    %swap3A_272 = arith.constant 1056 : index
    %swap3A_273 = tpu.vector_load %arg9[%swap3A_272] {strides = array<i32>} : memref<2304xf32, #tpu.memory_space<vmem>>, vector<16xf32>,
    tpu.vector_store %arg9[%swap3A_272], %broadcast_in_dim3A_1 {strides = array<i32>} : memref<2304xf32, #tpu.memory_space<vmem>>, vector<16xf32>,
    %swap3A_274 = arith.constant 1072 : index
    %swap3A_275 = tpu.vector_load %arg8[%swap3A_274] {strides = array<i32>} : memref<2304xf32, #tpu.memory_space<vmem>>, vector<16xf32>,
    tpu.vector_store %arg8[%swap3A_274], %broadcast_in_dim3A_1 {strides = array<i32>} : memref<2304xf32, #tpu.memory_space<vmem>>, vector<16xf32>,
    %swap3A_276 = arith.constant 1072 : index
    %swap3A_277 = tpu.vector_load %arg9[%swap3A_276] {strides = array<i32>} : memref<2304xf32, #tpu.memory_space<vmem>>, vector<16xf32>,
    tpu.vector_store %arg9[%swap3A_276], %broadcast_in_dim3A_1 {strides = array<i32>} : memref<2304xf32, #tpu.memory_space<vmem>>, vector<16xf32>,
    %swap3A_278 = arith.constant 1088 : index
    %swap3A_279 = tpu.vector_load %arg8[%swap3A_278] {strides = array<i32>} : memref<2304xf32, #tpu.memory_space<vmem>>, vector<16xf32>,
    tpu.vector_store %arg8[%swap3A_278], %broadcast_in_dim3A_1 {strides = array<i32>} : memref<2304xf32, #tpu.memory_space<vmem>>, vector<16xf32>,
    %swap3A_280 = arith.constant 1088 : index
    %swap3A_281 = tpu.vector_load %arg9[%swap3A_280] {strides = array<i32>} : memref<2304xf32, #tpu.memory_space<vmem>>, vector<16xf32>,
    tpu.vector_store %arg9[%swap3A_280], %broadcast_in_dim3A_1 {strides = array<i32>} : memref<2304xf32, #tpu.memory_space<vmem>>, vector<16xf32>,
    %swap3A_282 = arith.constant 1104 : index
    %swap3A_283 = tpu.vector_load %arg8[%swap3A_282] {strides = array<i32>} : memref<2304xf32, #tpu.memory_space<vmem>>, vector<16xf32>,
    tpu.vector_store %arg8[%swap3A_282], %broadcast_in_dim3A_1 {strides = array<i32>} : memref<2304xf32, #tpu.memory_space<vmem>>, vector<16xf32>,
    %swap3A_284 = arith.constant 1104 : index
    %swap3A_285 = tpu.vector_load %arg9[%swap3A_284] {strides = array<i32>} : memref<2304xf32, #tpu.memory_space<vmem>>, vector<16xf32>,
    tpu.vector_store %arg9[%swap3A_284], %broadcast_in_dim3A_1 {strides = array<i32>} : memref<2304xf32, #tpu.memory_space<vmem>>, vector<16xf32>,
    %swap3A_286 = arith.constant 1120 : index
    %swap3A_287 = tpu.vector_load %arg8[%swap3A_286] {strides = array<i32>} : memref<2304xf32, #tpu.memory_space<vmem>>, vector<16xf32>,
    tpu.vector_store %arg8[%swap3A_286], %broadcast_in_dim3A_1 {strides = array<i32>} : memref<2304xf32, #tpu.memory_space<vmem>>, vector<16xf32>,
    %swap3A_288 = arith.constant 1120 : index
    %swap3A_289 = tpu.vector_load %arg9[%swap3A_288] {strides = array<i32>} : memref<2304xf32, #tpu.memory_space<vmem>>, vector<16xf32>,
    tpu.vector_store %arg9[%swap3A_288], %broadcast_in_dim3A_1 {strides = array<i32>} : memref<2304xf32, #tpu.memory_space<vmem>>, vector<16xf32>,
    %swap3A_290 = arith.constant 1136 : index
    %swap3A_291 = tpu.vector_load %arg8[%swap3A_290] {strides = array<i32>} : memref<2304xf32, #tpu.memory_space<vmem>>, vector<16xf32>,
    tpu.vector_store %arg8[%swap3A_290], %broadcast_in_dim3A_1 {strides = array<i32>} : memref<2304xf32, #tpu.memory_space<vmem>>, vector<16xf32>,
    %swap3A_292 = arith.constant 1136 : index
    %swap3A_293 = tpu.vector_load %arg9[%swap3A_292] {strides = array<i32>} : memref<2304xf32, #tpu.memory_space<vmem>>, vector<16xf32>,
    tpu.vector_store %arg9[%swap3A_292], %broadcast_in_dim3A_1 {strides = array<i32>} : memref<2304xf32, #tpu.memory_space<vmem>>, vector<16xf32>,
    %swap3A_294 = arith.constant 1152 : index
    %swap3A_295 = tpu.vector_load %arg8[%swap3A_294] {strides = array<i32>} : memref<2304xf32, #tpu.memory_space<vmem>>, vector<16xf32>,
    tpu.vector_store %arg8[%swap3A_294], %broadcast_in_dim3A_1 {strides = array<i32>} : memref<2304xf32, #tpu.memory_space<vmem>>, vector<16xf32>,
    %swap3A_296 = arith.constant 1152 : index
    %swap3A_297 = tpu.vector_load %arg9[%swap3A_296] {strides = array<i32>} : memref<2304xf32, #tpu.memory_space<vmem>>, vector<16xf32>,
    tpu.vector_store %arg9[%swap3A_296], %broadcast_in_dim3A_1 {strides = array<i32>} : memref<2304xf32, #tpu.memory_space<vmem>>, vector<16xf32>,
    %swap3A_298 = arith.constant 1168 : index
    %swap3A_299 = tpu.vector_load %arg8[%swap3A_298] {strides = array<i32>} : memref<2304xf32, #tpu.memory_space<vmem>>, vector<16xf32>,
    tpu.vector_store %arg8[%swap3A_298], %broadcast_in_dim3A_1 {strides = array<i32>} : memref<2304xf32, #tpu.memory_space<vmem>>, vector<16xf32>,
    %swap3A_300 = arith.constant 1168 : index
    %swap3A_301 = tpu.vector_load %arg9[%swap3A_300] {strides = array<i32>} : memref<2304xf32, #tpu.memory_space<vmem>>, vector<16xf32>,
    tpu.vector_store %arg9[%swap3A_300], %broadcast_in_dim3A_1 {strides = array<i32>} : memref<2304xf32, #tpu.memory_space<vmem>>, vector<16xf32>,
    %swap3A_302 = arith.constant 1184 : index
    %swap3A_303 = tpu.vector_load %arg8[%swap3A_302] {strides = array<i32>} : memref<2304xf32, #tpu.memory_space<vmem>>, vector<16xf32>,
    tpu.vector_store %arg8[%swap3A_302], %broadcast_in_dim3A_1 {strides = array<i32>} : memref<2304xf32, #tpu.memory_space<vmem>>, vector<16xf32>,
    %swap3A_304 = arith.constant 1184 : index
    %swap3A_305 = tpu.vector_load %arg9[%swap3A_304] {strides = array<i32>} : memref<2304xf32, #tpu.memory_space<vmem>>, vector<16xf32>,
    tpu.vector_store %arg9[%swap3A_304], %broadcast_in_dim3A_1 {strides = array<i32>} : memref<2304xf32, #tpu.memory_space<vmem>>, vector<16xf32>,
    %swap3A_306 = arith.constant 1200 : index
    %swap3A_307 = tpu.vector_load %arg8[%swap3A_306] {strides = array<i32>} : memref<2304xf32, #tpu.memory_space<vmem>>, vector<16xf32>,
    tpu.vector_store %arg8[%swap3A_306], %broadcast_in_dim3A_1 {strides = array<i32>} : memref<2304xf32, #tpu.memory_space<vmem>>, vector<16xf32>,
    %swap3A_308 = arith.constant 1200 : index
    %swap3A_309 = tpu.vector_load %arg9[%swap3A_308] {strides = array<i32>} : memref<2304xf32, #tpu.memory_space<vmem>>, vector<16xf32>,
    tpu.vector_store %arg9[%swap3A_308], %broadcast_in_dim3A_1 {strides = array<i32>} : memref<2304xf32, #tpu.memory_space<vmem>>, vector<16xf32>,
    %swap3A_310 = arith.constant 1216 : index
    %swap3A_311 = tpu.vector_load %arg8[%swap3A_310] {strides = array<i32>} : memref<2304xf32, #tpu.memory_space<vmem>>, vector<16xf32>,
    tpu.vector_store %arg8[%swap3A_310], %broadcast_in_dim3A_1 {strides = array<i32>} : memref<2304xf32, #tpu.memory_space<vmem>>, vector<16xf32>,
    %swap3A_312 = arith.constant 1216 : index
    %swap3A_313 = tpu.vector_load %arg9[%swap3A_312] {strides = array<i32>} : memref<2304xf32, #tpu.memory_space<vmem>>, vector<16xf32>,
    tpu.vector_store %arg9[%swap3A_312], %broadcast_in_dim3A_1 {strides = array<i32>} : memref<2304xf32, #tpu.memory_space<vmem>>, vector<16xf32>,
    %swap3A_314 = arith.constant 1232 : index
    %swap3A_315 = tpu.vector_load %arg8[%swap3A_314] {strides = array<i32>} : memref<2304xf32, #tpu.memory_space<vmem>>, vector<16xf32>,
    tpu.vector_store %arg8[%swap3A_314], %broadcast_in_dim3A_1 {strides = array<i32>} : memref<2304xf32, #tpu.memory_space<vmem>>, vector<16xf32>,
    %swap3A_316 = arith.constant 1232 : index
    %swap3A_317 = tpu.vector_load %arg9[%swap3A_316] {strides = array<i32>} : memref<2304xf32, #tpu.memory_space<vmem>>, vector<16xf32>,
    tpu.vector_store %arg9[%swap3A_316], %broadcast_in_dim3A_1 {strides = array<i32>} : memref<2304xf32, #tpu.memory_space<vmem>>, vector<16xf32>,
    %swap3A_318 = arith.constant 1248 : index
    %swap3A_319 = tpu.vector_load %arg8[%swap3A_318] {strides = array<i32>} : memref<2304xf32, #tpu.memory_space<vmem>>, vector<16xf32>,
    tpu.vector_store %arg8[%swap3A_318], %broadcast_in_dim3A_1 {strides = array<i32>} : memref<2304xf32, #tpu.memory_space<vmem>>, vector<16xf32>,
    %swap3A_320 = arith.constant 1248 : index
    %swap3A_321 = tpu.vector_load %arg9[%swap3A_320] {strides = array<i32>} : memref<2304xf32, #tpu.memory_space<vmem>>, vector<16xf32>,
    tpu.vector_store %arg9[%swap3A_320], %broadcast_in_dim3A_1 {strides = array<i32>} : memref<2304xf32, #tpu.memory_space<vmem>>, vector<16xf32>,
    %swap3A_322 = arith.constant 1264 : index
    %swap3A_323 = tpu.vector_load %arg8[%swap3A_322] {strides = array<i32>} : memref<2304xf32, #tpu.memory_space<vmem>>, vector<16xf32>,
    tpu.vector_store %arg8[%swap3A_322], %broadcast_in_dim3A_1 {strides = array<i32>} : memref<2304xf32, #tpu.memory_space<vmem>>, vector<16xf32>,
    %swap3A_324 = arith.constant 1264 : index
    %swap3A_325 = tpu.vector_load %arg9[%swap3A_324] {strides = array<i32>} : memref<2304xf32, #tpu.memory_space<vmem>>, vector<16xf32>,
    tpu.vector_store %arg9[%swap3A_324], %broadcast_in_dim3A_1 {strides = array<i32>} : memref<2304xf32, #tpu.memory_space<vmem>>, vector<16xf32>,
    %swap3A_326 = arith.constant 1280 : index
    %swap3A_327 = tpu.vector_load %arg8[%swap3A_326] {strides = array<i32>} : memref<2304xf32, #tpu.memory_space<vmem>>, vector<16xf32>,
    tpu.vector_store %arg8[%swap3A_326], %broadcast_in_dim3A_1 {strides = array<i32>} : memref<2304xf32, #tpu.memory_space<vmem>>, vector<16xf32>,
    %swap3A_328 = arith.constant 1280 : index
    %swap3A_329 = tpu.vector_load %arg9[%swap3A_328] {strides = array<i32>} : memref<2304xf32, #tpu.memory_space<vmem>>, vector<16xf32>,
    tpu.vector_store %arg9[%swap3A_328], %broadcast_in_dim3A_1 {strides = array<i32>} : memref<2304xf32, #tpu.memory_space<vmem>>, vector<16xf32>,
    %swap3A_330 = arith.constant 1296 : index
    %swap3A_331 = tpu.vector_load %arg8[%swap3A_330] {strides = array<i32>} : memref<2304xf32, #tpu.memory_space<vmem>>, vector<16xf32>,
    tpu.vector_store %arg8[%swap3A_330], %broadcast_in_dim3A_1 {strides = array<i32>} : memref<2304xf32, #tpu.memory_space<vmem>>, vector<16xf32>,
    %swap3A_332 = arith.constant 1296 : index
    %swap3A_333 = tpu.vector_load %arg9[%swap3A_332] {strides = array<i32>} : memref<2304xf32, #tpu.memory_space<vmem>>, vector<16xf32>,
    tpu.vector_store %arg9[%swap3A_332], %broadcast_in_dim3A_1 {strides = array<i32>} : memref<2304xf32, #tpu.memory_space<vmem>>, vector<16xf32>,
    %swap3A_334 = arith.constant 1312 : index
    %swap3A_335 = tpu.vector_load %arg8[%swap3A_334] {strides = array<i32>} : memref<2304xf32, #tpu.memory_space<vmem>>, vector<16xf32>,
    tpu.vector_store %arg8[%swap3A_334], %broadcast_in_dim3A_1 {strides = array<i32>} : memref<2304xf32, #tpu.memory_space<vmem>>, vector<16xf32>,
    %swap3A_336 = arith.constant 1312 : index
    %swap3A_337 = tpu.vector_load %arg9[%swap3A_336] {strides = array<i32>} : memref<2304xf32, #tpu.memory_space<vmem>>, vector<16xf32>,
    tpu.vector_store %arg9[%swap3A_336], %broadcast_in_dim3A_1 {strides = array<i32>} : memref<2304xf32, #tpu.memory_space<vmem>>, vector<16xf32>,
    %swap3A_338 = arith.constant 1328 : index
    %swap3A_339 = tpu.vector_load %arg8[%swap3A_338] {strides = array<i32>} : memref<2304xf32, #tpu.memory_space<vmem>>, vector<16xf32>,
    tpu.vector_store %arg8[%swap3A_338], %broadcast_in_dim3A_1 {strides = array<i32>} : memref<2304xf32, #tpu.memory_space<vmem>>, vector<16xf32>,
    %swap3A_340 = arith.constant 1328 : index
    %swap3A_341 = tpu.vector_load %arg9[%swap3A_340] {strides = array<i32>} : memref<2304xf32, #tpu.memory_space<vmem>>, vector<16xf32>,
    tpu.vector_store %arg9[%swap3A_340], %broadcast_in_dim3A_1 {strides = array<i32>} : memref<2304xf32, #tpu.memory_space<vmem>>, vector<16xf32>,
    %swap3A_342 = arith.constant 1344 : index
    %swap3A_343 = tpu.vector_load %arg8[%swap3A_342] {strides = array<i32>} : memref<2304xf32, #tpu.memory_space<vmem>>, vector<16xf32>,
    tpu.vector_store %arg8[%swap3A_342], %broadcast_in_dim3A_1 {strides = array<i32>} : memref<2304xf32, #tpu.memory_space<vmem>>, vector<16xf32>,
    %swap3A_344 = arith.constant 1344 : index
    %swap3A_345 = tpu.vector_load %arg9[%swap3A_344] {strides = array<i32>} : memref<2304xf32, #tpu.memory_space<vmem>>, vector<16xf32>,
    tpu.vector_store %arg9[%swap3A_344], %broadcast_in_dim3A_1 {strides = array<i32>} : memref<2304xf32, #tpu.memory_space<vmem>>, vector<16xf32>,
    %swap3A_346 = arith.constant 1360 : index
    %swap3A_347 = tpu.vector_load %arg8[%swap3A_346] {strides = array<i32>} : memref<2304xf32, #tpu.memory_space<vmem>>, vector<16xf32>,
    tpu.vector_store %arg8[%swap3A_346], %broadcast_in_dim3A_1 {strides = array<i32>} : memref<2304xf32, #tpu.memory_space<vmem>>, vector<16xf32>,
    %swap3A_348 = arith.constant 1360 : index
    %swap3A_349 = tpu.vector_load %arg9[%swap3A_348] {strides = array<i32>} : memref<2304xf32, #tpu.memory_space<vmem>>, vector<16xf32>,
    tpu.vector_store %arg9[%swap3A_348], %broadcast_in_dim3A_1 {strides = array<i32>} : memref<2304xf32, #tpu.memory_space<vmem>>, vector<16xf32>,
    %swap3A_350 = arith.constant 1376 : index
    %swap3A_351 = tpu.vector_load %arg8[%swap3A_350] {strides = array<i32>} : memref<2304xf32, #tpu.memory_space<vmem>>, vector<16xf32>,
    tpu.vector_store %arg8[%swap3A_350], %broadcast_in_dim3A_1 {strides = array<i32>} : memref<2304xf32, #tpu.memory_space<vmem>>, vector<16xf32>,
    %swap3A_352 = arith.constant 1376 : index
    %swap3A_353 = tpu.vector_load %arg9[%swap3A_352] {strides = array<i32>} : memref<2304xf32, #tpu.memory_space<vmem>>, vector<16xf32>,
    tpu.vector_store %arg9[%swap3A_352], %broadcast_in_dim3A_1 {strides = array<i32>} : memref<2304xf32, #tpu.memory_space<vmem>>, vector<16xf32>,
    %swap3A_354 = arith.constant 1392 : index
    %swap3A_355 = tpu.vector_load %arg8[%swap3A_354] {strides = array<i32>} : memref<2304xf32, #tpu.memory_space<vmem>>, vector<16xf32>,
    tpu.vector_store %arg8[%swap3A_354], %broadcast_in_dim3A_1 {strides = array<i32>} : memref<2304xf32, #tpu.memory_space<vmem>>, vector<16xf32>,
    %swap3A_356 = arith.constant 1392 : index
    %swap3A_357 = tpu.vector_load %arg9[%swap3A_356] {strides = array<i32>} : memref<2304xf32, #tpu.memory_space<vmem>>, vector<16xf32>,
    tpu.vector_store %arg9[%swap3A_356], %broadcast_in_dim3A_1 {strides = array<i32>} : memref<2304xf32, #tpu.memory_space<vmem>>, vector<16xf32>,
    %swap3A_358 = arith.constant 1408 : index
    %swap3A_359 = tpu.vector_load %arg8[%swap3A_358] {strides = array<i32>} : memref<2304xf32, #tpu.memory_space<vmem>>, vector<16xf32>,
    tpu.vector_store %arg8[%swap3A_358], %broadcast_in_dim3A_1 {strides = array<i32>} : memref<2304xf32, #tpu.memory_space<vmem>>, vector<16xf32>,
    %swap3A_360 = arith.constant 1408 : index
    %swap3A_361 = tpu.vector_load %arg9[%swap3A_360] {strides = array<i32>} : memref<2304xf32, #tpu.memory_space<vmem>>, vector<16xf32>,
    tpu.vector_store %arg9[%swap3A_360], %broadcast_in_dim3A_1 {strides = array<i32>} : memref<2304xf32, #tpu.memory_space<vmem>>, vector<16xf32>,
    %swap3A_362 = arith.constant 1424 : index
    %swap3A_363 = tpu.vector_load %arg8[%swap3A_362] {strides = array<i32>} : memref<2304xf32, #tpu.memory_space<vmem>>, vector<16xf32>,
    tpu.vector_store %arg8[%swap3A_362], %broadcast_in_dim3A_1 {strides = array<i32>} : memref<2304xf32, #tpu.memory_space<vmem>>, vector<16xf32>,
    %swap3A_364 = arith.constant 1424 : index
    %swap3A_365 = tpu.vector_load %arg9[%swap3A_364] {strides = array<i32>} : memref<2304xf32, #tpu.memory_space<vmem>>, vector<16xf32>,
    tpu.vector_store %arg9[%swap3A_364], %broadcast_in_dim3A_1 {strides = array<i32>} : memref<2304xf32, #tpu.memory_space<vmem>>, vector<16xf32>,
    %swap3A_366 = arith.constant 1440 : index
    %swap3A_367 = tpu.vector_load %arg8[%swap3A_366] {strides = array<i32>} : memref<2304xf32, #tpu.memory_space<vmem>>, vector<16xf32>,
    tpu.vector_store %arg8[%swap3A_366], %broadcast_in_dim3A_1 {strides = array<i32>} : memref<2304xf32, #tpu.memory_space<vmem>>, vector<16xf32>,
    %swap3A_368 = arith.constant 1440 : index
    %swap3A_369 = tpu.vector_load %arg9[%swap3A_368] {strides = array<i32>} : memref<2304xf32, #tpu.memory_space<vmem>>, vector<16xf32>,
    tpu.vector_store %arg9[%swap3A_368], %broadcast_in_dim3A_1 {strides = array<i32>} : memref<2304xf32, #tpu.memory_space<vmem>>, vector<16xf32>,
    %swap3A_370 = arith.constant 1456 : index
    %swap3A_371 = tpu.vector_load %arg8[%swap3A_370] {strides = array<i32>} : memref<2304xf32, #tpu.memory_space<vmem>>, vector<16xf32>,
    tpu.vector_store %arg8[%swap3A_370], %broadcast_in_dim3A_1 {strides = array<i32>} : memref<2304xf32, #tpu.memory_space<vmem>>, vector<16xf32>,
    %swap3A_372 = arith.constant 1456 : index
    %swap3A_373 = tpu.vector_load %arg9[%swap3A_372] {strides = array<i32>} : memref<2304xf32, #tpu.memory_space<vmem>>, vector<16xf32>,
    tpu.vector_store %arg9[%swap3A_372], %broadcast_in_dim3A_1 {strides = array<i32>} : memref<2304xf32, #tpu.memory_space<vmem>>, vector<16xf32>,
    %swap3A_374 = arith.constant 1472 : index
    %swap3A_375 = tpu.vector_load %arg8[%swap3A_374] {strides = array<i32>} : memref<2304xf32, #tpu.memory_space<vmem>>, vector<16xf32>,
    tpu.vector_store %arg8[%swap3A_374], %broadcast_in_dim3A_1 {strides = array<i32>} : memref<2304xf32, #tpu.memory_space<vmem>>, vector<16xf32>,
    %swap3A_376 = arith.constant 1472 : index
    %swap3A_377 = tpu.vector_load %arg9[%swap3A_376] {strides = array<i32>} : memref<2304xf32, #tpu.memory_space<vmem>>, vector<16xf32>,
    tpu.vector_store %arg9[%swap3A_376], %broadcast_in_dim3A_1 {strides = array<i32>} : memref<2304xf32, #tpu.memory_space<vmem>>, vector<16xf32>,
    %swap3A_378 = arith.constant 1488 : index
    %swap3A_379 = tpu.vector_load %arg8[%swap3A_378] {strides = array<i32>} : memref<2304xf32, #tpu.memory_space<vmem>>, vector<16xf32>,
    tpu.vector_store %arg8[%swap3A_378], %broadcast_in_dim3A_1 {strides = array<i32>} : memref<2304xf32, #tpu.memory_space<vmem>>, vector<16xf32>,
    %swap3A_380 = arith.constant 1488 : index
    %swap3A_381 = tpu.vector_load %arg9[%swap3A_380] {strides = array<i32>} : memref<2304xf32, #tpu.memory_space<vmem>>, vector<16xf32>,
    tpu.vector_store %arg9[%swap3A_380], %broadcast_in_dim3A_1 {strides = array<i32>} : memref<2304xf32, #tpu.memory_space<vmem>>, vector<16xf32>,
    %swap3A_382 = arith.constant 1504 : index
    %swap3A_383 = tpu.vector_load %arg8[%swap3A_382] {strides = array<i32>} : memref<2304xf32, #tpu.memory_space<vmem>>, vector<16xf32>,
    tpu.vector_store %arg8[%swap3A_382], %broadcast_in_dim3A_1 {strides = array<i32>} : memref<2304xf32, #tpu.memory_space<vmem>>, vector<16xf32>,
    %swap3A_384 = arith.constant 1504 : index
    %swap3A_385 = tpu.vector_load %arg9[%swap3A_384] {strides = array<i32>} : memref<2304xf32, #tpu.memory_space<vmem>>, vector<16xf32>,
    tpu.vector_store %arg9[%swap3A_384], %broadcast_in_dim3A_1 {strides = array<i32>} : memref<2304xf32, #tpu.memory_space<vmem>>, vector<16xf32>,
    %swap3A_386 = arith.constant 1520 : index
    %swap3A_387 = tpu.vector_load %arg8[%swap3A_386] {strides = array<i32>} : memref<2304xf32, #tpu.memory_space<vmem>>, vector<16xf32>,
    tpu.vector_store %arg8[%swap3A_386], %broadcast_in_dim3A_1 {strides = array<i32>} : memref<2304xf32, #tpu.memory_space<vmem>>, vector<16xf32>,
    %swap3A_388 = arith.constant 1520 : index
    %swap3A_389 = tpu.vector_load %arg9[%swap3A_388] {strides = array<i32>} : memref<2304xf32, #tpu.memory_space<vmem>>, vector<16xf32>,
    tpu.vector_store %arg9[%swap3A_388], %broadcast_in_dim3A_1 {strides = array<i32>} : memref<2304xf32, #tpu.memory_space<vmem>>, vector<16xf32>,
    %swap3A_390 = arith.constant 1536 : index
    %swap3A_391 = tpu.vector_load %arg8[%swap3A_390] {strides = array<i32>} : memref<2304xf32, #tpu.memory_space<vmem>>, vector<16xf32>,
    tpu.vector_store %arg8[%swap3A_390], %broadcast_in_dim3A_1 {strides = array<i32>} : memref<2304xf32, #tpu.memory_space<vmem>>, vector<16xf32>,
    %swap3A_392 = arith.constant 1536 : index
    %swap3A_393 = tpu.vector_load %arg9[%swap3A_392] {strides = array<i32>} : memref<2304xf32, #tpu.memory_space<vmem>>, vector<16xf32>,
    tpu.vector_store %arg9[%swap3A_392], %broadcast_in_dim3A_1 {strides = array<i32>} : memref<2304xf32, #tpu.memory_space<vmem>>, vector<16xf32>,
    %swap3A_394 = arith.constant 1552 : index
    %swap3A_395 = tpu.vector_load %arg8[%swap3A_394] {strides = array<i32>} : memref<2304xf32, #tpu.memory_space<vmem>>, vector<16xf32>,
    tpu.vector_store %arg8[%swap3A_394], %broadcast_in_dim3A_1 {strides = array<i32>} : memref<2304xf32, #tpu.memory_space<vmem>>, vector<16xf32>,
    %swap3A_396 = arith.constant 1552 : index
    %swap3A_397 = tpu.vector_load %arg9[%swap3A_396] {strides = array<i32>} : memref<2304xf32, #tpu.memory_space<vmem>>, vector<16xf32>,
    tpu.vector_store %arg9[%swap3A_396], %broadcast_in_dim3A_1 {strides = array<i32>} : memref<2304xf32, #tpu.memory_space<vmem>>, vector<16xf32>,
    %swap3A_398 = arith.constant 1568 : index
    %swap3A_399 = tpu.vector_load %arg8[%swap3A_398] {strides = array<i32>} : memref<2304xf32, #tpu.memory_space<vmem>>, vector<16xf32>,
    tpu.vector_store %arg8[%swap3A_398], %broadcast_in_dim3A_1 {strides = array<i32>} : memref<2304xf32, #tpu.memory_space<vmem>>, vector<16xf32>,
    %swap3A_400 = arith.constant 1568 : index
    %swap3A_401 = tpu.vector_load %arg9[%swap3A_400] {strides = array<i32>} : memref<2304xf32, #tpu.memory_space<vmem>>, vector<16xf32>,
    tpu.vector_store %arg9[%swap3A_400], %broadcast_in_dim3A_1 {strides = array<i32>} : memref<2304xf32, #tpu.memory_space<vmem>>, vector<16xf32>,
    %swap3A_402 = arith.constant 1584 : index
    %swap3A_403 = tpu.vector_load %arg8[%swap3A_402] {strides = array<i32>} : memref<2304xf32, #tpu.memory_space<vmem>>, vector<16xf32>,
    tpu.vector_store %arg8[%swap3A_402], %broadcast_in_dim3A_1 {strides = array<i32>} : memref<2304xf32, #tpu.memory_space<vmem>>, vector<16xf32>,
    %swap3A_404 = arith.constant 1584 : index
    %swap3A_405 = tpu.vector_load %arg9[%swap3A_404] {strides = array<i32>} : memref<2304xf32, #tpu.memory_space<vmem>>, vector<16xf32>,
    tpu.vector_store %arg9[%swap3A_404], %broadcast_in_dim3A_1 {strides = array<i32>} : memref<2304xf32, #tpu.memory_space<vmem>>, vector<16xf32>,
    %swap3A_406 = arith.constant 1600 : index
    %swap3A_407 = tpu.vector_load %arg8[%swap3A_406] {strides = array<i32>} : memref<2304xf32, #tpu.memory_space<vmem>>, vector<16xf32>,
    tpu.vector_store %arg8[%swap3A_406], %broadcast_in_dim3A_1 {strides = array<i32>} : memref<2304xf32, #tpu.memory_space<vmem>>, vector<16xf32>,
    %swap3A_408 = arith.constant 1600 : index
    %swap3A_409 = tpu.vector_load %arg9[%swap3A_408] {strides = array<i32>} : memref<2304xf32, #tpu.memory_space<vmem>>, vector<16xf32>,
    tpu.vector_store %arg9[%swap3A_408], %broadcast_in_dim3A_1 {strides = array<i32>} : memref<2304xf32, #tpu.memory_space<vmem>>, vector<16xf32>,
    %swap3A_410 = arith.constant 1616 : index
    %swap3A_411 = tpu.vector_load %arg8[%swap3A_410] {strides = array<i32>} : memref<2304xf32, #tpu.memory_space<vmem>>, vector<16xf32>,
    tpu.vector_store %arg8[%swap3A_410], %broadcast_in_dim3A_1 {strides = array<i32>} : memref<2304xf32, #tpu.memory_space<vmem>>, vector<16xf32>,
    %swap3A_412 = arith.constant 1616 : index
    %swap3A_413 = tpu.vector_load %arg9[%swap3A_412] {strides = array<i32>} : memref<2304xf32, #tpu.memory_space<vmem>>, vector<16xf32>,
    tpu.vector_store %arg9[%swap3A_412], %broadcast_in_dim3A_1 {strides = array<i32>} : memref<2304xf32, #tpu.memory_space<vmem>>, vector<16xf32>,
    %swap3A_414 = arith.constant 1632 : index
    %swap3A_415 = tpu.vector_load %arg8[%swap3A_414] {strides = array<i32>} : memref<2304xf32, #tpu.memory_space<vmem>>, vector<16xf32>,
    tpu.vector_store %arg8[%swap3A_414], %broadcast_in_dim3A_1 {strides = array<i32>} : memref<2304xf32, #tpu.memory_space<vmem>>, vector<16xf32>,
    %swap3A_416 = arith.constant 1632 : index
    %swap3A_417 = tpu.vector_load %arg9[%swap3A_416] {strides = array<i32>} : memref<2304xf32, #tpu.memory_space<vmem>>, vector<16xf32>,
    tpu.vector_store %arg9[%swap3A_416], %broadcast_in_dim3A_1 {strides = array<i32>} : memref<2304xf32, #tpu.memory_space<vmem>>, vector<16xf32>,
    %swap3A_418 = arith.constant 1648 : index
    %swap3A_419 = tpu.vector_load %arg8[%swap3A_418] {strides = array<i32>} : memref<2304xf32, #tpu.memory_space<vmem>>, vector<16xf32>,
    tpu.vector_store %arg8[%swap3A_418], %broadcast_in_dim3A_1 {strides = array<i32>} : memref<2304xf32, #tpu.memory_space<vmem>>, vector<16xf32>,
    %swap3A_420 = arith.constant 1648 : index
    %swap3A_421 = tpu.vector_load %arg9[%swap3A_420] {strides = array<i32>} : memref<2304xf32, #tpu.memory_space<vmem>>, vector<16xf32>,
    tpu.vector_store %arg9[%swap3A_420], %broadcast_in_dim3A_1 {strides = array<i32>} : memref<2304xf32, #tpu.memory_space<vmem>>, vector<16xf32>,
    %swap3A_422 = arith.constant 1664 : index
    %swap3A_423 = tpu.vector_load %arg8[%swap3A_422] {strides = array<i32>} : memref<2304xf32, #tpu.memory_space<vmem>>, vector<16xf32>,
    tpu.vector_store %arg8[%swap3A_422], %broadcast_in_dim3A_1 {strides = array<i32>} : memref<2304xf32, #tpu.memory_space<vmem>>, vector<16xf32>,
    %swap3A_424 = arith.constant 1664 : index
    %swap3A_425 = tpu.vector_load %arg9[%swap3A_424] {strides = array<i32>} : memref<2304xf32, #tpu.memory_space<vmem>>, vector<16xf32>,
    tpu.vector_store %arg9[%swap3A_424], %broadcast_in_dim3A_1 {strides = array<i32>} : memref<2304xf32, #tpu.memory_space<vmem>>, vector<16xf32>,
    %swap3A_426 = arith.constant 1680 : index
    %swap3A_427 = tpu.vector_load %arg8[%swap3A_426] {strides = array<i32>} : memref<2304xf32, #tpu.memory_space<vmem>>, vector<16xf32>,
    tpu.vector_store %arg8[%swap3A_426], %broadcast_in_dim3A_1 {strides = array<i32>} : memref<2304xf32, #tpu.memory_space<vmem>>, vector<16xf32>,
    %swap3A_428 = arith.constant 1680 : index
    %swap3A_429 = tpu.vector_load %arg9[%swap3A_428] {strides = array<i32>} : memref<2304xf32, #tpu.memory_space<vmem>>, vector<16xf32>,
    tpu.vector_store %arg9[%swap3A_428], %broadcast_in_dim3A_1 {strides = array<i32>} : memref<2304xf32, #tpu.memory_space<vmem>>, vector<16xf32>,
    %swap3A_430 = arith.constant 1696 : index
    %swap3A_431 = tpu.vector_load %arg8[%swap3A_430] {strides = array<i32>} : memref<2304xf32, #tpu.memory_space<vmem>>, vector<16xf32>,
    tpu.vector_store %arg8[%swap3A_430], %broadcast_in_dim3A_1 {strides = array<i32>} : memref<2304xf32, #tpu.memory_space<vmem>>, vector<16xf32>,
    %swap3A_432 = arith.constant 1696 : index
    %swap3A_433 = tpu.vector_load %arg9[%swap3A_432] {strides = array<i32>} : memref<2304xf32, #tpu.memory_space<vmem>>, vector<16xf32>,
    tpu.vector_store %arg9[%swap3A_432], %broadcast_in_dim3A_1 {strides = array<i32>} : memref<2304xf32, #tpu.memory_space<vmem>>, vector<16xf32>,
    %swap3A_434 = arith.constant 1712 : index
    %swap3A_435 = tpu.vector_load %arg8[%swap3A_434] {strides = array<i32>} : memref<2304xf32, #tpu.memory_space<vmem>>, vector<16xf32>,
    tpu.vector_store %arg8[%swap3A_434], %broadcast_in_dim3A_1 {strides = array<i32>} : memref<2304xf32, #tpu.memory_space<vmem>>, vector<16xf32>,
    %swap3A_436 = arith.constant 1712 : index
    %swap3A_437 = tpu.vector_load %arg9[%swap3A_436] {strides = array<i32>} : memref<2304xf32, #tpu.memory_space<vmem>>, vector<16xf32>,
    tpu.vector_store %arg9[%swap3A_436], %broadcast_in_dim3A_1 {strides = array<i32>} : memref<2304xf32, #tpu.memory_space<vmem>>, vector<16xf32>,
    %swap3A_438 = arith.constant 1728 : index
    %swap3A_439 = tpu.vector_load %arg8[%swap3A_438] {strides = array<i32>} : memref<2304xf32, #tpu.memory_space<vmem>>, vector<16xf32>,
    tpu.vector_store %arg8[%swap3A_438], %broadcast_in_dim3A_1 {strides = array<i32>} : memref<2304xf32, #tpu.memory_space<vmem>>, vector<16xf32>,
    %swap3A_440 = arith.constant 1728 : index
    %swap3A_441 = tpu.vector_load %arg9[%swap3A_440] {strides = array<i32>} : memref<2304xf32, #tpu.memory_space<vmem>>, vector<16xf32>,
    tpu.vector_store %arg9[%swap3A_440], %broadcast_in_dim3A_1 {strides = array<i32>} : memref<2304xf32, #tpu.memory_space<vmem>>, vector<16xf32>,
    %swap3A_442 = arith.constant 1744 : index
    %swap3A_443 = tpu.vector_load %arg8[%swap3A_442] {strides = array<i32>} : memref<2304xf32, #tpu.memory_space<vmem>>, vector<16xf32>,
    tpu.vector_store %arg8[%swap3A_442], %broadcast_in_dim3A_1 {strides = array<i32>} : memref<2304xf32, #tpu.memory_space<vmem>>, vector<16xf32>,
    %swap3A_444 = arith.constant 1744 : index
    %swap3A_445 = tpu.vector_load %arg9[%swap3A_444] {strides = array<i32>} : memref<2304xf32, #tpu.memory_space<vmem>>, vector<16xf32>,
    tpu.vector_store %arg9[%swap3A_444], %broadcast_in_dim3A_1 {strides = array<i32>} : memref<2304xf32, #tpu.memory_space<vmem>>, vector<16xf32>,
    %swap3A_446 = arith.constant 1760 : index
    %swap3A_447 = tpu.vector_load %arg8[%swap3A_446] {strides = array<i32>} : memref<2304xf32, #tpu.memory_space<vmem>>, vector<16xf32>,
    tpu.vector_store %arg8[%swap3A_446], %broadcast_in_dim3A_1 {strides = array<i32>} : memref<2304xf32, #tpu.memory_space<vmem>>, vector<16xf32>,
    %swap3A_448 = arith.constant 1760 : index
    %swap3A_449 = tpu.vector_load %arg9[%swap3A_448] {strides = array<i32>} : memref<2304xf32, #tpu.memory_space<vmem>>, vector<16xf32>,
    tpu.vector_store %arg9[%swap3A_448], %broadcast_in_dim3A_1 {strides = array<i32>} : memref<2304xf32, #tpu.memory_space<vmem>>, vector<16xf32>,
    %swap3A_450 = arith.constant 1776 : index
    %swap3A_451 = tpu.vector_load %arg8[%swap3A_450] {strides = array<i32>} : memref<2304xf32, #tpu.memory_space<vmem>>, vector<16xf32>,
    tpu.vector_store %arg8[%swap3A_450], %broadcast_in_dim3A_1 {strides = array<i32>} : memref<2304xf32, #tpu.memory_space<vmem>>, vector<16xf32>,
    %swap3A_452 = arith.constant 1776 : index
    %swap3A_453 = tpu.vector_load %arg9[%swap3A_452] {strides = array<i32>} : memref<2304xf32, #tpu.memory_space<vmem>>, vector<16xf32>,
    tpu.vector_store %arg9[%swap3A_452], %broadcast_in_dim3A_1 {strides = array<i32>} : memref<2304xf32, #tpu.memory_space<vmem>>, vector<16xf32>,
    %swap3A_454 = arith.constant 1792 : index
    %swap3A_455 = tpu.vector_load %arg8[%swap3A_454] {strides = array<i32>} : memref<2304xf32, #tpu.memory_space<vmem>>, vector<16xf32>,
    tpu.vector_store %arg8[%swap3A_454], %broadcast_in_dim3A_1 {strides = array<i32>} : memref<2304xf32, #tpu.memory_space<vmem>>, vector<16xf32>,
    %swap3A_456 = arith.constant 1792 : index
    %swap3A_457 = tpu.vector_load %arg9[%swap3A_456] {strides = array<i32>} : memref<2304xf32, #tpu.memory_space<vmem>>, vector<16xf32>,
    tpu.vector_store %arg9[%swap3A_456], %broadcast_in_dim3A_1 {strides = array<i32>} : memref<2304xf32, #tpu.memory_space<vmem>>, vector<16xf32>,
    %swap3A_458 = arith.constant 1808 : index
    %swap3A_459 = tpu.vector_load %arg8[%swap3A_458] {strides = array<i32>} : memref<2304xf32, #tpu.memory_space<vmem>>, vector<16xf32>,
    tpu.vector_store %arg8[%swap3A_458], %broadcast_in_dim3A_1 {strides = array<i32>} : memref<2304xf32, #tpu.memory_space<vmem>>, vector<16xf32>,
    %swap3A_460 = arith.constant 1808 : index
    %swap3A_461 = tpu.vector_load %arg9[%swap3A_460] {strides = array<i32>} : memref<2304xf32, #tpu.memory_space<vmem>>, vector<16xf32>,
    tpu.vector_store %arg9[%swap3A_460], %broadcast_in_dim3A_1 {strides = array<i32>} : memref<2304xf32, #tpu.memory_space<vmem>>, vector<16xf32>,
    %swap3A_462 = arith.constant 1824 : index
    %swap3A_463 = tpu.vector_load %arg8[%swap3A_462] {strides = array<i32>} : memref<2304xf32, #tpu.memory_space<vmem>>, vector<16xf32>,
    tpu.vector_store %arg8[%swap3A_462], %broadcast_in_dim3A_1 {strides = array<i32>} : memref<2304xf32, #tpu.memory_space<vmem>>, vector<16xf32>,
    %swap3A_464 = arith.constant 1824 : index
    %swap3A_465 = tpu.vector_load %arg9[%swap3A_464] {strides = array<i32>} : memref<2304xf32, #tpu.memory_space<vmem>>, vector<16xf32>,
    tpu.vector_store %arg9[%swap3A_464], %broadcast_in_dim3A_1 {strides = array<i32>} : memref<2304xf32, #tpu.memory_space<vmem>>, vector<16xf32>,
    %swap3A_466 = arith.constant 1840 : index
    %swap3A_467 = tpu.vector_load %arg8[%swap3A_466] {strides = array<i32>} : memref<2304xf32, #tpu.memory_space<vmem>>, vector<16xf32>,
    tpu.vector_store %arg8[%swap3A_466], %broadcast_in_dim3A_1 {strides = array<i32>} : memref<2304xf32, #tpu.memory_space<vmem>>, vector<16xf32>,
    %swap3A_468 = arith.constant 1840 : index
    %swap3A_469 = tpu.vector_load %arg9[%swap3A_468] {strides = array<i32>} : memref<2304xf32, #tpu.memory_space<vmem>>, vector<16xf32>,
    tpu.vector_store %arg9[%swap3A_468], %broadcast_in_dim3A_1 {strides = array<i32>} : memref<2304xf32, #tpu.memory_space<vmem>>, vector<16xf32>,
    %swap3A_470 = arith.constant 1856 : index
    %swap3A_471 = tpu.vector_load %arg8[%swap3A_470] {strides = array<i32>} : memref<2304xf32, #tpu.memory_space<vmem>>, vector<16xf32>,
    tpu.vector_store %arg8[%swap3A_470], %broadcast_in_dim3A_1 {strides = array<i32>} : memref<2304xf32, #tpu.memory_space<vmem>>, vector<16xf32>,
    %swap3A_472 = arith.constant 1856 : index
    %swap3A_473 = tpu.vector_load %arg9[%swap3A_472] {strides = array<i32>} : memref<2304xf32, #tpu.memory_space<vmem>>, vector<16xf32>,
    tpu.vector_store %arg9[%swap3A_472], %broadcast_in_dim3A_1 {strides = array<i32>} : memref<2304xf32, #tpu.memory_space<vmem>>, vector<16xf32>,
    %swap3A_474 = arith.constant 1872 : index
    %swap3A_475 = tpu.vector_load %arg8[%swap3A_474] {strides = array<i32>} : memref<2304xf32, #tpu.memory_space<vmem>>, vector<16xf32>,
    tpu.vector_store %arg8[%swap3A_474], %broadcast_in_dim3A_1 {strides = array<i32>} : memref<2304xf32, #tpu.memory_space<vmem>>, vector<16xf32>,
    %swap3A_476 = arith.constant 1872 : index
    %swap3A_477 = tpu.vector_load %arg9[%swap3A_476] {strides = array<i32>} : memref<2304xf32, #tpu.memory_space<vmem>>, vector<16xf32>,
    tpu.vector_store %arg9[%swap3A_476], %broadcast_in_dim3A_1 {strides = array<i32>} : memref<2304xf32, #tpu.memory_space<vmem>>, vector<16xf32>,
    %swap3A_478 = arith.constant 1888 : index
    %swap3A_479 = tpu.vector_load %arg8[%swap3A_478] {strides = array<i32>} : memref<2304xf32, #tpu.memory_space<vmem>>, vector<16xf32>,
    tpu.vector_store %arg8[%swap3A_478], %broadcast_in_dim3A_1 {strides = array<i32>} : memref<2304xf32, #tpu.memory_space<vmem>>, vector<16xf32>,
    %swap3A_480 = arith.constant 1888 : index
    %swap3A_481 = tpu.vector_load %arg9[%swap3A_480] {strides = array<i32>} : memref<2304xf32, #tpu.memory_space<vmem>>, vector<16xf32>,
    tpu.vector_store %arg9[%swap3A_480], %broadcast_in_dim3A_1 {strides = array<i32>} : memref<2304xf32, #tpu.memory_space<vmem>>, vector<16xf32>,
    %swap3A_482 = arith.constant 1904 : index
    %swap3A_483 = tpu.vector_load %arg8[%swap3A_482] {strides = array<i32>} : memref<2304xf32, #tpu.memory_space<vmem>>, vector<16xf32>,
    tpu.vector_store %arg8[%swap3A_482], %broadcast_in_dim3A_1 {strides = array<i32>} : memref<2304xf32, #tpu.memory_space<vmem>>, vector<16xf32>,
    %swap3A_484 = arith.constant 1904 : index
    %swap3A_485 = tpu.vector_load %arg9[%swap3A_484] {strides = array<i32>} : memref<2304xf32, #tpu.memory_space<vmem>>, vector<16xf32>,
    tpu.vector_store %arg9[%swap3A_484], %broadcast_in_dim3A_1 {strides = array<i32>} : memref<2304xf32, #tpu.memory_space<vmem>>, vector<16xf32>,
    %swap3A_486 = arith.constant 1920 : index
    %swap3A_487 = tpu.vector_load %arg8[%swap3A_486] {strides = array<i32>} : memref<2304xf32, #tpu.memory_space<vmem>>, vector<16xf32>,
    tpu.vector_store %arg8[%swap3A_486], %broadcast_in_dim3A_1 {strides = array<i32>} : memref<2304xf32, #tpu.memory_space<vmem>>, vector<16xf32>,
    %swap3A_488 = arith.constant 1920 : index
    %swap3A_489 = tpu.vector_load %arg9[%swap3A_488] {strides = array<i32>} : memref<2304xf32, #tpu.memory_space<vmem>>, vector<16xf32>,
    tpu.vector_store %arg9[%swap3A_488], %broadcast_in_dim3A_1 {strides = array<i32>} : memref<2304xf32, #tpu.memory_space<vmem>>, vector<16xf32>,
    %swap3A_490 = arith.constant 1936 : index
    %swap3A_491 = tpu.vector_load %arg8[%swap3A_490] {strides = array<i32>} : memref<2304xf32, #tpu.memory_space<vmem>>, vector<16xf32>,
    tpu.vector_store %arg8[%swap3A_490], %broadcast_in_dim3A_1 {strides = array<i32>} : memref<2304xf32, #tpu.memory_space<vmem>>, vector<16xf32>,
    %swap3A_492 = arith.constant 1936 : index
    %swap3A_493 = tpu.vector_load %arg9[%swap3A_492] {strides = array<i32>} : memref<2304xf32, #tpu.memory_space<vmem>>, vector<16xf32>,
    tpu.vector_store %arg9[%swap3A_492], %broadcast_in_dim3A_1 {strides = array<i32>} : memref<2304xf32, #tpu.memory_space<vmem>>, vector<16xf32>,
    %swap3A_494 = arith.constant 1952 : index
    %swap3A_495 = tpu.vector_load %arg8[%swap3A_494] {strides = array<i32>} : memref<2304xf32, #tpu.memory_space<vmem>>, vector<16xf32>,
    tpu.vector_store %arg8[%swap3A_494], %broadcast_in_dim3A_1 {strides = array<i32>} : memref<2304xf32, #tpu.memory_space<vmem>>, vector<16xf32>,
    %swap3A_496 = arith.constant 1952 : index
    %swap3A_497 = tpu.vector_load %arg9[%swap3A_496] {strides = array<i32>} : memref<2304xf32, #tpu.memory_space<vmem>>, vector<16xf32>,
    tpu.vector_store %arg9[%swap3A_496], %broadcast_in_dim3A_1 {strides = array<i32>} : memref<2304xf32, #tpu.memory_space<vmem>>, vector<16xf32>,
    %swap3A_498 = arith.constant 1968 : index
    %swap3A_499 = tpu.vector_load %arg8[%swap3A_498] {strides = array<i32>} : memref<2304xf32, #tpu.memory_space<vmem>>, vector<16xf32>,
    tpu.vector_store %arg8[%swap3A_498], %broadcast_in_dim3A_1 {strides = array<i32>} : memref<2304xf32, #tpu.memory_space<vmem>>, vector<16xf32>,
    %swap3A_500 = arith.constant 1968 : index
    %swap3A_501 = tpu.vector_load %arg9[%swap3A_500] {strides = array<i32>} : memref<2304xf32, #tpu.memory_space<vmem>>, vector<16xf32>,
    tpu.vector_store %arg9[%swap3A_500], %broadcast_in_dim3A_1 {strides = array<i32>} : memref<2304xf32, #tpu.memory_space<vmem>>, vector<16xf32>,
    %swap3A_502 = arith.constant 1984 : index
    %swap3A_503 = tpu.vector_load %arg8[%swap3A_502] {strides = array<i32>} : memref<2304xf32, #tpu.memory_space<vmem>>, vector<16xf32>,
    tpu.vector_store %arg8[%swap3A_502], %broadcast_in_dim3A_1 {strides = array<i32>} : memref<2304xf32, #tpu.memory_space<vmem>>, vector<16xf32>,
    %swap3A_504 = arith.constant 1984 : index
    %swap3A_505 = tpu.vector_load %arg9[%swap3A_504] {strides = array<i32>} : memref<2304xf32, #tpu.memory_space<vmem>>, vector<16xf32>,
    tpu.vector_store %arg9[%swap3A_504], %broadcast_in_dim3A_1 {strides = array<i32>} : memref<2304xf32, #tpu.memory_space<vmem>>, vector<16xf32>,
    %swap3A_506 = arith.constant 2000 : index
    %swap3A_507 = tpu.vector_load %arg8[%swap3A_506] {strides = array<i32>} : memref<2304xf32, #tpu.memory_space<vmem>>, vector<16xf32>,
    tpu.vector_store %arg8[%swap3A_506], %broadcast_in_dim3A_1 {strides = array<i32>} : memref<2304xf32, #tpu.memory_space<vmem>>, vector<16xf32>,
    %swap3A_508 = arith.constant 2000 : index
    %swap3A_509 = tpu.vector_load %arg9[%swap3A_508] {strides = array<i32>} : memref<2304xf32, #tpu.memory_space<vmem>>, vector<16xf32>,
    tpu.vector_store %arg9[%swap3A_508], %broadcast_in_dim3A_1 {strides = array<i32>} : memref<2304xf32, #tpu.memory_space<vmem>>, vector<16xf32>,
    %swap3A_510 = arith.constant 2016 : index
    %swap3A_511 = tpu.vector_load %arg8[%swap3A_510] {strides = array<i32>} : memref<2304xf32, #tpu.memory_space<vmem>>, vector<16xf32>,
    tpu.vector_store %arg8[%swap3A_510], %broadcast_in_dim3A_1 {strides = array<i32>} : memref<2304xf32, #tpu.memory_space<vmem>>, vector<16xf32>,
    %swap3A_512 = arith.constant 2016 : index
    %swap3A_513 = tpu.vector_load %arg9[%swap3A_512] {strides = array<i32>} : memref<2304xf32, #tpu.memory_space<vmem>>, vector<16xf32>,
    tpu.vector_store %arg9[%swap3A_512], %broadcast_in_dim3A_1 {strides = array<i32>} : memref<2304xf32, #tpu.memory_space<vmem>>, vector<16xf32>,
    %swap3A_514 = arith.constant 2032 : index
    %swap3A_515 = tpu.vector_load %arg8[%swap3A_514] {strides = array<i32>} : memref<2304xf32, #tpu.memory_space<vmem>>, vector<16xf32>,
    tpu.vector_store %arg8[%swap3A_514], %broadcast_in_dim3A_1 {strides = array<i32>} : memref<2304xf32, #tpu.memory_space<vmem>>, vector<16xf32>,
    %swap3A_516 = arith.constant 2032 : index
    %swap3A_517 = tpu.vector_load %arg9[%swap3A_516] {strides = array<i32>} : memref<2304xf32, #tpu.memory_space<vmem>>, vector<16xf32>,
    tpu.vector_store %arg9[%swap3A_516], %broadcast_in_dim3A_1 {strides = array<i32>} : memref<2304xf32, #tpu.memory_space<vmem>>, vector<16xf32>,
    %swap3A_518 = arith.constant 2048 : index
    %swap3A_519 = tpu.vector_load %arg8[%swap3A_518] {strides = array<i32>} : memref<2304xf32, #tpu.memory_space<vmem>>, vector<16xf32>,
    tpu.vector_store %arg8[%swap3A_518], %broadcast_in_dim3A_1 {strides = array<i32>} : memref<2304xf32, #tpu.memory_space<vmem>>, vector<16xf32>,
    %swap3A_520 = arith.constant 2048 : index
    %swap3A_521 = tpu.vector_load %arg9[%swap3A_520] {strides = array<i32>} : memref<2304xf32, #tpu.memory_space<vmem>>, vector<16xf32>,
    tpu.vector_store %arg9[%swap3A_520], %broadcast_in_dim3A_1 {strides = array<i32>} : memref<2304xf32, #tpu.memory_space<vmem>>, vector<16xf32>,
    %swap3A_522 = arith.constant 2064 : index
    %swap3A_523 = tpu.vector_load %arg8[%swap3A_522] {strides = array<i32>} : memref<2304xf32, #tpu.memory_space<vmem>>, vector<16xf32>,
    tpu.vector_store %arg8[%swap3A_522], %broadcast_in_dim3A_1 {strides = array<i32>} : memref<2304xf32, #tpu.memory_space<vmem>>, vector<16xf32>,
    %swap3A_524 = arith.constant 2064 : index
    %swap3A_525 = tpu.vector_load %arg9[%swap3A_524] {strides = array<i32>} : memref<2304xf32, #tpu.memory_space<vmem>>, vector<16xf32>,
    tpu.vector_store %arg9[%swap3A_524], %broadcast_in_dim3A_1 {strides = array<i32>} : memref<2304xf32, #tpu.memory_space<vmem>>, vector<16xf32>,
    %swap3A_526 = arith.constant 2080 : index
    %swap3A_527 = tpu.vector_load %arg8[%swap3A_526] {strides = array<i32>} : memref<2304xf32, #tpu.memory_space<vmem>>, vector<16xf32>,
    tpu.vector_store %arg8[%swap3A_526], %broadcast_in_dim3A_1 {strides = array<i32>} : memref<2304xf32, #tpu.memory_space<vmem>>, vector<16xf32>,
    %swap3A_528 = arith.constant 2080 : index
    %swap3A_529 = tpu.vector_load %arg9[%swap3A_528] {strides = array<i32>} : memref<2304xf32, #tpu.memory_space<vmem>>, vector<16xf32>,
    tpu.vector_store %arg9[%swap3A_528], %broadcast_in_dim3A_1 {strides = array<i32>} : memref<2304xf32, #tpu.memory_space<vmem>>, vector<16xf32>,
    %swap3A_530 = arith.constant 2096 : index
    %swap3A_531 = tpu.vector_load %arg8[%swap3A_530] {strides = array<i32>} : memref<2304xf32, #tpu.memory_space<vmem>>, vector<16xf32>,
    tpu.vector_store %arg8[%swap3A_530], %broadcast_in_dim3A_1 {strides = array<i32>} : memref<2304xf32, #tpu.memory_space<vmem>>, vector<16xf32>,
    %swap3A_532 = arith.constant 2096 : index
    %swap3A_533 = tpu.vector_load %arg9[%swap3A_532] {strides = array<i32>} : memref<2304xf32, #tpu.memory_space<vmem>>, vector<16xf32>,
    tpu.vector_store %arg9[%swap3A_532], %broadcast_in_dim3A_1 {strides = array<i32>} : memref<2304xf32, #tpu.memory_space<vmem>>, vector<16xf32>,
    %swap3A_534 = arith.constant 2112 : index
    %swap3A_535 = tpu.vector_load %arg8[%swap3A_534] {strides = array<i32>} : memref<2304xf32, #tpu.memory_space<vmem>>, vector<16xf32>,
    tpu.vector_store %arg8[%swap3A_534], %broadcast_in_dim3A_1 {strides = array<i32>} : memref<2304xf32, #tpu.memory_space<vmem>>, vector<16xf32>,
    %swap3A_536 = arith.constant 2112 : index
    %swap3A_537 = tpu.vector_load %arg9[%swap3A_536] {strides = array<i32>} : memref<2304xf32, #tpu.memory_space<vmem>>, vector<16xf32>,
    tpu.vector_store %arg9[%swap3A_536], %broadcast_in_dim3A_1 {strides = array<i32>} : memref<2304xf32, #tpu.memory_space<vmem>>, vector<16xf32>,
    %swap3A_538 = arith.constant 2128 : index
    %swap3A_539 = tpu.vector_load %arg8[%swap3A_538] {strides = array<i32>} : memref<2304xf32, #tpu.memory_space<vmem>>, vector<16xf32>,
    tpu.vector_store %arg8[%swap3A_538], %broadcast_in_dim3A_1 {strides = array<i32>} : memref<2304xf32, #tpu.memory_space<vmem>>, vector<16xf32>,
    %swap3A_540 = arith.constant 2128 : index
    %swap3A_541 = tpu.vector_load %arg9[%swap3A_540] {strides = array<i32>} : memref<2304xf32, #tpu.memory_space<vmem>>, vector<16xf32>,
    tpu.vector_store %arg9[%swap3A_540], %broadcast_in_dim3A_1 {strides = array<i32>} : memref<2304xf32, #tpu.memory_space<vmem>>, vector<16xf32>,
    %swap3A_542 = arith.constant 2144 : index
    %swap3A_543 = tpu.vector_load %arg8[%swap3A_542] {strides = array<i32>} : memref<2304xf32, #tpu.memory_space<vmem>>, vector<16xf32>,
    tpu.vector_store %arg8[%swap3A_542], %broadcast_in_dim3A_1 {strides = array<i32>} : memref<2304xf32, #tpu.memory_space<vmem>>, vector<16xf32>,
    %swap3A_544 = arith.constant 2144 : index
    %swap3A_545 = tpu.vector_load %arg9[%swap3A_544] {strides = array<i32>} : memref<2304xf32, #tpu.memory_space<vmem>>, vector<16xf32>,
    tpu.vector_store %arg9[%swap3A_544], %broadcast_in_dim3A_1 {strides = array<i32>} : memref<2304xf32, #tpu.memory_space<vmem>>, vector<16xf32>,
    %swap3A_546 = arith.constant 2160 : index
    %swap3A_547 = tpu.vector_load %arg8[%swap3A_546] {strides = array<i32>} : memref<2304xf32, #tpu.memory_space<vmem>>, vector<16xf32>,
    tpu.vector_store %arg8[%swap3A_546], %broadcast_in_dim3A_1 {strides = array<i32>} : memref<2304xf32, #tpu.memory_space<vmem>>, vector<16xf32>,
    %swap3A_548 = arith.constant 2160 : index
    %swap3A_549 = tpu.vector_load %arg9[%swap3A_548] {strides = array<i32>} : memref<2304xf32, #tpu.memory_space<vmem>>, vector<16xf32>,
    tpu.vector_store %arg9[%swap3A_548], %broadcast_in_dim3A_1 {strides = array<i32>} : memref<2304xf32, #tpu.memory_space<vmem>>, vector<16xf32>,
    %swap3A_550 = arith.constant 2176 : index
    %swap3A_551 = tpu.vector_load %arg8[%swap3A_550] {strides = array<i32>} : memref<2304xf32, #tpu.memory_space<vmem>>, vector<16xf32>,
    tpu.vector_store %arg8[%swap3A_550], %broadcast_in_dim3A_1 {strides = array<i32>} : memref<2304xf32, #tpu.memory_space<vmem>>, vector<16xf32>,
    %swap3A_552 = arith.constant 2176 : index
    %swap3A_553 = tpu.vector_load %arg9[%swap3A_552] {strides = array<i32>} : memref<2304xf32, #tpu.memory_space<vmem>>, vector<16xf32>,
    tpu.vector_store %arg9[%swap3A_552], %broadcast_in_dim3A_1 {strides = array<i32>} : memref<2304xf32, #tpu.memory_space<vmem>>, vector<16xf32>,
    %swap3A_554 = arith.constant 2192 : index
    %swap3A_555 = tpu.vector_load %arg8[%swap3A_554] {strides = array<i32>} : memref<2304xf32, #tpu.memory_space<vmem>>, vector<16xf32>,
    tpu.vector_store %arg8[%swap3A_554], %broadcast_in_dim3A_1 {strides = array<i32>} : memref<2304xf32, #tpu.memory_space<vmem>>, vector<16xf32>,
    %swap3A_556 = arith.constant 2192 : index
    %swap3A_557 = tpu.vector_load %arg9[%swap3A_556] {strides = array<i32>} : memref<2304xf32, #tpu.memory_space<vmem>>, vector<16xf32>,
    tpu.vector_store %arg9[%swap3A_556], %broadcast_in_dim3A_1 {strides = array<i32>} : memref<2304xf32, #tpu.memory_space<vmem>>, vector<16xf32>,
    %swap3A_558 = arith.constant 2208 : index
    %swap3A_559 = tpu.vector_load %arg8[%swap3A_558] {strides = array<i32>} : memref<2304xf32, #tpu.memory_space<vmem>>, vector<16xf32>,
    tpu.vector_store %arg8[%swap3A_558], %broadcast_in_dim3A_1 {strides = array<i32>} : memref<2304xf32, #tpu.memory_space<vmem>>, vector<16xf32>,
    %swap3A_560 = arith.constant 2208 : index
    %swap3A_561 = tpu.vector_load %arg9[%swap3A_560] {strides = array<i32>} : memref<2304xf32, #tpu.memory_space<vmem>>, vector<16xf32>,
    tpu.vector_store %arg9[%swap3A_560], %broadcast_in_dim3A_1 {strides = array<i32>} : memref<2304xf32, #tpu.memory_space<vmem>>, vector<16xf32>,
    %swap3A_562 = arith.constant 2224 : index
    %swap3A_563 = tpu.vector_load %arg8[%swap3A_562] {strides = array<i32>} : memref<2304xf32, #tpu.memory_space<vmem>>, vector<16xf32>,
    tpu.vector_store %arg8[%swap3A_562], %broadcast_in_dim3A_1 {strides = array<i32>} : memref<2304xf32, #tpu.memory_space<vmem>>, vector<16xf32>,
    %swap3A_564 = arith.constant 2224 : index
    %swap3A_565 = tpu.vector_load %arg9[%swap3A_564] {strides = array<i32>} : memref<2304xf32, #tpu.memory_space<vmem>>, vector<16xf32>,
    tpu.vector_store %arg9[%swap3A_564], %broadcast_in_dim3A_1 {strides = array<i32>} : memref<2304xf32, #tpu.memory_space<vmem>>, vector<16xf32>,
    %swap3A_566 = arith.constant 2240 : index
    %swap3A_567 = tpu.vector_load %arg8[%swap3A_566] {strides = array<i32>} : memref<2304xf32, #tpu.memory_space<vmem>>, vector<16xf32>,
    tpu.vector_store %arg8[%swap3A_566], %broadcast_in_dim3A_1 {strides = array<i32>} : memref<2304xf32, #tpu.memory_space<vmem>>, vector<16xf32>,
    %swap3A_568 = arith.constant 2240 : index
    %swap3A_569 = tpu.vector_load %arg9[%swap3A_568] {strides = array<i32>} : memref<2304xf32, #tpu.memory_space<vmem>>, vector<16xf32>,
    tpu.vector_store %arg9[%swap3A_568], %broadcast_in_dim3A_1 {strides = array<i32>} : memref<2304xf32, #tpu.memory_space<vmem>>, vector<16xf32>,
    %swap3A_570 = arith.constant 2256 : index
    %swap3A_571 = tpu.vector_load %arg8[%swap3A_570] {strides = array<i32>} : memref<2304xf32, #tpu.memory_space<vmem>>, vector<16xf32>,
    tpu.vector_store %arg8[%swap3A_570], %broadcast_in_dim3A_1 {strides = array<i32>} : memref<2304xf32, #tpu.memory_space<vmem>>, vector<16xf32>,
    %swap3A_572 = arith.constant 2256 : index
    %swap3A_573 = tpu.vector_load %arg9[%swap3A_572] {strides = array<i32>} : memref<2304xf32, #tpu.memory_space<vmem>>, vector<16xf32>,
    tpu.vector_store %arg9[%swap3A_572], %broadcast_in_dim3A_1 {strides = array<i32>} : memref<2304xf32, #tpu.memory_space<vmem>>, vector<16xf32>,
    %swap3A_574 = arith.constant 2272 : index
    %swap3A_575 = tpu.vector_load %arg8[%swap3A_574] {strides = array<i32>} : memref<2304xf32, #tpu.memory_space<vmem>>, vector<16xf32>,
    tpu.vector_store %arg8[%swap3A_574], %broadcast_in_dim3A_1 {strides = array<i32>} : memref<2304xf32, #tpu.memory_space<vmem>>, vector<16xf32>,
    %swap3A_576 = arith.constant 2272 : index
    %swap3A_577 = tpu.vector_load %arg9[%swap3A_576] {strides = array<i32>} : memref<2304xf32, #tpu.memory_space<vmem>>, vector<16xf32>,
    tpu.vector_store %arg9[%swap3A_576], %broadcast_in_dim3A_1 {strides = array<i32>} : memref<2304xf32, #tpu.memory_space<vmem>>, vector<16xf32>,
    %swap3A_578 = arith.constant 2288 : index
    %swap3A_579 = tpu.vector_load %arg8[%swap3A_578] {strides = array<i32>} : memref<2304xf32, #tpu.memory_space<vmem>>, vector<16xf32>,
    tpu.vector_store %arg8[%swap3A_578], %broadcast_in_dim3A_1 {strides = array<i32>} : memref<2304xf32, #tpu.memory_space<vmem>>, vector<16xf32>,
    %swap3A_580 = arith.constant 2288 : index
    %swap3A_581 = tpu.vector_load %arg9[%swap3A_580] {strides = array<i32>} : memref<2304xf32, #tpu.memory_space<vmem>>, vector<16xf32>,
    tpu.vector_store %arg9[%swap3A_580], %broadcast_in_dim3A_1 {strides = array<i32>} : memref<2304xf32, #tpu.memory_space<vmem>>, vector<16xf32>,
    %scan3A = arith.constant 0 : i32
    %scan3A_582 = arith.constant 0 : i32
    %scan3A_583 = arith.constant 200 : i32
    %scan3A_584 = arith.addi %scan3A_582, %scan3A_583 : i32
    %scan3A_585 = arith.constant 1 : i32
    scf.for %scan3A_1375 = %scan3A_582 to %scan3A_584 step %scan3A_585  : i32 {
      %mul3A_1376 = arith.constant 16 : i32
      %mul3A_1377 = arith.muli %scan3A_1375, %mul3A_1376 : i32
      %get3A_1378 = arith.index_cast %mul3A_1377 : i32 to index
      %get3A_1379 = tpu.vector_load %arg6[%get3A_1378] {strides = array<i32>} : memref<3200xf32, #tpu.memory_space<vmem>>, vector<16xf32>,
      %mul3A_1380 = arith.constant 16 : i32
      %mul3A_1381 = arith.muli %scan3A_1375, %mul3A_1380 : i32
      %get3A_1382 = arith.index_cast %mul3A_1381 : i32 to index
      %get3A_1383 = tpu.vector_load %arg7[%get3A_1382] {strides = array<i32>} : memref<3200xi32, #tpu.memory_space<vmem>>, vector<16xi32>,
      %add3A_1384 = arith.addi %mul3A_6, %get3A_1383 : vector<16xi32>
      tpu.vector_store_idx %arg8[%add3A_1384], %get3A_1379 {add = true} : memref<2304xf32, #tpu.memory_space<vmem>>[vector<16xi32>], vector<16xf32>,
      tpu.vector_store_idx %arg9[%add3A_1384], %broadcast_in_dim3A_3 {add = true} : memref<2304xf32, #tpu.memory_space<vmem>>[vector<16xi32>], vector<16xf32>,
    }
    %scan3A_586 = arith.constant 200 : i32
    %get3A = arith.constant 0 : index
    %get3A_587 = tpu.vector_load %arg8[%get3A] {strides = array<i32>} : memref<2304xf32, #tpu.memory_space<vmem>>, vector<16xf32>,
    %get3A_588 = arith.constant 0 : index
    %get3A_589 = tpu.vector_load %arg9[%get3A_588] {strides = array<i32>} : memref<2304xf32, #tpu.memory_space<vmem>>, vector<16xf32>,
    %get3A_590 = arith.constant 144 : index
    %get3A_591 = tpu.vector_load %arg8[%get3A_590] {strides = array<i32>} : memref<2304xf32, #tpu.memory_space<vmem>>, vector<16xf32>,
    %add3A = arith.addf %get3A_587, %get3A_591 : vector<16xf32>
    %get3A_592 = arith.constant 144 : index
    %get3A_593 = tpu.vector_load %arg9[%get3A_592] {strides = array<i32>} : memref<2304xf32, #tpu.memory_space<vmem>>, vector<16xf32>,
    %add3A_594 = arith.addf %get3A_589, %get3A_593 : vector<16xf32>
    %get3A_595 = arith.constant 288 : index
    %get3A_596 = tpu.vector_load %arg8[%get3A_595] {strides = array<i32>} : memref<2304xf32, #tpu.memory_space<vmem>>, vector<16xf32>,
    %add3A_597 = arith.addf %add3A, %get3A_596 : vector<16xf32>
    %get3A_598 = arith.constant 288 : index
    %get3A_599 = tpu.vector_load %arg9[%get3A_598] {strides = array<i32>} : memref<2304xf32, #tpu.memory_space<vmem>>, vector<16xf32>,
    %add3A_600 = arith.addf %add3A_594, %get3A_599 : vector<16xf32>
    %get3A_601 = arith.constant 432 : index
    %get3A_602 = tpu.vector_load %arg8[%get3A_601] {strides = array<i32>} : memref<2304xf32, #tpu.memory_space<vmem>>, vector<16xf32>,
    %add3A_603 = arith.addf %add3A_597, %get3A_602 : vector<16xf32>
    %get3A_604 = arith.constant 432 : index
    %get3A_605 = tpu.vector_load %arg9[%get3A_604] {strides = array<i32>} : memref<2304xf32, #tpu.memory_space<vmem>>, vector<16xf32>,
    %add3A_606 = arith.addf %add3A_600, %get3A_605 : vector<16xf32>
    %get3A_607 = arith.constant 576 : index
    %get3A_608 = tpu.vector_load %arg8[%get3A_607] {strides = array<i32>} : memref<2304xf32, #tpu.memory_space<vmem>>, vector<16xf32>,
    %add3A_609 = arith.addf %add3A_603, %get3A_608 : vector<16xf32>
    %get3A_610 = arith.constant 576 : index
    %get3A_611 = tpu.vector_load %arg9[%get3A_610] {strides = array<i32>} : memref<2304xf32, #tpu.memory_space<vmem>>, vector<16xf32>,
    %add3A_612 = arith.addf %add3A_606, %get3A_611 : vector<16xf32>
    %get3A_613 = arith.constant 720 : index
    %get3A_614 = tpu.vector_load %arg8[%get3A_613] {strides = array<i32>} : memref<2304xf32, #tpu.memory_space<vmem>>, vector<16xf32>,
    %add3A_615 = arith.addf %add3A_609, %get3A_614 : vector<16xf32>
    %get3A_616 = arith.constant 720 : index
    %get3A_617 = tpu.vector_load %arg9[%get3A_616] {strides = array<i32>} : memref<2304xf32, #tpu.memory_space<vmem>>, vector<16xf32>,
    %add3A_618 = arith.addf %add3A_612, %get3A_617 : vector<16xf32>
    %get3A_619 = arith.constant 864 : index
    %get3A_620 = tpu.vector_load %arg8[%get3A_619] {strides = array<i32>} : memref<2304xf32, #tpu.memory_space<vmem>>, vector<16xf32>,
    %add3A_621 = arith.addf %add3A_615, %get3A_620 : vector<16xf32>
    %get3A_622 = arith.constant 864 : index
    %get3A_623 = tpu.vector_load %arg9[%get3A_622] {strides = array<i32>} : memref<2304xf32, #tpu.memory_space<vmem>>, vector<16xf32>,
    %add3A_624 = arith.addf %add3A_618, %get3A_623 : vector<16xf32>
    %get3A_625 = arith.constant 1008 : index
    %get3A_626 = tpu.vector_load %arg8[%get3A_625] {strides = array<i32>} : memref<2304xf32, #tpu.memory_space<vmem>>, vector<16xf32>,
    %add3A_627 = arith.addf %add3A_621, %get3A_626 : vector<16xf32>
    %get3A_628 = arith.constant 1008 : index
    %get3A_629 = tpu.vector_load %arg9[%get3A_628] {strides = array<i32>} : memref<2304xf32, #tpu.memory_space<vmem>>, vector<16xf32>,
    %add3A_630 = arith.addf %add3A_624, %get3A_629 : vector<16xf32>
    %get3A_631 = arith.constant 1152 : index
    %get3A_632 = tpu.vector_load %arg8[%get3A_631] {strides = array<i32>} : memref<2304xf32, #tpu.memory_space<vmem>>, vector<16xf32>,
    %add3A_633 = arith.addf %add3A_627, %get3A_632 : vector<16xf32>
    %get3A_634 = arith.constant 1152 : index
    %get3A_635 = tpu.vector_load %arg9[%get3A_634] {strides = array<i32>} : memref<2304xf32, #tpu.memory_space<vmem>>, vector<16xf32>,
    %add3A_636 = arith.addf %add3A_630, %get3A_635 : vector<16xf32>
    %get3A_637 = arith.constant 1296 : index
    %get3A_638 = tpu.vector_load %arg8[%get3A_637] {strides = array<i32>} : memref<2304xf32, #tpu.memory_space<vmem>>, vector<16xf32>,
    %add3A_639 = arith.addf %add3A_633, %get3A_638 : vector<16xf32>
    %get3A_640 = arith.constant 1296 : index
    %get3A_641 = tpu.vector_load %arg9[%get3A_640] {strides = array<i32>} : memref<2304xf32, #tpu.memory_space<vmem>>, vector<16xf32>,
    %add3A_642 = arith.addf %add3A_636, %get3A_641 : vector<16xf32>
    %get3A_643 = arith.constant 1440 : index
    %get3A_644 = tpu.vector_load %arg8[%get3A_643] {strides = array<i32>} : memref<2304xf32, #tpu.memory_space<vmem>>, vector<16xf32>,
    %add3A_645 = arith.addf %add3A_639, %get3A_644 : vector<16xf32>
    %get3A_646 = arith.constant 1440 : index
    %get3A_647 = tpu.vector_load %arg9[%get3A_646] {strides = array<i32>} : memref<2304xf32, #tpu.memory_space<vmem>>, vector<16xf32>,
    %add3A_648 = arith.addf %add3A_642, %get3A_647 : vector<16xf32>
    %get3A_649 = arith.constant 1584 : index
    %get3A_650 = tpu.vector_load %arg8[%get3A_649] {strides = array<i32>} : memref<2304xf32, #tpu.memory_space<vmem>>, vector<16xf32>,
    %add3A_651 = arith.addf %add3A_645, %get3A_650 : vector<16xf32>
    %get3A_652 = arith.constant 1584 : index
    %get3A_653 = tpu.vector_load %arg9[%get3A_652] {strides = array<i32>} : memref<2304xf32, #tpu.memory_space<vmem>>, vector<16xf32>,
    %add3A_654 = arith.addf %add3A_648, %get3A_653 : vector<16xf32>
    %get3A_655 = arith.constant 1728 : index
    %get3A_656 = tpu.vector_load %arg8[%get3A_655] {strides = array<i32>} : memref<2304xf32, #tpu.memory_space<vmem>>, vector<16xf32>,
    %add3A_657 = arith.addf %add3A_651, %get3A_656 : vector<16xf32>
    %get3A_658 = arith.constant 1728 : index
    %get3A_659 = tpu.vector_load %arg9[%get3A_658] {strides = array<i32>} : memref<2304xf32, #tpu.memory_space<vmem>>, vector<16xf32>,
    %add3A_660 = arith.addf %add3A_654, %get3A_659 : vector<16xf32>
    %get3A_661 = arith.constant 1872 : index
    %get3A_662 = tpu.vector_load %arg8[%get3A_661] {strides = array<i32>} : memref<2304xf32, #tpu.memory_space<vmem>>, vector<16xf32>,
    %add3A_663 = arith.addf %add3A_657, %get3A_662 : vector<16xf32>
    %get3A_664 = arith.constant 1872 : index
    %get3A_665 = tpu.vector_load %arg9[%get3A_664] {strides = array<i32>} : memref<2304xf32, #tpu.memory_space<vmem>>, vector<16xf32>,
    %add3A_666 = arith.addf %add3A_660, %get3A_665 : vector<16xf32>
    %get3A_667 = arith.constant 2016 : index
    %get3A_668 = tpu.vector_load %arg8[%get3A_667] {strides = array<i32>} : memref<2304xf32, #tpu.memory_space<vmem>>, vector<16xf32>,
    %add3A_669 = arith.addf %add3A_663, %get3A_668 : vector<16xf32>
    %get3A_670 = arith.constant 2016 : index
    %get3A_671 = tpu.vector_load %arg9[%get3A_670] {strides = array<i32>} : memref<2304xf32, #tpu.memory_space<vmem>>, vector<16xf32>,
    %add3A_672 = arith.addf %add3A_666, %get3A_671 : vector<16xf32>
    %get3A_673 = arith.constant 2160 : index
    %get3A_674 = tpu.vector_load %arg8[%get3A_673] {strides = array<i32>} : memref<2304xf32, #tpu.memory_space<vmem>>, vector<16xf32>,
    %add3A_675 = arith.addf %add3A_669, %get3A_674 : vector<16xf32>
    %get3A_676 = arith.constant 2160 : index
    %get3A_677 = tpu.vector_load %arg9[%get3A_676] {strides = array<i32>} : memref<2304xf32, #tpu.memory_space<vmem>>, vector<16xf32>,
    %add3A_678 = arith.addf %add3A_672, %get3A_677 : vector<16xf32>
    %swap3A_679 = arith.constant 0 : index
    %swap3A_680 = tpu.vector_load %arg10[%swap3A_679] {strides = array<i32>} : memref<128xf32, #tpu.memory_space<vmem>>, vector<16xf32>,
    tpu.vector_store %arg10[%swap3A_679], %add3A_675 {strides = array<i32>} : memref<128xf32, #tpu.memory_space<vmem>>, vector<16xf32>,
    %swap3A_681 = arith.constant 0 : index
    %swap3A_682 = tpu.vector_load %arg11[%swap3A_681] {strides = array<i32>} : memref<128xf32, #tpu.memory_space<vmem>>, vector<16xf32>,
    tpu.vector_store %arg11[%swap3A_681], %add3A_678 {strides = array<i32>} : memref<128xf32, #tpu.memory_space<vmem>>, vector<16xf32>,
    %get3A_683 = arith.constant 16 : index
    %get3A_684 = tpu.vector_load %arg8[%get3A_683] {strides = array<i32>} : memref<2304xf32, #tpu.memory_space<vmem>>, vector<16xf32>,
    %get3A_685 = arith.constant 16 : index
    %get3A_686 = tpu.vector_load %arg9[%get3A_685] {strides = array<i32>} : memref<2304xf32, #tpu.memory_space<vmem>>, vector<16xf32>,
    %get3A_687 = arith.constant 160 : index
    %get3A_688 = tpu.vector_load %arg8[%get3A_687] {strides = array<i32>} : memref<2304xf32, #tpu.memory_space<vmem>>, vector<16xf32>,
    %add3A_689 = arith.addf %get3A_684, %get3A_688 : vector<16xf32>
    %get3A_690 = arith.constant 160 : index
    %get3A_691 = tpu.vector_load %arg9[%get3A_690] {strides = array<i32>} : memref<2304xf32, #tpu.memory_space<vmem>>, vector<16xf32>,
    %add3A_692 = arith.addf %get3A_686, %get3A_691 : vector<16xf32>
    %get3A_693 = arith.constant 304 : index
    %get3A_694 = tpu.vector_load %arg8[%get3A_693] {strides = array<i32>} : memref<2304xf32, #tpu.memory_space<vmem>>, vector<16xf32>,
    %add3A_695 = arith.addf %add3A_689, %get3A_694 : vector<16xf32>
    %get3A_696 = arith.constant 304 : index
    %get3A_697 = tpu.vector_load %arg9[%get3A_696] {strides = array<i32>} : memref<2304xf32, #tpu.memory_space<vmem>>, vector<16xf32>,
    %add3A_698 = arith.addf %add3A_692, %get3A_697 : vector<16xf32>
    %get3A_699 = arith.constant 448 : index
    %get3A_700 = tpu.vector_load %arg8[%get3A_699] {strides = array<i32>} : memref<2304xf32, #tpu.memory_space<vmem>>, vector<16xf32>,
    %add3A_701 = arith.addf %add3A_695, %get3A_700 : vector<16xf32>
    %get3A_702 = arith.constant 448 : index
    %get3A_703 = tpu.vector_load %arg9[%get3A_702] {strides = array<i32>} : memref<2304xf32, #tpu.memory_space<vmem>>, vector<16xf32>,
    %add3A_704 = arith.addf %add3A_698, %get3A_703 : vector<16xf32>
    %get3A_705 = arith.constant 592 : index
    %get3A_706 = tpu.vector_load %arg8[%get3A_705] {strides = array<i32>} : memref<2304xf32, #tpu.memory_space<vmem>>, vector<16xf32>,
    %add3A_707 = arith.addf %add3A_701, %get3A_706 : vector<16xf32>
    %get3A_708 = arith.constant 592 : index
    %get3A_709 = tpu.vector_load %arg9[%get3A_708] {strides = array<i32>} : memref<2304xf32, #tpu.memory_space<vmem>>, vector<16xf32>,
    %add3A_710 = arith.addf %add3A_704, %get3A_709 : vector<16xf32>
    %get3A_711 = arith.constant 736 : index
    %get3A_712 = tpu.vector_load %arg8[%get3A_711] {strides = array<i32>} : memref<2304xf32, #tpu.memory_space<vmem>>, vector<16xf32>,
    %add3A_713 = arith.addf %add3A_707, %get3A_712 : vector<16xf32>
    %get3A_714 = arith.constant 736 : index
    %get3A_715 = tpu.vector_load %arg9[%get3A_714] {strides = array<i32>} : memref<2304xf32, #tpu.memory_space<vmem>>, vector<16xf32>,
    %add3A_716 = arith.addf %add3A_710, %get3A_715 : vector<16xf32>
    %get3A_717 = arith.constant 880 : index
    %get3A_718 = tpu.vector_load %arg8[%get3A_717] {strides = array<i32>} : memref<2304xf32, #tpu.memory_space<vmem>>, vector<16xf32>,
    %add3A_719 = arith.addf %add3A_713, %get3A_718 : vector<16xf32>
    %get3A_720 = arith.constant 880 : index
    %get3A_721 = tpu.vector_load %arg9[%get3A_720] {strides = array<i32>} : memref<2304xf32, #tpu.memory_space<vmem>>, vector<16xf32>,
    %add3A_722 = arith.addf %add3A_716, %get3A_721 : vector<16xf32>
    %get3A_723 = arith.constant 1024 : index
    %get3A_724 = tpu.vector_load %arg8[%get3A_723] {strides = array<i32>} : memref<2304xf32, #tpu.memory_space<vmem>>, vector<16xf32>,
    %add3A_725 = arith.addf %add3A_719, %get3A_724 : vector<16xf32>
    %get3A_726 = arith.constant 1024 : index
    %get3A_727 = tpu.vector_load %arg9[%get3A_726] {strides = array<i32>} : memref<2304xf32, #tpu.memory_space<vmem>>, vector<16xf32>,
    %add3A_728 = arith.addf %add3A_722, %get3A_727 : vector<16xf32>
    %get3A_729 = arith.constant 1168 : index
    %get3A_730 = tpu.vector_load %arg8[%get3A_729] {strides = array<i32>} : memref<2304xf32, #tpu.memory_space<vmem>>, vector<16xf32>,
    %add3A_731 = arith.addf %add3A_725, %get3A_730 : vector<16xf32>
    %get3A_732 = arith.constant 1168 : index
    %get3A_733 = tpu.vector_load %arg9[%get3A_732] {strides = array<i32>} : memref<2304xf32, #tpu.memory_space<vmem>>, vector<16xf32>,
    %add3A_734 = arith.addf %add3A_728, %get3A_733 : vector<16xf32>
    %get3A_735 = arith.constant 1312 : index
    %get3A_736 = tpu.vector_load %arg8[%get3A_735] {strides = array<i32>} : memref<2304xf32, #tpu.memory_space<vmem>>, vector<16xf32>,
    %add3A_737 = arith.addf %add3A_731, %get3A_736 : vector<16xf32>
    %get3A_738 = arith.constant 1312 : index
    %get3A_739 = tpu.vector_load %arg9[%get3A_738] {strides = array<i32>} : memref<2304xf32, #tpu.memory_space<vmem>>, vector<16xf32>,
    %add3A_740 = arith.addf %add3A_734, %get3A_739 : vector<16xf32>
    %get3A_741 = arith.constant 1456 : index
    %get3A_742 = tpu.vector_load %arg8[%get3A_741] {strides = array<i32>} : memref<2304xf32, #tpu.memory_space<vmem>>, vector<16xf32>,
    %add3A_743 = arith.addf %add3A_737, %get3A_742 : vector<16xf32>
    %get3A_744 = arith.constant 1456 : index
    %get3A_745 = tpu.vector_load %arg9[%get3A_744] {strides = array<i32>} : memref<2304xf32, #tpu.memory_space<vmem>>, vector<16xf32>,
    %add3A_746 = arith.addf %add3A_740, %get3A_745 : vector<16xf32>
    %get3A_747 = arith.constant 1600 : index
    %get3A_748 = tpu.vector_load %arg8[%get3A_747] {strides = array<i32>} : memref<2304xf32, #tpu.memory_space<vmem>>, vector<16xf32>,
    %add3A_749 = arith.addf %add3A_743, %get3A_748 : vector<16xf32>
    %get3A_750 = arith.constant 1600 : index
    %get3A_751 = tpu.vector_load %arg9[%get3A_750] {strides = array<i32>} : memref<2304xf32, #tpu.memory_space<vmem>>, vector<16xf32>,
    %add3A_752 = arith.addf %add3A_746, %get3A_751 : vector<16xf32>
    %get3A_753 = arith.constant 1744 : index
    %get3A_754 = tpu.vector_load %arg8[%get3A_753] {strides = array<i32>} : memref<2304xf32, #tpu.memory_space<vmem>>, vector<16xf32>,
    %add3A_755 = arith.addf %add3A_749, %get3A_754 : vector<16xf32>
    %get3A_756 = arith.constant 1744 : index
    %get3A_757 = tpu.vector_load %arg9[%get3A_756] {strides = array<i32>} : memref<2304xf32, #tpu.memory_space<vmem>>, vector<16xf32>,
    %add3A_758 = arith.addf %add3A_752, %get3A_757 : vector<16xf32>
    %get3A_759 = arith.constant 1888 : index
    %get3A_760 = tpu.vector_load %arg8[%get3A_759] {strides = array<i32>} : memref<2304xf32, #tpu.memory_space<vmem>>, vector<16xf32>,
    %add3A_761 = arith.addf %add3A_755, %get3A_760 : vector<16xf32>
    %get3A_762 = arith.constant 1888 : index
    %get3A_763 = tpu.vector_load %arg9[%get3A_762] {strides = array<i32>} : memref<2304xf32, #tpu.memory_space<vmem>>, vector<16xf32>,
    %add3A_764 = arith.addf %add3A_758, %get3A_763 : vector<16xf32>
    %get3A_765 = arith.constant 2032 : index
    %get3A_766 = tpu.vector_load %arg8[%get3A_765] {strides = array<i32>} : memref<2304xf32, #tpu.memory_space<vmem>>, vector<16xf32>,
    %add3A_767 = arith.addf %add3A_761, %get3A_766 : vector<16xf32>
    %get3A_768 = arith.constant 2032 : index
    %get3A_769 = tpu.vector_load %arg9[%get3A_768] {strides = array<i32>} : memref<2304xf32, #tpu.memory_space<vmem>>, vector<16xf32>,
    %add3A_770 = arith.addf %add3A_764, %get3A_769 : vector<16xf32>
    %get3A_771 = arith.constant 2176 : index
    %get3A_772 = tpu.vector_load %arg8[%get3A_771] {strides = array<i32>} : memref<2304xf32, #tpu.memory_space<vmem>>, vector<16xf32>,
    %add3A_773 = arith.addf %add3A_767, %get3A_772 : vector<16xf32>
    %get3A_774 = arith.constant 2176 : index
    %get3A_775 = tpu.vector_load %arg9[%get3A_774] {strides = array<i32>} : memref<2304xf32, #tpu.memory_space<vmem>>, vector<16xf32>,
    %add3A_776 = arith.addf %add3A_770, %get3A_775 : vector<16xf32>
    %swap3A_777 = arith.constant 16 : index
    %swap3A_778 = tpu.vector_load %arg10[%swap3A_777] {strides = array<i32>} : memref<128xf32, #tpu.memory_space<vmem>>, vector<16xf32>,
    tpu.vector_store %arg10[%swap3A_777], %add3A_773 {strides = array<i32>} : memref<128xf32, #tpu.memory_space<vmem>>, vector<16xf32>,
    %swap3A_779 = arith.constant 16 : index
    %swap3A_780 = tpu.vector_load %arg11[%swap3A_779] {strides = array<i32>} : memref<128xf32, #tpu.memory_space<vmem>>, vector<16xf32>,
    tpu.vector_store %arg11[%swap3A_779], %add3A_776 {strides = array<i32>} : memref<128xf32, #tpu.memory_space<vmem>>, vector<16xf32>,
    %get3A_781 = arith.constant 32 : index
    %get3A_782 = tpu.vector_load %arg8[%get3A_781] {strides = array<i32>} : memref<2304xf32, #tpu.memory_space<vmem>>, vector<16xf32>,
    %get3A_783 = arith.constant 32 : index
    %get3A_784 = tpu.vector_load %arg9[%get3A_783] {strides = array<i32>} : memref<2304xf32, #tpu.memory_space<vmem>>, vector<16xf32>,
    %get3A_785 = arith.constant 176 : index
    %get3A_786 = tpu.vector_load %arg8[%get3A_785] {strides = array<i32>} : memref<2304xf32, #tpu.memory_space<vmem>>, vector<16xf32>,
    %add3A_787 = arith.addf %get3A_782, %get3A_786 : vector<16xf32>
    %get3A_788 = arith.constant 176 : index
    %get3A_789 = tpu.vector_load %arg9[%get3A_788] {strides = array<i32>} : memref<2304xf32, #tpu.memory_space<vmem>>, vector<16xf32>,
    %add3A_790 = arith.addf %get3A_784, %get3A_789 : vector<16xf32>
    %get3A_791 = arith.constant 320 : index
    %get3A_792 = tpu.vector_load %arg8[%get3A_791] {strides = array<i32>} : memref<2304xf32, #tpu.memory_space<vmem>>, vector<16xf32>,
    %add3A_793 = arith.addf %add3A_787, %get3A_792 : vector<16xf32>
    %get3A_794 = arith.constant 320 : index
    %get3A_795 = tpu.vector_load %arg9[%get3A_794] {strides = array<i32>} : memref<2304xf32, #tpu.memory_space<vmem>>, vector<16xf32>,
    %add3A_796 = arith.addf %add3A_790, %get3A_795 : vector<16xf32>
    %get3A_797 = arith.constant 464 : index
    %get3A_798 = tpu.vector_load %arg8[%get3A_797] {strides = array<i32>} : memref<2304xf32, #tpu.memory_space<vmem>>, vector<16xf32>,
    %add3A_799 = arith.addf %add3A_793, %get3A_798 : vector<16xf32>
    %get3A_800 = arith.constant 464 : index
    %get3A_801 = tpu.vector_load %arg9[%get3A_800] {strides = array<i32>} : memref<2304xf32, #tpu.memory_space<vmem>>, vector<16xf32>,
    %add3A_802 = arith.addf %add3A_796, %get3A_801 : vector<16xf32>
    %get3A_803 = arith.constant 608 : index
    %get3A_804 = tpu.vector_load %arg8[%get3A_803] {strides = array<i32>} : memref<2304xf32, #tpu.memory_space<vmem>>, vector<16xf32>,
    %add3A_805 = arith.addf %add3A_799, %get3A_804 : vector<16xf32>
    %get3A_806 = arith.constant 608 : index
    %get3A_807 = tpu.vector_load %arg9[%get3A_806] {strides = array<i32>} : memref<2304xf32, #tpu.memory_space<vmem>>, vector<16xf32>,
    %add3A_808 = arith.addf %add3A_802, %get3A_807 : vector<16xf32>
    %get3A_809 = arith.constant 752 : index
    %get3A_810 = tpu.vector_load %arg8[%get3A_809] {strides = array<i32>} : memref<2304xf32, #tpu.memory_space<vmem>>, vector<16xf32>,
    %add3A_811 = arith.addf %add3A_805, %get3A_810 : vector<16xf32>
    %get3A_812 = arith.constant 752 : index
    %get3A_813 = tpu.vector_load %arg9[%get3A_812] {strides = array<i32>} : memref<2304xf32, #tpu.memory_space<vmem>>, vector<16xf32>,
    %add3A_814 = arith.addf %add3A_808, %get3A_813 : vector<16xf32>
    %get3A_815 = arith.constant 896 : index
    %get3A_816 = tpu.vector_load %arg8[%get3A_815] {strides = array<i32>} : memref<2304xf32, #tpu.memory_space<vmem>>, vector<16xf32>,
    %add3A_817 = arith.addf %add3A_811, %get3A_816 : vector<16xf32>
    %get3A_818 = arith.constant 896 : index
    %get3A_819 = tpu.vector_load %arg9[%get3A_818] {strides = array<i32>} : memref<2304xf32, #tpu.memory_space<vmem>>, vector<16xf32>,
    %add3A_820 = arith.addf %add3A_814, %get3A_819 : vector<16xf32>
    %get3A_821 = arith.constant 1040 : index
    %get3A_822 = tpu.vector_load %arg8[%get3A_821] {strides = array<i32>} : memref<2304xf32, #tpu.memory_space<vmem>>, vector<16xf32>,
    %add3A_823 = arith.addf %add3A_817, %get3A_822 : vector<16xf32>
    %get3A_824 = arith.constant 1040 : index
    %get3A_825 = tpu.vector_load %arg9[%get3A_824] {strides = array<i32>} : memref<2304xf32, #tpu.memory_space<vmem>>, vector<16xf32>,
    %add3A_826 = arith.addf %add3A_820, %get3A_825 : vector<16xf32>
    %get3A_827 = arith.constant 1184 : index
    %get3A_828 = tpu.vector_load %arg8[%get3A_827] {strides = array<i32>} : memref<2304xf32, #tpu.memory_space<vmem>>, vector<16xf32>,
    %add3A_829 = arith.addf %add3A_823, %get3A_828 : vector<16xf32>
    %get3A_830 = arith.constant 1184 : index
    %get3A_831 = tpu.vector_load %arg9[%get3A_830] {strides = array<i32>} : memref<2304xf32, #tpu.memory_space<vmem>>, vector<16xf32>,
    %add3A_832 = arith.addf %add3A_826, %get3A_831 : vector<16xf32>
    %get3A_833 = arith.constant 1328 : index
    %get3A_834 = tpu.vector_load %arg8[%get3A_833] {strides = array<i32>} : memref<2304xf32, #tpu.memory_space<vmem>>, vector<16xf32>,
    %add3A_835 = arith.addf %add3A_829, %get3A_834 : vector<16xf32>
    %get3A_836 = arith.constant 1328 : index
    %get3A_837 = tpu.vector_load %arg9[%get3A_836] {strides = array<i32>} : memref<2304xf32, #tpu.memory_space<vmem>>, vector<16xf32>,
    %add3A_838 = arith.addf %add3A_832, %get3A_837 : vector<16xf32>
    %get3A_839 = arith.constant 1472 : index
    %get3A_840 = tpu.vector_load %arg8[%get3A_839] {strides = array<i32>} : memref<2304xf32, #tpu.memory_space<vmem>>, vector<16xf32>,
    %add3A_841 = arith.addf %add3A_835, %get3A_840 : vector<16xf32>
    %get3A_842 = arith.constant 1472 : index
    %get3A_843 = tpu.vector_load %arg9[%get3A_842] {strides = array<i32>} : memref<2304xf32, #tpu.memory_space<vmem>>, vector<16xf32>,
    %add3A_844 = arith.addf %add3A_838, %get3A_843 : vector<16xf32>
    %get3A_845 = arith.constant 1616 : index
    %get3A_846 = tpu.vector_load %arg8[%get3A_845] {strides = array<i32>} : memref<2304xf32, #tpu.memory_space<vmem>>, vector<16xf32>,
    %add3A_847 = arith.addf %add3A_841, %get3A_846 : vector<16xf32>
    %get3A_848 = arith.constant 1616 : index
    %get3A_849 = tpu.vector_load %arg9[%get3A_848] {strides = array<i32>} : memref<2304xf32, #tpu.memory_space<vmem>>, vector<16xf32>,
    %add3A_850 = arith.addf %add3A_844, %get3A_849 : vector<16xf32>
    %get3A_851 = arith.constant 1760 : index
    %get3A_852 = tpu.vector_load %arg8[%get3A_851] {strides = array<i32>} : memref<2304xf32, #tpu.memory_space<vmem>>, vector<16xf32>,
    %add3A_853 = arith.addf %add3A_847, %get3A_852 : vector<16xf32>
    %get3A_854 = arith.constant 1760 : index
    %get3A_855 = tpu.vector_load %arg9[%get3A_854] {strides = array<i32>} : memref<2304xf32, #tpu.memory_space<vmem>>, vector<16xf32>,
    %add3A_856 = arith.addf %add3A_850, %get3A_855 : vector<16xf32>
    %get3A_857 = arith.constant 1904 : index
    %get3A_858 = tpu.vector_load %arg8[%get3A_857] {strides = array<i32>} : memref<2304xf32, #tpu.memory_space<vmem>>, vector<16xf32>,
    %add3A_859 = arith.addf %add3A_853, %get3A_858 : vector<16xf32>
    %get3A_860 = arith.constant 1904 : index
    %get3A_861 = tpu.vector_load %arg9[%get3A_860] {strides = array<i32>} : memref<2304xf32, #tpu.memory_space<vmem>>, vector<16xf32>,
    %add3A_862 = arith.addf %add3A_856, %get3A_861 : vector<16xf32>
    %get3A_863 = arith.constant 2048 : index
    %get3A_864 = tpu.vector_load %arg8[%get3A_863] {strides = array<i32>} : memref<2304xf32, #tpu.memory_space<vmem>>, vector<16xf32>,
    %add3A_865 = arith.addf %add3A_859, %get3A_864 : vector<16xf32>
    %get3A_866 = arith.constant 2048 : index
    %get3A_867 = tpu.vector_load %arg9[%get3A_866] {strides = array<i32>} : memref<2304xf32, #tpu.memory_space<vmem>>, vector<16xf32>,
    %add3A_868 = arith.addf %add3A_862, %get3A_867 : vector<16xf32>
    %get3A_869 = arith.constant 2192 : index
    %get3A_870 = tpu.vector_load %arg8[%get3A_869] {strides = array<i32>} : memref<2304xf32, #tpu.memory_space<vmem>>, vector<16xf32>,
    %add3A_871 = arith.addf %add3A_865, %get3A_870 : vector<16xf32>
    %get3A_872 = arith.constant 2192 : index
    %get3A_873 = tpu.vector_load %arg9[%get3A_872] {strides = array<i32>} : memref<2304xf32, #tpu.memory_space<vmem>>, vector<16xf32>,
    %add3A_874 = arith.addf %add3A_868, %get3A_873 : vector<16xf32>
    %swap3A_875 = arith.constant 32 : index
    %swap3A_876 = tpu.vector_load %arg10[%swap3A_875] {strides = array<i32>} : memref<128xf32, #tpu.memory_space<vmem>>, vector<16xf32>,
    tpu.vector_store %arg10[%swap3A_875], %add3A_871 {strides = array<i32>} : memref<128xf32, #tpu.memory_space<vmem>>, vector<16xf32>,
    %swap3A_877 = arith.constant 32 : index
    %swap3A_878 = tpu.vector_load %arg11[%swap3A_877] {strides = array<i32>} : memref<128xf32, #tpu.memory_space<vmem>>, vector<16xf32>,
    tpu.vector_store %arg11[%swap3A_877], %add3A_874 {strides = array<i32>} : memref<128xf32, #tpu.memory_space<vmem>>, vector<16xf32>,
    %get3A_879 = arith.constant 48 : index
    %get3A_880 = tpu.vector_load %arg8[%get3A_879] {strides = array<i32>} : memref<2304xf32, #tpu.memory_space<vmem>>, vector<16xf32>,
    %get3A_881 = arith.constant 48 : index
    %get3A_882 = tpu.vector_load %arg9[%get3A_881] {strides = array<i32>} : memref<2304xf32, #tpu.memory_space<vmem>>, vector<16xf32>,
    %get3A_883 = arith.constant 192 : index
    %get3A_884 = tpu.vector_load %arg8[%get3A_883] {strides = array<i32>} : memref<2304xf32, #tpu.memory_space<vmem>>, vector<16xf32>,
    %add3A_885 = arith.addf %get3A_880, %get3A_884 : vector<16xf32>
    %get3A_886 = arith.constant 192 : index
    %get3A_887 = tpu.vector_load %arg9[%get3A_886] {strides = array<i32>} : memref<2304xf32, #tpu.memory_space<vmem>>, vector<16xf32>,
    %add3A_888 = arith.addf %get3A_882, %get3A_887 : vector<16xf32>
    %get3A_889 = arith.constant 336 : index
    %get3A_890 = tpu.vector_load %arg8[%get3A_889] {strides = array<i32>} : memref<2304xf32, #tpu.memory_space<vmem>>, vector<16xf32>,
    %add3A_891 = arith.addf %add3A_885, %get3A_890 : vector<16xf32>
    %get3A_892 = arith.constant 336 : index
    %get3A_893 = tpu.vector_load %arg9[%get3A_892] {strides = array<i32>} : memref<2304xf32, #tpu.memory_space<vmem>>, vector<16xf32>,
    %add3A_894 = arith.addf %add3A_888, %get3A_893 : vector<16xf32>
    %get3A_895 = arith.constant 480 : index
    %get3A_896 = tpu.vector_load %arg8[%get3A_895] {strides = array<i32>} : memref<2304xf32, #tpu.memory_space<vmem>>, vector<16xf32>,
    %add3A_897 = arith.addf %add3A_891, %get3A_896 : vector<16xf32>
    %get3A_898 = arith.constant 480 : index
    %get3A_899 = tpu.vector_load %arg9[%get3A_898] {strides = array<i32>} : memref<2304xf32, #tpu.memory_space<vmem>>, vector<16xf32>,
    %add3A_900 = arith.addf %add3A_894, %get3A_899 : vector<16xf32>
    %get3A_901 = arith.constant 624 : index
    %get3A_902 = tpu.vector_load %arg8[%get3A_901] {strides = array<i32>} : memref<2304xf32, #tpu.memory_space<vmem>>, vector<16xf32>,
    %add3A_903 = arith.addf %add3A_897, %get3A_902 : vector<16xf32>
    %get3A_904 = arith.constant 624 : index
    %get3A_905 = tpu.vector_load %arg9[%get3A_904] {strides = array<i32>} : memref<2304xf32, #tpu.memory_space<vmem>>, vector<16xf32>,
    %add3A_906 = arith.addf %add3A_900, %get3A_905 : vector<16xf32>
    %get3A_907 = arith.constant 768 : index
    %get3A_908 = tpu.vector_load %arg8[%get3A_907] {strides = array<i32>} : memref<2304xf32, #tpu.memory_space<vmem>>, vector<16xf32>,
    %add3A_909 = arith.addf %add3A_903, %get3A_908 : vector<16xf32>
    %get3A_910 = arith.constant 768 : index
    %get3A_911 = tpu.vector_load %arg9[%get3A_910] {strides = array<i32>} : memref<2304xf32, #tpu.memory_space<vmem>>, vector<16xf32>,
    %add3A_912 = arith.addf %add3A_906, %get3A_911 : vector<16xf32>
    %get3A_913 = arith.constant 912 : index
    %get3A_914 = tpu.vector_load %arg8[%get3A_913] {strides = array<i32>} : memref<2304xf32, #tpu.memory_space<vmem>>, vector<16xf32>,
    %add3A_915 = arith.addf %add3A_909, %get3A_914 : vector<16xf32>
    %get3A_916 = arith.constant 912 : index
    %get3A_917 = tpu.vector_load %arg9[%get3A_916] {strides = array<i32>} : memref<2304xf32, #tpu.memory_space<vmem>>, vector<16xf32>,
    %add3A_918 = arith.addf %add3A_912, %get3A_917 : vector<16xf32>
    %get3A_919 = arith.constant 1056 : index
    %get3A_920 = tpu.vector_load %arg8[%get3A_919] {strides = array<i32>} : memref<2304xf32, #tpu.memory_space<vmem>>, vector<16xf32>,
    %add3A_921 = arith.addf %add3A_915, %get3A_920 : vector<16xf32>
    %get3A_922 = arith.constant 1056 : index
    %get3A_923 = tpu.vector_load %arg9[%get3A_922] {strides = array<i32>} : memref<2304xf32, #tpu.memory_space<vmem>>, vector<16xf32>,
    %add3A_924 = arith.addf %add3A_918, %get3A_923 : vector<16xf32>
    %get3A_925 = arith.constant 1200 : index
    %get3A_926 = tpu.vector_load %arg8[%get3A_925] {strides = array<i32>} : memref<2304xf32, #tpu.memory_space<vmem>>, vector<16xf32>,
    %add3A_927 = arith.addf %add3A_921, %get3A_926 : vector<16xf32>
    %get3A_928 = arith.constant 1200 : index
    %get3A_929 = tpu.vector_load %arg9[%get3A_928] {strides = array<i32>} : memref<2304xf32, #tpu.memory_space<vmem>>, vector<16xf32>,
    %add3A_930 = arith.addf %add3A_924, %get3A_929 : vector<16xf32>
    %get3A_931 = arith.constant 1344 : index
    %get3A_932 = tpu.vector_load %arg8[%get3A_931] {strides = array<i32>} : memref<2304xf32, #tpu.memory_space<vmem>>, vector<16xf32>,
    %add3A_933 = arith.addf %add3A_927, %get3A_932 : vector<16xf32>
    %get3A_934 = arith.constant 1344 : index
    %get3A_935 = tpu.vector_load %arg9[%get3A_934] {strides = array<i32>} : memref<2304xf32, #tpu.memory_space<vmem>>, vector<16xf32>,
    %add3A_936 = arith.addf %add3A_930, %get3A_935 : vector<16xf32>
    %get3A_937 = arith.constant 1488 : index
    %get3A_938 = tpu.vector_load %arg8[%get3A_937] {strides = array<i32>} : memref<2304xf32, #tpu.memory_space<vmem>>, vector<16xf32>,
    %add3A_939 = arith.addf %add3A_933, %get3A_938 : vector<16xf32>
    %get3A_940 = arith.constant 1488 : index
    %get3A_941 = tpu.vector_load %arg9[%get3A_940] {strides = array<i32>} : memref<2304xf32, #tpu.memory_space<vmem>>, vector<16xf32>,
    %add3A_942 = arith.addf %add3A_936, %get3A_941 : vector<16xf32>
    %get3A_943 = arith.constant 1632 : index
    %get3A_944 = tpu.vector_load %arg8[%get3A_943] {strides = array<i32>} : memref<2304xf32, #tpu.memory_space<vmem>>, vector<16xf32>,
    %add3A_945 = arith.addf %add3A_939, %get3A_944 : vector<16xf32>
    %get3A_946 = arith.constant 1632 : index
    %get3A_947 = tpu.vector_load %arg9[%get3A_946] {strides = array<i32>} : memref<2304xf32, #tpu.memory_space<vmem>>, vector<16xf32>,
    %add3A_948 = arith.addf %add3A_942, %get3A_947 : vector<16xf32>
    %get3A_949 = arith.constant 1776 : index
    %get3A_950 = tpu.vector_load %arg8[%get3A_949] {strides = array<i32>} : memref<2304xf32, #tpu.memory_space<vmem>>, vector<16xf32>,
    %add3A_951 = arith.addf %add3A_945, %get3A_950 : vector<16xf32>
    %get3A_952 = arith.constant 1776 : index
    %get3A_953 = tpu.vector_load %arg9[%get3A_952] {strides = array<i32>} : memref<2304xf32, #tpu.memory_space<vmem>>, vector<16xf32>,
    %add3A_954 = arith.addf %add3A_948, %get3A_953 : vector<16xf32>
    %get3A_955 = arith.constant 1920 : index
    %get3A_956 = tpu.vector_load %arg8[%get3A_955] {strides = array<i32>} : memref<2304xf32, #tpu.memory_space<vmem>>, vector<16xf32>,
    %add3A_957 = arith.addf %add3A_951, %get3A_956 : vector<16xf32>
    %get3A_958 = arith.constant 1920 : index
    %get3A_959 = tpu.vector_load %arg9[%get3A_958] {strides = array<i32>} : memref<2304xf32, #tpu.memory_space<vmem>>, vector<16xf32>,
    %add3A_960 = arith.addf %add3A_954, %get3A_959 : vector<16xf32>
    %get3A_961 = arith.constant 2064 : index
    %get3A_962 = tpu.vector_load %arg8[%get3A_961] {strides = array<i32>} : memref<2304xf32, #tpu.memory_space<vmem>>, vector<16xf32>,
    %add3A_963 = arith.addf %add3A_957, %get3A_962 : vector<16xf32>
    %get3A_964 = arith.constant 2064 : index
    %get3A_965 = tpu.vector_load %arg9[%get3A_964] {strides = array<i32>} : memref<2304xf32, #tpu.memory_space<vmem>>, vector<16xf32>,
    %add3A_966 = arith.addf %add3A_960, %get3A_965 : vector<16xf32>
    %get3A_967 = arith.constant 2208 : index
    %get3A_968 = tpu.vector_load %arg8[%get3A_967] {strides = array<i32>} : memref<2304xf32, #tpu.memory_space<vmem>>, vector<16xf32>,
    %add3A_969 = arith.addf %add3A_963, %get3A_968 : vector<16xf32>
    %get3A_970 = arith.constant 2208 : index
    %get3A_971 = tpu.vector_load %arg9[%get3A_970] {strides = array<i32>} : memref<2304xf32, #tpu.memory_space<vmem>>, vector<16xf32>,
    %add3A_972 = arith.addf %add3A_966, %get3A_971 : vector<16xf32>
    %swap3A_973 = arith.constant 48 : index
    %swap3A_974 = tpu.vector_load %arg10[%swap3A_973] {strides = array<i32>} : memref<128xf32, #tpu.memory_space<vmem>>, vector<16xf32>,
    tpu.vector_store %arg10[%swap3A_973], %add3A_969 {strides = array<i32>} : memref<128xf32, #tpu.memory_space<vmem>>, vector<16xf32>,
    %swap3A_975 = arith.constant 48 : index
    %swap3A_976 = tpu.vector_load %arg11[%swap3A_975] {strides = array<i32>} : memref<128xf32, #tpu.memory_space<vmem>>, vector<16xf32>,
    tpu.vector_store %arg11[%swap3A_975], %add3A_972 {strides = array<i32>} : memref<128xf32, #tpu.memory_space<vmem>>, vector<16xf32>,
    %get3A_977 = arith.constant 64 : index
    %get3A_978 = tpu.vector_load %arg8[%get3A_977] {strides = array<i32>} : memref<2304xf32, #tpu.memory_space<vmem>>, vector<16xf32>,
    %get3A_979 = arith.constant 64 : index
    %get3A_980 = tpu.vector_load %arg9[%get3A_979] {strides = array<i32>} : memref<2304xf32, #tpu.memory_space<vmem>>, vector<16xf32>,
    %get3A_981 = arith.constant 208 : index
    %get3A_982 = tpu.vector_load %arg8[%get3A_981] {strides = array<i32>} : memref<2304xf32, #tpu.memory_space<vmem>>, vector<16xf32>,
    %add3A_983 = arith.addf %get3A_978, %get3A_982 : vector<16xf32>
    %get3A_984 = arith.constant 208 : index
    %get3A_985 = tpu.vector_load %arg9[%get3A_984] {strides = array<i32>} : memref<2304xf32, #tpu.memory_space<vmem>>, vector<16xf32>,
    %add3A_986 = arith.addf %get3A_980, %get3A_985 : vector<16xf32>
    %get3A_987 = arith.constant 352 : index
    %get3A_988 = tpu.vector_load %arg8[%get3A_987] {strides = array<i32>} : memref<2304xf32, #tpu.memory_space<vmem>>, vector<16xf32>,
    %add3A_989 = arith.addf %add3A_983, %get3A_988 : vector<16xf32>
    %get3A_990 = arith.constant 352 : index
    %get3A_991 = tpu.vector_load %arg9[%get3A_990] {strides = array<i32>} : memref<2304xf32, #tpu.memory_space<vmem>>, vector<16xf32>,
    %add3A_992 = arith.addf %add3A_986, %get3A_991 : vector<16xf32>
    %get3A_993 = arith.constant 496 : index
    %get3A_994 = tpu.vector_load %arg8[%get3A_993] {strides = array<i32>} : memref<2304xf32, #tpu.memory_space<vmem>>, vector<16xf32>,
    %add3A_995 = arith.addf %add3A_989, %get3A_994 : vector<16xf32>
    %get3A_996 = arith.constant 496 : index
    %get3A_997 = tpu.vector_load %arg9[%get3A_996] {strides = array<i32>} : memref<2304xf32, #tpu.memory_space<vmem>>, vector<16xf32>,
    %add3A_998 = arith.addf %add3A_992, %get3A_997 : vector<16xf32>
    %get3A_999 = arith.constant 640 : index
    %get3A_1000 = tpu.vector_load %arg8[%get3A_999] {strides = array<i32>} : memref<2304xf32, #tpu.memory_space<vmem>>, vector<16xf32>,
    %add3A_1001 = arith.addf %add3A_995, %get3A_1000 : vector<16xf32>
    %get3A_1002 = arith.constant 640 : index
    %get3A_1003 = tpu.vector_load %arg9[%get3A_1002] {strides = array<i32>} : memref<2304xf32, #tpu.memory_space<vmem>>, vector<16xf32>,
    %add3A_1004 = arith.addf %add3A_998, %get3A_1003 : vector<16xf32>
    %get3A_1005 = arith.constant 784 : index
    %get3A_1006 = tpu.vector_load %arg8[%get3A_1005] {strides = array<i32>} : memref<2304xf32, #tpu.memory_space<vmem>>, vector<16xf32>,
    %add3A_1007 = arith.addf %add3A_1001, %get3A_1006 : vector<16xf32>
    %get3A_1008 = arith.constant 784 : index
    %get3A_1009 = tpu.vector_load %arg9[%get3A_1008] {strides = array<i32>} : memref<2304xf32, #tpu.memory_space<vmem>>, vector<16xf32>,
    %add3A_1010 = arith.addf %add3A_1004, %get3A_1009 : vector<16xf32>
    %get3A_1011 = arith.constant 928 : index
    %get3A_1012 = tpu.vector_load %arg8[%get3A_1011] {strides = array<i32>} : memref<2304xf32, #tpu.memory_space<vmem>>, vector<16xf32>,
    %add3A_1013 = arith.addf %add3A_1007, %get3A_1012 : vector<16xf32>
    %get3A_1014 = arith.constant 928 : index
    %get3A_1015 = tpu.vector_load %arg9[%get3A_1014] {strides = array<i32>} : memref<2304xf32, #tpu.memory_space<vmem>>, vector<16xf32>,
    %add3A_1016 = arith.addf %add3A_1010, %get3A_1015 : vector<16xf32>
    %get3A_1017 = arith.constant 1072 : index
    %get3A_1018 = tpu.vector_load %arg8[%get3A_1017] {strides = array<i32>} : memref<2304xf32, #tpu.memory_space<vmem>>, vector<16xf32>,
    %add3A_1019 = arith.addf %add3A_1013, %get3A_1018 : vector<16xf32>
    %get3A_1020 = arith.constant 1072 : index
    %get3A_1021 = tpu.vector_load %arg9[%get3A_1020] {strides = array<i32>} : memref<2304xf32, #tpu.memory_space<vmem>>, vector<16xf32>,
    %add3A_1022 = arith.addf %add3A_1016, %get3A_1021 : vector<16xf32>
    %get3A_1023 = arith.constant 1216 : index
    %get3A_1024 = tpu.vector_load %arg8[%get3A_1023] {strides = array<i32>} : memref<2304xf32, #tpu.memory_space<vmem>>, vector<16xf32>,
    %add3A_1025 = arith.addf %add3A_1019, %get3A_1024 : vector<16xf32>
    %get3A_1026 = arith.constant 1216 : index
    %get3A_1027 = tpu.vector_load %arg9[%get3A_1026] {strides = array<i32>} : memref<2304xf32, #tpu.memory_space<vmem>>, vector<16xf32>,
    %add3A_1028 = arith.addf %add3A_1022, %get3A_1027 : vector<16xf32>
    %get3A_1029 = arith.constant 1360 : index
    %get3A_1030 = tpu.vector_load %arg8[%get3A_1029] {strides = array<i32>} : memref<2304xf32, #tpu.memory_space<vmem>>, vector<16xf32>,
    %add3A_1031 = arith.addf %add3A_1025, %get3A_1030 : vector<16xf32>
    %get3A_1032 = arith.constant 1360 : index
    %get3A_1033 = tpu.vector_load %arg9[%get3A_1032] {strides = array<i32>} : memref<2304xf32, #tpu.memory_space<vmem>>, vector<16xf32>,
    %add3A_1034 = arith.addf %add3A_1028, %get3A_1033 : vector<16xf32>
    %get3A_1035 = arith.constant 1504 : index
    %get3A_1036 = tpu.vector_load %arg8[%get3A_1035] {strides = array<i32>} : memref<2304xf32, #tpu.memory_space<vmem>>, vector<16xf32>,
    %add3A_1037 = arith.addf %add3A_1031, %get3A_1036 : vector<16xf32>
    %get3A_1038 = arith.constant 1504 : index
    %get3A_1039 = tpu.vector_load %arg9[%get3A_1038] {strides = array<i32>} : memref<2304xf32, #tpu.memory_space<vmem>>, vector<16xf32>,
    %add3A_1040 = arith.addf %add3A_1034, %get3A_1039 : vector<16xf32>
    %get3A_1041 = arith.constant 1648 : index
    %get3A_1042 = tpu.vector_load %arg8[%get3A_1041] {strides = array<i32>} : memref<2304xf32, #tpu.memory_space<vmem>>, vector<16xf32>,
    %add3A_1043 = arith.addf %add3A_1037, %get3A_1042 : vector<16xf32>
    %get3A_1044 = arith.constant 1648 : index
    %get3A_1045 = tpu.vector_load %arg9[%get3A_1044] {strides = array<i32>} : memref<2304xf32, #tpu.memory_space<vmem>>, vector<16xf32>,
    %add3A_1046 = arith.addf %add3A_1040, %get3A_1045 : vector<16xf32>
    %get3A_1047 = arith.constant 1792 : index
    %get3A_1048 = tpu.vector_load %arg8[%get3A_1047] {strides = array<i32>} : memref<2304xf32, #tpu.memory_space<vmem>>, vector<16xf32>,
    %add3A_1049 = arith.addf %add3A_1043, %get3A_1048 : vector<16xf32>
    %get3A_1050 = arith.constant 1792 : index
    %get3A_1051 = tpu.vector_load %arg9[%get3A_1050] {strides = array<i32>} : memref<2304xf32, #tpu.memory_space<vmem>>, vector<16xf32>,
    %add3A_1052 = arith.addf %add3A_1046, %get3A_1051 : vector<16xf32>
    %get3A_1053 = arith.constant 1936 : index
    %get3A_1054 = tpu.vector_load %arg8[%get3A_1053] {strides = array<i32>} : memref<2304xf32, #tpu.memory_space<vmem>>, vector<16xf32>,
    %add3A_1055 = arith.addf %add3A_1049, %get3A_1054 : vector<16xf32>
    %get3A_1056 = arith.constant 1936 : index
    %get3A_1057 = tpu.vector_load %arg9[%get3A_1056] {strides = array<i32>} : memref<2304xf32, #tpu.memory_space<vmem>>, vector<16xf32>,
    %add3A_1058 = arith.addf %add3A_1052, %get3A_1057 : vector<16xf32>
    %get3A_1059 = arith.constant 2080 : index
    %get3A_1060 = tpu.vector_load %arg8[%get3A_1059] {strides = array<i32>} : memref<2304xf32, #tpu.memory_space<vmem>>, vector<16xf32>,
    %add3A_1061 = arith.addf %add3A_1055, %get3A_1060 : vector<16xf32>
    %get3A_1062 = arith.constant 2080 : index
    %get3A_1063 = tpu.vector_load %arg9[%get3A_1062] {strides = array<i32>} : memref<2304xf32, #tpu.memory_space<vmem>>, vector<16xf32>,
    %add3A_1064 = arith.addf %add3A_1058, %get3A_1063 : vector<16xf32>
    %get3A_1065 = arith.constant 2224 : index
    %get3A_1066 = tpu.vector_load %arg8[%get3A_1065] {strides = array<i32>} : memref<2304xf32, #tpu.memory_space<vmem>>, vector<16xf32>,
    %add3A_1067 = arith.addf %add3A_1061, %get3A_1066 : vector<16xf32>
    %get3A_1068 = arith.constant 2224 : index
    %get3A_1069 = tpu.vector_load %arg9[%get3A_1068] {strides = array<i32>} : memref<2304xf32, #tpu.memory_space<vmem>>, vector<16xf32>,
    %add3A_1070 = arith.addf %add3A_1064, %get3A_1069 : vector<16xf32>
    %swap3A_1071 = arith.constant 64 : index
    %swap3A_1072 = tpu.vector_load %arg10[%swap3A_1071] {strides = array<i32>} : memref<128xf32, #tpu.memory_space<vmem>>, vector<16xf32>,
    tpu.vector_store %arg10[%swap3A_1071], %add3A_1067 {strides = array<i32>} : memref<128xf32, #tpu.memory_space<vmem>>, vector<16xf32>,
    %swap3A_1073 = arith.constant 64 : index
    %swap3A_1074 = tpu.vector_load %arg11[%swap3A_1073] {strides = array<i32>} : memref<128xf32, #tpu.memory_space<vmem>>, vector<16xf32>,
    tpu.vector_store %arg11[%swap3A_1073], %add3A_1070 {strides = array<i32>} : memref<128xf32, #tpu.memory_space<vmem>>, vector<16xf32>,
    %get3A_1075 = arith.constant 80 : index
    %get3A_1076 = tpu.vector_load %arg8[%get3A_1075] {strides = array<i32>} : memref<2304xf32, #tpu.memory_space<vmem>>, vector<16xf32>,
    %get3A_1077 = arith.constant 80 : index
    %get3A_1078 = tpu.vector_load %arg9[%get3A_1077] {strides = array<i32>} : memref<2304xf32, #tpu.memory_space<vmem>>, vector<16xf32>,
    %get3A_1079 = arith.constant 224 : index
    %get3A_1080 = tpu.vector_load %arg8[%get3A_1079] {strides = array<i32>} : memref<2304xf32, #tpu.memory_space<vmem>>, vector<16xf32>,
    %add3A_1081 = arith.addf %get3A_1076, %get3A_1080 : vector<16xf32>
    %get3A_1082 = arith.constant 224 : index
    %get3A_1083 = tpu.vector_load %arg9[%get3A_1082] {strides = array<i32>} : memref<2304xf32, #tpu.memory_space<vmem>>, vector<16xf32>,
    %add3A_1084 = arith.addf %get3A_1078, %get3A_1083 : vector<16xf32>
    %get3A_1085 = arith.constant 368 : index
    %get3A_1086 = tpu.vector_load %arg8[%get3A_1085] {strides = array<i32>} : memref<2304xf32, #tpu.memory_space<vmem>>, vector<16xf32>,
    %add3A_1087 = arith.addf %add3A_1081, %get3A_1086 : vector<16xf32>
    %get3A_1088 = arith.constant 368 : index
    %get3A_1089 = tpu.vector_load %arg9[%get3A_1088] {strides = array<i32>} : memref<2304xf32, #tpu.memory_space<vmem>>, vector<16xf32>,
    %add3A_1090 = arith.addf %add3A_1084, %get3A_1089 : vector<16xf32>
    %get3A_1091 = arith.constant 512 : index
    %get3A_1092 = tpu.vector_load %arg8[%get3A_1091] {strides = array<i32>} : memref<2304xf32, #tpu.memory_space<vmem>>, vector<16xf32>,
    %add3A_1093 = arith.addf %add3A_1087, %get3A_1092 : vector<16xf32>
    %get3A_1094 = arith.constant 512 : index
    %get3A_1095 = tpu.vector_load %arg9[%get3A_1094] {strides = array<i32>} : memref<2304xf32, #tpu.memory_space<vmem>>, vector<16xf32>,
    %add3A_1096 = arith.addf %add3A_1090, %get3A_1095 : vector<16xf32>
    %get3A_1097 = arith.constant 656 : index
    %get3A_1098 = tpu.vector_load %arg8[%get3A_1097] {strides = array<i32>} : memref<2304xf32, #tpu.memory_space<vmem>>, vector<16xf32>,
    %add3A_1099 = arith.addf %add3A_1093, %get3A_1098 : vector<16xf32>
    %get3A_1100 = arith.constant 656 : index
    %get3A_1101 = tpu.vector_load %arg9[%get3A_1100] {strides = array<i32>} : memref<2304xf32, #tpu.memory_space<vmem>>, vector<16xf32>,
    %add3A_1102 = arith.addf %add3A_1096, %get3A_1101 : vector<16xf32>
    %get3A_1103 = arith.constant 800 : index
    %get3A_1104 = tpu.vector_load %arg8[%get3A_1103] {strides = array<i32>} : memref<2304xf32, #tpu.memory_space<vmem>>, vector<16xf32>,
    %add3A_1105 = arith.addf %add3A_1099, %get3A_1104 : vector<16xf32>
    %get3A_1106 = arith.constant 800 : index
    %get3A_1107 = tpu.vector_load %arg9[%get3A_1106] {strides = array<i32>} : memref<2304xf32, #tpu.memory_space<vmem>>, vector<16xf32>,
    %add3A_1108 = arith.addf %add3A_1102, %get3A_1107 : vector<16xf32>
    %get3A_1109 = arith.constant 944 : index
    %get3A_1110 = tpu.vector_load %arg8[%get3A_1109] {strides = array<i32>} : memref<2304xf32, #tpu.memory_space<vmem>>, vector<16xf32>,
    %add3A_1111 = arith.addf %add3A_1105, %get3A_1110 : vector<16xf32>
    %get3A_1112 = arith.constant 944 : index
    %get3A_1113 = tpu.vector_load %arg9[%get3A_1112] {strides = array<i32>} : memref<2304xf32, #tpu.memory_space<vmem>>, vector<16xf32>,
    %add3A_1114 = arith.addf %add3A_1108, %get3A_1113 : vector<16xf32>
    %get3A_1115 = arith.constant 1088 : index
    %get3A_1116 = tpu.vector_load %arg8[%get3A_1115] {strides = array<i32>} : memref<2304xf32, #tpu.memory_space<vmem>>, vector<16xf32>,
    %add3A_1117 = arith.addf %add3A_1111, %get3A_1116 : vector<16xf32>
    %get3A_1118 = arith.constant 1088 : index
    %get3A_1119 = tpu.vector_load %arg9[%get3A_1118] {strides = array<i32>} : memref<2304xf32, #tpu.memory_space<vmem>>, vector<16xf32>,
    %add3A_1120 = arith.addf %add3A_1114, %get3A_1119 : vector<16xf32>
    %get3A_1121 = arith.constant 1232 : index
    %get3A_1122 = tpu.vector_load %arg8[%get3A_1121] {strides = array<i32>} : memref<2304xf32, #tpu.memory_space<vmem>>, vector<16xf32>,
    %add3A_1123 = arith.addf %add3A_1117, %get3A_1122 : vector<16xf32>
    %get3A_1124 = arith.constant 1232 : index
    %get3A_1125 = tpu.vector_load %arg9[%get3A_1124] {strides = array<i32>} : memref<2304xf32, #tpu.memory_space<vmem>>, vector<16xf32>,
    %add3A_1126 = arith.addf %add3A_1120, %get3A_1125 : vector<16xf32>
    %get3A_1127 = arith.constant 1376 : index
    %get3A_1128 = tpu.vector_load %arg8[%get3A_1127] {strides = array<i32>} : memref<2304xf32, #tpu.memory_space<vmem>>, vector<16xf32>,
    %add3A_1129 = arith.addf %add3A_1123, %get3A_1128 : vector<16xf32>
    %get3A_1130 = arith.constant 1376 : index
    %get3A_1131 = tpu.vector_load %arg9[%get3A_1130] {strides = array<i32>} : memref<2304xf32, #tpu.memory_space<vmem>>, vector<16xf32>,
    %add3A_1132 = arith.addf %add3A_1126, %get3A_1131 : vector<16xf32>
    %get3A_1133 = arith.constant 1520 : index
    %get3A_1134 = tpu.vector_load %arg8[%get3A_1133] {strides = array<i32>} : memref<2304xf32, #tpu.memory_space<vmem>>, vector<16xf32>,
    %add3A_1135 = arith.addf %add3A_1129, %get3A_1134 : vector<16xf32>
    %get3A_1136 = arith.constant 1520 : index
    %get3A_1137 = tpu.vector_load %arg9[%get3A_1136] {strides = array<i32>} : memref<2304xf32, #tpu.memory_space<vmem>>, vector<16xf32>,
    %add3A_1138 = arith.addf %add3A_1132, %get3A_1137 : vector<16xf32>
    %get3A_1139 = arith.constant 1664 : index
    %get3A_1140 = tpu.vector_load %arg8[%get3A_1139] {strides = array<i32>} : memref<2304xf32, #tpu.memory_space<vmem>>, vector<16xf32>,
    %add3A_1141 = arith.addf %add3A_1135, %get3A_1140 : vector<16xf32>
    %get3A_1142 = arith.constant 1664 : index
    %get3A_1143 = tpu.vector_load %arg9[%get3A_1142] {strides = array<i32>} : memref<2304xf32, #tpu.memory_space<vmem>>, vector<16xf32>,
    %add3A_1144 = arith.addf %add3A_1138, %get3A_1143 : vector<16xf32>
    %get3A_1145 = arith.constant 1808 : index
    %get3A_1146 = tpu.vector_load %arg8[%get3A_1145] {strides = array<i32>} : memref<2304xf32, #tpu.memory_space<vmem>>, vector<16xf32>,
    %add3A_1147 = arith.addf %add3A_1141, %get3A_1146 : vector<16xf32>
    %get3A_1148 = arith.constant 1808 : index
    %get3A_1149 = tpu.vector_load %arg9[%get3A_1148] {strides = array<i32>} : memref<2304xf32, #tpu.memory_space<vmem>>, vector<16xf32>,
    %add3A_1150 = arith.addf %add3A_1144, %get3A_1149 : vector<16xf32>
    %get3A_1151 = arith.constant 1952 : index
    %get3A_1152 = tpu.vector_load %arg8[%get3A_1151] {strides = array<i32>} : memref<2304xf32, #tpu.memory_space<vmem>>, vector<16xf32>,
    %add3A_1153 = arith.addf %add3A_1147, %get3A_1152 : vector<16xf32>
    %get3A_1154 = arith.constant 1952 : index
    %get3A_1155 = tpu.vector_load %arg9[%get3A_1154] {strides = array<i32>} : memref<2304xf32, #tpu.memory_space<vmem>>, vector<16xf32>,
    %add3A_1156 = arith.addf %add3A_1150, %get3A_1155 : vector<16xf32>
    %get3A_1157 = arith.constant 2096 : index
    %get3A_1158 = tpu.vector_load %arg8[%get3A_1157] {strides = array<i32>} : memref<2304xf32, #tpu.memory_space<vmem>>, vector<16xf32>,
    %add3A_1159 = arith.addf %add3A_1153, %get3A_1158 : vector<16xf32>
    %get3A_1160 = arith.constant 2096 : index
    %get3A_1161 = tpu.vector_load %arg9[%get3A_1160] {strides = array<i32>} : memref<2304xf32, #tpu.memory_space<vmem>>, vector<16xf32>,
    %add3A_1162 = arith.addf %add3A_1156, %get3A_1161 : vector<16xf32>
    %get3A_1163 = arith.constant 2240 : index
    %get3A_1164 = tpu.vector_load %arg8[%get3A_1163] {strides = array<i32>} : memref<2304xf32, #tpu.memory_space<vmem>>, vector<16xf32>,
    %add3A_1165 = arith.addf %add3A_1159, %get3A_1164 : vector<16xf32>
    %get3A_1166 = arith.constant 2240 : index
    %get3A_1167 = tpu.vector_load %arg9[%get3A_1166] {strides = array<i32>} : memref<2304xf32, #tpu.memory_space<vmem>>, vector<16xf32>,
    %add3A_1168 = arith.addf %add3A_1162, %get3A_1167 : vector<16xf32>
    %swap3A_1169 = arith.constant 80 : index
    %swap3A_1170 = tpu.vector_load %arg10[%swap3A_1169] {strides = array<i32>} : memref<128xf32, #tpu.memory_space<vmem>>, vector<16xf32>,
    tpu.vector_store %arg10[%swap3A_1169], %add3A_1165 {strides = array<i32>} : memref<128xf32, #tpu.memory_space<vmem>>, vector<16xf32>,
    %swap3A_1171 = arith.constant 80 : index
    %swap3A_1172 = tpu.vector_load %arg11[%swap3A_1171] {strides = array<i32>} : memref<128xf32, #tpu.memory_space<vmem>>, vector<16xf32>,
    tpu.vector_store %arg11[%swap3A_1171], %add3A_1168 {strides = array<i32>} : memref<128xf32, #tpu.memory_space<vmem>>, vector<16xf32>,
    %get3A_1173 = arith.constant 96 : index
    %get3A_1174 = tpu.vector_load %arg8[%get3A_1173] {strides = array<i32>} : memref<2304xf32, #tpu.memory_space<vmem>>, vector<16xf32>,
    %get3A_1175 = arith.constant 96 : index
    %get3A_1176 = tpu.vector_load %arg9[%get3A_1175] {strides = array<i32>} : memref<2304xf32, #tpu.memory_space<vmem>>, vector<16xf32>,
    %get3A_1177 = arith.constant 240 : index
    %get3A_1178 = tpu.vector_load %arg8[%get3A_1177] {strides = array<i32>} : memref<2304xf32, #tpu.memory_space<vmem>>, vector<16xf32>,
    %add3A_1179 = arith.addf %get3A_1174, %get3A_1178 : vector<16xf32>
    %get3A_1180 = arith.constant 240 : index
    %get3A_1181 = tpu.vector_load %arg9[%get3A_1180] {strides = array<i32>} : memref<2304xf32, #tpu.memory_space<vmem>>, vector<16xf32>,
    %add3A_1182 = arith.addf %get3A_1176, %get3A_1181 : vector<16xf32>
    %get3A_1183 = arith.constant 384 : index
    %get3A_1184 = tpu.vector_load %arg8[%get3A_1183] {strides = array<i32>} : memref<2304xf32, #tpu.memory_space<vmem>>, vector<16xf32>,
    %add3A_1185 = arith.addf %add3A_1179, %get3A_1184 : vector<16xf32>
    %get3A_1186 = arith.constant 384 : index
    %get3A_1187 = tpu.vector_load %arg9[%get3A_1186] {strides = array<i32>} : memref<2304xf32, #tpu.memory_space<vmem>>, vector<16xf32>,
    %add3A_1188 = arith.addf %add3A_1182, %get3A_1187 : vector<16xf32>
    %get3A_1189 = arith.constant 528 : index
    %get3A_1190 = tpu.vector_load %arg8[%get3A_1189] {strides = array<i32>} : memref<2304xf32, #tpu.memory_space<vmem>>, vector<16xf32>,
    %add3A_1191 = arith.addf %add3A_1185, %get3A_1190 : vector<16xf32>
    %get3A_1192 = arith.constant 528 : index
    %get3A_1193 = tpu.vector_load %arg9[%get3A_1192] {strides = array<i32>} : memref<2304xf32, #tpu.memory_space<vmem>>, vector<16xf32>,
    %add3A_1194 = arith.addf %add3A_1188, %get3A_1193 : vector<16xf32>
    %get3A_1195 = arith.constant 672 : index
    %get3A_1196 = tpu.vector_load %arg8[%get3A_1195] {strides = array<i32>} : memref<2304xf32, #tpu.memory_space<vmem>>, vector<16xf32>,
    %add3A_1197 = arith.addf %add3A_1191, %get3A_1196 : vector<16xf32>
    %get3A_1198 = arith.constant 672 : index
    %get3A_1199 = tpu.vector_load %arg9[%get3A_1198] {strides = array<i32>} : memref<2304xf32, #tpu.memory_space<vmem>>, vector<16xf32>,
    %add3A_1200 = arith.addf %add3A_1194, %get3A_1199 : vector<16xf32>
    %get3A_1201 = arith.constant 816 : index
    %get3A_1202 = tpu.vector_load %arg8[%get3A_1201] {strides = array<i32>} : memref<2304xf32, #tpu.memory_space<vmem>>, vector<16xf32>,
    %add3A_1203 = arith.addf %add3A_1197, %get3A_1202 : vector<16xf32>
    %get3A_1204 = arith.constant 816 : index
    %get3A_1205 = tpu.vector_load %arg9[%get3A_1204] {strides = array<i32>} : memref<2304xf32, #tpu.memory_space<vmem>>, vector<16xf32>,
    %add3A_1206 = arith.addf %add3A_1200, %get3A_1205 : vector<16xf32>
    %get3A_1207 = arith.constant 960 : index
    %get3A_1208 = tpu.vector_load %arg8[%get3A_1207] {strides = array<i32>} : memref<2304xf32, #tpu.memory_space<vmem>>, vector<16xf32>,
    %add3A_1209 = arith.addf %add3A_1203, %get3A_1208 : vector<16xf32>
    %get3A_1210 = arith.constant 960 : index
    %get3A_1211 = tpu.vector_load %arg9[%get3A_1210] {strides = array<i32>} : memref<2304xf32, #tpu.memory_space<vmem>>, vector<16xf32>,
    %add3A_1212 = arith.addf %add3A_1206, %get3A_1211 : vector<16xf32>
    %get3A_1213 = arith.constant 1104 : index
    %get3A_1214 = tpu.vector_load %arg8[%get3A_1213] {strides = array<i32>} : memref<2304xf32, #tpu.memory_space<vmem>>, vector<16xf32>,
    %add3A_1215 = arith.addf %add3A_1209, %get3A_1214 : vector<16xf32>
    %get3A_1216 = arith.constant 1104 : index
    %get3A_1217 = tpu.vector_load %arg9[%get3A_1216] {strides = array<i32>} : memref<2304xf32, #tpu.memory_space<vmem>>, vector<16xf32>,
    %add3A_1218 = arith.addf %add3A_1212, %get3A_1217 : vector<16xf32>
    %get3A_1219 = arith.constant 1248 : index
    %get3A_1220 = tpu.vector_load %arg8[%get3A_1219] {strides = array<i32>} : memref<2304xf32, #tpu.memory_space<vmem>>, vector<16xf32>,
    %add3A_1221 = arith.addf %add3A_1215, %get3A_1220 : vector<16xf32>
    %get3A_1222 = arith.constant 1248 : index
    %get3A_1223 = tpu.vector_load %arg9[%get3A_1222] {strides = array<i32>} : memref<2304xf32, #tpu.memory_space<vmem>>, vector<16xf32>,
    %add3A_1224 = arith.addf %add3A_1218, %get3A_1223 : vector<16xf32>
    %get3A_1225 = arith.constant 1392 : index
    %get3A_1226 = tpu.vector_load %arg8[%get3A_1225] {strides = array<i32>} : memref<2304xf32, #tpu.memory_space<vmem>>, vector<16xf32>,
    %add3A_1227 = arith.addf %add3A_1221, %get3A_1226 : vector<16xf32>
    %get3A_1228 = arith.constant 1392 : index
    %get3A_1229 = tpu.vector_load %arg9[%get3A_1228] {strides = array<i32>} : memref<2304xf32, #tpu.memory_space<vmem>>, vector<16xf32>,
    %add3A_1230 = arith.addf %add3A_1224, %get3A_1229 : vector<16xf32>
    %get3A_1231 = arith.constant 1536 : index
    %get3A_1232 = tpu.vector_load %arg8[%get3A_1231] {strides = array<i32>} : memref<2304xf32, #tpu.memory_space<vmem>>, vector<16xf32>,
    %add3A_1233 = arith.addf %add3A_1227, %get3A_1232 : vector<16xf32>
    %get3A_1234 = arith.constant 1536 : index
    %get3A_1235 = tpu.vector_load %arg9[%get3A_1234] {strides = array<i32>} : memref<2304xf32, #tpu.memory_space<vmem>>, vector<16xf32>,
    %add3A_1236 = arith.addf %add3A_1230, %get3A_1235 : vector<16xf32>
    %get3A_1237 = arith.constant 1680 : index
    %get3A_1238 = tpu.vector_load %arg8[%get3A_1237] {strides = array<i32>} : memref<2304xf32, #tpu.memory_space<vmem>>, vector<16xf32>,
    %add3A_1239 = arith.addf %add3A_1233, %get3A_1238 : vector<16xf32>
    %get3A_1240 = arith.constant 1680 : index
    %get3A_1241 = tpu.vector_load %arg9[%get3A_1240] {strides = array<i32>} : memref<2304xf32, #tpu.memory_space<vmem>>, vector<16xf32>,
    %add3A_1242 = arith.addf %add3A_1236, %get3A_1241 : vector<16xf32>
    %get3A_1243 = arith.constant 1824 : index
    %get3A_1244 = tpu.vector_load %arg8[%get3A_1243] {strides = array<i32>} : memref<2304xf32, #tpu.memory_space<vmem>>, vector<16xf32>,
    %add3A_1245 = arith.addf %add3A_1239, %get3A_1244 : vector<16xf32>
    %get3A_1246 = arith.constant 1824 : index
    %get3A_1247 = tpu.vector_load %arg9[%get3A_1246] {strides = array<i32>} : memref<2304xf32, #tpu.memory_space<vmem>>, vector<16xf32>,
    %add3A_1248 = arith.addf %add3A_1242, %get3A_1247 : vector<16xf32>
    %get3A_1249 = arith.constant 1968 : index
    %get3A_1250 = tpu.vector_load %arg8[%get3A_1249] {strides = array<i32>} : memref<2304xf32, #tpu.memory_space<vmem>>, vector<16xf32>,
    %add3A_1251 = arith.addf %add3A_1245, %get3A_1250 : vector<16xf32>
    %get3A_1252 = arith.constant 1968 : index
    %get3A_1253 = tpu.vector_load %arg9[%get3A_1252] {strides = array<i32>} : memref<2304xf32, #tpu.memory_space<vmem>>, vector<16xf32>,
    %add3A_1254 = arith.addf %add3A_1248, %get3A_1253 : vector<16xf32>
    %get3A_1255 = arith.constant 2112 : index
    %get3A_1256 = tpu.vector_load %arg8[%get3A_1255] {strides = array<i32>} : memref<2304xf32, #tpu.memory_space<vmem>>, vector<16xf32>,
    %add3A_1257 = arith.addf %add3A_1251, %get3A_1256 : vector<16xf32>
    %get3A_1258 = arith.constant 2112 : index
    %get3A_1259 = tpu.vector_load %arg9[%get3A_1258] {strides = array<i32>} : memref<2304xf32, #tpu.memory_space<vmem>>, vector<16xf32>,
    %add3A_1260 = arith.addf %add3A_1254, %get3A_1259 : vector<16xf32>
    %get3A_1261 = arith.constant 2256 : index
    %get3A_1262 = tpu.vector_load %arg8[%get3A_1261] {strides = array<i32>} : memref<2304xf32, #tpu.memory_space<vmem>>, vector<16xf32>,
    %add3A_1263 = arith.addf %add3A_1257, %get3A_1262 : vector<16xf32>
    %get3A_1264 = arith.constant 2256 : index
    %get3A_1265 = tpu.vector_load %arg9[%get3A_1264] {strides = array<i32>} : memref<2304xf32, #tpu.memory_space<vmem>>, vector<16xf32>,
    %add3A_1266 = arith.addf %add3A_1260, %get3A_1265 : vector<16xf32>
    %swap3A_1267 = arith.constant 96 : index
    %swap3A_1268 = tpu.vector_load %arg10[%swap3A_1267] {strides = array<i32>} : memref<128xf32, #tpu.memory_space<vmem>>, vector<16xf32>,
    tpu.vector_store %arg10[%swap3A_1267], %add3A_1263 {strides = array<i32>} : memref<128xf32, #tpu.memory_space<vmem>>, vector<16xf32>,
    %swap3A_1269 = arith.constant 96 : index
    %swap3A_1270 = tpu.vector_load %arg11[%swap3A_1269] {strides = array<i32>} : memref<128xf32, #tpu.memory_space<vmem>>, vector<16xf32>,
    tpu.vector_store %arg11[%swap3A_1269], %add3A_1266 {strides = array<i32>} : memref<128xf32, #tpu.memory_space<vmem>>, vector<16xf32>,
    %get3A_1271 = arith.constant 112 : index
    %get3A_1272 = tpu.vector_load %arg8[%get3A_1271] {strides = array<i32>} : memref<2304xf32, #tpu.memory_space<vmem>>, vector<16xf32>,
    %get3A_1273 = arith.constant 112 : index
    %get3A_1274 = tpu.vector_load %arg9[%get3A_1273] {strides = array<i32>} : memref<2304xf32, #tpu.memory_space<vmem>>, vector<16xf32>,
    %get3A_1275 = arith.constant 256 : index
    %get3A_1276 = tpu.vector_load %arg8[%get3A_1275] {strides = array<i32>} : memref<2304xf32, #tpu.memory_space<vmem>>, vector<16xf32>,
    %add3A_1277 = arith.addf %get3A_1272, %get3A_1276 : vector<16xf32>
    %get3A_1278 = arith.constant 256 : index
    %get3A_1279 = tpu.vector_load %arg9[%get3A_1278] {strides = array<i32>} : memref<2304xf32, #tpu.memory_space<vmem>>, vector<16xf32>,
    %add3A_1280 = arith.addf %get3A_1274, %get3A_1279 : vector<16xf32>
    %get3A_1281 = arith.constant 400 : index
    %get3A_1282 = tpu.vector_load %arg8[%get3A_1281] {strides = array<i32>} : memref<2304xf32, #tpu.memory_space<vmem>>, vector<16xf32>,
    %add3A_1283 = arith.addf %add3A_1277, %get3A_1282 : vector<16xf32>
    %get3A_1284 = arith.constant 400 : index
    %get3A_1285 = tpu.vector_load %arg9[%get3A_1284] {strides = array<i32>} : memref<2304xf32, #tpu.memory_space<vmem>>, vector<16xf32>,
    %add3A_1286 = arith.addf %add3A_1280, %get3A_1285 : vector<16xf32>
    %get3A_1287 = arith.constant 544 : index
    %get3A_1288 = tpu.vector_load %arg8[%get3A_1287] {strides = array<i32>} : memref<2304xf32, #tpu.memory_space<vmem>>, vector<16xf32>,
    %add3A_1289 = arith.addf %add3A_1283, %get3A_1288 : vector<16xf32>
    %get3A_1290 = arith.constant 544 : index
    %get3A_1291 = tpu.vector_load %arg9[%get3A_1290] {strides = array<i32>} : memref<2304xf32, #tpu.memory_space<vmem>>, vector<16xf32>,
    %add3A_1292 = arith.addf %add3A_1286, %get3A_1291 : vector<16xf32>
    %get3A_1293 = arith.constant 688 : index
    %get3A_1294 = tpu.vector_load %arg8[%get3A_1293] {strides = array<i32>} : memref<2304xf32, #tpu.memory_space<vmem>>, vector<16xf32>,
    %add3A_1295 = arith.addf %add3A_1289, %get3A_1294 : vector<16xf32>
    %get3A_1296 = arith.constant 688 : index
    %get3A_1297 = tpu.vector_load %arg9[%get3A_1296] {strides = array<i32>} : memref<2304xf32, #tpu.memory_space<vmem>>, vector<16xf32>,
    %add3A_1298 = arith.addf %add3A_1292, %get3A_1297 : vector<16xf32>
    %get3A_1299 = arith.constant 832 : index
    %get3A_1300 = tpu.vector_load %arg8[%get3A_1299] {strides = array<i32>} : memref<2304xf32, #tpu.memory_space<vmem>>, vector<16xf32>,
    %add3A_1301 = arith.addf %add3A_1295, %get3A_1300 : vector<16xf32>
    %get3A_1302 = arith.constant 832 : index
    %get3A_1303 = tpu.vector_load %arg9[%get3A_1302] {strides = array<i32>} : memref<2304xf32, #tpu.memory_space<vmem>>, vector<16xf32>,
    %add3A_1304 = arith.addf %add3A_1298, %get3A_1303 : vector<16xf32>
    %get3A_1305 = arith.constant 976 : index
    %get3A_1306 = tpu.vector_load %arg8[%get3A_1305] {strides = array<i32>} : memref<2304xf32, #tpu.memory_space<vmem>>, vector<16xf32>,
    %add3A_1307 = arith.addf %add3A_1301, %get3A_1306 : vector<16xf32>
    %get3A_1308 = arith.constant 976 : index
    %get3A_1309 = tpu.vector_load %arg9[%get3A_1308] {strides = array<i32>} : memref<2304xf32, #tpu.memory_space<vmem>>, vector<16xf32>,
    %add3A_1310 = arith.addf %add3A_1304, %get3A_1309 : vector<16xf32>
    %get3A_1311 = arith.constant 1120 : index
    %get3A_1312 = tpu.vector_load %arg8[%get3A_1311] {strides = array<i32>} : memref<2304xf32, #tpu.memory_space<vmem>>, vector<16xf32>,
    %add3A_1313 = arith.addf %add3A_1307, %get3A_1312 : vector<16xf32>
    %get3A_1314 = arith.constant 1120 : index
    %get3A_1315 = tpu.vector_load %arg9[%get3A_1314] {strides = array<i32>} : memref<2304xf32, #tpu.memory_space<vmem>>, vector<16xf32>,
    %add3A_1316 = arith.addf %add3A_1310, %get3A_1315 : vector<16xf32>
    %get3A_1317 = arith.constant 1264 : index
    %get3A_1318 = tpu.vector_load %arg8[%get3A_1317] {strides = array<i32>} : memref<2304xf32, #tpu.memory_space<vmem>>, vector<16xf32>,
    %add3A_1319 = arith.addf %add3A_1313, %get3A_1318 : vector<16xf32>
    %get3A_1320 = arith.constant 1264 : index
    %get3A_1321 = tpu.vector_load %arg9[%get3A_1320] {strides = array<i32>} : memref<2304xf32, #tpu.memory_space<vmem>>, vector<16xf32>,
    %add3A_1322 = arith.addf %add3A_1316, %get3A_1321 : vector<16xf32>
    %get3A_1323 = arith.constant 1408 : index
    %get3A_1324 = tpu.vector_load %arg8[%get3A_1323] {strides = array<i32>} : memref<2304xf32, #tpu.memory_space<vmem>>, vector<16xf32>,
    %add3A_1325 = arith.addf %add3A_1319, %get3A_1324 : vector<16xf32>
    %get3A_1326 = arith.constant 1408 : index
    %get3A_1327 = tpu.vector_load %arg9[%get3A_1326] {strides = array<i32>} : memref<2304xf32, #tpu.memory_space<vmem>>, vector<16xf32>,
    %add3A_1328 = arith.addf %add3A_1322, %get3A_1327 : vector<16xf32>
    %get3A_1329 = arith.constant 1552 : index
    %get3A_1330 = tpu.vector_load %arg8[%get3A_1329] {strides = array<i32>} : memref<2304xf32, #tpu.memory_space<vmem>>, vector<16xf32>,
    %add3A_1331 = arith.addf %add3A_1325, %get3A_1330 : vector<16xf32>
    %get3A_1332 = arith.constant 1552 : index
    %get3A_1333 = tpu.vector_load %arg9[%get3A_1332] {strides = array<i32>} : memref<2304xf32, #tpu.memory_space<vmem>>, vector<16xf32>,
    %add3A_1334 = arith.addf %add3A_1328, %get3A_1333 : vector<16xf32>
    %get3A_1335 = arith.constant 1696 : index
    %get3A_1336 = tpu.vector_load %arg8[%get3A_1335] {strides = array<i32>} : memref<2304xf32, #tpu.memory_space<vmem>>, vector<16xf32>,
    %add3A_1337 = arith.addf %add3A_1331, %get3A_1336 : vector<16xf32>
    %get3A_1338 = arith.constant 1696 : index
    %get3A_1339 = tpu.vector_load %arg9[%get3A_1338] {strides = array<i32>} : memref<2304xf32, #tpu.memory_space<vmem>>, vector<16xf32>,
    %add3A_1340 = arith.addf %add3A_1334, %get3A_1339 : vector<16xf32>
    %get3A_1341 = arith.constant 1840 : index
    %get3A_1342 = tpu.vector_load %arg8[%get3A_1341] {strides = array<i32>} : memref<2304xf32, #tpu.memory_space<vmem>>, vector<16xf32>,
    %add3A_1343 = arith.addf %add3A_1337, %get3A_1342 : vector<16xf32>
    %get3A_1344 = arith.constant 1840 : index
    %get3A_1345 = tpu.vector_load %arg9[%get3A_1344] {strides = array<i32>} : memref<2304xf32, #tpu.memory_space<vmem>>, vector<16xf32>,
    %add3A_1346 = arith.addf %add3A_1340, %get3A_1345 : vector<16xf32>
    %get3A_1347 = arith.constant 1984 : index
    %get3A_1348 = tpu.vector_load %arg8[%get3A_1347] {strides = array<i32>} : memref<2304xf32, #tpu.memory_space<vmem>>, vector<16xf32>,
    %add3A_1349 = arith.addf %add3A_1343, %get3A_1348 : vector<16xf32>
    %get3A_1350 = arith.constant 1984 : index
    %get3A_1351 = tpu.vector_load %arg9[%get3A_1350] {strides = array<i32>} : memref<2304xf32, #tpu.memory_space<vmem>>, vector<16xf32>,
    %add3A_1352 = arith.addf %add3A_1346, %get3A_1351 : vector<16xf32>
    %get3A_1353 = arith.constant 2128 : index
    %get3A_1354 = tpu.vector_load %arg8[%get3A_1353] {strides = array<i32>} : memref<2304xf32, #tpu.memory_space<vmem>>, vector<16xf32>,
    %add3A_1355 = arith.addf %add3A_1349, %get3A_1354 : vector<16xf32>
    %get3A_1356 = arith.constant 2128 : index
    %get3A_1357 = tpu.vector_load %arg9[%get3A_1356] {strides = array<i32>} : memref<2304xf32, #tpu.memory_space<vmem>>, vector<16xf32>,
    %add3A_1358 = arith.addf %add3A_1352, %get3A_1357 : vector<16xf32>
    %get3A_1359 = arith.constant 2272 : index
    %get3A_1360 = tpu.vector_load %arg8[%get3A_1359] {strides = array<i32>} : memref<2304xf32, #tpu.memory_space<vmem>>, vector<16xf32>,
    %add3A_1361 = arith.addf %add3A_1355, %get3A_1360 : vector<16xf32>
    %get3A_1362 = arith.constant 2272 : index
    %get3A_1363 = tpu.vector_load %arg9[%get3A_1362] {strides = array<i32>} : memref<2304xf32, #tpu.memory_space<vmem>>, vector<16xf32>,
    %add3A_1364 = arith.addf %add3A_1358, %get3A_1363 : vector<16xf32>
    %swap3A_1365 = arith.constant 112 : index
    %swap3A_1366 = tpu.vector_load %arg10[%swap3A_1365] {strides = array<i32>} : memref<128xf32, #tpu.memory_space<vmem>>, vector<16xf32>,
    tpu.vector_store %arg10[%swap3A_1365], %add3A_1361 {strides = array<i32>} : memref<128xf32, #tpu.memory_space<vmem>>, vector<16xf32>,
    %swap3A_1367 = arith.constant 112 : index
    %swap3A_1368 = tpu.vector_load %arg11[%swap3A_1367] {strides = array<i32>} : memref<128xf32, #tpu.memory_space<vmem>>, vector<16xf32>,
    tpu.vector_store %arg11[%swap3A_1367], %add3A_1364 {strides = array<i32>} : memref<128xf32, #tpu.memory_space<vmem>>, vector<16xf32>,
    %mul3A_1369 = arith.constant 128 : i32
    %mul3A_1370 = arith.muli %arg1, %mul3A_1369 : i32
    "tpu.region"() ({
      %run_scoped3A = tpu.sem_alloc : memref<!tpu.dma_semaphore, #tpu.memory_space<semaphore_mem>>
      %dma_start3A = tpu.memref_slice %arg12[%mul3A_1370] : memref<2048xf32, #tpu.memory_space<vmem_shared>> -> memref<128xf32, #tpu.memory_space<vmem_shared>>
      %dma_start3A_1375 = tpu.memref_slice %arg12[%mul3A_1370] : memref<2048xf32, #tpu.memory_space<vmem_shared>> -> memref<128xf32, #tpu.memory_space<vmem_shared>>
      tpu.enqueue_dma source(%arg10 : memref<128xf32, #tpu.memory_space<vmem>>) target(%dma_start3A_1375 : memref<128xf32, #tpu.memory_space<vmem_shared>>) target_semaphore(%run_scoped3A : memref<!tpu.dma_semaphore, #tpu.memory_space<semaphore_mem>>)
      %dma_wait3A = tpu.memref_slice %arg12[%mul3A_1370] : memref<2048xf32, #tpu.memory_space<vmem_shared>> -> memref<128xf32, #tpu.memory_space<vmem_shared>>
      %dma_wait3A_1376 = tpu.memref_slice %arg12[%mul3A_1370] : memref<2048xf32, #tpu.memory_space<vmem_shared>> -> memref<128xf32, #tpu.memory_space<vmem_shared>>
      tpu.wait_dma2 semaphore(%run_scoped3A : memref<!tpu.dma_semaphore, #tpu.memory_space<semaphore_mem>>) src(%arg10 : memref<128xf32, #tpu.memory_space<vmem>>) dst(%dma_wait3A_1376 : memref<128xf32, #tpu.memory_space<vmem_shared>>)
      tpu.yield
    }) : () -> ()
    %mul3A_1371 = arith.constant 128 : i32
    %mul3A_1372 = arith.muli %arg1, %mul3A_1371 : i32
    "tpu.region"() ({
      %run_scoped3A = tpu.sem_alloc : memref<!tpu.dma_semaphore, #tpu.memory_space<semaphore_mem>>
      %dma_start3A = tpu.memref_slice %arg13[%mul3A_1372] : memref<2048xf32, #tpu.memory_space<vmem_shared>> -> memref<128xf32, #tpu.memory_space<vmem_shared>>
      %dma_start3A_1375 = tpu.memref_slice %arg13[%mul3A_1372] : memref<2048xf32, #tpu.memory_space<vmem_shared>> -> memref<128xf32, #tpu.memory_space<vmem_shared>>
      tpu.enqueue_dma source(%arg11 : memref<128xf32, #tpu.memory_space<vmem>>) target(%dma_start3A_1375 : memref<128xf32, #tpu.memory_space<vmem_shared>>) target_semaphore(%run_scoped3A : memref<!tpu.dma_semaphore, #tpu.memory_space<semaphore_mem>>)
      %dma_wait3A = tpu.memref_slice %arg13[%mul3A_1372] : memref<2048xf32, #tpu.memory_space<vmem_shared>> -> memref<128xf32, #tpu.memory_space<vmem_shared>>
      %dma_wait3A_1376 = tpu.memref_slice %arg13[%mul3A_1372] : memref<2048xf32, #tpu.memory_space<vmem_shared>> -> memref<128xf32, #tpu.memory_space<vmem_shared>>
      tpu.wait_dma2 semaphore(%run_scoped3A : memref<!tpu.dma_semaphore, #tpu.memory_space<semaphore_mem>>) src(%arg11 : memref<128xf32, #tpu.memory_space<vmem>>) dst(%dma_wait3A_1376 : memref<128xf32, #tpu.memory_space<vmem_shared>>)
      tpu.yield
    }) : () -> ()
    %barrier3A = arith.constant 0 : index
    tpu.barrier barrier_id(%barrier3A)
    %eq3A = arith.constant 0 : i32
    %eq3A_1373 = arith.cmpi eq, %arg1, %eq3A : i32
    %convert_element_type3A = arith.extui %eq3A_1373 : i1 to i32
    %cond3A = arith.constant 0 : i32
    %cond3A_1374 = arith.cmpi ne, %convert_element_type3A, %cond3A : i32
    scf.if %cond3A_1374 {
      "tpu.region"() ({
        %run_scoped3A = tpu.sem_alloc : memref<!tpu.dma_semaphore, #tpu.memory_space<semaphore_mem>>
        tpu.enqueue_dma source(%arg12 : memref<2048xf32, #tpu.memory_space<vmem_shared>>) target(%arg14 : memref<2048xf32, #tpu.memory_space<vmem>>) target_semaphore(%run_scoped3A : memref<!tpu.dma_semaphore, #tpu.memory_space<semaphore_mem>>)
        tpu.wait_dma2 semaphore(%run_scoped3A : memref<!tpu.dma_semaphore, #tpu.memory_space<semaphore_mem>>) src(%arg12 : memref<2048xf32, #tpu.memory_space<vmem_shared>>) dst(%arg14 : memref<2048xf32, #tpu.memory_space<vmem>>)
        tpu.yield
      }) : () -> ()
      "tpu.region"() ({
        %run_scoped3A = tpu.sem_alloc : memref<!tpu.dma_semaphore, #tpu.memory_space<semaphore_mem>>
        tpu.enqueue_dma source(%arg13 : memref<2048xf32, #tpu.memory_space<vmem_shared>>) target(%arg15 : memref<2048xf32, #tpu.memory_space<vmem>>) target_semaphore(%run_scoped3A : memref<!tpu.dma_semaphore, #tpu.memory_space<semaphore_mem>>)
        tpu.wait_dma2 semaphore(%run_scoped3A : memref<!tpu.dma_semaphore, #tpu.memory_space<semaphore_mem>>) src(%arg13 : memref<2048xf32, #tpu.memory_space<vmem_shared>>) dst(%arg15 : memref<2048xf32, #tpu.memory_space<vmem>>)
        tpu.yield
      }) : () -> ()
      "tpu.region"() ({
        %run_scoped3A = tpu.sem_alloc : memref<!tpu.dma_semaphore, #tpu.memory_space<semaphore_mem>>
        %dma_start3A = arith.constant 0 : i32
        %dma_start3A_2183 = tpu.memref_slice %arg16[%dma_start3A] : memref<16xf32, #tpu.memory_space<vmem>> -> memref<1xf32, #tpu.memory_space<vmem>>
        %dma_start3A_2184 = arith.constant 0 : i32
        %dma_start3A_2185 = tpu.memref_slice %arg16[%dma_start3A_2184] : memref<16xf32, #tpu.memory_space<vmem>> -> memref<1xf32, #tpu.memory_space<vmem>>
        tpu.enqueue_dma source(%arg4 : memref<1xf32, #tpu.memory_space<hbm>>) target(%dma_start3A_2185 : memref<1xf32, #tpu.memory_space<vmem>>) target_semaphore(%run_scoped3A : memref<!tpu.dma_semaphore, #tpu.memory_space<semaphore_mem>>)
        %dma_wait3A = arith.constant 0 : i32
        %dma_wait3A_2186 = tpu.memref_slice %arg16[%dma_wait3A] : memref<16xf32, #tpu.memory_space<vmem>> -> memref<1xf32, #tpu.memory_space<vmem>>
        %dma_wait3A_2187 = arith.constant 0 : i32
        %dma_wait3A_2188 = tpu.memref_slice %arg16[%dma_wait3A_2187] : memref<16xf32, #tpu.memory_space<vmem>> -> memref<1xf32, #tpu.memory_space<vmem>>
        tpu.wait_dma2 semaphore(%run_scoped3A : memref<!tpu.dma_semaphore, #tpu.memory_space<semaphore_mem>>) src(%arg4 : memref<1xf32, #tpu.memory_space<hbm>>) dst(%dma_wait3A_2188 : memref<1xf32, #tpu.memory_space<vmem>>)
        tpu.yield
      }) : () -> ()
      %broadcast_in_dim3A_1375 = arith.constant 0 : i32
      %broadcast_in_dim3A_1376 = vector.broadcast %broadcast_in_dim3A_1375 : i32 to vector<16xi32>
      %gather3A = tpu.vector_load_idx %arg16[%broadcast_in_dim3A_1376] : memref<16xf32, #tpu.memory_space<vmem>>[vector<16xi32>], vector<16xf32>,
      %get3A_1377 = arith.constant 0 : index
      %get3A_1378 = tpu.vector_load %arg14[%get3A_1377] {strides = array<i32>} : memref<2048xf32, #tpu.memory_space<vmem>>, vector<16xf32>,
      %get3A_1379 = arith.constant 0 : index
      %get3A_1380 = tpu.vector_load %arg15[%get3A_1379] {strides = array<i32>} : memref<2048xf32, #tpu.memory_space<vmem>>, vector<16xf32>,
      %get3A_1381 = arith.constant 128 : index
      %get3A_1382 = tpu.vector_load %arg14[%get3A_1381] {strides = array<i32>} : memref<2048xf32, #tpu.memory_space<vmem>>, vector<16xf32>,
      %add3A_1383 = arith.addf %get3A_1378, %get3A_1382 : vector<16xf32>
      %get3A_1384 = arith.constant 128 : index
      %get3A_1385 = tpu.vector_load %arg15[%get3A_1384] {strides = array<i32>} : memref<2048xf32, #tpu.memory_space<vmem>>, vector<16xf32>,
      %add3A_1386 = arith.addf %get3A_1380, %get3A_1385 : vector<16xf32>
      %get3A_1387 = arith.constant 256 : index
      %get3A_1388 = tpu.vector_load %arg14[%get3A_1387] {strides = array<i32>} : memref<2048xf32, #tpu.memory_space<vmem>>, vector<16xf32>,
      %add3A_1389 = arith.addf %add3A_1383, %get3A_1388 : vector<16xf32>
      %get3A_1390 = arith.constant 256 : index
      %get3A_1391 = tpu.vector_load %arg15[%get3A_1390] {strides = array<i32>} : memref<2048xf32, #tpu.memory_space<vmem>>, vector<16xf32>,
      %add3A_1392 = arith.addf %add3A_1386, %get3A_1391 : vector<16xf32>
      %get3A_1393 = arith.constant 384 : index
      %get3A_1394 = tpu.vector_load %arg14[%get3A_1393] {strides = array<i32>} : memref<2048xf32, #tpu.memory_space<vmem>>, vector<16xf32>,
      %add3A_1395 = arith.addf %add3A_1389, %get3A_1394 : vector<16xf32>
      %get3A_1396 = arith.constant 384 : index
      %get3A_1397 = tpu.vector_load %arg15[%get3A_1396] {strides = array<i32>} : memref<2048xf32, #tpu.memory_space<vmem>>, vector<16xf32>,
      %add3A_1398 = arith.addf %add3A_1392, %get3A_1397 : vector<16xf32>
      %get3A_1399 = arith.constant 512 : index
      %get3A_1400 = tpu.vector_load %arg14[%get3A_1399] {strides = array<i32>} : memref<2048xf32, #tpu.memory_space<vmem>>, vector<16xf32>,
      %add3A_1401 = arith.addf %add3A_1395, %get3A_1400 : vector<16xf32>
      %get3A_1402 = arith.constant 512 : index
      %get3A_1403 = tpu.vector_load %arg15[%get3A_1402] {strides = array<i32>} : memref<2048xf32, #tpu.memory_space<vmem>>, vector<16xf32>,
      %add3A_1404 = arith.addf %add3A_1398, %get3A_1403 : vector<16xf32>
      %get3A_1405 = arith.constant 640 : index
      %get3A_1406 = tpu.vector_load %arg14[%get3A_1405] {strides = array<i32>} : memref<2048xf32, #tpu.memory_space<vmem>>, vector<16xf32>,
      %add3A_1407 = arith.addf %add3A_1401, %get3A_1406 : vector<16xf32>
      %get3A_1408 = arith.constant 640 : index
      %get3A_1409 = tpu.vector_load %arg15[%get3A_1408] {strides = array<i32>} : memref<2048xf32, #tpu.memory_space<vmem>>, vector<16xf32>,
      %add3A_1410 = arith.addf %add3A_1404, %get3A_1409 : vector<16xf32>
      %get3A_1411 = arith.constant 768 : index
      %get3A_1412 = tpu.vector_load %arg14[%get3A_1411] {strides = array<i32>} : memref<2048xf32, #tpu.memory_space<vmem>>, vector<16xf32>,
      %add3A_1413 = arith.addf %add3A_1407, %get3A_1412 : vector<16xf32>
      %get3A_1414 = arith.constant 768 : index
      %get3A_1415 = tpu.vector_load %arg15[%get3A_1414] {strides = array<i32>} : memref<2048xf32, #tpu.memory_space<vmem>>, vector<16xf32>,
      %add3A_1416 = arith.addf %add3A_1410, %get3A_1415 : vector<16xf32>
      %get3A_1417 = arith.constant 896 : index
      %get3A_1418 = tpu.vector_load %arg14[%get3A_1417] {strides = array<i32>} : memref<2048xf32, #tpu.memory_space<vmem>>, vector<16xf32>,
      %add3A_1419 = arith.addf %add3A_1413, %get3A_1418 : vector<16xf32>
      %get3A_1420 = arith.constant 896 : index
      %get3A_1421 = tpu.vector_load %arg15[%get3A_1420] {strides = array<i32>} : memref<2048xf32, #tpu.memory_space<vmem>>, vector<16xf32>,
      %add3A_1422 = arith.addf %add3A_1416, %get3A_1421 : vector<16xf32>
      %get3A_1423 = arith.constant 1024 : index
      %get3A_1424 = tpu.vector_load %arg14[%get3A_1423] {strides = array<i32>} : memref<2048xf32, #tpu.memory_space<vmem>>, vector<16xf32>,
      %add3A_1425 = arith.addf %add3A_1419, %get3A_1424 : vector<16xf32>
      %get3A_1426 = arith.constant 1024 : index
      %get3A_1427 = tpu.vector_load %arg15[%get3A_1426] {strides = array<i32>} : memref<2048xf32, #tpu.memory_space<vmem>>, vector<16xf32>,
      %add3A_1428 = arith.addf %add3A_1422, %get3A_1427 : vector<16xf32>
      %get3A_1429 = arith.constant 1152 : index
      %get3A_1430 = tpu.vector_load %arg14[%get3A_1429] {strides = array<i32>} : memref<2048xf32, #tpu.memory_space<vmem>>, vector<16xf32>,
      %add3A_1431 = arith.addf %add3A_1425, %get3A_1430 : vector<16xf32>
      %get3A_1432 = arith.constant 1152 : index
      %get3A_1433 = tpu.vector_load %arg15[%get3A_1432] {strides = array<i32>} : memref<2048xf32, #tpu.memory_space<vmem>>, vector<16xf32>,
      %add3A_1434 = arith.addf %add3A_1428, %get3A_1433 : vector<16xf32>
      %get3A_1435 = arith.constant 1280 : index
      %get3A_1436 = tpu.vector_load %arg14[%get3A_1435] {strides = array<i32>} : memref<2048xf32, #tpu.memory_space<vmem>>, vector<16xf32>,
      %add3A_1437 = arith.addf %add3A_1431, %get3A_1436 : vector<16xf32>
      %get3A_1438 = arith.constant 1280 : index
      %get3A_1439 = tpu.vector_load %arg15[%get3A_1438] {strides = array<i32>} : memref<2048xf32, #tpu.memory_space<vmem>>, vector<16xf32>,
      %add3A_1440 = arith.addf %add3A_1434, %get3A_1439 : vector<16xf32>
      %get3A_1441 = arith.constant 1408 : index
      %get3A_1442 = tpu.vector_load %arg14[%get3A_1441] {strides = array<i32>} : memref<2048xf32, #tpu.memory_space<vmem>>, vector<16xf32>,
      %add3A_1443 = arith.addf %add3A_1437, %get3A_1442 : vector<16xf32>
      %get3A_1444 = arith.constant 1408 : index
      %get3A_1445 = tpu.vector_load %arg15[%get3A_1444] {strides = array<i32>} : memref<2048xf32, #tpu.memory_space<vmem>>, vector<16xf32>,
      %add3A_1446 = arith.addf %add3A_1440, %get3A_1445 : vector<16xf32>
      %get3A_1447 = arith.constant 1536 : index
      %get3A_1448 = tpu.vector_load %arg14[%get3A_1447] {strides = array<i32>} : memref<2048xf32, #tpu.memory_space<vmem>>, vector<16xf32>,
      %add3A_1449 = arith.addf %add3A_1443, %get3A_1448 : vector<16xf32>
      %get3A_1450 = arith.constant 1536 : index
      %get3A_1451 = tpu.vector_load %arg15[%get3A_1450] {strides = array<i32>} : memref<2048xf32, #tpu.memory_space<vmem>>, vector<16xf32>,
      %add3A_1452 = arith.addf %add3A_1446, %get3A_1451 : vector<16xf32>
      %get3A_1453 = arith.constant 1664 : index
      %get3A_1454 = tpu.vector_load %arg14[%get3A_1453] {strides = array<i32>} : memref<2048xf32, #tpu.memory_space<vmem>>, vector<16xf32>,
      %add3A_1455 = arith.addf %add3A_1449, %get3A_1454 : vector<16xf32>
      %get3A_1456 = arith.constant 1664 : index
      %get3A_1457 = tpu.vector_load %arg15[%get3A_1456] {strides = array<i32>} : memref<2048xf32, #tpu.memory_space<vmem>>, vector<16xf32>,
      %add3A_1458 = arith.addf %add3A_1452, %get3A_1457 : vector<16xf32>
      %get3A_1459 = arith.constant 1792 : index
      %get3A_1460 = tpu.vector_load %arg14[%get3A_1459] {strides = array<i32>} : memref<2048xf32, #tpu.memory_space<vmem>>, vector<16xf32>,
      %add3A_1461 = arith.addf %add3A_1455, %get3A_1460 : vector<16xf32>
      %get3A_1462 = arith.constant 1792 : index
      %get3A_1463 = tpu.vector_load %arg15[%get3A_1462] {strides = array<i32>} : memref<2048xf32, #tpu.memory_space<vmem>>, vector<16xf32>,
      %add3A_1464 = arith.addf %add3A_1458, %get3A_1463 : vector<16xf32>
      %get3A_1465 = arith.constant 1920 : index
      %get3A_1466 = tpu.vector_load %arg14[%get3A_1465] {strides = array<i32>} : memref<2048xf32, #tpu.memory_space<vmem>>, vector<16xf32>,
      %add3A_1467 = arith.addf %add3A_1461, %get3A_1466 : vector<16xf32>
      %get3A_1468 = arith.constant 1920 : index
      %get3A_1469 = tpu.vector_load %arg15[%get3A_1468] {strides = array<i32>} : memref<2048xf32, #tpu.memory_space<vmem>>, vector<16xf32>,
      %add3A_1470 = arith.addf %add3A_1464, %get3A_1469 : vector<16xf32>
      %max3A = arith.constant 1.000000e+00 : f32
      %max3A_1471 = vector.broadcast %max3A : f32 to vector<16xf32>
      %max3A_1472 = arith.maximumf %add3A_1470, %max3A_1471 : vector<16xf32>
      %div3A = arith.divf %add3A_1467, %max3A_1472 : vector<16xf32>
      %add3A_1473 = arith.addf %div3A, %gather3A : vector<16xf32>
      %swap3A_1474 = arith.constant 0 : index
      %swap3A_1475 = tpu.vector_load %arg17[%swap3A_1474] {strides = array<i32>} : memref<128xf32, #tpu.memory_space<vmem>>, vector<16xf32>,
      tpu.vector_store %arg17[%swap3A_1474], %add3A_1473 {strides = array<i32>} : memref<128xf32, #tpu.memory_space<vmem>>, vector<16xf32>,
      %get3A_1476 = arith.constant 16 : index
      %get3A_1477 = tpu.vector_load %arg14[%get3A_1476] {strides = array<i32>} : memref<2048xf32, #tpu.memory_space<vmem>>, vector<16xf32>,
      %get3A_1478 = arith.constant 16 : index
      %get3A_1479 = tpu.vector_load %arg15[%get3A_1478] {strides = array<i32>} : memref<2048xf32, #tpu.memory_space<vmem>>, vector<16xf32>,
      %get3A_1480 = arith.constant 144 : index
      %get3A_1481 = tpu.vector_load %arg14[%get3A_1480] {strides = array<i32>} : memref<2048xf32, #tpu.memory_space<vmem>>, vector<16xf32>,
      %add3A_1482 = arith.addf %get3A_1477, %get3A_1481 : vector<16xf32>
      %get3A_1483 = arith.constant 144 : index
      %get3A_1484 = tpu.vector_load %arg15[%get3A_1483] {strides = array<i32>} : memref<2048xf32, #tpu.memory_space<vmem>>, vector<16xf32>,
      %add3A_1485 = arith.addf %get3A_1479, %get3A_1484 : vector<16xf32>
      %get3A_1486 = arith.constant 272 : index
      %get3A_1487 = tpu.vector_load %arg14[%get3A_1486] {strides = array<i32>} : memref<2048xf32, #tpu.memory_space<vmem>>, vector<16xf32>,
      %add3A_1488 = arith.addf %add3A_1482, %get3A_1487 : vector<16xf32>
      %get3A_1489 = arith.constant 272 : index
      %get3A_1490 = tpu.vector_load %arg15[%get3A_1489] {strides = array<i32>} : memref<2048xf32, #tpu.memory_space<vmem>>, vector<16xf32>,
      %add3A_1491 = arith.addf %add3A_1485, %get3A_1490 : vector<16xf32>
      %get3A_1492 = arith.constant 400 : index
      %get3A_1493 = tpu.vector_load %arg14[%get3A_1492] {strides = array<i32>} : memref<2048xf32, #tpu.memory_space<vmem>>, vector<16xf32>,
      %add3A_1494 = arith.addf %add3A_1488, %get3A_1493 : vector<16xf32>
      %get3A_1495 = arith.constant 400 : index
      %get3A_1496 = tpu.vector_load %arg15[%get3A_1495] {strides = array<i32>} : memref<2048xf32, #tpu.memory_space<vmem>>, vector<16xf32>,
      %add3A_1497 = arith.addf %add3A_1491, %get3A_1496 : vector<16xf32>
      %get3A_1498 = arith.constant 528 : index
      %get3A_1499 = tpu.vector_load %arg14[%get3A_1498] {strides = array<i32>} : memref<2048xf32, #tpu.memory_space<vmem>>, vector<16xf32>,
      %add3A_1500 = arith.addf %add3A_1494, %get3A_1499 : vector<16xf32>
      %get3A_1501 = arith.constant 528 : index
      %get3A_1502 = tpu.vector_load %arg15[%get3A_1501] {strides = array<i32>} : memref<2048xf32, #tpu.memory_space<vmem>>, vector<16xf32>,
      %add3A_1503 = arith.addf %add3A_1497, %get3A_1502 : vector<16xf32>
      %get3A_1504 = arith.constant 656 : index
      %get3A_1505 = tpu.vector_load %arg14[%get3A_1504] {strides = array<i32>} : memref<2048xf32, #tpu.memory_space<vmem>>, vector<16xf32>,
      %add3A_1506 = arith.addf %add3A_1500, %get3A_1505 : vector<16xf32>
      %get3A_1507 = arith.constant 656 : index
      %get3A_1508 = tpu.vector_load %arg15[%get3A_1507] {strides = array<i32>} : memref<2048xf32, #tpu.memory_space<vmem>>, vector<16xf32>,
      %add3A_1509 = arith.addf %add3A_1503, %get3A_1508 : vector<16xf32>
      %get3A_1510 = arith.constant 784 : index
      %get3A_1511 = tpu.vector_load %arg14[%get3A_1510] {strides = array<i32>} : memref<2048xf32, #tpu.memory_space<vmem>>, vector<16xf32>,
      %add3A_1512 = arith.addf %add3A_1506, %get3A_1511 : vector<16xf32>
      %get3A_1513 = arith.constant 784 : index
      %get3A_1514 = tpu.vector_load %arg15[%get3A_1513] {strides = array<i32>} : memref<2048xf32, #tpu.memory_space<vmem>>, vector<16xf32>,
      %add3A_1515 = arith.addf %add3A_1509, %get3A_1514 : vector<16xf32>
      %get3A_1516 = arith.constant 912 : index
      %get3A_1517 = tpu.vector_load %arg14[%get3A_1516] {strides = array<i32>} : memref<2048xf32, #tpu.memory_space<vmem>>, vector<16xf32>,
      %add3A_1518 = arith.addf %add3A_1512, %get3A_1517 : vector<16xf32>
      %get3A_1519 = arith.constant 912 : index
      %get3A_1520 = tpu.vector_load %arg15[%get3A_1519] {strides = array<i32>} : memref<2048xf32, #tpu.memory_space<vmem>>, vector<16xf32>,
      %add3A_1521 = arith.addf %add3A_1515, %get3A_1520 : vector<16xf32>
      %get3A_1522 = arith.constant 1040 : index
      %get3A_1523 = tpu.vector_load %arg14[%get3A_1522] {strides = array<i32>} : memref<2048xf32, #tpu.memory_space<vmem>>, vector<16xf32>,
      %add3A_1524 = arith.addf %add3A_1518, %get3A_1523 : vector<16xf32>
      %get3A_1525 = arith.constant 1040 : index
      %get3A_1526 = tpu.vector_load %arg15[%get3A_1525] {strides = array<i32>} : memref<2048xf32, #tpu.memory_space<vmem>>, vector<16xf32>,
      %add3A_1527 = arith.addf %add3A_1521, %get3A_1526 : vector<16xf32>
      %get3A_1528 = arith.constant 1168 : index
      %get3A_1529 = tpu.vector_load %arg14[%get3A_1528] {strides = array<i32>} : memref<2048xf32, #tpu.memory_space<vmem>>, vector<16xf32>,
      %add3A_1530 = arith.addf %add3A_1524, %get3A_1529 : vector<16xf32>
      %get3A_1531 = arith.constant 1168 : index
      %get3A_1532 = tpu.vector_load %arg15[%get3A_1531] {strides = array<i32>} : memref<2048xf32, #tpu.memory_space<vmem>>, vector<16xf32>,
      %add3A_1533 = arith.addf %add3A_1527, %get3A_1532 : vector<16xf32>
      %get3A_1534 = arith.constant 1296 : index
      %get3A_1535 = tpu.vector_load %arg14[%get3A_1534] {strides = array<i32>} : memref<2048xf32, #tpu.memory_space<vmem>>, vector<16xf32>,
      %add3A_1536 = arith.addf %add3A_1530, %get3A_1535 : vector<16xf32>
      %get3A_1537 = arith.constant 1296 : index
      %get3A_1538 = tpu.vector_load %arg15[%get3A_1537] {strides = array<i32>} : memref<2048xf32, #tpu.memory_space<vmem>>, vector<16xf32>,
      %add3A_1539 = arith.addf %add3A_1533, %get3A_1538 : vector<16xf32>
      %get3A_1540 = arith.constant 1424 : index
      %get3A_1541 = tpu.vector_load %arg14[%get3A_1540] {strides = array<i32>} : memref<2048xf32, #tpu.memory_space<vmem>>, vector<16xf32>,
      %add3A_1542 = arith.addf %add3A_1536, %get3A_1541 : vector<16xf32>
      %get3A_1543 = arith.constant 1424 : index
      %get3A_1544 = tpu.vector_load %arg15[%get3A_1543] {strides = array<i32>} : memref<2048xf32, #tpu.memory_space<vmem>>, vector<16xf32>,
      %add3A_1545 = arith.addf %add3A_1539, %get3A_1544 : vector<16xf32>
      %get3A_1546 = arith.constant 1552 : index
      %get3A_1547 = tpu.vector_load %arg14[%get3A_1546] {strides = array<i32>} : memref<2048xf32, #tpu.memory_space<vmem>>, vector<16xf32>,
      %add3A_1548 = arith.addf %add3A_1542, %get3A_1547 : vector<16xf32>
      %get3A_1549 = arith.constant 1552 : index
      %get3A_1550 = tpu.vector_load %arg15[%get3A_1549] {strides = array<i32>} : memref<2048xf32, #tpu.memory_space<vmem>>, vector<16xf32>,
      %add3A_1551 = arith.addf %add3A_1545, %get3A_1550 : vector<16xf32>
      %get3A_1552 = arith.constant 1680 : index
      %get3A_1553 = tpu.vector_load %arg14[%get3A_1552] {strides = array<i32>} : memref<2048xf32, #tpu.memory_space<vmem>>, vector<16xf32>,
      %add3A_1554 = arith.addf %add3A_1548, %get3A_1553 : vector<16xf32>
      %get3A_1555 = arith.constant 1680 : index
      %get3A_1556 = tpu.vector_load %arg15[%get3A_1555] {strides = array<i32>} : memref<2048xf32, #tpu.memory_space<vmem>>, vector<16xf32>,
      %add3A_1557 = arith.addf %add3A_1551, %get3A_1556 : vector<16xf32>
      %get3A_1558 = arith.constant 1808 : index
      %get3A_1559 = tpu.vector_load %arg14[%get3A_1558] {strides = array<i32>} : memref<2048xf32, #tpu.memory_space<vmem>>, vector<16xf32>,
      %add3A_1560 = arith.addf %add3A_1554, %get3A_1559 : vector<16xf32>
      %get3A_1561 = arith.constant 1808 : index
      %get3A_1562 = tpu.vector_load %arg15[%get3A_1561] {strides = array<i32>} : memref<2048xf32, #tpu.memory_space<vmem>>, vector<16xf32>,
      %add3A_1563 = arith.addf %add3A_1557, %get3A_1562 : vector<16xf32>
      %get3A_1564 = arith.constant 1936 : index
      %get3A_1565 = tpu.vector_load %arg14[%get3A_1564] {strides = array<i32>} : memref<2048xf32, #tpu.memory_space<vmem>>, vector<16xf32>,
      %add3A_1566 = arith.addf %add3A_1560, %get3A_1565 : vector<16xf32>
      %get3A_1567 = arith.constant 1936 : index
      %get3A_1568 = tpu.vector_load %arg15[%get3A_1567] {strides = array<i32>} : memref<2048xf32, #tpu.memory_space<vmem>>, vector<16xf32>,
      %add3A_1569 = arith.addf %add3A_1563, %get3A_1568 : vector<16xf32>
      %max3A_1570 = arith.constant 1.000000e+00 : f32
      %max3A_1571 = vector.broadcast %max3A_1570 : f32 to vector<16xf32>
      %max3A_1572 = arith.maximumf %add3A_1569, %max3A_1571 : vector<16xf32>
      %div3A_1573 = arith.divf %add3A_1566, %max3A_1572 : vector<16xf32>
      %add3A_1574 = arith.addf %div3A_1573, %gather3A : vector<16xf32>
      %swap3A_1575 = arith.constant 16 : index
      %swap3A_1576 = tpu.vector_load %arg17[%swap3A_1575] {strides = array<i32>} : memref<128xf32, #tpu.memory_space<vmem>>, vector<16xf32>,
      tpu.vector_store %arg17[%swap3A_1575], %add3A_1574 {strides = array<i32>} : memref<128xf32, #tpu.memory_space<vmem>>, vector<16xf32>,
      %get3A_1577 = arith.constant 32 : index
      %get3A_1578 = tpu.vector_load %arg14[%get3A_1577] {strides = array<i32>} : memref<2048xf32, #tpu.memory_space<vmem>>, vector<16xf32>,
      %get3A_1579 = arith.constant 32 : index
      %get3A_1580 = tpu.vector_load %arg15[%get3A_1579] {strides = array<i32>} : memref<2048xf32, #tpu.memory_space<vmem>>, vector<16xf32>,
      %get3A_1581 = arith.constant 160 : index
      %get3A_1582 = tpu.vector_load %arg14[%get3A_1581] {strides = array<i32>} : memref<2048xf32, #tpu.memory_space<vmem>>, vector<16xf32>,
      %add3A_1583 = arith.addf %get3A_1578, %get3A_1582 : vector<16xf32>
      %get3A_1584 = arith.constant 160 : index
      %get3A_1585 = tpu.vector_load %arg15[%get3A_1584] {strides = array<i32>} : memref<2048xf32, #tpu.memory_space<vmem>>, vector<16xf32>,
      %add3A_1586 = arith.addf %get3A_1580, %get3A_1585 : vector<16xf32>
      %get3A_1587 = arith.constant 288 : index
      %get3A_1588 = tpu.vector_load %arg14[%get3A_1587] {strides = array<i32>} : memref<2048xf32, #tpu.memory_space<vmem>>, vector<16xf32>,
      %add3A_1589 = arith.addf %add3A_1583, %get3A_1588 : vector<16xf32>
      %get3A_1590 = arith.constant 288 : index
      %get3A_1591 = tpu.vector_load %arg15[%get3A_1590] {strides = array<i32>} : memref<2048xf32, #tpu.memory_space<vmem>>, vector<16xf32>,
      %add3A_1592 = arith.addf %add3A_1586, %get3A_1591 : vector<16xf32>
      %get3A_1593 = arith.constant 416 : index
      %get3A_1594 = tpu.vector_load %arg14[%get3A_1593] {strides = array<i32>} : memref<2048xf32, #tpu.memory_space<vmem>>, vector<16xf32>,
      %add3A_1595 = arith.addf %add3A_1589, %get3A_1594 : vector<16xf32>
      %get3A_1596 = arith.constant 416 : index
      %get3A_1597 = tpu.vector_load %arg15[%get3A_1596] {strides = array<i32>} : memref<2048xf32, #tpu.memory_space<vmem>>, vector<16xf32>,
      %add3A_1598 = arith.addf %add3A_1592, %get3A_1597 : vector<16xf32>
      %get3A_1599 = arith.constant 544 : index
      %get3A_1600 = tpu.vector_load %arg14[%get3A_1599] {strides = array<i32>} : memref<2048xf32, #tpu.memory_space<vmem>>, vector<16xf32>,
      %add3A_1601 = arith.addf %add3A_1595, %get3A_1600 : vector<16xf32>
      %get3A_1602 = arith.constant 544 : index
      %get3A_1603 = tpu.vector_load %arg15[%get3A_1602] {strides = array<i32>} : memref<2048xf32, #tpu.memory_space<vmem>>, vector<16xf32>,
      %add3A_1604 = arith.addf %add3A_1598, %get3A_1603 : vector<16xf32>
      %get3A_1605 = arith.constant 672 : index
      %get3A_1606 = tpu.vector_load %arg14[%get3A_1605] {strides = array<i32>} : memref<2048xf32, #tpu.memory_space<vmem>>, vector<16xf32>,
      %add3A_1607 = arith.addf %add3A_1601, %get3A_1606 : vector<16xf32>
      %get3A_1608 = arith.constant 672 : index
      %get3A_1609 = tpu.vector_load %arg15[%get3A_1608] {strides = array<i32>} : memref<2048xf32, #tpu.memory_space<vmem>>, vector<16xf32>,
      %add3A_1610 = arith.addf %add3A_1604, %get3A_1609 : vector<16xf32>
      %get3A_1611 = arith.constant 800 : index
      %get3A_1612 = tpu.vector_load %arg14[%get3A_1611] {strides = array<i32>} : memref<2048xf32, #tpu.memory_space<vmem>>, vector<16xf32>,
      %add3A_1613 = arith.addf %add3A_1607, %get3A_1612 : vector<16xf32>
      %get3A_1614 = arith.constant 800 : index
      %get3A_1615 = tpu.vector_load %arg15[%get3A_1614] {strides = array<i32>} : memref<2048xf32, #tpu.memory_space<vmem>>, vector<16xf32>,
      %add3A_1616 = arith.addf %add3A_1610, %get3A_1615 : vector<16xf32>
      %get3A_1617 = arith.constant 928 : index
      %get3A_1618 = tpu.vector_load %arg14[%get3A_1617] {strides = array<i32>} : memref<2048xf32, #tpu.memory_space<vmem>>, vector<16xf32>,
      %add3A_1619 = arith.addf %add3A_1613, %get3A_1618 : vector<16xf32>
      %get3A_1620 = arith.constant 928 : index
      %get3A_1621 = tpu.vector_load %arg15[%get3A_1620] {strides = array<i32>} : memref<2048xf32, #tpu.memory_space<vmem>>, vector<16xf32>,
      %add3A_1622 = arith.addf %add3A_1616, %get3A_1621 : vector<16xf32>
      %get3A_1623 = arith.constant 1056 : index
      %get3A_1624 = tpu.vector_load %arg14[%get3A_1623] {strides = array<i32>} : memref<2048xf32, #tpu.memory_space<vmem>>, vector<16xf32>,
      %add3A_1625 = arith.addf %add3A_1619, %get3A_1624 : vector<16xf32>
      %get3A_1626 = arith.constant 1056 : index
      %get3A_1627 = tpu.vector_load %arg15[%get3A_1626] {strides = array<i32>} : memref<2048xf32, #tpu.memory_space<vmem>>, vector<16xf32>,
      %add3A_1628 = arith.addf %add3A_1622, %get3A_1627 : vector<16xf32>
      %get3A_1629 = arith.constant 1184 : index
      %get3A_1630 = tpu.vector_load %arg14[%get3A_1629] {strides = array<i32>} : memref<2048xf32, #tpu.memory_space<vmem>>, vector<16xf32>,
      %add3A_1631 = arith.addf %add3A_1625, %get3A_1630 : vector<16xf32>
      %get3A_1632 = arith.constant 1184 : index
      %get3A_1633 = tpu.vector_load %arg15[%get3A_1632] {strides = array<i32>} : memref<2048xf32, #tpu.memory_space<vmem>>, vector<16xf32>,
      %add3A_1634 = arith.addf %add3A_1628, %get3A_1633 : vector<16xf32>
      %get3A_1635 = arith.constant 1312 : index
      %get3A_1636 = tpu.vector_load %arg14[%get3A_1635] {strides = array<i32>} : memref<2048xf32, #tpu.memory_space<vmem>>, vector<16xf32>,
      %add3A_1637 = arith.addf %add3A_1631, %get3A_1636 : vector<16xf32>
      %get3A_1638 = arith.constant 1312 : index
      %get3A_1639 = tpu.vector_load %arg15[%get3A_1638] {strides = array<i32>} : memref<2048xf32, #tpu.memory_space<vmem>>, vector<16xf32>,
      %add3A_1640 = arith.addf %add3A_1634, %get3A_1639 : vector<16xf32>
      %get3A_1641 = arith.constant 1440 : index
      %get3A_1642 = tpu.vector_load %arg14[%get3A_1641] {strides = array<i32>} : memref<2048xf32, #tpu.memory_space<vmem>>, vector<16xf32>,
      %add3A_1643 = arith.addf %add3A_1637, %get3A_1642 : vector<16xf32>
      %get3A_1644 = arith.constant 1440 : index
      %get3A_1645 = tpu.vector_load %arg15[%get3A_1644] {strides = array<i32>} : memref<2048xf32, #tpu.memory_space<vmem>>, vector<16xf32>,
      %add3A_1646 = arith.addf %add3A_1640, %get3A_1645 : vector<16xf32>
      %get3A_1647 = arith.constant 1568 : index
      %get3A_1648 = tpu.vector_load %arg14[%get3A_1647] {strides = array<i32>} : memref<2048xf32, #tpu.memory_space<vmem>>, vector<16xf32>,
      %add3A_1649 = arith.addf %add3A_1643, %get3A_1648 : vector<16xf32>
      %get3A_1650 = arith.constant 1568 : index
      %get3A_1651 = tpu.vector_load %arg15[%get3A_1650] {strides = array<i32>} : memref<2048xf32, #tpu.memory_space<vmem>>, vector<16xf32>,
      %add3A_1652 = arith.addf %add3A_1646, %get3A_1651 : vector<16xf32>
      %get3A_1653 = arith.constant 1696 : index
      %get3A_1654 = tpu.vector_load %arg14[%get3A_1653] {strides = array<i32>} : memref<2048xf32, #tpu.memory_space<vmem>>, vector<16xf32>,
      %add3A_1655 = arith.addf %add3A_1649, %get3A_1654 : vector<16xf32>
      %get3A_1656 = arith.constant 1696 : index
      %get3A_1657 = tpu.vector_load %arg15[%get3A_1656] {strides = array<i32>} : memref<2048xf32, #tpu.memory_space<vmem>>, vector<16xf32>,
      %add3A_1658 = arith.addf %add3A_1652, %get3A_1657 : vector<16xf32>
      %get3A_1659 = arith.constant 1824 : index
      %get3A_1660 = tpu.vector_load %arg14[%get3A_1659] {strides = array<i32>} : memref<2048xf32, #tpu.memory_space<vmem>>, vector<16xf32>,
      %add3A_1661 = arith.addf %add3A_1655, %get3A_1660 : vector<16xf32>
      %get3A_1662 = arith.constant 1824 : index
      %get3A_1663 = tpu.vector_load %arg15[%get3A_1662] {strides = array<i32>} : memref<2048xf32, #tpu.memory_space<vmem>>, vector<16xf32>,
      %add3A_1664 = arith.addf %add3A_1658, %get3A_1663 : vector<16xf32>
      %get3A_1665 = arith.constant 1952 : index
      %get3A_1666 = tpu.vector_load %arg14[%get3A_1665] {strides = array<i32>} : memref<2048xf32, #tpu.memory_space<vmem>>, vector<16xf32>,
      %add3A_1667 = arith.addf %add3A_1661, %get3A_1666 : vector<16xf32>
      %get3A_1668 = arith.constant 1952 : index
      %get3A_1669 = tpu.vector_load %arg15[%get3A_1668] {strides = array<i32>} : memref<2048xf32, #tpu.memory_space<vmem>>, vector<16xf32>,
      %add3A_1670 = arith.addf %add3A_1664, %get3A_1669 : vector<16xf32>
      %max3A_1671 = arith.constant 1.000000e+00 : f32
      %max3A_1672 = vector.broadcast %max3A_1671 : f32 to vector<16xf32>
      %max3A_1673 = arith.maximumf %add3A_1670, %max3A_1672 : vector<16xf32>
      %div3A_1674 = arith.divf %add3A_1667, %max3A_1673 : vector<16xf32>
      %add3A_1675 = arith.addf %div3A_1674, %gather3A : vector<16xf32>
      %swap3A_1676 = arith.constant 32 : index
      %swap3A_1677 = tpu.vector_load %arg17[%swap3A_1676] {strides = array<i32>} : memref<128xf32, #tpu.memory_space<vmem>>, vector<16xf32>,
      tpu.vector_store %arg17[%swap3A_1676], %add3A_1675 {strides = array<i32>} : memref<128xf32, #tpu.memory_space<vmem>>, vector<16xf32>,
      %get3A_1678 = arith.constant 48 : index
      %get3A_1679 = tpu.vector_load %arg14[%get3A_1678] {strides = array<i32>} : memref<2048xf32, #tpu.memory_space<vmem>>, vector<16xf32>,
      %get3A_1680 = arith.constant 48 : index
      %get3A_1681 = tpu.vector_load %arg15[%get3A_1680] {strides = array<i32>} : memref<2048xf32, #tpu.memory_space<vmem>>, vector<16xf32>,
      %get3A_1682 = arith.constant 176 : index
      %get3A_1683 = tpu.vector_load %arg14[%get3A_1682] {strides = array<i32>} : memref<2048xf32, #tpu.memory_space<vmem>>, vector<16xf32>,
      %add3A_1684 = arith.addf %get3A_1679, %get3A_1683 : vector<16xf32>
      %get3A_1685 = arith.constant 176 : index
      %get3A_1686 = tpu.vector_load %arg15[%get3A_1685] {strides = array<i32>} : memref<2048xf32, #tpu.memory_space<vmem>>, vector<16xf32>,
      %add3A_1687 = arith.addf %get3A_1681, %get3A_1686 : vector<16xf32>
      %get3A_1688 = arith.constant 304 : index
      %get3A_1689 = tpu.vector_load %arg14[%get3A_1688] {strides = array<i32>} : memref<2048xf32, #tpu.memory_space<vmem>>, vector<16xf32>,
      %add3A_1690 = arith.addf %add3A_1684, %get3A_1689 : vector<16xf32>
      %get3A_1691 = arith.constant 304 : index
      %get3A_1692 = tpu.vector_load %arg15[%get3A_1691] {strides = array<i32>} : memref<2048xf32, #tpu.memory_space<vmem>>, vector<16xf32>,
      %add3A_1693 = arith.addf %add3A_1687, %get3A_1692 : vector<16xf32>
      %get3A_1694 = arith.constant 432 : index
      %get3A_1695 = tpu.vector_load %arg14[%get3A_1694] {strides = array<i32>} : memref<2048xf32, #tpu.memory_space<vmem>>, vector<16xf32>,
      %add3A_1696 = arith.addf %add3A_1690, %get3A_1695 : vector<16xf32>
      %get3A_1697 = arith.constant 432 : index
      %get3A_1698 = tpu.vector_load %arg15[%get3A_1697] {strides = array<i32>} : memref<2048xf32, #tpu.memory_space<vmem>>, vector<16xf32>,
      %add3A_1699 = arith.addf %add3A_1693, %get3A_1698 : vector<16xf32>
      %get3A_1700 = arith.constant 560 : index
      %get3A_1701 = tpu.vector_load %arg14[%get3A_1700] {strides = array<i32>} : memref<2048xf32, #tpu.memory_space<vmem>>, vector<16xf32>,
      %add3A_1702 = arith.addf %add3A_1696, %get3A_1701 : vector<16xf32>
      %get3A_1703 = arith.constant 560 : index
      %get3A_1704 = tpu.vector_load %arg15[%get3A_1703] {strides = array<i32>} : memref<2048xf32, #tpu.memory_space<vmem>>, vector<16xf32>,
      %add3A_1705 = arith.addf %add3A_1699, %get3A_1704 : vector<16xf32>
      %get3A_1706 = arith.constant 688 : index
      %get3A_1707 = tpu.vector_load %arg14[%get3A_1706] {strides = array<i32>} : memref<2048xf32, #tpu.memory_space<vmem>>, vector<16xf32>,
      %add3A_1708 = arith.addf %add3A_1702, %get3A_1707 : vector<16xf32>
      %get3A_1709 = arith.constant 688 : index
      %get3A_1710 = tpu.vector_load %arg15[%get3A_1709] {strides = array<i32>} : memref<2048xf32, #tpu.memory_space<vmem>>, vector<16xf32>,
      %add3A_1711 = arith.addf %add3A_1705, %get3A_1710 : vector<16xf32>
      %get3A_1712 = arith.constant 816 : index
      %get3A_1713 = tpu.vector_load %arg14[%get3A_1712] {strides = array<i32>} : memref<2048xf32, #tpu.memory_space<vmem>>, vector<16xf32>,
      %add3A_1714 = arith.addf %add3A_1708, %get3A_1713 : vector<16xf32>
      %get3A_1715 = arith.constant 816 : index
      %get3A_1716 = tpu.vector_load %arg15[%get3A_1715] {strides = array<i32>} : memref<2048xf32, #tpu.memory_space<vmem>>, vector<16xf32>,
      %add3A_1717 = arith.addf %add3A_1711, %get3A_1716 : vector<16xf32>
      %get3A_1718 = arith.constant 944 : index
      %get3A_1719 = tpu.vector_load %arg14[%get3A_1718] {strides = array<i32>} : memref<2048xf32, #tpu.memory_space<vmem>>, vector<16xf32>,
      %add3A_1720 = arith.addf %add3A_1714, %get3A_1719 : vector<16xf32>
      %get3A_1721 = arith.constant 944 : index
      %get3A_1722 = tpu.vector_load %arg15[%get3A_1721] {strides = array<i32>} : memref<2048xf32, #tpu.memory_space<vmem>>, vector<16xf32>,
      %add3A_1723 = arith.addf %add3A_1717, %get3A_1722 : vector<16xf32>
      %get3A_1724 = arith.constant 1072 : index
      %get3A_1725 = tpu.vector_load %arg14[%get3A_1724] {strides = array<i32>} : memref<2048xf32, #tpu.memory_space<vmem>>, vector<16xf32>,
      %add3A_1726 = arith.addf %add3A_1720, %get3A_1725 : vector<16xf32>
      %get3A_1727 = arith.constant 1072 : index
      %get3A_1728 = tpu.vector_load %arg15[%get3A_1727] {strides = array<i32>} : memref<2048xf32, #tpu.memory_space<vmem>>, vector<16xf32>,
      %add3A_1729 = arith.addf %add3A_1723, %get3A_1728 : vector<16xf32>
      %get3A_1730 = arith.constant 1200 : index
      %get3A_1731 = tpu.vector_load %arg14[%get3A_1730] {strides = array<i32>} : memref<2048xf32, #tpu.memory_space<vmem>>, vector<16xf32>,
      %add3A_1732 = arith.addf %add3A_1726, %get3A_1731 : vector<16xf32>
      %get3A_1733 = arith.constant 1200 : index
      %get3A_1734 = tpu.vector_load %arg15[%get3A_1733] {strides = array<i32>} : memref<2048xf32, #tpu.memory_space<vmem>>, vector<16xf32>,
      %add3A_1735 = arith.addf %add3A_1729, %get3A_1734 : vector<16xf32>
      %get3A_1736 = arith.constant 1328 : index
      %get3A_1737 = tpu.vector_load %arg14[%get3A_1736] {strides = array<i32>} : memref<2048xf32, #tpu.memory_space<vmem>>, vector<16xf32>,
      %add3A_1738 = arith.addf %add3A_1732, %get3A_1737 : vector<16xf32>
      %get3A_1739 = arith.constant 1328 : index
      %get3A_1740 = tpu.vector_load %arg15[%get3A_1739] {strides = array<i32>} : memref<2048xf32, #tpu.memory_space<vmem>>, vector<16xf32>,
      %add3A_1741 = arith.addf %add3A_1735, %get3A_1740 : vector<16xf32>
      %get3A_1742 = arith.constant 1456 : index
      %get3A_1743 = tpu.vector_load %arg14[%get3A_1742] {strides = array<i32>} : memref<2048xf32, #tpu.memory_space<vmem>>, vector<16xf32>,
      %add3A_1744 = arith.addf %add3A_1738, %get3A_1743 : vector<16xf32>
      %get3A_1745 = arith.constant 1456 : index
      %get3A_1746 = tpu.vector_load %arg15[%get3A_1745] {strides = array<i32>} : memref<2048xf32, #tpu.memory_space<vmem>>, vector<16xf32>,
      %add3A_1747 = arith.addf %add3A_1741, %get3A_1746 : vector<16xf32>
      %get3A_1748 = arith.constant 1584 : index
      %get3A_1749 = tpu.vector_load %arg14[%get3A_1748] {strides = array<i32>} : memref<2048xf32, #tpu.memory_space<vmem>>, vector<16xf32>,
      %add3A_1750 = arith.addf %add3A_1744, %get3A_1749 : vector<16xf32>
      %get3A_1751 = arith.constant 1584 : index
      %get3A_1752 = tpu.vector_load %arg15[%get3A_1751] {strides = array<i32>} : memref<2048xf32, #tpu.memory_space<vmem>>, vector<16xf32>,
      %add3A_1753 = arith.addf %add3A_1747, %get3A_1752 : vector<16xf32>
      %get3A_1754 = arith.constant 1712 : index
      %get3A_1755 = tpu.vector_load %arg14[%get3A_1754] {strides = array<i32>} : memref<2048xf32, #tpu.memory_space<vmem>>, vector<16xf32>,
      %add3A_1756 = arith.addf %add3A_1750, %get3A_1755 : vector<16xf32>
      %get3A_1757 = arith.constant 1712 : index
      %get3A_1758 = tpu.vector_load %arg15[%get3A_1757] {strides = array<i32>} : memref<2048xf32, #tpu.memory_space<vmem>>, vector<16xf32>,
      %add3A_1759 = arith.addf %add3A_1753, %get3A_1758 : vector<16xf32>
      %get3A_1760 = arith.constant 1840 : index
      %get3A_1761 = tpu.vector_load %arg14[%get3A_1760] {strides = array<i32>} : memref<2048xf32, #tpu.memory_space<vmem>>, vector<16xf32>,
      %add3A_1762 = arith.addf %add3A_1756, %get3A_1761 : vector<16xf32>
      %get3A_1763 = arith.constant 1840 : index
      %get3A_1764 = tpu.vector_load %arg15[%get3A_1763] {strides = array<i32>} : memref<2048xf32, #tpu.memory_space<vmem>>, vector<16xf32>,
      %add3A_1765 = arith.addf %add3A_1759, %get3A_1764 : vector<16xf32>
      %get3A_1766 = arith.constant 1968 : index
      %get3A_1767 = tpu.vector_load %arg14[%get3A_1766] {strides = array<i32>} : memref<2048xf32, #tpu.memory_space<vmem>>, vector<16xf32>,
      %add3A_1768 = arith.addf %add3A_1762, %get3A_1767 : vector<16xf32>
      %get3A_1769 = arith.constant 1968 : index
      %get3A_1770 = tpu.vector_load %arg15[%get3A_1769] {strides = array<i32>} : memref<2048xf32, #tpu.memory_space<vmem>>, vector<16xf32>,
      %add3A_1771 = arith.addf %add3A_1765, %get3A_1770 : vector<16xf32>
      %max3A_1772 = arith.constant 1.000000e+00 : f32
      %max3A_1773 = vector.broadcast %max3A_1772 : f32 to vector<16xf32>
      %max3A_1774 = arith.maximumf %add3A_1771, %max3A_1773 : vector<16xf32>
      %div3A_1775 = arith.divf %add3A_1768, %max3A_1774 : vector<16xf32>
      %add3A_1776 = arith.addf %div3A_1775, %gather3A : vector<16xf32>
      %swap3A_1777 = arith.constant 48 : index
      %swap3A_1778 = tpu.vector_load %arg17[%swap3A_1777] {strides = array<i32>} : memref<128xf32, #tpu.memory_space<vmem>>, vector<16xf32>,
      tpu.vector_store %arg17[%swap3A_1777], %add3A_1776 {strides = array<i32>} : memref<128xf32, #tpu.memory_space<vmem>>, vector<16xf32>,
      %get3A_1779 = arith.constant 64 : index
      %get3A_1780 = tpu.vector_load %arg14[%get3A_1779] {strides = array<i32>} : memref<2048xf32, #tpu.memory_space<vmem>>, vector<16xf32>,
      %get3A_1781 = arith.constant 64 : index
      %get3A_1782 = tpu.vector_load %arg15[%get3A_1781] {strides = array<i32>} : memref<2048xf32, #tpu.memory_space<vmem>>, vector<16xf32>,
      %get3A_1783 = arith.constant 192 : index
      %get3A_1784 = tpu.vector_load %arg14[%get3A_1783] {strides = array<i32>} : memref<2048xf32, #tpu.memory_space<vmem>>, vector<16xf32>,
      %add3A_1785 = arith.addf %get3A_1780, %get3A_1784 : vector<16xf32>
      %get3A_1786 = arith.constant 192 : index
      %get3A_1787 = tpu.vector_load %arg15[%get3A_1786] {strides = array<i32>} : memref<2048xf32, #tpu.memory_space<vmem>>, vector<16xf32>,
      %add3A_1788 = arith.addf %get3A_1782, %get3A_1787 : vector<16xf32>
      %get3A_1789 = arith.constant 320 : index
      %get3A_1790 = tpu.vector_load %arg14[%get3A_1789] {strides = array<i32>} : memref<2048xf32, #tpu.memory_space<vmem>>, vector<16xf32>,
      %add3A_1791 = arith.addf %add3A_1785, %get3A_1790 : vector<16xf32>
      %get3A_1792 = arith.constant 320 : index
      %get3A_1793 = tpu.vector_load %arg15[%get3A_1792] {strides = array<i32>} : memref<2048xf32, #tpu.memory_space<vmem>>, vector<16xf32>,
      %add3A_1794 = arith.addf %add3A_1788, %get3A_1793 : vector<16xf32>
      %get3A_1795 = arith.constant 448 : index
      %get3A_1796 = tpu.vector_load %arg14[%get3A_1795] {strides = array<i32>} : memref<2048xf32, #tpu.memory_space<vmem>>, vector<16xf32>,
      %add3A_1797 = arith.addf %add3A_1791, %get3A_1796 : vector<16xf32>
      %get3A_1798 = arith.constant 448 : index
      %get3A_1799 = tpu.vector_load %arg15[%get3A_1798] {strides = array<i32>} : memref<2048xf32, #tpu.memory_space<vmem>>, vector<16xf32>,
      %add3A_1800 = arith.addf %add3A_1794, %get3A_1799 : vector<16xf32>
      %get3A_1801 = arith.constant 576 : index
      %get3A_1802 = tpu.vector_load %arg14[%get3A_1801] {strides = array<i32>} : memref<2048xf32, #tpu.memory_space<vmem>>, vector<16xf32>,
      %add3A_1803 = arith.addf %add3A_1797, %get3A_1802 : vector<16xf32>
      %get3A_1804 = arith.constant 576 : index
      %get3A_1805 = tpu.vector_load %arg15[%get3A_1804] {strides = array<i32>} : memref<2048xf32, #tpu.memory_space<vmem>>, vector<16xf32>,
      %add3A_1806 = arith.addf %add3A_1800, %get3A_1805 : vector<16xf32>
      %get3A_1807 = arith.constant 704 : index
      %get3A_1808 = tpu.vector_load %arg14[%get3A_1807] {strides = array<i32>} : memref<2048xf32, #tpu.memory_space<vmem>>, vector<16xf32>,
      %add3A_1809 = arith.addf %add3A_1803, %get3A_1808 : vector<16xf32>
      %get3A_1810 = arith.constant 704 : index
      %get3A_1811 = tpu.vector_load %arg15[%get3A_1810] {strides = array<i32>} : memref<2048xf32, #tpu.memory_space<vmem>>, vector<16xf32>,
      %add3A_1812 = arith.addf %add3A_1806, %get3A_1811 : vector<16xf32>
      %get3A_1813 = arith.constant 832 : index
      %get3A_1814 = tpu.vector_load %arg14[%get3A_1813] {strides = array<i32>} : memref<2048xf32, #tpu.memory_space<vmem>>, vector<16xf32>,
      %add3A_1815 = arith.addf %add3A_1809, %get3A_1814 : vector<16xf32>
      %get3A_1816 = arith.constant 832 : index
      %get3A_1817 = tpu.vector_load %arg15[%get3A_1816] {strides = array<i32>} : memref<2048xf32, #tpu.memory_space<vmem>>, vector<16xf32>,
      %add3A_1818 = arith.addf %add3A_1812, %get3A_1817 : vector<16xf32>
      %get3A_1819 = arith.constant 960 : index
      %get3A_1820 = tpu.vector_load %arg14[%get3A_1819] {strides = array<i32>} : memref<2048xf32, #tpu.memory_space<vmem>>, vector<16xf32>,
      %add3A_1821 = arith.addf %add3A_1815, %get3A_1820 : vector<16xf32>
      %get3A_1822 = arith.constant 960 : index
      %get3A_1823 = tpu.vector_load %arg15[%get3A_1822] {strides = array<i32>} : memref<2048xf32, #tpu.memory_space<vmem>>, vector<16xf32>,
      %add3A_1824 = arith.addf %add3A_1818, %get3A_1823 : vector<16xf32>
      %get3A_1825 = arith.constant 1088 : index
      %get3A_1826 = tpu.vector_load %arg14[%get3A_1825] {strides = array<i32>} : memref<2048xf32, #tpu.memory_space<vmem>>, vector<16xf32>,
      %add3A_1827 = arith.addf %add3A_1821, %get3A_1826 : vector<16xf32>
      %get3A_1828 = arith.constant 1088 : index
      %get3A_1829 = tpu.vector_load %arg15[%get3A_1828] {strides = array<i32>} : memref<2048xf32, #tpu.memory_space<vmem>>, vector<16xf32>,
      %add3A_1830 = arith.addf %add3A_1824, %get3A_1829 : vector<16xf32>
      %get3A_1831 = arith.constant 1216 : index
      %get3A_1832 = tpu.vector_load %arg14[%get3A_1831] {strides = array<i32>} : memref<2048xf32, #tpu.memory_space<vmem>>, vector<16xf32>,
      %add3A_1833 = arith.addf %add3A_1827, %get3A_1832 : vector<16xf32>
      %get3A_1834 = arith.constant 1216 : index
      %get3A_1835 = tpu.vector_load %arg15[%get3A_1834] {strides = array<i32>} : memref<2048xf32, #tpu.memory_space<vmem>>, vector<16xf32>,
      %add3A_1836 = arith.addf %add3A_1830, %get3A_1835 : vector<16xf32>
      %get3A_1837 = arith.constant 1344 : index
      %get3A_1838 = tpu.vector_load %arg14[%get3A_1837] {strides = array<i32>} : memref<2048xf32, #tpu.memory_space<vmem>>, vector<16xf32>,
      %add3A_1839 = arith.addf %add3A_1833, %get3A_1838 : vector<16xf32>
      %get3A_1840 = arith.constant 1344 : index
      %get3A_1841 = tpu.vector_load %arg15[%get3A_1840] {strides = array<i32>} : memref<2048xf32, #tpu.memory_space<vmem>>, vector<16xf32>,
      %add3A_1842 = arith.addf %add3A_1836, %get3A_1841 : vector<16xf32>
      %get3A_1843 = arith.constant 1472 : index
      %get3A_1844 = tpu.vector_load %arg14[%get3A_1843] {strides = array<i32>} : memref<2048xf32, #tpu.memory_space<vmem>>, vector<16xf32>,
      %add3A_1845 = arith.addf %add3A_1839, %get3A_1844 : vector<16xf32>
      %get3A_1846 = arith.constant 1472 : index
      %get3A_1847 = tpu.vector_load %arg15[%get3A_1846] {strides = array<i32>} : memref<2048xf32, #tpu.memory_space<vmem>>, vector<16xf32>,
      %add3A_1848 = arith.addf %add3A_1842, %get3A_1847 : vector<16xf32>
      %get3A_1849 = arith.constant 1600 : index
      %get3A_1850 = tpu.vector_load %arg14[%get3A_1849] {strides = array<i32>} : memref<2048xf32, #tpu.memory_space<vmem>>, vector<16xf32>,
      %add3A_1851 = arith.addf %add3A_1845, %get3A_1850 : vector<16xf32>
      %get3A_1852 = arith.constant 1600 : index
      %get3A_1853 = tpu.vector_load %arg15[%get3A_1852] {strides = array<i32>} : memref<2048xf32, #tpu.memory_space<vmem>>, vector<16xf32>,
      %add3A_1854 = arith.addf %add3A_1848, %get3A_1853 : vector<16xf32>
      %get3A_1855 = arith.constant 1728 : index
      %get3A_1856 = tpu.vector_load %arg14[%get3A_1855] {strides = array<i32>} : memref<2048xf32, #tpu.memory_space<vmem>>, vector<16xf32>,
      %add3A_1857 = arith.addf %add3A_1851, %get3A_1856 : vector<16xf32>
      %get3A_1858 = arith.constant 1728 : index
      %get3A_1859 = tpu.vector_load %arg15[%get3A_1858] {strides = array<i32>} : memref<2048xf32, #tpu.memory_space<vmem>>, vector<16xf32>,
      %add3A_1860 = arith.addf %add3A_1854, %get3A_1859 : vector<16xf32>
      %get3A_1861 = arith.constant 1856 : index
      %get3A_1862 = tpu.vector_load %arg14[%get3A_1861] {strides = array<i32>} : memref<2048xf32, #tpu.memory_space<vmem>>, vector<16xf32>,
      %add3A_1863 = arith.addf %add3A_1857, %get3A_1862 : vector<16xf32>
      %get3A_1864 = arith.constant 1856 : index
      %get3A_1865 = tpu.vector_load %arg15[%get3A_1864] {strides = array<i32>} : memref<2048xf32, #tpu.memory_space<vmem>>, vector<16xf32>,
      %add3A_1866 = arith.addf %add3A_1860, %get3A_1865 : vector<16xf32>
      %get3A_1867 = arith.constant 1984 : index
      %get3A_1868 = tpu.vector_load %arg14[%get3A_1867] {strides = array<i32>} : memref<2048xf32, #tpu.memory_space<vmem>>, vector<16xf32>,
      %add3A_1869 = arith.addf %add3A_1863, %get3A_1868 : vector<16xf32>
      %get3A_1870 = arith.constant 1984 : index
      %get3A_1871 = tpu.vector_load %arg15[%get3A_1870] {strides = array<i32>} : memref<2048xf32, #tpu.memory_space<vmem>>, vector<16xf32>,
      %add3A_1872 = arith.addf %add3A_1866, %get3A_1871 : vector<16xf32>
      %max3A_1873 = arith.constant 1.000000e+00 : f32
      %max3A_1874 = vector.broadcast %max3A_1873 : f32 to vector<16xf32>
      %max3A_1875 = arith.maximumf %add3A_1872, %max3A_1874 : vector<16xf32>
      %div3A_1876 = arith.divf %add3A_1869, %max3A_1875 : vector<16xf32>
      %add3A_1877 = arith.addf %div3A_1876, %gather3A : vector<16xf32>
      %swap3A_1878 = arith.constant 64 : index
      %swap3A_1879 = tpu.vector_load %arg17[%swap3A_1878] {strides = array<i32>} : memref<128xf32, #tpu.memory_space<vmem>>, vector<16xf32>,
      tpu.vector_store %arg17[%swap3A_1878], %add3A_1877 {strides = array<i32>} : memref<128xf32, #tpu.memory_space<vmem>>, vector<16xf32>,
      %get3A_1880 = arith.constant 80 : index
      %get3A_1881 = tpu.vector_load %arg14[%get3A_1880] {strides = array<i32>} : memref<2048xf32, #tpu.memory_space<vmem>>, vector<16xf32>,
      %get3A_1882 = arith.constant 80 : index
      %get3A_1883 = tpu.vector_load %arg15[%get3A_1882] {strides = array<i32>} : memref<2048xf32, #tpu.memory_space<vmem>>, vector<16xf32>,
      %get3A_1884 = arith.constant 208 : index
      %get3A_1885 = tpu.vector_load %arg14[%get3A_1884] {strides = array<i32>} : memref<2048xf32, #tpu.memory_space<vmem>>, vector<16xf32>,
      %add3A_1886 = arith.addf %get3A_1881, %get3A_1885 : vector<16xf32>
      %get3A_1887 = arith.constant 208 : index
      %get3A_1888 = tpu.vector_load %arg15[%get3A_1887] {strides = array<i32>} : memref<2048xf32, #tpu.memory_space<vmem>>, vector<16xf32>,
      %add3A_1889 = arith.addf %get3A_1883, %get3A_1888 : vector<16xf32>
      %get3A_1890 = arith.constant 336 : index
      %get3A_1891 = tpu.vector_load %arg14[%get3A_1890] {strides = array<i32>} : memref<2048xf32, #tpu.memory_space<vmem>>, vector<16xf32>,
      %add3A_1892 = arith.addf %add3A_1886, %get3A_1891 : vector<16xf32>
      %get3A_1893 = arith.constant 336 : index
      %get3A_1894 = tpu.vector_load %arg15[%get3A_1893] {strides = array<i32>} : memref<2048xf32, #tpu.memory_space<vmem>>, vector<16xf32>,
      %add3A_1895 = arith.addf %add3A_1889, %get3A_1894 : vector<16xf32>
      %get3A_1896 = arith.constant 464 : index
      %get3A_1897 = tpu.vector_load %arg14[%get3A_1896] {strides = array<i32>} : memref<2048xf32, #tpu.memory_space<vmem>>, vector<16xf32>,
      %add3A_1898 = arith.addf %add3A_1892, %get3A_1897 : vector<16xf32>
      %get3A_1899 = arith.constant 464 : index
      %get3A_1900 = tpu.vector_load %arg15[%get3A_1899] {strides = array<i32>} : memref<2048xf32, #tpu.memory_space<vmem>>, vector<16xf32>,
      %add3A_1901 = arith.addf %add3A_1895, %get3A_1900 : vector<16xf32>
      %get3A_1902 = arith.constant 592 : index
      %get3A_1903 = tpu.vector_load %arg14[%get3A_1902] {strides = array<i32>} : memref<2048xf32, #tpu.memory_space<vmem>>, vector<16xf32>,
      %add3A_1904 = arith.addf %add3A_1898, %get3A_1903 : vector<16xf32>
      %get3A_1905 = arith.constant 592 : index
      %get3A_1906 = tpu.vector_load %arg15[%get3A_1905] {strides = array<i32>} : memref<2048xf32, #tpu.memory_space<vmem>>, vector<16xf32>,
      %add3A_1907 = arith.addf %add3A_1901, %get3A_1906 : vector<16xf32>
      %get3A_1908 = arith.constant 720 : index
      %get3A_1909 = tpu.vector_load %arg14[%get3A_1908] {strides = array<i32>} : memref<2048xf32, #tpu.memory_space<vmem>>, vector<16xf32>,
      %add3A_1910 = arith.addf %add3A_1904, %get3A_1909 : vector<16xf32>
      %get3A_1911 = arith.constant 720 : index
      %get3A_1912 = tpu.vector_load %arg15[%get3A_1911] {strides = array<i32>} : memref<2048xf32, #tpu.memory_space<vmem>>, vector<16xf32>,
      %add3A_1913 = arith.addf %add3A_1907, %get3A_1912 : vector<16xf32>
      %get3A_1914 = arith.constant 848 : index
      %get3A_1915 = tpu.vector_load %arg14[%get3A_1914] {strides = array<i32>} : memref<2048xf32, #tpu.memory_space<vmem>>, vector<16xf32>,
      %add3A_1916 = arith.addf %add3A_1910, %get3A_1915 : vector<16xf32>
      %get3A_1917 = arith.constant 848 : index
      %get3A_1918 = tpu.vector_load %arg15[%get3A_1917] {strides = array<i32>} : memref<2048xf32, #tpu.memory_space<vmem>>, vector<16xf32>,
      %add3A_1919 = arith.addf %add3A_1913, %get3A_1918 : vector<16xf32>
      %get3A_1920 = arith.constant 976 : index
      %get3A_1921 = tpu.vector_load %arg14[%get3A_1920] {strides = array<i32>} : memref<2048xf32, #tpu.memory_space<vmem>>, vector<16xf32>,
      %add3A_1922 = arith.addf %add3A_1916, %get3A_1921 : vector<16xf32>
      %get3A_1923 = arith.constant 976 : index
      %get3A_1924 = tpu.vector_load %arg15[%get3A_1923] {strides = array<i32>} : memref<2048xf32, #tpu.memory_space<vmem>>, vector<16xf32>,
      %add3A_1925 = arith.addf %add3A_1919, %get3A_1924 : vector<16xf32>
      %get3A_1926 = arith.constant 1104 : index
      %get3A_1927 = tpu.vector_load %arg14[%get3A_1926] {strides = array<i32>} : memref<2048xf32, #tpu.memory_space<vmem>>, vector<16xf32>,
      %add3A_1928 = arith.addf %add3A_1922, %get3A_1927 : vector<16xf32>
      %get3A_1929 = arith.constant 1104 : index
      %get3A_1930 = tpu.vector_load %arg15[%get3A_1929] {strides = array<i32>} : memref<2048xf32, #tpu.memory_space<vmem>>, vector<16xf32>,
      %add3A_1931 = arith.addf %add3A_1925, %get3A_1930 : vector<16xf32>
      %get3A_1932 = arith.constant 1232 : index
      %get3A_1933 = tpu.vector_load %arg14[%get3A_1932] {strides = array<i32>} : memref<2048xf32, #tpu.memory_space<vmem>>, vector<16xf32>,
      %add3A_1934 = arith.addf %add3A_1928, %get3A_1933 : vector<16xf32>
      %get3A_1935 = arith.constant 1232 : index
      %get3A_1936 = tpu.vector_load %arg15[%get3A_1935] {strides = array<i32>} : memref<2048xf32, #tpu.memory_space<vmem>>, vector<16xf32>,
      %add3A_1937 = arith.addf %add3A_1931, %get3A_1936 : vector<16xf32>
      %get3A_1938 = arith.constant 1360 : index
      %get3A_1939 = tpu.vector_load %arg14[%get3A_1938] {strides = array<i32>} : memref<2048xf32, #tpu.memory_space<vmem>>, vector<16xf32>,
      %add3A_1940 = arith.addf %add3A_1934, %get3A_1939 : vector<16xf32>
      %get3A_1941 = arith.constant 1360 : index
      %get3A_1942 = tpu.vector_load %arg15[%get3A_1941] {strides = array<i32>} : memref<2048xf32, #tpu.memory_space<vmem>>, vector<16xf32>,
      %add3A_1943 = arith.addf %add3A_1937, %get3A_1942 : vector<16xf32>
      %get3A_1944 = arith.constant 1488 : index
      %get3A_1945 = tpu.vector_load %arg14[%get3A_1944] {strides = array<i32>} : memref<2048xf32, #tpu.memory_space<vmem>>, vector<16xf32>,
      %add3A_1946 = arith.addf %add3A_1940, %get3A_1945 : vector<16xf32>
      %get3A_1947 = arith.constant 1488 : index
      %get3A_1948 = tpu.vector_load %arg15[%get3A_1947] {strides = array<i32>} : memref<2048xf32, #tpu.memory_space<vmem>>, vector<16xf32>,
      %add3A_1949 = arith.addf %add3A_1943, %get3A_1948 : vector<16xf32>
      %get3A_1950 = arith.constant 1616 : index
      %get3A_1951 = tpu.vector_load %arg14[%get3A_1950] {strides = array<i32>} : memref<2048xf32, #tpu.memory_space<vmem>>, vector<16xf32>,
      %add3A_1952 = arith.addf %add3A_1946, %get3A_1951 : vector<16xf32>
      %get3A_1953 = arith.constant 1616 : index
      %get3A_1954 = tpu.vector_load %arg15[%get3A_1953] {strides = array<i32>} : memref<2048xf32, #tpu.memory_space<vmem>>, vector<16xf32>,
      %add3A_1955 = arith.addf %add3A_1949, %get3A_1954 : vector<16xf32>
      %get3A_1956 = arith.constant 1744 : index
      %get3A_1957 = tpu.vector_load %arg14[%get3A_1956] {strides = array<i32>} : memref<2048xf32, #tpu.memory_space<vmem>>, vector<16xf32>,
      %add3A_1958 = arith.addf %add3A_1952, %get3A_1957 : vector<16xf32>
      %get3A_1959 = arith.constant 1744 : index
      %get3A_1960 = tpu.vector_load %arg15[%get3A_1959] {strides = array<i32>} : memref<2048xf32, #tpu.memory_space<vmem>>, vector<16xf32>,
      %add3A_1961 = arith.addf %add3A_1955, %get3A_1960 : vector<16xf32>
      %get3A_1962 = arith.constant 1872 : index
      %get3A_1963 = tpu.vector_load %arg14[%get3A_1962] {strides = array<i32>} : memref<2048xf32, #tpu.memory_space<vmem>>, vector<16xf32>,
      %add3A_1964 = arith.addf %add3A_1958, %get3A_1963 : vector<16xf32>
      %get3A_1965 = arith.constant 1872 : index
      %get3A_1966 = tpu.vector_load %arg15[%get3A_1965] {strides = array<i32>} : memref<2048xf32, #tpu.memory_space<vmem>>, vector<16xf32>,
      %add3A_1967 = arith.addf %add3A_1961, %get3A_1966 : vector<16xf32>
      %get3A_1968 = arith.constant 2000 : index
      %get3A_1969 = tpu.vector_load %arg14[%get3A_1968] {strides = array<i32>} : memref<2048xf32, #tpu.memory_space<vmem>>, vector<16xf32>,
      %add3A_1970 = arith.addf %add3A_1964, %get3A_1969 : vector<16xf32>
      %get3A_1971 = arith.constant 2000 : index
      %get3A_1972 = tpu.vector_load %arg15[%get3A_1971] {strides = array<i32>} : memref<2048xf32, #tpu.memory_space<vmem>>, vector<16xf32>,
      %add3A_1973 = arith.addf %add3A_1967, %get3A_1972 : vector<16xf32>
      %max3A_1974 = arith.constant 1.000000e+00 : f32
      %max3A_1975 = vector.broadcast %max3A_1974 : f32 to vector<16xf32>
      %max3A_1976 = arith.maximumf %add3A_1973, %max3A_1975 : vector<16xf32>
      %div3A_1977 = arith.divf %add3A_1970, %max3A_1976 : vector<16xf32>
      %add3A_1978 = arith.addf %div3A_1977, %gather3A : vector<16xf32>
      %swap3A_1979 = arith.constant 80 : index
      %swap3A_1980 = tpu.vector_load %arg17[%swap3A_1979] {strides = array<i32>} : memref<128xf32, #tpu.memory_space<vmem>>, vector<16xf32>,
      tpu.vector_store %arg17[%swap3A_1979], %add3A_1978 {strides = array<i32>} : memref<128xf32, #tpu.memory_space<vmem>>, vector<16xf32>,
      %get3A_1981 = arith.constant 96 : index
      %get3A_1982 = tpu.vector_load %arg14[%get3A_1981] {strides = array<i32>} : memref<2048xf32, #tpu.memory_space<vmem>>, vector<16xf32>,
      %get3A_1983 = arith.constant 96 : index
      %get3A_1984 = tpu.vector_load %arg15[%get3A_1983] {strides = array<i32>} : memref<2048xf32, #tpu.memory_space<vmem>>, vector<16xf32>,
      %get3A_1985 = arith.constant 224 : index
      %get3A_1986 = tpu.vector_load %arg14[%get3A_1985] {strides = array<i32>} : memref<2048xf32, #tpu.memory_space<vmem>>, vector<16xf32>,
      %add3A_1987 = arith.addf %get3A_1982, %get3A_1986 : vector<16xf32>
      %get3A_1988 = arith.constant 224 : index
      %get3A_1989 = tpu.vector_load %arg15[%get3A_1988] {strides = array<i32>} : memref<2048xf32, #tpu.memory_space<vmem>>, vector<16xf32>,
      %add3A_1990 = arith.addf %get3A_1984, %get3A_1989 : vector<16xf32>
      %get3A_1991 = arith.constant 352 : index
      %get3A_1992 = tpu.vector_load %arg14[%get3A_1991] {strides = array<i32>} : memref<2048xf32, #tpu.memory_space<vmem>>, vector<16xf32>,
      %add3A_1993 = arith.addf %add3A_1987, %get3A_1992 : vector<16xf32>
      %get3A_1994 = arith.constant 352 : index
      %get3A_1995 = tpu.vector_load %arg15[%get3A_1994] {strides = array<i32>} : memref<2048xf32, #tpu.memory_space<vmem>>, vector<16xf32>,
      %add3A_1996 = arith.addf %add3A_1990, %get3A_1995 : vector<16xf32>
      %get3A_1997 = arith.constant 480 : index
      %get3A_1998 = tpu.vector_load %arg14[%get3A_1997] {strides = array<i32>} : memref<2048xf32, #tpu.memory_space<vmem>>, vector<16xf32>,
      %add3A_1999 = arith.addf %add3A_1993, %get3A_1998 : vector<16xf32>
      %get3A_2000 = arith.constant 480 : index
      %get3A_2001 = tpu.vector_load %arg15[%get3A_2000] {strides = array<i32>} : memref<2048xf32, #tpu.memory_space<vmem>>, vector<16xf32>,
      %add3A_2002 = arith.addf %add3A_1996, %get3A_2001 : vector<16xf32>
      %get3A_2003 = arith.constant 608 : index
      %get3A_2004 = tpu.vector_load %arg14[%get3A_2003] {strides = array<i32>} : memref<2048xf32, #tpu.memory_space<vmem>>, vector<16xf32>,
      %add3A_2005 = arith.addf %add3A_1999, %get3A_2004 : vector<16xf32>
      %get3A_2006 = arith.constant 608 : index
      %get3A_2007 = tpu.vector_load %arg15[%get3A_2006] {strides = array<i32>} : memref<2048xf32, #tpu.memory_space<vmem>>, vector<16xf32>,
      %add3A_2008 = arith.addf %add3A_2002, %get3A_2007 : vector<16xf32>
      %get3A_2009 = arith.constant 736 : index
      %get3A_2010 = tpu.vector_load %arg14[%get3A_2009] {strides = array<i32>} : memref<2048xf32, #tpu.memory_space<vmem>>, vector<16xf32>,
      %add3A_2011 = arith.addf %add3A_2005, %get3A_2010 : vector<16xf32>
      %get3A_2012 = arith.constant 736 : index
      %get3A_2013 = tpu.vector_load %arg15[%get3A_2012] {strides = array<i32>} : memref<2048xf32, #tpu.memory_space<vmem>>, vector<16xf32>,
      %add3A_2014 = arith.addf %add3A_2008, %get3A_2013 : vector<16xf32>
      %get3A_2015 = arith.constant 864 : index
      %get3A_2016 = tpu.vector_load %arg14[%get3A_2015] {strides = array<i32>} : memref<2048xf32, #tpu.memory_space<vmem>>, vector<16xf32>,
      %add3A_2017 = arith.addf %add3A_2011, %get3A_2016 : vector<16xf32>
      %get3A_2018 = arith.constant 864 : index
      %get3A_2019 = tpu.vector_load %arg15[%get3A_2018] {strides = array<i32>} : memref<2048xf32, #tpu.memory_space<vmem>>, vector<16xf32>,
      %add3A_2020 = arith.addf %add3A_2014, %get3A_2019 : vector<16xf32>
      %get3A_2021 = arith.constant 992 : index
      %get3A_2022 = tpu.vector_load %arg14[%get3A_2021] {strides = array<i32>} : memref<2048xf32, #tpu.memory_space<vmem>>, vector<16xf32>,
      %add3A_2023 = arith.addf %add3A_2017, %get3A_2022 : vector<16xf32>
      %get3A_2024 = arith.constant 992 : index
      %get3A_2025 = tpu.vector_load %arg15[%get3A_2024] {strides = array<i32>} : memref<2048xf32, #tpu.memory_space<vmem>>, vector<16xf32>,
      %add3A_2026 = arith.addf %add3A_2020, %get3A_2025 : vector<16xf32>
      %get3A_2027 = arith.constant 1120 : index
      %get3A_2028 = tpu.vector_load %arg14[%get3A_2027] {strides = array<i32>} : memref<2048xf32, #tpu.memory_space<vmem>>, vector<16xf32>,
      %add3A_2029 = arith.addf %add3A_2023, %get3A_2028 : vector<16xf32>
      %get3A_2030 = arith.constant 1120 : index
      %get3A_2031 = tpu.vector_load %arg15[%get3A_2030] {strides = array<i32>} : memref<2048xf32, #tpu.memory_space<vmem>>, vector<16xf32>,
      %add3A_2032 = arith.addf %add3A_2026, %get3A_2031 : vector<16xf32>
      %get3A_2033 = arith.constant 1248 : index
      %get3A_2034 = tpu.vector_load %arg14[%get3A_2033] {strides = array<i32>} : memref<2048xf32, #tpu.memory_space<vmem>>, vector<16xf32>,
      %add3A_2035 = arith.addf %add3A_2029, %get3A_2034 : vector<16xf32>
      %get3A_2036 = arith.constant 1248 : index
      %get3A_2037 = tpu.vector_load %arg15[%get3A_2036] {strides = array<i32>} : memref<2048xf32, #tpu.memory_space<vmem>>, vector<16xf32>,
      %add3A_2038 = arith.addf %add3A_2032, %get3A_2037 : vector<16xf32>
      %get3A_2039 = arith.constant 1376 : index
      %get3A_2040 = tpu.vector_load %arg14[%get3A_2039] {strides = array<i32>} : memref<2048xf32, #tpu.memory_space<vmem>>, vector<16xf32>,
      %add3A_2041 = arith.addf %add3A_2035, %get3A_2040 : vector<16xf32>
      %get3A_2042 = arith.constant 1376 : index
      %get3A_2043 = tpu.vector_load %arg15[%get3A_2042] {strides = array<i32>} : memref<2048xf32, #tpu.memory_space<vmem>>, vector<16xf32>,
      %add3A_2044 = arith.addf %add3A_2038, %get3A_2043 : vector<16xf32>
      %get3A_2045 = arith.constant 1504 : index
      %get3A_2046 = tpu.vector_load %arg14[%get3A_2045] {strides = array<i32>} : memref<2048xf32, #tpu.memory_space<vmem>>, vector<16xf32>,
      %add3A_2047 = arith.addf %add3A_2041, %get3A_2046 : vector<16xf32>
      %get3A_2048 = arith.constant 1504 : index
      %get3A_2049 = tpu.vector_load %arg15[%get3A_2048] {strides = array<i32>} : memref<2048xf32, #tpu.memory_space<vmem>>, vector<16xf32>,
      %add3A_2050 = arith.addf %add3A_2044, %get3A_2049 : vector<16xf32>
      %get3A_2051 = arith.constant 1632 : index
      %get3A_2052 = tpu.vector_load %arg14[%get3A_2051] {strides = array<i32>} : memref<2048xf32, #tpu.memory_space<vmem>>, vector<16xf32>,
      %add3A_2053 = arith.addf %add3A_2047, %get3A_2052 : vector<16xf32>
      %get3A_2054 = arith.constant 1632 : index
      %get3A_2055 = tpu.vector_load %arg15[%get3A_2054] {strides = array<i32>} : memref<2048xf32, #tpu.memory_space<vmem>>, vector<16xf32>,
      %add3A_2056 = arith.addf %add3A_2050, %get3A_2055 : vector<16xf32>
      %get3A_2057 = arith.constant 1760 : index
      %get3A_2058 = tpu.vector_load %arg14[%get3A_2057] {strides = array<i32>} : memref<2048xf32, #tpu.memory_space<vmem>>, vector<16xf32>,
      %add3A_2059 = arith.addf %add3A_2053, %get3A_2058 : vector<16xf32>
      %get3A_2060 = arith.constant 1760 : index
      %get3A_2061 = tpu.vector_load %arg15[%get3A_2060] {strides = array<i32>} : memref<2048xf32, #tpu.memory_space<vmem>>, vector<16xf32>,
      %add3A_2062 = arith.addf %add3A_2056, %get3A_2061 : vector<16xf32>
      %get3A_2063 = arith.constant 1888 : index
      %get3A_2064 = tpu.vector_load %arg14[%get3A_2063] {strides = array<i32>} : memref<2048xf32, #tpu.memory_space<vmem>>, vector<16xf32>,
      %add3A_2065 = arith.addf %add3A_2059, %get3A_2064 : vector<16xf32>
      %get3A_2066 = arith.constant 1888 : index
      %get3A_2067 = tpu.vector_load %arg15[%get3A_2066] {strides = array<i32>} : memref<2048xf32, #tpu.memory_space<vmem>>, vector<16xf32>,
      %add3A_2068 = arith.addf %add3A_2062, %get3A_2067 : vector<16xf32>
      %get3A_2069 = arith.constant 2016 : index
      %get3A_2070 = tpu.vector_load %arg14[%get3A_2069] {strides = array<i32>} : memref<2048xf32, #tpu.memory_space<vmem>>, vector<16xf32>,
      %add3A_2071 = arith.addf %add3A_2065, %get3A_2070 : vector<16xf32>
      %get3A_2072 = arith.constant 2016 : index
      %get3A_2073 = tpu.vector_load %arg15[%get3A_2072] {strides = array<i32>} : memref<2048xf32, #tpu.memory_space<vmem>>, vector<16xf32>,
      %add3A_2074 = arith.addf %add3A_2068, %get3A_2073 : vector<16xf32>
      %max3A_2075 = arith.constant 1.000000e+00 : f32
      %max3A_2076 = vector.broadcast %max3A_2075 : f32 to vector<16xf32>
      %max3A_2077 = arith.maximumf %add3A_2074, %max3A_2076 : vector<16xf32>
      %div3A_2078 = arith.divf %add3A_2071, %max3A_2077 : vector<16xf32>
      %add3A_2079 = arith.addf %div3A_2078, %gather3A : vector<16xf32>
      %swap3A_2080 = arith.constant 96 : index
      %swap3A_2081 = tpu.vector_load %arg17[%swap3A_2080] {strides = array<i32>} : memref<128xf32, #tpu.memory_space<vmem>>, vector<16xf32>,
      tpu.vector_store %arg17[%swap3A_2080], %add3A_2079 {strides = array<i32>} : memref<128xf32, #tpu.memory_space<vmem>>, vector<16xf32>,
      %get3A_2082 = arith.constant 112 : index
      %get3A_2083 = tpu.vector_load %arg14[%get3A_2082] {strides = array<i32>} : memref<2048xf32, #tpu.memory_space<vmem>>, vector<16xf32>,
      %get3A_2084 = arith.constant 112 : index
      %get3A_2085 = tpu.vector_load %arg15[%get3A_2084] {strides = array<i32>} : memref<2048xf32, #tpu.memory_space<vmem>>, vector<16xf32>,
      %get3A_2086 = arith.constant 240 : index
      %get3A_2087 = tpu.vector_load %arg14[%get3A_2086] {strides = array<i32>} : memref<2048xf32, #tpu.memory_space<vmem>>, vector<16xf32>,
      %add3A_2088 = arith.addf %get3A_2083, %get3A_2087 : vector<16xf32>
      %get3A_2089 = arith.constant 240 : index
      %get3A_2090 = tpu.vector_load %arg15[%get3A_2089] {strides = array<i32>} : memref<2048xf32, #tpu.memory_space<vmem>>, vector<16xf32>,
      %add3A_2091 = arith.addf %get3A_2085, %get3A_2090 : vector<16xf32>
      %get3A_2092 = arith.constant 368 : index
      %get3A_2093 = tpu.vector_load %arg14[%get3A_2092] {strides = array<i32>} : memref<2048xf32, #tpu.memory_space<vmem>>, vector<16xf32>,
      %add3A_2094 = arith.addf %add3A_2088, %get3A_2093 : vector<16xf32>
      %get3A_2095 = arith.constant 368 : index
      %get3A_2096 = tpu.vector_load %arg15[%get3A_2095] {strides = array<i32>} : memref<2048xf32, #tpu.memory_space<vmem>>, vector<16xf32>,
      %add3A_2097 = arith.addf %add3A_2091, %get3A_2096 : vector<16xf32>
      %get3A_2098 = arith.constant 496 : index
      %get3A_2099 = tpu.vector_load %arg14[%get3A_2098] {strides = array<i32>} : memref<2048xf32, #tpu.memory_space<vmem>>, vector<16xf32>,
      %add3A_2100 = arith.addf %add3A_2094, %get3A_2099 : vector<16xf32>
      %get3A_2101 = arith.constant 496 : index
      %get3A_2102 = tpu.vector_load %arg15[%get3A_2101] {strides = array<i32>} : memref<2048xf32, #tpu.memory_space<vmem>>, vector<16xf32>,
      %add3A_2103 = arith.addf %add3A_2097, %get3A_2102 : vector<16xf32>
      %get3A_2104 = arith.constant 624 : index
      %get3A_2105 = tpu.vector_load %arg14[%get3A_2104] {strides = array<i32>} : memref<2048xf32, #tpu.memory_space<vmem>>, vector<16xf32>,
      %add3A_2106 = arith.addf %add3A_2100, %get3A_2105 : vector<16xf32>
      %get3A_2107 = arith.constant 624 : index
      %get3A_2108 = tpu.vector_load %arg15[%get3A_2107] {strides = array<i32>} : memref<2048xf32, #tpu.memory_space<vmem>>, vector<16xf32>,
      %add3A_2109 = arith.addf %add3A_2103, %get3A_2108 : vector<16xf32>
      %get3A_2110 = arith.constant 752 : index
      %get3A_2111 = tpu.vector_load %arg14[%get3A_2110] {strides = array<i32>} : memref<2048xf32, #tpu.memory_space<vmem>>, vector<16xf32>,
      %add3A_2112 = arith.addf %add3A_2106, %get3A_2111 : vector<16xf32>
      %get3A_2113 = arith.constant 752 : index
      %get3A_2114 = tpu.vector_load %arg15[%get3A_2113] {strides = array<i32>} : memref<2048xf32, #tpu.memory_space<vmem>>, vector<16xf32>,
      %add3A_2115 = arith.addf %add3A_2109, %get3A_2114 : vector<16xf32>
      %get3A_2116 = arith.constant 880 : index
      %get3A_2117 = tpu.vector_load %arg14[%get3A_2116] {strides = array<i32>} : memref<2048xf32, #tpu.memory_space<vmem>>, vector<16xf32>,
      %add3A_2118 = arith.addf %add3A_2112, %get3A_2117 : vector<16xf32>
      %get3A_2119 = arith.constant 880 : index
      %get3A_2120 = tpu.vector_load %arg15[%get3A_2119] {strides = array<i32>} : memref<2048xf32, #tpu.memory_space<vmem>>, vector<16xf32>,
      %add3A_2121 = arith.addf %add3A_2115, %get3A_2120 : vector<16xf32>
      %get3A_2122 = arith.constant 1008 : index
      %get3A_2123 = tpu.vector_load %arg14[%get3A_2122] {strides = array<i32>} : memref<2048xf32, #tpu.memory_space<vmem>>, vector<16xf32>,
      %add3A_2124 = arith.addf %add3A_2118, %get3A_2123 : vector<16xf32>
      %get3A_2125 = arith.constant 1008 : index
      %get3A_2126 = tpu.vector_load %arg15[%get3A_2125] {strides = array<i32>} : memref<2048xf32, #tpu.memory_space<vmem>>, vector<16xf32>,
      %add3A_2127 = arith.addf %add3A_2121, %get3A_2126 : vector<16xf32>
      %get3A_2128 = arith.constant 1136 : index
      %get3A_2129 = tpu.vector_load %arg14[%get3A_2128] {strides = array<i32>} : memref<2048xf32, #tpu.memory_space<vmem>>, vector<16xf32>,
      %add3A_2130 = arith.addf %add3A_2124, %get3A_2129 : vector<16xf32>
      %get3A_2131 = arith.constant 1136 : index
      %get3A_2132 = tpu.vector_load %arg15[%get3A_2131] {strides = array<i32>} : memref<2048xf32, #tpu.memory_space<vmem>>, vector<16xf32>,
      %add3A_2133 = arith.addf %add3A_2127, %get3A_2132 : vector<16xf32>
      %get3A_2134 = arith.constant 1264 : index
      %get3A_2135 = tpu.vector_load %arg14[%get3A_2134] {strides = array<i32>} : memref<2048xf32, #tpu.memory_space<vmem>>, vector<16xf32>,
      %add3A_2136 = arith.addf %add3A_2130, %get3A_2135 : vector<16xf32>
      %get3A_2137 = arith.constant 1264 : index
      %get3A_2138 = tpu.vector_load %arg15[%get3A_2137] {strides = array<i32>} : memref<2048xf32, #tpu.memory_space<vmem>>, vector<16xf32>,
      %add3A_2139 = arith.addf %add3A_2133, %get3A_2138 : vector<16xf32>
      %get3A_2140 = arith.constant 1392 : index
      %get3A_2141 = tpu.vector_load %arg14[%get3A_2140] {strides = array<i32>} : memref<2048xf32, #tpu.memory_space<vmem>>, vector<16xf32>,
      %add3A_2142 = arith.addf %add3A_2136, %get3A_2141 : vector<16xf32>
      %get3A_2143 = arith.constant 1392 : index
      %get3A_2144 = tpu.vector_load %arg15[%get3A_2143] {strides = array<i32>} : memref<2048xf32, #tpu.memory_space<vmem>>, vector<16xf32>,
      %add3A_2145 = arith.addf %add3A_2139, %get3A_2144 : vector<16xf32>
      %get3A_2146 = arith.constant 1520 : index
      %get3A_2147 = tpu.vector_load %arg14[%get3A_2146] {strides = array<i32>} : memref<2048xf32, #tpu.memory_space<vmem>>, vector<16xf32>,
      %add3A_2148 = arith.addf %add3A_2142, %get3A_2147 : vector<16xf32>
      %get3A_2149 = arith.constant 1520 : index
      %get3A_2150 = tpu.vector_load %arg15[%get3A_2149] {strides = array<i32>} : memref<2048xf32, #tpu.memory_space<vmem>>, vector<16xf32>,
      %add3A_2151 = arith.addf %add3A_2145, %get3A_2150 : vector<16xf32>
      %get3A_2152 = arith.constant 1648 : index
      %get3A_2153 = tpu.vector_load %arg14[%get3A_2152] {strides = array<i32>} : memref<2048xf32, #tpu.memory_space<vmem>>, vector<16xf32>,
      %add3A_2154 = arith.addf %add3A_2148, %get3A_2153 : vector<16xf32>
      %get3A_2155 = arith.constant 1648 : index
      %get3A_2156 = tpu.vector_load %arg15[%get3A_2155] {strides = array<i32>} : memref<2048xf32, #tpu.memory_space<vmem>>, vector<16xf32>,
      %add3A_2157 = arith.addf %add3A_2151, %get3A_2156 : vector<16xf32>
      %get3A_2158 = arith.constant 1776 : index
      %get3A_2159 = tpu.vector_load %arg14[%get3A_2158] {strides = array<i32>} : memref<2048xf32, #tpu.memory_space<vmem>>, vector<16xf32>,
      %add3A_2160 = arith.addf %add3A_2154, %get3A_2159 : vector<16xf32>
      %get3A_2161 = arith.constant 1776 : index
      %get3A_2162 = tpu.vector_load %arg15[%get3A_2161] {strides = array<i32>} : memref<2048xf32, #tpu.memory_space<vmem>>, vector<16xf32>,
      %add3A_2163 = arith.addf %add3A_2157, %get3A_2162 : vector<16xf32>
      %get3A_2164 = arith.constant 1904 : index
      %get3A_2165 = tpu.vector_load %arg14[%get3A_2164] {strides = array<i32>} : memref<2048xf32, #tpu.memory_space<vmem>>, vector<16xf32>,
      %add3A_2166 = arith.addf %add3A_2160, %get3A_2165 : vector<16xf32>
      %get3A_2167 = arith.constant 1904 : index
      %get3A_2168 = tpu.vector_load %arg15[%get3A_2167] {strides = array<i32>} : memref<2048xf32, #tpu.memory_space<vmem>>, vector<16xf32>,
      %add3A_2169 = arith.addf %add3A_2163, %get3A_2168 : vector<16xf32>
      %get3A_2170 = arith.constant 2032 : index
      %get3A_2171 = tpu.vector_load %arg14[%get3A_2170] {strides = array<i32>} : memref<2048xf32, #tpu.memory_space<vmem>>, vector<16xf32>,
      %add3A_2172 = arith.addf %add3A_2166, %get3A_2171 : vector<16xf32>
      %get3A_2173 = arith.constant 2032 : index
      %get3A_2174 = tpu.vector_load %arg15[%get3A_2173] {strides = array<i32>} : memref<2048xf32, #tpu.memory_space<vmem>>, vector<16xf32>,
      %add3A_2175 = arith.addf %add3A_2169, %get3A_2174 : vector<16xf32>
      %max3A_2176 = arith.constant 1.000000e+00 : f32
      %max3A_2177 = vector.broadcast %max3A_2176 : f32 to vector<16xf32>
      %max3A_2178 = arith.maximumf %add3A_2175, %max3A_2177 : vector<16xf32>
      %div3A_2179 = arith.divf %add3A_2172, %max3A_2178 : vector<16xf32>
      %add3A_2180 = arith.addf %div3A_2179, %gather3A : vector<16xf32>
      %swap3A_2181 = arith.constant 112 : index
      %swap3A_2182 = tpu.vector_load %arg17[%swap3A_2181] {strides = array<i32>} : memref<128xf32, #tpu.memory_space<vmem>>, vector<16xf32>,
      tpu.vector_store %arg17[%swap3A_2181], %add3A_2180 {strides = array<i32>} : memref<128xf32, #tpu.memory_space<vmem>>, vector<16xf32>,
      "tpu.region"() ({
        %run_scoped3A = tpu.sem_alloc : memref<!tpu.dma_semaphore, #tpu.memory_space<semaphore_mem>>
        tpu.enqueue_dma source(%arg17 : memref<128xf32, #tpu.memory_space<vmem>>) target(%arg5 : memref<128xf32, #tpu.memory_space<hbm>>) target_semaphore(%run_scoped3A : memref<!tpu.dma_semaphore, #tpu.memory_space<semaphore_mem>>)
        tpu.wait_dma2 semaphore(%run_scoped3A : memref<!tpu.dma_semaphore, #tpu.memory_space<semaphore_mem>>) src(%arg17 : memref<128xf32, #tpu.memory_space<vmem>>) dst(%arg5 : memref<128xf32, #tpu.memory_space<hbm>>)
        tpu.yield
      }) : () -> ()
    } else {
    }
    return
  }
}

module attributes {stable_mosaic.version = 14 : i64} {
  func.func @_rowdot_body(%arg0: i32, %arg1: memref<10240x256xf32, #tpu.memory_space<vmem>>, %arg2: memref<1x256xf32, #tpu.memory_space<vmem>>, %arg3: memref<80x128xf32, #tpu.memory_space<vmem>>) attributes {dimension_semantics = [#tpu.dimension_semantics<arbitrary>], iteration_bounds = array<i64: 5>, scalar_prefetch = 0 : i64, scratch_operands = 0 : i64, tpu.core_type = #tpu.core_type<tc>, window_params = [{transform_indices = @transform_0, window_bounds = array<i64: 10240, 256>}, {pipeline_mode = #tpu.pipeline_mode<synchronous>, transform_indices = @transform_1, window_bounds = array<i64: 1, 256>}, {transform_indices = @transform_2, window_bounds = array<i64: 80, 128>}]} {
    %get3A = arith.constant 0 : index
    %get3A_0 = arith.constant 0 : index
    %get3A_1 = vector.load %arg1[%get3A, %get3A_0] : memref<10240x256xf32, #tpu.memory_space<vmem>>, vector<10240x256xf32>
    %get3A_2 = arith.constant 0 : index
    %get3A_3 = arith.constant 0 : index
    %get3A_4 = vector.load %arg2[%get3A_2, %get3A_3] : memref<1x256xf32, #tpu.memory_space<vmem>>, vector<1x256xf32>
    %mul3A = vector.broadcast %get3A_4 : vector<1x256xf32> to vector<10240x256xf32>
    %mul3A_5 = arith.mulf %get3A_1, %mul3A : vector<10240x256xf32>
    %reduce_sum3A = arith.constant dense<0.000000e+00> : vector<10240xf32>
    %reduce_sum3A_6 = vector.multi_reduction <add>, %mul3A_5, %reduce_sum3A [1] : vector<10240x256xf32> to vector<10240xf32>
    %reshape3A = vector.shape_cast %reduce_sum3A_6 : vector<10240xf32> to vector<80x128xf32>
    %swap3A = arith.constant 0 : index
    %swap3A_7 = arith.constant 0 : index
    %swap3A_8 = vector.load %arg3[%swap3A, %swap3A_7] : memref<80x128xf32, #tpu.memory_space<vmem>>, vector<80x128xf32>
    tpu.vector_store %arg3[%swap3A, %swap3A_7], %reshape3A {strides = array<i32>} : memref<80x128xf32, #tpu.memory_space<vmem>>, vector<80x128xf32>,
    return
  }
  func.func @transform_0(%arg0: i32) -> (i32, i32) {
    %c0_i32 = arith.constant 0 : i32
    %c0_i32_0 = arith.constant 0 : i32
    return %arg0, %c0_i32 : i32, i32
  }
  func.func @transform_1(%arg0: i32) -> (i32, i32) {
    %c0_i32 = arith.constant 0 : i32
    %c0_i32_0 = arith.constant 0 : i32
    %c0_i32_1 = arith.constant 0 : i32
    return %c0_i32, %c0_i32_0 : i32, i32
  }
  func.func @transform_2(%arg0: i32) -> (i32, i32) {
    %c0_i32 = arith.constant 0 : i32
    %c0_i32_0 = arith.constant 0 : i32
    return %arg0, %c0_i32 : i32, i32
  }
}

</mosaic_0001>

<sc_bundles>
// kernel: kernel.4.cloned.1.call-start
scs
__scs_entry_jumppad:
0x0: {  	(pc) =	sbr.rel $0x88, $3  }
0x1: {  	(tag) =	ssettag $0x0;
	lr =	simm.s32 $0x1  }
0x2: {  	[smem:$0x3F9D] =	sst lr;
	_ =	strace $0xD0000000  }
0x3: {  	_ = 	snop  }
0x4: {  	_ = 	snop  }
0x5: {  	_ = 	snop  }
0x6: {  	_ = 	snop  }
0x7: {  	_ = 	snop  }
__scs_overlays_trampoline_lowered:
0x8: {  	[smem:$0x3FAC] =	sst s0  }
0x9: {  	[smem:$0x3FAD] =	sst s1  }
0xa: {  	[smem:$0x3FAE] =	sst s2  }
0xb: {  	[smem:$0x3FAF] =	sst s3  }
0xc: {  	[smem:$0x3FB0] =	sst s4  }
0xd: {  	[smem:$0x3FB1] =	sst s5  }
0xe: {  	[smem:$0x3FB2] =	sst s6  }
0xf: {  	[smem:$0x3FB3] =	sst s7  }
0x10: {  	[smem:$0x3FB4] =	sst s8  }
0x11: {  	[smem:$0x3FB5] =	sst s9;
	s0 =	simm.s32 @!p0 $0x0  }
0x12: {  	s1 =	sld [smem:$0x3F9B];
	s0 =	simm.s32 @p0 $0x1  }
0x13: {  	[smem:$0x3FB6] =	sst s0;
	s0 =	simm.s32 @!p1 $0x0  }
0x14: {  	s2 =	sld [smem:$0x3F9A];
	s0 =	simm.s32 @p1 $0x1  }
0x15: {  	[smem:$0x3FB7] =	sst s0;
	s0 =	simm.s32 @!p2 $0x0  }
0x16: {  	s3 =	sld [smem:$0x3FDB];
	s0 =	simm.s32 @p2 $0x1  }
0x17: {  	s4 =	simm.s32 $0x1BF5;
	[smem:$0x3FB9] =	sst s0  }
0x18: {  	s0 =	sld [smem:$0x3F9C];
	_ =	swait.ge [sflag:s4], $0x0  }
0x19: {  	s7 =	sld [smem:$0x3F9D]  }
0x1a: {  	s8 =	sadd.s32 $0xFFFFE003, lr  }
0x1b: {  	s9 =	sadd.s32 $0xFFFFFEF7, lr;
	s5 =	simm.s32 $0xFFFFFFFF;
	p2 =	slt.u32 s8, $0xFFFFF086  }
0x1c: {  	p1 =	slt.u32 s9, $0xF7A;
	s5 =	simm.s32 @!p2 $0x0  }
0x1d: {  	s5 =	simm.s32 @p1 $0x1;
	p0 =	seq.s32 s7, s2  }
0x1e: {  	s7 =	smul.u32 @!p0 $0xF7A, s2;
	p2 =	seq.s32 @!p0 s5, $0x0  }
0x1f: {  	s9 =	smul.u32 $0xF7A, s1;
	s8 =	simm.s32 @!p0 $0x1BF5;
	p2 =	por !p2, p0  }
0x20: {  	[sflag:s8] =	ssyncset.s32 @!p0 $0xFFFFF086;
	s6 =	sadd.s32 @!p0 s3, s7;
	s7 =	simm.s32 @!p0 $0x108  }
0x21: {  	s3 =	sadd.s32 s3, s9;
	s6 =	sadd.s32 @!p0 $0x88, s6;
	s7 =	simm.s32 @p2 $0x1082  }
0x22: {  	[simem:s7], [sflag:s8] =	dma.local @!p0 [hbm:s6], $0xF7A  }
0x23: {  	s9 =	sor.u32 $0xD0000000, s2;
	s6 =	simm.s32 $0x108;
	_ =	swait.ge @!p0 [sflag:s8], $0x0  }
0x24: {  	s3 =	sadd.s32 $0x88, s3;
	s6 =	simm.s32 @!p1 $0x1082;
	[sflag:s4] =	ssyncset.s32 $0xFFFFF086  }
0x25: {  	[simem:s6], [sflag:s4] =	dma.local [hbm:s3], $0xF7A  }
0x26: {  	[smem:$0x3F9D] =	sst s1;
	(tag) =	ssettag s2;
	_ =	strace s9  }
0x27: {  	s1 =	sld [smem:$0x3FAD]  }
0x28: {  	s2 =	sld [smem:$0x3FAE]  }
0x29: {  	s4 =	sld [smem:$0x3FB0]  }
0x2a: {  	p0 =	seq.s32 s5, $0x0;
	s5 =	sld [smem:$0x3FB1]  }
0x2b: {  	s6 =	sld [smem:$0x3FB2]  }
0x2c: {  	s7 =	sld [smem:$0x3FB3]  }
0x2d: {  	s3 =	simm.s32 $0x108;
	s8 =	sld [smem:$0x3FB4]  }
0x2e: {  	s3 =	simm.s32 @!p0 $0x1082;
	s9 =	sld [smem:$0x3FB5]  }
0x2f: {  	lr =	sadd.s32 s0, s3;
	s0 =	sld [smem:$0x3FAC]  }
0x30: {  	s3 =	sld [smem:$0x3FAF]  }
0x31: {  	[smem:$0x3FB8] =	sst s10  }
0x32: {  	s10 =	sld [smem:$0x3FB6];
	_ =	sdelay $0x3  }
0x33: {  	p0 =	seq.s32 s10, $0x1;
	s10 =	sld [smem:$0x3FB8];
	_ =	sdelay $0x3  }
0x34: {  	[smem:$0x3FB8] =	sst s10  }
0x35: {  	s10 =	sld [smem:$0x3FB7];
	_ =	sdelay $0x3  }
0x36: {  	p1 =	seq.s32 s10, $0x1;
	s10 =	sld [smem:$0x3FB8];
	_ =	sdelay $0x3  }
0x37: {  	[smem:$0x3FB8] =	sst s10  }
0x38: {  	s10 =	sld [smem:$0x3FB9]  }
0x39: {  	_ = 	snop;
	(pc) =	sbr.ind lr, $3  }
0x3a: {  	_ = 	snop  }
0x3b: {  	_ = 	snop  }
0x3c: {  	p2 =	seq.s32 s10, $0x1;
	s10 =	sld [smem:$0x3FB8]  }
0x3d: {  	_ =	shalt  }
0x3e: {  	_ =	shalt  }
0x3f: {  	_ =	shalt  }
0x40: {  	_ =	shalt  }
0x41: {  	_ =	shalt  }
0x42: {  	_ =	shalt  }
0x43: {  	_ =	shalt  }
0x44: {  	_ =	shalt  }
0x45: {  	_ =	shalt  }
0x46: {  	_ =	shalt  }
0x47: {  	_ =	shalt  }
0x48: {  	_ =	shalt  }
0x49: {  	_ =	shalt  }
0x4a: {  	_ =	shalt  }
0x4b: {  	_ =	shalt  }
0x4c: {  	_ =	shalt  }
0x4d: {  	_ =	shalt  }
0x4e: {  	_ =	shalt  }
0x4f: {  	_ =	shalt  }
0x50: {  	_ =	shalt  }
0x51: {  	_ =	shalt  }
0x52: {  	_ =	shalt  }
0x53: {  	_ =	shalt  }
0x54: {  	_ =	shalt  }
0x55: {  	_ =	shalt  }
0x56: {  	_ =	shalt  }
0x57: {  	_ =	shalt  }
0x58: {  	_ =	shalt  }
0x59: {  	_ =	shalt  }
0x5a: {  	_ =	shalt  }
0x5b: {  	_ =	shalt  }
0x5c: {  	_ =	shalt  }
0x5d: {  	_ =	shalt  }
0x5e: {  	_ =	shalt  }
0x5f: {  	_ =	shalt  }
0x60: {  	_ =	shalt  }
0x61: {  	_ =	shalt  }
0x62: {  	_ =	shalt  }
0x63: {  	_ =	shalt  }
0x64: {  	_ =	shalt  }
0x65: {  	_ =	shalt  }
0x66: {  	_ =	shalt  }
0x67: {  	_ =	shalt  }
0x68: {  	_ =	shalt  }
0x69: {  	_ =	shalt  }
0x6a: {  	_ =	shalt  }
0x6b: {  	_ =	shalt  }
0x6c: {  	_ =	shalt  }
0x6d: {  	_ =	shalt  }
0x6e: {  	_ =	shalt  }
0x6f: {  	_ =	shalt  }
0x70: {  	_ =	shalt  }
0x71: {  	_ =	shalt  }
0x72: {  	_ =	shalt  }
0x73: {  	_ =	shalt  }
0x74: {  	_ =	shalt  }
0x75: {  	_ =	shalt  }
0x76: {  	_ =	shalt  }
0x77: {  	_ =	shalt  }
0x78: {  	_ =	shalt  }
0x79: {  	_ =	shalt  }
0x7a: {  	_ =	shalt  }
0x7b: {  	_ =	shalt  }
0x7c: {  	_ =	shalt  }
0x7d: {  	_ =	shalt  }
0x7e: {  	_ =	shalt  }
0x7f: {  	_ =	shalt  }
0x80: {  	_ =	shalt  }
0x81: {  	_ =	shalt  }
0x82: {  	_ =	shalt  }
0x83: {  	_ =	shalt  }
0x84: {  	_ =	shalt  }
0x85: {  	_ =	shalt  }
0x86: {  	_ =	shalt  }
0x87: {  	_ =	shalt  }
.Lfunc_end0:
.L_simem_size_0:
called_computation_lowered:
.L_overlay_start_0:
0x88: {  	s0 =	sld [smem:$0x3FD9]  }
0x89: {  	s1 =	sld [smem:$0x3FFE];
	_ =	sdelay $0x3  }
0x8a: {  	s0 =	sadd.s32 s1, s0  }
0x8b: {  	[smem:$0x3FC4] =	sst s0  }
0x8c: {  	_ = 	snop  }
0x8d: {  	s0 =	sld [smem:$0x3FC6]  }
0x8e: {  	s16 =	sld [smem:$0x3FD0];
	(tm) =	ssettm $0x1  }
0x8f: {  	s2 =	sld [smem:$0x3FFB];
	_ =	sdelay $0x3  }
0x90: {  	_ =	strace s2  }
0x91: {  	s2 =	sld [smem:$0x3FFC];
	_ =	sdelay $0x3  }
0x92: {  	_ =	strace s2  }
0x93: {  	s2 =	sld [smem:$0x3FFD];
	_ =	sdelay $0x3  }
0x94: {  	_ =	strace s2  }
0x95: {  	_ =	strace $0x8FFFFFFF  }
0x96: {  	s17 =	sld [smem:$0x3FDB];
	_ =	sdelay $0x1  }
0x97: {  	s3 =	simm.s32 $_scs_section_size  }
0x98: {  	s4 =	simm.s32 $_size__tile_overlayer_lowered;
	s5 =	simm.s32 $_tile_overlayer_lowered  }
0x99: {  	s20 =	simm.s32 $0x1BFF;
	s19 =	sshll.u32 s5, $0x1;
	s2 =	sadd.s32 s3, s17  }
0x9a: {  	s6 =	simm.s32 $0x0;
	s18 =	sshll.u32 s4, $0x1;
	s4 =	sadd.s32 s19, s2  }
0x9b: {  	[timem:s6], [sflag:s20] =	dma.local [hbm:s4], s18  }
0x9c: {  	_ =	swait.ge [sflag:s20], s18  }
0x9d: {  	s3 =	ssub.s32 $0x0, s18;
	[sflag:s20] =	ssyncset.done $0x0  }
0x9e: {  	[sflag:s20] =	ssyncadd.s32 s3;
	_ =	sdelay $0x1  }
0x9f: {  	s21 =	simm.s32 $0x1B8B  }
0xa0: {  	_ =	swait.ge [sflag:s21], $0x1  }
0xa1: {  	[sflag:s21] =	ssyncset.done $0x0  }
0xa2: {  	s23 =	simm.s32 $0x1B8E;
	s22 =	sld [smem:$0x3FFE];
	[sflag:s21] =	ssyncadd.s32 $0xFFFFFFFF  }
0xa3: {  	s24 =	simm.s32 $execute0_lowered;
	[smem:$0x3FD2] =	sst s23  }
0xa4: {  	s4 =	sshll.u32 s24, $0x1;
	_ =	strace $0x80000046;
	[dreg:$0x1] =	wrdreg $0xFFFFFFFF  }
0xa5: {  	s25 =	simm.s32 $_size_execute0_lowered;
	s2 =	sadd.s32 s2, s4;
	[dreg:$0x0] =	wrdreg $0x0  }
0xa6: {  	s4 =	sshll.u32 s25, $0x1;
	[dreg:$0x2] =	wrdreg s2  }
0xa7: {  	[dreg:$0x3] =	wrdreg s4  }
0xa8: {  	[dreg:$0x4] =	wrdreg $0xC0  }
0xa9: {  	_ =	task [dreg:s6], $0x5FFFF  }
0xaa: {  	[dreg:$0x1] =	wrdreg $0xFFFFFFFF  }
0xab: {  	[dreg:$0x0] =	wrdreg $0x60  }
0xac: {  	[dreg:$0x2] =	wrdreg s22  }
0xad: {  	[dreg:$0x3] =	wrdreg s0  }
0xae: {  	[dreg:$0x4] =	wrdreg s16  }
0xaf: {  	[dreg:$0x5] =	wrdreg $0x2C000  }
0xb0: {  	[dreg:$0x6] =	wrdreg $0x2C800  }
0xb1: {  	[dreg:$0x7] =	wrdreg $0x9  }
0xb2: {  	_ =	task.clear_ibuf [dreg:s6], $0x8FFFF;
	_ =	strace $0x90000046  }
0xb3: {  	s26 =	simm.s32 $0x9;
	_ =	strace $0x80000048  }
0xb4: {  	_ =	swait.ge [sflag:s26], $0x1  }
0xb5: {  	[sflag:s26] =	ssyncadd.s32 $0xFFFFFFFF  }
0xb6: {  	_ =	strace $0x90000048  }
0xb7: {  	_ =	sfence  }
0xb8: {  	s28 =	sld [smem:$0x0];
	_ =	sdelay $0x1  }
0xb9: {  	s29 =	srdreg.scid  }
0xba: {  	s30 =	sshll.u32 s29, $0xD;
	s31 =	sshrl.u32 s29, $0x2  }
0xbb: {  	s1 =	sand.u32 $0x1, s29;
	s2 =	sand.u32 $0x4000, s30;
	s0 =	sadd.s32 s31, s28  }
0xbc: {  	s1 =	sor.u32 s2, s1;
	s0 =	sshll.u32 s0, $0x11  }
0xbd: {  	s0 =	sor.u32 s0, s1  }
0xbe: {  	s0 =	sadd.s32 $0x8F2B, s0  }
0xbf: {  	[sflag:s0] =	ssyncadd.remote.s32 $0x1  }
0xc0: {  	_ =	sfence.sel $0xFFFF  }
0xc1: {  	[dreg:$0x0] =	wrdreg $0xFFFFFFFF;
	(pc) =	sbr.abs _section_cstart, $3  }
0xc2: {  	[dreg:$0x1] =	wrdreg $0xFFFFFFFF  }
0xc3: {  	_ =	task.clear_ibuf [dreg:s6], $0x2FFFF;
	_ =	strace $0x9FFFFFFF  }
0xc4: {  	(tm) =	ssettm $0x7FFFFFFF  }
0xc5: {  	_ =	shalt  }
tec
execute0_lowered:
.L_overlay_start_1:
0x0: {  	(tag) =	ssettag $0x1  }
0x1: {  	s6 =	rddreg [dreg:$0x0]  }
0x2: {  	s2 =	rddreg [dreg:$0x1]  }
0x3: {  	s1 =	rddreg [dreg:$0x2]  }
0x4: {  	s4 =	rddreg [dreg:$0x3];
	s5 =	stileid.u32  }
0x5: {  	s3 =	rddreg [dreg:$0x4];
	s7 =	smul.u32 $0x190, s5  }
0x6: {  	s0 =	rddreg [dreg:$0x5];
	s8 =	simm.s32 $0x0  }
0x7: {  	[smem:$0x7FF] =	sst s8;
	s6 =	sadd.s32 s7, s6  }
0x8: {  	s31 =	simm.s32 $0x1;
	_ =	strace $0x80000047;
	s7 =	sadd.s32 $0xA00, s6  }
0x9: {  	[tilespmem:s8], [sflag:$0x1] =	stream.linear.gather [hbm4b:s7+s8], $0xC80, $0x38;
	[tilespmem:$0x3E00] =	vst v63  }
0xa: {  	_ =	swait.ge [sflag:s31], $0xC80  }
0xb: {  	[sflag:s31] =	ssyncset.done $0x0  }
0xc: {  	s9 =	simm.s32 $0xC80;
	s6 =	sadd.s32 $0x2400, s6;
	[sflag:s31] =	ssyncadd.s32 $0xFFFFF380  }
0xd: {  	[tilespmem:s9], [sflag:$0x1] =	stream.linear.gather [hbm4b:s6+s8], $0xC80, $0x38;
	[tilespmem:$0x3E00] =	vst v63  }
0xe: {  	_ =	swait.ge [sflag:s31], $0xC80  }
0xf: {  	[sflag:s31] =	ssyncset.done $0x0  }
0x10: {  	v0 =	vimm.f32 $0.0e+00;
	[sflag:s31] =	ssyncadd.s32 $0xFFFFF380  }
0x11: {  	[tilespmem:$0x1900] =	vst v0  }
0x12: {  	[tilespmem:$0x2200] =	vst v0  }
0x13: {  	[tilespmem:$0x1910] =	vst v0  }
0x14: {  	[tilespmem:$0x2210] =	vst v0  }
0x15: {  	[tilespmem:$0x1920] =	vst v0  }
0x16: {  	[tilespmem:$0x2220] =	vst v0  }
0x17: {  	[tilespmem:$0x1930] =	vst v0  }
0x18: {  	[tilespmem:$0x2230] =	vst v0  }
0x19: {  	[tilespmem:$0x1940] =	vst v0  }
0x1a: {  	[tilespmem:$0x2240] =	vst v0  }
0x1b: {  	[tilespmem:$0x1950] =	vst v0  }
0x1c: {  	[tilespmem:$0x2250] =	vst v0  }
0x1d: {  	[tilespmem:$0x1960] =	vst v0  }
0x1e: {  	[tilespmem:$0x2260] =	vst v0  }
0x1f: {  	[tilespmem:$0x1970] =	vst v0  }
0x20: {  	[tilespmem:$0x2270] =	vst v0  }
0x21: {  	[tilespmem:$0x1980] =	vst v0  }
0x22: {  	[tilespmem:$0x2280] =	vst v0  }
0x23: {  	[tilespmem:$0x1990] =	vst v0  }
0x24: {  	[tilespmem:$0x2290] =	vst v0  }
0x25: {  	[tilespmem:$0x19A0] =	vst v0  }
0x26: {  	[tilespmem:$0x22A0] =	vst v0  }
0x27: {  	[tilespmem:$0x19B0] =	vst v0  }
0x28: {  	[tilespmem:$0x22B0] =	vst v0  }
0x29: {  	[tilespmem:$0x19C0] =	vst v0  }
0x2a: {  	[tilespmem:$0x22C0] =	vst v0  }
0x2b: {  	[tilespmem:$0x19D0] =	vst v0  }
0x2c: {  	[tilespmem:$0x22D0] =	vst v0  }
0x2d: {  	[tilespmem:$0x19E0] =	vst v0  }
0x2e: {  	[tilespmem:$0x22E0] =	vst v0  }
0x2f: {  	[tilespmem:$0x19F0] =	vst v0  }
0x30: {  	[tilespmem:$0x22F0] =	vst v0  }
0x31: {  	[tilespmem:$0x1A00] =	vst v0  }
0x32: {  	[tilespmem:$0x2300] =	vst v0  }
0x33: {  	[tilespmem:$0x1A10] =	vst v0  }
0x34: {  	[tilespmem:$0x2310] =	vst v0  }
0x35: {  	[tilespmem:$0x1A20] =	vst v0  }
0x36: {  	[tilespmem:$0x2320] =	vst v0  }
0x37: {  	[tilespmem:$0x1A30] =	vst v0  }
0x38: {  	[tilespmem:$0x2330] =	vst v0  }
0x39: {  	[tilespmem:$0x1A40] =	vst v0  }
0x3a: {  	[tilespmem:$0x2340] =	vst v0  }
0x3b: {  	[tilespmem:$0x1A50] =	vst v0  }
0x3c: {  	[tilespmem:$0x2350] =	vst v0  }
0x3d: {  	[tilespmem:$0x1A60] =	vst v0  }
0x3e: {  	[tilespmem:$0x2360] =	vst v0  }
0x3f: {  	[tilespmem:$0x1A70] =	vst v0  }
0x40: {  	[tilespmem:$0x2370] =	vst v0  }
0x41: {  	[tilespmem:$0x1A80] =	vst v0  }
0x42: {  	[tilespmem:$0x2380] =	vst v0  }
0x43: {  	[tilespmem:$0x1A90] =	vst v0  }
0x44: {  	[tilespmem:$0x2390] =	vst v0  }
0x45: {  	[tilespmem:$0x1AA0] =	vst v0  }
0x46: {  	[tilespmem:$0x23A0] =	vst v0  }
0x47: {  	[tilespmem:$0x1AB0] =	vst v0  }
0x48: {  	[tilespmem:$0x23B0] =	vst v0  }
0x49: {  	[tilespmem:$0x1AC0] =	vst v0  }
0x4a: {  	[tilespmem:$0x23C0] =	vst v0  }
0x4b: {  	[tilespmem:$0x1AD0] =	vst v0  }
0x4c: {  	[tilespmem:$0x23D0] =	vst v0  }
0x4d: {  	[tilespmem:$0x1AE0] =	vst v0  }
0x4e: {  	[tilespmem:$0x23E0] =	vst v0  }
0x4f: {  	[tilespmem:$0x1AF0] =	vst v0  }
0x50: {  	[tilespmem:$0x23F0] =	vst v0  }
0x51: {  	[tilespmem:$0x1B00] =	vst v0  }
0x52: {  	[tilespmem:$0x2400] =	vst v0  }
0x53: {  	[tilespmem:$0x1B10] =	vst v0  }
0x54: {  	[tilespmem:$0x2410] =	vst v0  }
0x55: {  	[tilespmem:$0x1B20] =	vst v0  }
0x56: {  	[tilespmem:$0x2420] =	vst v0  }
0x57: {  	[tilespmem:$0x1B30] =	vst v0  }
0x58: {  	[tilespmem:$0x2430] =	vst v0  }
0x59: {  	[tilespmem:$0x1B40] =	vst v0  }
0x5a: {  	[tilespmem:$0x2440] =	vst v0  }
0x5b: {  	[tilespmem:$0x1B50] =	vst v0  }
0x5c: {  	[tilespmem:$0x2450] =	vst v0  }
0x5d: {  	[tilespmem:$0x1B60] =	vst v0  }
0x5e: {  	[tilespmem:$0x2460] =	vst v0  }
0x5f: {  	[tilespmem:$0x1B70] =	vst v0  }
0x60: {  	[tilespmem:$0x2470] =	vst v0  }
0x61: {  	[tilespmem:$0x1B80] =	vst v0  }
0x62: {  	[tilespmem:$0x2480] =	vst v0  }
0x63: {  	[tilespmem:$0x1B90] =	vst v0  }
0x64: {  	[tilespmem:$0x2490] =	vst v0  }
0x65: {  	[tilespmem:$0x1BA0] =	vst v0  }
0x66: {  	[tilespmem:$0x24A0] =	vst v0  }
0x67: {  	[tilespmem:$0x1BB0] =	vst v0  }
0x68: {  	[tilespmem:$0x24B0] =	vst v0  }
0x69: {  	[tilespmem:$0x1BC0] =	vst v0  }
0x6a: {  	[tilespmem:$0x24C0] =	vst v0  }
0x6b: {  	[tilespmem:$0x1BD0] =	vst v0  }
0x6c: {  	[tilespmem:$0x24D0] =	vst v0  }
0x6d: {  	[tilespmem:$0x1BE0] =	vst v0  }
0x6e: {  	[tilespmem:$0x24E0] =	vst v0  }
0x6f: {  	[tilespmem:$0x1BF0] =	vst v0  }
0x70: {  	[tilespmem:$0x24F0] =	vst v0  }
0x71: {  	[tilespmem:$0x1C00] =	vst v0  }
0x72: {  	[tilespmem:$0x2500] =	vst v0  }
0x73: {  	[tilespmem:$0x1C10] =	vst v0  }
0x74: {  	[tilespmem:$0x2510] =	vst v0  }
0x75: {  	[tilespmem:$0x1C20] =	vst v0  }
0x76: {  	[tilespmem:$0x2520] =	vst v0  }
0x77: {  	[tilespmem:$0x1C30] =	vst v0  }
0x78: {  	[tilespmem:$0x2530] =	vst v0  }
0x79: {  	[tilespmem:$0x1C40] =	vst v0  }
0x7a: {  	[tilespmem:$0x2540] =	vst v0  }
0x7b: {  	[tilespmem:$0x1C50] =	vst v0  }
0x7c: {  	[tilespmem:$0x2550] =	vst v0  }
0x7d: {  	[tilespmem:$0x1C60] =	vst v0  }
0x7e: {  	[tilespmem:$0x2560] =	vst v0  }
0x7f: {  	[tilespmem:$0x1C70] =	vst v0  }
0x80: {  	[tilespmem:$0x2570] =	vst v0  }
0x81: {  	[tilespmem:$0x1C80] =	vst v0  }
0x82: {  	[tilespmem:$0x2580] =	vst v0  }
0x83: {  	[tilespmem:$0x1C90] =	vst v0  }
0x84: {  	[tilespmem:$0x2590] =	vst v0  }
0x85: {  	[tilespmem:$0x1CA0] =	vst v0  }
0x86: {  	[tilespmem:$0x25A0] =	vst v0  }
0x87: {  	[tilespmem:$0x1CB0] =	vst v0  }
0x88: {  	[tilespmem:$0x25B0] =	vst v0  }
0x89: {  	[tilespmem:$0x1CC0] =	vst v0  }
0x8a: {  	[tilespmem:$0x25C0] =	vst v0  }
0x8b: {  	[tilespmem:$0x1CD0] =	vst v0  }
0x8c: {  	[tilespmem:$0x25D0] =	vst v0  }
0x8d: {  	[tilespmem:$0x1CE0] =	vst v0  }
0x8e: {  	[tilespmem:$0x25E0] =	vst v0  }
0x8f: {  	[tilespmem:$0x1CF0] =	vst v0  }
0x90: {  	[tilespmem:$0x25F0] =	vst v0  }
0x91: {  	[tilespmem:$0x1D00] =	vst v0  }
0x92: {  	[tilespmem:$0x2600] =	vst v0  }
0x93: {  	[tilespmem:$0x1D10] =	vst v0  }
0x94: {  	[tilespmem:$0x2610] =	vst v0  }
0x95: {  	[tilespmem:$0x1D20] =	vst v0  }
0x96: {  	[tilespmem:$0x2620] =	vst v0  }
0x97: {  	[tilespmem:$0x1D30] =	vst v0  }
0x98: {  	[tilespmem:$0x2630] =	vst v0  }
0x99: {  	[tilespmem:$0x1D40] =	vst v0  }
0x9a: {  	[tilespmem:$0x2640] =	vst v0  }
0x9b: {  	[tilespmem:$0x1D50] =	vst v0  }
0x9c: {  	[tilespmem:$0x2650] =	vst v0  }
0x9d: {  	[tilespmem:$0x1D60] =	vst v0  }
0x9e: {  	[tilespmem:$0x2660] =	vst v0  }
0x9f: {  	[tilespmem:$0x1D70] =	vst v0  }
0xa0: {  	[tilespmem:$0x2670] =	vst v0  }
0xa1: {  	[tilespmem:$0x1D80] =	vst v0  }
0xa2: {  	[tilespmem:$0x2680] =	vst v0  }
0xa3: {  	[tilespmem:$0x1D90] =	vst v0  }
0xa4: {  	[tilespmem:$0x2690] =	vst v0  }
0xa5: {  	[tilespmem:$0x1DA0] =	vst v0  }
0xa6: {  	[tilespmem:$0x26A0] =	vst v0  }
0xa7: {  	[tilespmem:$0x1DB0] =	vst v0  }
0xa8: {  	[tilespmem:$0x26B0] =	vst v0  }
0xa9: {  	[tilespmem:$0x1DC0] =	vst v0  }
0xaa: {  	[tilespmem:$0x26C0] =	vst v0  }
0xab: {  	[tilespmem:$0x1DD0] =	vst v0  }
0xac: {  	[tilespmem:$0x26D0] =	vst v0  }
0xad: {  	[tilespmem:$0x1DE0] =	vst v0  }
0xae: {  	[tilespmem:$0x26E0] =	vst v0  }
0xaf: {  	[tilespmem:$0x1DF0] =	vst v0  }
0xb0: {  	[tilespmem:$0x26F0] =	vst v0  }
0xb1: {  	[tilespmem:$0x1E00] =	vst v0  }
0xb2: {  	[tilespmem:$0x2700] =	vst v0  }
0xb3: {  	[tilespmem:$0x1E10] =	vst v0  }
0xb4: {  	[tilespmem:$0x2710] =	vst v0  }
0xb5: {  	[tilespmem:$0x1E20] =	vst v0  }
0xb6: {  	[tilespmem:$0x2720] =	vst v0  }
0xb7: {  	[tilespmem:$0x1E30] =	vst v0  }
0xb8: {  	[tilespmem:$0x2730] =	vst v0  }
0xb9: {  	[tilespmem:$0x1E40] =	vst v0  }
0xba: {  	[tilespmem:$0x2740] =	vst v0  }
0xbb: {  	[tilespmem:$0x1E50] =	vst v0  }
0xbc: {  	[tilespmem:$0x2750] =	vst v0  }
0xbd: {  	[tilespmem:$0x1E60] =	vst v0  }
0xbe: {  	[tilespmem:$0x2760] =	vst v0  }
0xbf: {  	[tilespmem:$0x1E70] =	vst v0  }
0xc0: {  	[tilespmem:$0x2770] =	vst v0  }
0xc1: {  	[tilespmem:$0x1E80] =	vst v0  }
0xc2: {  	[tilespmem:$0x2780] =	vst v0  }
0xc3: {  	[tilespmem:$0x1E90] =	vst v0  }
0xc4: {  	[tilespmem:$0x2790] =	vst v0  }
0xc5: {  	[tilespmem:$0x1EA0] =	vst v0  }
0xc6: {  	[tilespmem:$0x27A0] =	vst v0  }
0xc7: {  	[tilespmem:$0x1EB0] =	vst v0  }
0xc8: {  	[tilespmem:$0x27B0] =	vst v0  }
0xc9: {  	[tilespmem:$0x1EC0] =	vst v0  }
0xca: {  	[tilespmem:$0x27C0] =	vst v0  }
0xcb: {  	[tilespmem:$0x1ED0] =	vst v0  }
0xcc: {  	[tilespmem:$0x27D0] =	vst v0  }
0xcd: {  	[tilespmem:$0x1EE0] =	vst v0  }
0xce: {  	[tilespmem:$0x27E0] =	vst v0  }
0xcf: {  	[tilespmem:$0x1EF0] =	vst v0  }
0xd0: {  	[tilespmem:$0x27F0] =	vst v0  }
0xd1: {  	[tilespmem:$0x1F00] =	vst v0  }
0xd2: {  	[tilespmem:$0x2800] =	vst v0  }
0xd3: {  	[tilespmem:$0x1F10] =	vst v0  }
0xd4: {  	[tilespmem:$0x2810] =	vst v0  }
0xd5: {  	[tilespmem:$0x1F20] =	vst v0  }
0xd6: {  	[tilespmem:$0x2820] =	vst v0  }
0xd7: {  	[tilespmem:$0x1F30] =	vst v0  }
0xd8: {  	[tilespmem:$0x2830] =	vst v0  }
0xd9: {  	[tilespmem:$0x1F40] =	vst v0  }
0xda: {  	[tilespmem:$0x2840] =	vst v0  }
0xdb: {  	[tilespmem:$0x1F50] =	vst v0  }
0xdc: {  	[tilespmem:$0x2850] =	vst v0  }
0xdd: {  	[tilespmem:$0x1F60] =	vst v0  }
0xde: {  	[tilespmem:$0x2860] =	vst v0  }
0xdf: {  	[tilespmem:$0x1F70] =	vst v0  }
0xe0: {  	[tilespmem:$0x2870] =	vst v0  }
0xe1: {  	[tilespmem:$0x1F80] =	vst v0  }
0xe2: {  	[tilespmem:$0x2880] =	vst v0  }
0xe3: {  	[tilespmem:$0x1F90] =	vst v0  }
0xe4: {  	[tilespmem:$0x2890] =	vst v0  }
0xe5: {  	[tilespmem:$0x1FA0] =	vst v0  }
0xe6: {  	[tilespmem:$0x28A0] =	vst v0  }
0xe7: {  	[tilespmem:$0x1FB0] =	vst v0  }
0xe8: {  	[tilespmem:$0x28B0] =	vst v0  }
0xe9: {  	[tilespmem:$0x1FC0] =	vst v0  }
0xea: {  	[tilespmem:$0x28C0] =	vst v0  }
0xeb: {  	[tilespmem:$0x1FD0] =	vst v0  }
0xec: {  	[tilespmem:$0x28D0] =	vst v0  }
0xed: {  	[tilespmem:$0x1FE0] =	vst v0  }
0xee: {  	[tilespmem:$0x28E0] =	vst v0  }
0xef: {  	[tilespmem:$0x1FF0] =	vst v0  }
0xf0: {  	[tilespmem:$0x28F0] =	vst v0  }
0xf1: {  	[tilespmem:$0x2000] =	vst v0  }
0xf2: {  	[tilespmem:$0x2900] =	vst v0  }
0xf3: {  	[tilespmem:$0x2010] =	vst v0  }
0xf4: {  	[tilespmem:$0x2910] =	vst v0  }
0xf5: {  	[tilespmem:$0x2020] =	vst v0  }
0xf6: {  	[tilespmem:$0x2920] =	vst v0  }
0xf7: {  	[tilespmem:$0x2030] =	vst v0  }
0xf8: {  	[tilespmem:$0x2930] =	vst v0  }
0xf9: {  	[tilespmem:$0x2040] =	vst v0  }
0xfa: {  	[tilespmem:$0x2940] =	vst v0  }
0xfb: {  	[tilespmem:$0x2050] =	vst v0  }
0xfc: {  	[tilespmem:$0x2950] =	vst v0  }
0xfd: {  	[tilespmem:$0x2060] =	vst v0  }
0xfe: {  	[tilespmem:$0x2960] =	vst v0  }
0xff: {  	[tilespmem:$0x2070] =	vst v0  }
0x100: {  	[tilespmem:$0x2970] =	vst v0  }
0x101: {  	[tilespmem:$0x2080] =	vst v0  }
0x102: {  	[tilespmem:$0x2980] =	vst v0  }
0x103: {  	[tilespmem:$0x2090] =	vst v0  }
0x104: {  	[tilespmem:$0x2990] =	vst v0  }
0x105: {  	[tilespmem:$0x20A0] =	vst v0  }
0x106: {  	[tilespmem:$0x29A0] =	vst v0  }
0x107: {  	[tilespmem:$0x20B0] =	vst v0  }
0x108: {  	[tilespmem:$0x29B0] =	vst v0  }
0x109: {  	[tilespmem:$0x20C0] =	vst v0  }
0x10a: {  	[tilespmem:$0x29C0] =	vst v0  }
0x10b: {  	[tilespmem:$0x20D0] =	vst v0  }
0x10c: {  	[tilespmem:$0x29D0] =	vst v0  }
0x10d: {  	[tilespmem:$0x20E0] =	vst v0  }
0x10e: {  	[tilespmem:$0x29E0] =	vst v0  }
0x10f: {  	[tilespmem:$0x20F0] =	vst v0  }
0x110: {  	[tilespmem:$0x2AF0] =	vst v0  }
0x111: {  	[tilespmem:$0x21F0] =	vst v0  }
0x112: {  	[tilespmem:$0x2AE0] =	vst v0  }
0x113: {  	[tilespmem:$0x21E0] =	vst v0  }
0x114: {  	[tilespmem:$0x2AD0] =	vst v0  }
0x115: {  	[tilespmem:$0x21D0] =	vst v0  }
0x116: {  	[tilespmem:$0x2AC0] =	vst v0  }
0x117: {  	[tilespmem:$0x21C0] =	vst v0  }
0x118: {  	[tilespmem:$0x2AB0] =	vst v0  }
0x119: {  	[tilespmem:$0x21B0] =	vst v0  }
0x11a: {  	[tilespmem:$0x2AA0] =	vst v0  }
0x11b: {  	[tilespmem:$0x21A0] =	vst v0  }
0x11c: {  	[tilespmem:$0x2A90] =	vst v0  }
0x11d: {  	[tilespmem:$0x2190] =	vst v0  }
0x11e: {  	[tilespmem:$0x2A80] =	vst v0  }
0x11f: {  	[tilespmem:$0x2180] =	vst v0  }
0x120: {  	[tilespmem:$0x2A70] =	vst v0  }
0x121: {  	[tilespmem:$0x2170] =	vst v0  }
0x122: {  	[tilespmem:$0x2A60] =	vst v0  }
0x123: {  	[tilespmem:$0x2160] =	vst v0  }
0x124: {  	[tilespmem:$0x2A50] =	vst v0  }
0x125: {  	[tilespmem:$0x2150] =	vst v0  }
0x126: {  	[tilespmem:$0x2A40] =	vst v0  }
0x127: {  	[tilespmem:$0x2140] =	vst v0  }
0x128: {  	[tilespmem:$0x2A30] =	vst v0  }
0x129: {  	[tilespmem:$0x2130] =	vst v0  }
0x12a: {  	[tilespmem:$0x2A20] =	vst v0  }
0x12b: {  	[tilespmem:$0x2120] =	vst v0  }
0x12c: {  	[tilespmem:$0x2A10] =	vst v0  }
0x12d: {  	[tilespmem:$0x2110] =	vst v0  }
0x12e: {  	[tilespmem:$0x2A00] =	vst v0  }
0x12f: {  	[tilespmem:$0x2100] =	vst v0  }
0x130: {  	s9 =	simm.s32 $0x0;
	[tilespmem:$0x29F0] =	vst v0;
	v0 =	vlaneseq.u32  }
0x131: {  	v1 =	vimm.f32 $1.000000000e+00;
	s7 =	simm.s32 $0x2200;
	s6 =	simm.s32 $0x1900;
	s8 =	simm.s32 $0x40;
	v0 =	vmul.u32 $0x90, v0;
	v2 =	vld [tilespmem:s9+$0xC80]  }
.LBB2_1:
0x132: {  	p0 =	sne.s32 s8, $0x31C0;
	_ =	sdelay $0x3  }
0x133: {  	v3 =	vld [tilespmem:s9+$0x0];
	v2 =	vadd.s32 v0, v2;
	_ =	sdelay $0x2  }
.Ltmp0:
0x134: {  	(pc) =	sbr.rel @p0 .LBB2_1-.Ltmp0, $4  }
0x135: {  	_ = 	snop  }
0x136: {  	[tilespmem:v2+s6+$0x0] =	vst.idx.add.f32.msk $0xffff, v3  }
0x137: {  	s9 =	sshra.s32 s8, $0x2;
	[tilespmem:v2+s7+$0x0] =	vst.idx.add.f32.msk $0xffff, v1  }
0x138: {  	s8 =	sadd.s32 $0x40, s8;
	v2 =	vld [tilespmem:s9+$0xC80]  }
0x139: {  	_ =	sdelay $0x3  }
0x13a: {  	v3 =	vld [tilespmem:s9+$0x0];
	v0 =	vadd.s32 v0, v2;
	_ =	sdelay $0x4  }
0x13b: {  	[tilespmem:v0+s6+$0x0] =	vst.idx.add.f32.msk $0xffff, v3  }
0x13c: {  	[tilespmem:v0+s7+$0x0] =	vst.idx.add.f32.msk $0xffff, v1  }
0x13d: {  	v22 =	vld [tilespmem:$0x1900]  }
0x13e: {  	v24 =	vld [tilespmem:$0x2200]  }
0x13f: {  	v17 =	vld [tilespmem:$0x1990]  }
0x140: {  	v20 =	vld [tilespmem:$0x2290]  }
0x141: {  	v23 =	vld [tilespmem:$0x1A20]  }
0x142: {  	v28 =	vld [tilespmem:$0x2320]  }
0x143: {  	v31 =	vld [tilespmem:$0x1AB0]  }
0x144: {  	v34 =	vld [tilespmem:$0x23B0]  }
0x145: {  	v37 =	vld [tilespmem:$0x1B40]  }
0x146: {  	v40 =	vld [tilespmem:$0x2440]  }
0x147: {  	v43 =	vld [tilespmem:$0x1BD0]  }
0x148: {  	v46 =	vld [tilespmem:$0x24D0]  }
0x149: {  	v49 =	vld [tilespmem:$0x1C60]  }
0x14a: {  	v52 =	vld [tilespmem:$0x2560]  }
0x14b: {  	v55 =	vld [tilespmem:$0x1CF0]  }
0x14c: {  	v58 =	vld [tilespmem:$0x25F0]  }
0x14d: {  	v62 =	vld [tilespmem:$0x1D80]  }
0x14e: {  	v0 =	vld [tilespmem:$0x2680]  }
0x14f: {  	v39 =	vld [tilespmem:$0x1E10]  }
0x150: {  	v41 =	vld [tilespmem:$0x2710]  }
0x151: {  	v42 =	vld [tilespmem:$0x1EA0]  }
0x152: {  	v44 =	vld [tilespmem:$0x27A0]  }
0x153: {  	v45 =	vld [tilespmem:$0x1F30]  }
0x154: {  	v47 =	vld [tilespmem:$0x2830]  }
0x155: {  	v48 =	vld [tilespmem:$0x1FC0]  }
0x156: {  	v50 =	vld [tilespmem:$0x28C0]  }
0x157: {  	v51 =	vld [tilespmem:$0x2050]  }
0x158: {  	v53 =	vld [tilespmem:$0x2950]  }
0x159: {  	v54 =	vld [tilespmem:$0x20E0]  }
0x15a: {  	v56 =	vld [tilespmem:$0x29E0]  }
0x15b: {  	v57 =	vld [tilespmem:$0x2170]  }
0x15c: {  	v59 =	vld [tilespmem:$0x2A70]  }
0x15d: {  	v1 =	vld [tilespmem:$0x1910]  }
0x15e: {  	v3 =	vld [tilespmem:$0x2210]  }
0x15f: {  	v2 =	vld [tilespmem:$0x22A0]  }
0x160: {  	v4 =	vld [tilespmem:$0x1A30]  }
0x161: {  	v5 =	vld [tilespmem:$0x2330]  }
0x162: {  	v6 =	vld [tilespmem:$0x1AC0]  }
0x163: {  	v7 =	vld [tilespmem:$0x23C0]  }
0x164: {  	v8 =	vld [tilespmem:$0x1B50]  }
0x165: {  	v9 =	vld [tilespmem:$0x2450]  }
0x166: {  	v10 =	vld [tilespmem:$0x1BE0]  }
0x167: {  	v11 =	vld [tilespmem:$0x24E0]  }
0x168: {  	v12 =	vld [tilespmem:$0x1C70]  }
0x169: {  	v13 =	vld [tilespmem:$0x2570]  }
0x16a: {  	v14 =	vld [tilespmem:$0x1D00]  }
0x16b: {  	v16 =	vld [tilespmem:$0x2600]  }
0x16c: {  	v21 =	vld [tilespmem:$0x1D90]  }
0x16d: {  	v25 =	vld [tilespmem:$0x2690]  }
0x16e: {  	v29 =	vld [tilespmem:$0x1E20]  }
0x16f: {  	v32 =	vld [tilespmem:$0x2720]  }
0x170: {  	v36 =	vld [tilespmem:$0x1EB0]  }
0x171: {  	v61 =	vld [tilespmem:$0x20F0]  }
0x172: {  	v15 =	vld [tilespmem:$0x29F0]  }
0x173: {  	v60 =	vld [tilespmem:$0x2180]  }
0x174: {  	v63 =	vld [tilespmem:$0x2A80]  }
0x175: {  	v18 =	vld [tilespmem:$0x1920]  }
0x176: {  	v19 =	vld [tilespmem:$0x2220]  }
0x177: {  	v26 =	vld [tilespmem:$0x22B0]  }
0x178: {  	v27 =	vld [tilespmem:$0x1A40]  }
0x179: {  	v30 =	vld [tilespmem:$0x2340]  }
0x17a: {  	v33 =	vld [tilespmem:$0x1AD0]  }
0x17b: {  	v35 =	vld [tilespmem:$0x23D0]  }
0x17c: {  	v38 =	vld [tilespmem:$0x1B60]  }
0x17d: {  	[tilespmem:$0x1FA70] =	vst v0;
	v0 =	vld [tilespmem:$0x19A0]  }
0x17e: {  	[tilespmem:$0x1FA80] =	vst v39;
	v39 =	vld [tilespmem:$0x27B0]  }
0x17f: {  	[tilespmem:$0x1FAA0] =	vst v42;
	v42 =	vld [tilespmem:$0x1F40]  }
0x180: {  	[tilespmem:$0x1FAB0] =	vst v44;
	v44 =	vld [tilespmem:$0x2840]  }
0x181: {  	[tilespmem:$0x1FAD0] =	vst v47;
	v47 =	vld [tilespmem:$0x1FD0]  }
0x182: {  	[tilespmem:$0x1FAF0] =	vst v50;
	v50 =	vld [tilespmem:$0x28D0]  }
0x183: {  	[tilespmem:$0x1FB20] =	vst v54;
	v54 =	vld [tilespmem:$0x2060]  }
0x184: {  	[tilespmem:$0x1FB30] =	vst v56;
	v56 =	vld [tilespmem:$0x2960]  }
0x185: {  	[tilespmem:$0x1FB70] =	vst v60;
	v60 =	vld [tilespmem:$0x19B0]  }
0x186: {  	[tilespmem:$0x1FA90] =	vst v41;
	v41 =	vld [tilespmem:$0x2460]  }
0x187: {  	[tilespmem:$0x1FAC0] =	vst v45;
	v45 =	vld [tilespmem:$0x1BF0]  }
0x188: {  	[tilespmem:$0x1FAE0] =	vst v48;
	v48 =	vld [tilespmem:$0x24F0]  }
0x189: {  	[tilespmem:$0x1FB90] =	vst v63;
	v63 =	vld [tilespmem:$0x1DA0]  }
0x18a: {  	[tilespmem:$0x1FB00] =	vst v51;
	v51 =	vld [tilespmem:$0x1C80]  }
0x18b: {  	[tilespmem:$0x1FB10] =	vst v53;
	v53 =	vld [tilespmem:$0x2580]  }
0x18c: {  	[tilespmem:$0x1FB40] =	vst v57;
	v57 =	vld [tilespmem:$0x1D10]  }
0x18d: {  	[tilespmem:$0x1FB50] =	vst v59;
	v59 =	vld [tilespmem:$0x2610]  }
0x18e: {  	[tilespmem:$0x1FC80] =	vst v63;
	v63 =	vld [tilespmem:$0x1DB0]  }
0x18f: {  	[tilespmem:$0x1FB80] =	vst v18;
	v18 =	vld [tilespmem:$0x26A0]  }
0x190: {  	[tilespmem:$0x1FBA0] =	vst v19;
	v19 =	vld [tilespmem:$0x1E30]  }
0x191: {  	[tilespmem:$0x1FBB0] =	vst v26;
	v26 =	vld [tilespmem:$0x2730]  }
0x192: {  	[tilespmem:$0x1FBC0] =	vst v27;
	v27 =	vld [tilespmem:$0x1EC0]  }
0x193: {  	[tilespmem:$0x1FCB0] =	vst v63;
	v63 =	vld [tilespmem:$0x26B0]  }
0x194: {  	[tilespmem:$0x1FBD0] =	vst v30;
	v30 =	vld [tilespmem:$0x27C0]  }
0x195: {  	[tilespmem:$0x1FBE0] =	vst v33;
	v33 =	vld [tilespmem:$0x1F50]  }
0x196: {  	[tilespmem:$0x1FBF0] =	vst v35;
	v35 =	vld [tilespmem:$0x2850]  }
0x197: {  	[tilespmem:$0x1FC00] =	vst v38;
	v38 =	vld [tilespmem:$0x1FE0]  }
0x198: {  	[tilespmem:$0x1FCD0] =	vst v63;
	v63 =	vld [tilespmem:$0x1E40]  }
0x199: {  	[tilespmem:$0x1FB60] =	vst v15;
	v15 =	vld [tilespmem:$0x19C0]  }
0x19a: {  	v17 =	vadd.f32 v17, v22;
	v20 =	vadd.f32 v20, v24;
	v22 =	vld [tilespmem:$0x25A0]  }
0x19b: {  	v2 =	vadd.f32 v2, v3;
	v24 =	vld [tilespmem:$0x1D30]  }
0x19c: {  	v17 =	vadd.f32 v23, v17;
	v23 =	vadd.f32 v28, v20;
	v20 =	vld [tilespmem:$0x2870]  }
0x19d: {  	[tilespmem:$0x1FCF0] =	vst v63;
	v63 =	vld [tilespmem:$0x2740]  }
0x19e: {  	v2 =	vadd.f32 v5, v2;
	v5 =	vld [tilespmem:$0x2990]  }
0x19f: {  	v28 =	vadd.f32 v31, v17;
	v31 =	vld [tilespmem:$0x2630]  }
0x1a0: {  	v17 =	vld [tilespmem:$0x1F70]  }
0x1a1: {  	v2 =	vadd.f32 v7, v2;
	v7 =	vld [tilespmem:$0x2120]  }
0x1a2: {  	[tilespmem:$0x1FD10] =	vst v63;
	v63 =	vld [tilespmem:$0x1ED0]  }
0x1a3: {  	[tilespmem:$0x1FC10] =	vst v41;
	v41 =	vld [tilespmem:$0x28E0]  }
0x1a4: {  	[tilespmem:$0x1FC20] =	vst v45;
	v45 =	vld [tilespmem:$0x2070]  }
0x1a5: {  	[tilespmem:$0x1FC30] =	vst v48;
	v48 =	vld [tilespmem:$0x2970]  }
0x1a6: {  	[tilespmem:$0x1FC40] =	vst v51;
	v51 =	vld [tilespmem:$0x2100]  }
0x1a7: {  	[tilespmem:$0x1FD30] =	vst v63;
	v63 =	vld [tilespmem:$0x27D0]  }
0x1a8: {  	[tilespmem:$0x1FC50] =	vst v53;
	v53 =	vld [tilespmem:$0x2A00]  }
0x1a9: {  	[tilespmem:$0x1FC60] =	vst v57;
	v57 =	vld [tilespmem:$0x2190]  }
0x1aa: {  	[tilespmem:$0x1FC70] =	vst v59;
	v59 =	vld [tilespmem:$0x2A90]  }
0x1ab: {  	[tilespmem:$0x1FC90] =	vst v18;
	v18 =	vld [tilespmem:$0x1930]  }
0x1ac: {  	[tilespmem:$0x1FD50] =	vst v63;
	v63 =	vld [tilespmem:$0x1F60]  }
0x1ad: {  	[tilespmem:$0x1FCC0] =	vst v26;
	v26 =	vld [tilespmem:$0x2230]  }
0x1ae: {  	[tilespmem:$0x1FCA0] =	vst v19;
	v19 =	vld [tilespmem:$0x22C0]  }
0x1af: {  	[tilespmem:$0x1FCE0] =	vst v27;
	v27 =	vld [tilespmem:$0x1A50]  }
0x1b0: {  	[tilespmem:$0x1FD00] =	vst v30;
	v30 =	vld [tilespmem:$0x2350]  }
0x1b1: {  	[tilespmem:$0x1FD70] =	vst v63;
	v63 =	vld [tilespmem:$0x2860]  }
0x1b2: {  	[tilespmem:$0x1FD20] =	vst v33;
	v33 =	vld [tilespmem:$0x1AE0]  }
0x1b3: {  	[tilespmem:$0x1FD40] =	vst v35;
	v35 =	vld [tilespmem:$0x23E0]  }
0x1b4: {  	[tilespmem:$0x1FD60] =	vst v38;
	v38 =	vld [tilespmem:$0x1B70]  }
0x1b5: {  	v0 =	vadd.f32 v0, v1;
	v1 =	vadd.f32 v34, v23;
	v34 =	vld [tilespmem:$0x1DC0]  }
0x1b6: {  	[tilespmem:$0x1FD90] =	vst v63;
	v63 =	vld [tilespmem:$0x1FF0]  }
0x1b7: {  	[tilespmem:$0x1FF50] =	vst v22;
	v22 =	vld [tilespmem:$0x1FA70]  }
0x1b8: {  	v23 =	vld [tilespmem:$0x1FA80]  }
0x1b9: {  	[tilespmem:$0x1FF60] =	vst v24;
	v24 =	vld [tilespmem:$0x1FA90]  }
0x1ba: {  	v3 =	vadd.f32 v37, v28;
	v37 =	vld [tilespmem:$0x26C0]  }
0x1bb: {  	[tilespmem:$0x1FDB0] =	vst v63;
	v63 =	vld [tilespmem:$0x28F0]  }
0x1bc: {  	v2 =	vadd.f32 v9, v2;
	v9 =	vld [tilespmem:$0x1EE0]  }
0x1bd: {  	v28 =	vld [tilespmem:$0x1FAA0]  }
0x1be: {  	v1 =	vadd.f32 v40, v1;
	v40 =	vld [tilespmem:$0x1FAE0]  }
0x1bf: {  	[tilespmem:$0x1FFF0] =	vst v20;
	v20 =	vld [tilespmem:$0x22E0]  }
0x1c0: {  	[tilespmem:$0x1FDD0] =	vst v63;
	v63 =	vld [tilespmem:$0x2080]  }
0x1c1: {  	v0 =	vadd.f32 v4, v0;
	v4 =	vld [tilespmem:$0x1FB60]  }
0x1c2: {  	v2 =	vadd.f32 v11, v2;
	v11 =	vld [tilespmem:$0x2A20]  }
0x1c3: {  	v3 =	vadd.f32 v43, v3;
	v43 =	vld [tilespmem:$0x1FAF0]  }
0x1c4: {  	[tilespmem:$0x1FF70] =	vst v31;
	v31 =	vld [tilespmem:$0x1FAB0]  }
0x1c5: {  	[tilespmem:$0x1FDF0] =	vst v63;
	v63 =	vld [tilespmem:$0x2980]  }
0x1c6: {  	[tilespmem:$0x1FFE0] =	vst v17;
	v17 =	vld [tilespmem:$0x19E0]  }
0x1c7: {  	v1 =	vadd.f32 v46, v1;
	v46 =	vld [tilespmem:$0x1FB00]  }
0x1c8: {  	[tilespmem:$0x1FD80] =	vst v41;
	v41 =	vld [tilespmem:$0x2470]  }
0x1c9: {  	[tilespmem:$0x1FDA0] =	vst v45;
	v45 =	vld [tilespmem:$0x1C00]  }
0x1ca: {  	[tilespmem:$0x1FE10] =	vst v63;
	v63 =	vld [tilespmem:$0x2110]  }
0x1cb: {  	[tilespmem:$0x1FDC0] =	vst v48;
	v48 =	vld [tilespmem:$0x2500]  }
0x1cc: {  	[tilespmem:$0x1FDE0] =	vst v51;
	v51 =	vld [tilespmem:$0x1C90]  }
0x1cd: {  	[tilespmem:$0x1FE00] =	vst v53;
	v53 =	vld [tilespmem:$0x2590]  }
0x1ce: {  	[tilespmem:$0x1FE20] =	vst v57;
	v57 =	vld [tilespmem:$0x1D20]  }
0x1cf: {  	[tilespmem:$0x1FE30] =	vst v63;
	v63 =	vld [tilespmem:$0x2A10]  }
0x1d0: {  	[tilespmem:$0x1FE40] =	vst v59;
	v59 =	vld [tilespmem:$0x2620]  }
0x1d1: {  	[tilespmem:$0x1FF80] =	vst v34;
	v34 =	vld [tilespmem:$0x1FAC0]  }
0x1d2: {  	v2 =	vadd.f32 v13, v2;
	v13 =	vld [tilespmem:$0x1950]  }
0x1d3: {  	v0 =	vadd.f32 v6, v0;
	v3 =	vadd.f32 v49, v3;
	v49 =	vld [tilespmem:$0x1FB10]  }
0x1d4: {  	[tilespmem:$0x1FE50] =	vst v63;
	v63 =	vld [tilespmem:$0x21A0]  }
0x1d5: {  	v0 =	vadd.f32 v8, v0;
	v8 =	vld [tilespmem:$0x2750]  }
0x1d6: {  	[tilespmem:$0x1FFC0] =	vst v9;
	v9 =	vld [tilespmem:$0x2090]  }
0x1d7: {  	[tilespmem:$0x1FF90] =	vst v37;
	v37 =	vld [tilespmem:$0x1FAD0]  }
0x1d8: {  	v1 =	vadd.f32 v52, v1;
	v52 =	vld [tilespmem:$0x1FB20]  }
0x1d9: {  	[tilespmem:$0x1FE60] =	vst v63;
	v63 =	vld [tilespmem:$0x2AA0]  }
0x1da: {  	v3 =	vadd.f32 v55, v3;
	v55 =	vld [tilespmem:$0x1FB30]  }
0x1db: {  	v0 =	vadd.f32 v10, v0;
	v10 =	vld [tilespmem:$0x27E0]  }
0x1dc: {  	v1 =	vadd.f32 v58, v1;
	v58 =	vld [tilespmem:$0x2000]  }
0x1dd: {  	v2 =	vadd.f32 v16, v2;
	v3 =	vadd.f32 v62, v3;
	v62 =	vld [tilespmem:$0x2900]  }
0x1de: {  	[tilespmem:$0x1FE90] =	vst v63;
	v63 =	vld [tilespmem:$0x1940]  }
0x1df: {  	v2 =	vadd.f32 v25, v2;
	v25 =	vld [tilespmem:$0x1B90]  }
0x1e0: {  	v0 =	vadd.f32 v12, v0;
	v12 =	vld [tilespmem:$0x2AB0]  }
0x1e1: {  	v1 =	vadd.f32 v22, v1;
	v22 =	vld [tilespmem:$0x2370]  }
0x1e2: {  	v13 =	vadd.f32 v17, v13;
	v17 =	vld [tilespmem:$0x24A0]  }
0x1e3: {  	[tilespmem:$0x1FE70] =	vst v63;
	v63 =	vld [tilespmem:$0x2240]  }
0x1e4: {  	v3 =	vadd.f32 v23, v3;
	v23 =	vld [tilespmem:$0x1B00]  }
0x1e5: {  	[tilespmem:$0x1FFB0] =	vst v8;
	v8 =	vld [tilespmem:$0x1FB70]  }
0x1e6: {  	v2 =	vadd.f32 v32, v2;
	v32 =	vld [tilespmem:$0x1FBB0]  }
0x1e7: {  	v0 =	vadd.f32 v14, v0;
	v14 =	vld [tilespmem:$0x2250]  }
0x1e8: {  	[tilespmem:$0x1FEA0] =	vst v63;
	v63 =	vld [tilespmem:$0x19D0]  }
0x1e9: {  	v1 =	vadd.f32 v24, v1;
	v24 =	vld [tilespmem:$0x2400]  }
0x1ea: {  	[tilespmem:$0x1FFD0] =	vst v10;
	v10 =	vld [tilespmem:$0x21B0]  }
0x1eb: {  	v3 =	vadd.f32 v28, v3;
	v28 =	vld [tilespmem:$0x1FB80]  }
0x1ec: {  	v2 =	vadd.f32 v39, v2;
	v39 =	vadd.f32 v19, v26;
	v19 =	vld [tilespmem:$0x25B0]  }
0x1ed: {  	[tilespmem:$0x1FE80] =	vst v63;
	v63 =	vld [tilespmem:$0x22D0]  }
0x1ee: {  	v26 =	vld [tilespmem:$0x1D40]  }
0x1ef: {  	v0 =	vadd.f32 v21, v0;
	v21 =	vld [tilespmem:$0x1A70]  }
0x1f0: {  	v1 =	vadd.f32 v31, v1;
	v31 =	vld [tilespmem:$0x1FBA0]  }
0x1f1: {  	v3 =	vadd.f32 v34, v3;
	v34 =	vld [tilespmem:$0x1FBC0]  }
0x1f2: {  	[tilespmem:$0x1FEB0] =	vst v63;
	v63 =	vld [tilespmem:$0x1A60]  }
0x1f3: {  	v2 =	vadd.f32 v44, v2;
	v44 =	vld [tilespmem:$0x1FC10]  }
0x1f4: {  	v0 =	vadd.f32 v29, v0;
	v29 =	vld [tilespmem:$0x1FB90]  }
0x1f5: {  	v1 =	vadd.f32 v37, v1;
	v37 =	vld [tilespmem:$0x1FBD0]  }
0x1f6: {  	v3 =	vadd.f32 v40, v3;
	v40 =	vld [tilespmem:$0x1FBE0]  }
0x1f7: {  	[tilespmem:$0x1FEC0] =	vst v63;
	v63 =	vld [tilespmem:$0x2360]  }
0x1f8: {  	v2 =	vadd.f32 v50, v2;
	v50 =	vld [tilespmem:$0x1FC50]  }
0x1f9: {  	v14 =	vadd.f32 v20, v14;
	v20 =	vld [tilespmem:$0x1C30]  }
0x1fa: {  	v0 =	vadd.f32 v36, v0;
	v36 =	vadd.f32 v15, v18;
	v15 =	vld [tilespmem:$0x2520]  }
0x1fb: {  	v18 =	vld [tilespmem:$0x1CB0]  }
0x1fc: {  	[tilespmem:$0x1FED0] =	vst v63;
	v63 =	vld [tilespmem:$0x1AF0]  }
0x1fd: {  	v1 =	vadd.f32 v43, v1;
	v43 =	vld [tilespmem:$0x1FC00]  }
0x1fe: {  	v2 =	vadd.f32 v56, v2;
	v56 =	vld [tilespmem:$0x1FB40]  }
0x1ff: {  	v3 =	vadd.f32 v46, v3;
	v46 =	vld [tilespmem:$0x1FC20]  }
0x200: {  	v13 =	vadd.f32 v21, v13;
	v21 =	vld [tilespmem:$0x2530]  }
0x201: {  	[tilespmem:$0x1FEE0] =	vst v63;
	v63 =	vld [tilespmem:$0x23F0]  }
0x202: {  	v14 =	vadd.f32 v22, v14;
	v22 =	vld [tilespmem:$0x1CC0]  }
0x203: {  	v0 =	vadd.f32 v42, v0;
	v42 =	vld [tilespmem:$0x1FBF0]  }
0x204: {  	v1 =	vadd.f32 v49, v1;
	v49 =	vld [tilespmem:$0x1FC40]  }
0x205: {  	v3 =	vadd.f32 v52, v3;
	v52 =	vld [tilespmem:$0x1FC60]  }
0x206: {  	[tilespmem:$0x1FEF0] =	vst v63;
	v63 =	vld [tilespmem:$0x1B80]  }
0x207: {  	v13 =	vadd.f32 v23, v13;
	v23 =	vld [tilespmem:$0x25C0]  }
0x208: {  	v14 =	vadd.f32 v24, v14;
	v24 =	vld [tilespmem:$0x1D50]  }
0x209: {  	v0 =	vadd.f32 v47, v0;
	v47 =	vld [tilespmem:$0x1FC30]  }
0x20a: {  	v1 =	vadd.f32 v55, v1;
	v55 =	vld [tilespmem:$0x1FC80]  }
0x20b: {  	[tilespmem:$0x1FF00] =	vst v63;
	v63 =	vld [tilespmem:$0x2480]  }
0x20c: {  	v13 =	vadd.f32 v25, v13;
	v25 =	vld [tilespmem:$0x2650]  }
0x20d: {  	v6 =	vadd.f32 v56, v3;
	v3 =	vadd.f32 v30, v39;
	v30 =	vld [tilespmem:$0x1DD0]  }
0x20e: {  	v0 =	vadd.f32 v54, v0;
	v54 =	vld [tilespmem:$0x1FC70]  }
0x20f: {  	v56 =	vld [tilespmem:$0x1FC90]  }
0x210: {  	[tilespmem:$0x1FF10] =	vst v63;
	v63 =	vld [tilespmem:$0x1C10]  }
0x211: {  	v39 =	vld [tilespmem:$0x2910]  }
0x212: {  	v0 =	vadd.f32 v61, v0;
	v3 =	vadd.f32 v35, v3;
	v35 =	vld [tilespmem:$0x27F0]  }
0x213: {  	v61 =	vld [tilespmem:$0x1FCD0]  }
0x214: {  	v8 =	vadd.f32 v8, v0;
	v0 =	vadd.f32 v60, v28;
	v28 =	vld [tilespmem:$0x2490]  }
0x215: {  	[tilespmem:$0x1FF20] =	vst v63;
	v63 =	vld [tilespmem:$0x2510]  }
0x216: {  	v60 =	vld [tilespmem:$0x1FCC0]  }
0x217: {  	v3 =	vadd.f32 v41, v3;
	v41 =	vld [tilespmem:$0x29A0]  }
0x218: {  	v0 =	vadd.f32 v34, v0;
	v34 =	vld [tilespmem:$0x1EF0]  }
0x219: {  	v3 =	vadd.f32 v48, v3;
	v48 =	vld [tilespmem:$0x1FD30]  }
0x21a: {  	[tilespmem:$0x1FF30] =	vst v63;
	v63 =	vld [tilespmem:$0x1CA0]  }
0x21b: {  	v0 =	vadd.f32 v40, v0;
	v40 =	vld [tilespmem:$0x20A0]  }
0x21c: {  	v3 =	vadd.f32 v53, v3;
	v53 =	vld [tilespmem:$0x1FD80]  }
0x21d: {  	v14 =	vadd.f32 v28, v14;
	v28 =	vld [tilespmem:$0x1DE0]  }
0x21e: {  	v3 =	vadd.f32 v59, v3;
	v59 =	vld [tilespmem:$0x1FCB0]  }
0x21f: {  	[tilespmem:$0x1FF40] =	vst v63;
	v63 =	vld [tilespmem:$0x1E50]  }
0x220: {  	v0 =	vadd.f32 v43, v0;
	v43 =	vld [tilespmem:$0x2A30]  }
0x221: {  	v14 =	vadd.f32 v15, v14;
	v15 =	vld [tilespmem:$0x1E70]  }
0x222: {  	v0 =	vadd.f32 v46, v0;
	v46 =	vld [tilespmem:$0x1FD10]  }
0x223: {  	v14 =	vadd.f32 v19, v14;
	v19 =	vld [tilespmem:$0x1F00]  }
0x224: {  	v0 =	vadd.f32 v49, v0;
	[tilespmem:$0x1FFA0] =	vst v63;
	v63 =	vld [tilespmem:$0x1FB50]  }
0x225: {  	v3 =	vadd.f32 v61, v3;
	v49 =	vld [tilespmem:$0x1FD40]  }
0x226: {  	v0 =	vadd.f32 v52, v0;
	v52 =	vld [tilespmem:$0x1FD70]  }
0x227: {  	v3 =	vadd.f32 v46, v3;
	v46 =	vld [tilespmem:$0x1960]  }
0x228: {  	v0 =	vadd.f32 v55, v0;
	v55 =	vld [tilespmem:$0x1FDA0]  }
0x229: {  	v61 =	vld [tilespmem:$0x1FDF0];
	v16 =	vadd.f32 v63, v1  }
0x22a: {  	v1 =	vadd.f32 v4, v2;
	v2 =	vadd.f32 v27, v36;
	v27 =	vld [tilespmem:$0x2640]  }
0x22b: {  	v36 =	vld [tilespmem:$0x1F80]  }
0x22c: {  	v63 =	vld [tilespmem:$0x1FCE0]  }
0x22d: {  	v4 =	vadd.f32 v29, v1;
	v29 =	vld [tilespmem:$0x1C20]  }
0x22e: {  	v1 =	vadd.f32 v32, v31;
	v31 =	vld [tilespmem:$0x26D0]  }
0x22f: {  	v32 =	vld [tilespmem:$0x1E60]  }
0x230: {  	v2 =	vadd.f32 v33, v2;
	v33 =	vld [tilespmem:$0x2760]  }
0x231: {  	v1 =	vadd.f32 v37, v1;
	v37 =	vld [tilespmem:$0x2880]  }
0x232: {  	v2 =	vadd.f32 v38, v2;
	v38 =	vld [tilespmem:$0x2010]  }
0x233: {  	v14 =	vadd.f32 v27, v14;
	v27 =	vld [tilespmem:$0x1F90]  }
0x234: {  	v2 =	vadd.f32 v45, v2;
	v45 =	vld [tilespmem:$0x1FD00]  }
0x235: {  	v1 =	vadd.f32 v42, v1;
	v42 =	vld [tilespmem:$0x2130]  }
0x236: {  	v13 =	vadd.f32 v29, v13;
	v29 =	vld [tilespmem:$0x26E0]  }
0x237: {  	v14 =	vadd.f32 v31, v14;
	v31 =	vld [tilespmem:$0x2020]  }
0x238: {  	v1 =	vadd.f32 v44, v1;
	v2 =	vadd.f32 v51, v2;
	v44 =	vld [tilespmem:$0x1FCF0]  }
0x239: {  	v51 =	vld [tilespmem:$0x1FD60]  }
0x23a: {  	v1 =	vadd.f32 v47, v1;
	v2 =	vadd.f32 v57, v2;
	v57 =	vld [tilespmem:$0x1FCA0]  }
0x23b: {  	v47 =	vld [tilespmem:$0x1FD20]  }
0x23c: {  	v1 =	vadd.f32 v50, v1;
	v50 =	vld [tilespmem:$0x1FD50]  }
0x23d: {  	v2 =	vadd.f32 v59, v2;
	v59 =	vld [tilespmem:$0x1FDD0]  }
0x23e: {  	v1 =	vadd.f32 v54, v1;
	v54 =	vld [tilespmem:$0x1FD90]  }
0x23f: {  	v2 =	vadd.f32 v44, v2;
	v0 =	vadd.f32 v57, v0;
	v57 =	vld [tilespmem:$0x1FDC0]  }
0x240: {  	v1 =	vadd.f32 v56, v1;
	v56 =	vld [tilespmem:$0x1FDB0]  }
0x241: {  	v2 =	vadd.f32 v48, v2;
	v0 =	vadd.f32 v63, v0;
	v63 =	vld [tilespmem:$0x1FE00]  }
0x242: {  	v3 =	vadd.f32 v50, v3;
	v1 =	vadd.f32 v60, v1;
	v60 =	vld [tilespmem:$0x1FDE0]  }
0x243: {  	v2 =	vadd.f32 v52, v2;
	v52 =	vld [tilespmem:$0x1FE10];
	v0 =	vadd.f32 v47, v0  }
0x244: {  	v3 =	vadd.f32 v54, v3;
	v54 =	vld [tilespmem:$0x1FE30];
	v1 =	vadd.f32 v45, v1  }
0x245: {  	v0 =	vadd.f32 v51, v0;
	v2 =	vadd.f32 v56, v2;
	v56 =	vld [tilespmem:$0x1FE50]  }
0x246: {  	v3 =	vadd.f32 v59, v3;
	v59 =	vld [tilespmem:$0x1FE70];
	v1 =	vadd.f32 v49, v1  }
0x247: {  	v0 =	vadd.f32 v55, v0;
	v55 =	vld [tilespmem:$0x1FE40]  }
0x248: {  	v1 =	vadd.f32 v53, v1;
	v53 =	vld [tilespmem:$0x1FE20]  }
0x249: {  	v0 =	vadd.f32 v60, v0;
	v60 =	vld [tilespmem:$0x1FE80]  }
0x24a: {  	v2 =	vadd.f32 v61, v2;
	v50 =	vadd.f32 v52, v3;
	v61 =	vld [tilespmem:$0x1FE90]  }
0x24b: {  	v1 =	vadd.f32 v57, v1;
	v57 =	vld [tilespmem:$0x1FE60]  }
0x24c: {  	v13 =	vadd.f32 v18, v13;
	v18 =	vld [tilespmem:$0x2770];
	v50 =	vadd.f32 v56, v50  }
0x24d: {  	v1 =	vadd.f32 v63, v1;
	v63 =	vld [tilespmem:$0x1FEA0];
	v3 =	vadd.f32 v53, v0  }
0x24e: {  	v0 =	vadd.f32 v54, v2;
	v54 =	vadd.f32 v60, v59;
	v60 =	vld [tilespmem:$0x1FEB0]  }
0x24f: {  	v14 =	vadd.f32 v33, v14;
	v33 =	vld [tilespmem:$0x20B0];
	v2 =	vadd.f32 v55, v1  }
0x250: {  	v1 =	vadd.f32 v57, v0;
	v0 =	vadd.f32 v61, v50;
	v61 =	vld [tilespmem:$0x1FEC0]  }
0x251: {  	v13 =	vadd.f32 v26, v13;
	v26 =	vld [tilespmem:$0x2800]  }
0x252: {  	v14 =	vadd.f32 v35, v14;
	v35 =	vld [tilespmem:$0x2140]  }
0x253: {  	v50 =	vadd.f32 v60, v63;
	v63 =	vld [tilespmem:$0x1FED0]  }
0x254: {  	v13 =	vadd.f32 v30, v13;
	v30 =	vld [tilespmem:$0x2890]  }
0x255: {  	v54 =	vadd.f32 v61, v54;
	v61 =	vld [tilespmem:$0x1FEF0]  }
0x256: {  	v60 =	vld [tilespmem:$0x1FEE0]  }
0x257: {  	v14 =	vadd.f32 v37, v14;
	v37 =	vld [tilespmem:$0x21D0]  }
0x258: {  	v50 =	vadd.f32 v63, v50;
	v63 =	vld [tilespmem:$0x1FF00]  }
0x259: {  	v44 =	vld [tilespmem:$0x21C0]  }
0x25a: {  	v50 =	vadd.f32 v61, v50;
	v61 =	vld [tilespmem:$0x1FF20]  }
0x25b: {  	v54 =	vadd.f32 v60, v54;
	v60 =	vld [tilespmem:$0x1FF10]  }
0x25c: {  	v13 =	vadd.f32 v32, v13;
	v32 =	vld [tilespmem:$0x2920]  }
0x25d: {  	v54 =	vadd.f32 v63, v54;
	v63 =	vld [tilespmem:$0x1FF30]  }
0x25e: {  	v14 =	vadd.f32 v39, v14;
	v39 =	vld [tilespmem:$0x2810]  }
0x25f: {  	v54 =	vadd.f32 v61, v54;
	v61 =	vld [tilespmem:$0x1FF50]  }
0x260: {  	v50 =	vadd.f32 v60, v50;
	v60 =	vld [tilespmem:$0x1FF40]  }
0x261: {  	v48 =	vld [tilespmem:$0x19F0]  }
0x262: {  	v50 =	vadd.f32 v63, v50;
	v63 =	vld [tilespmem:$0x1FF60]  }
0x263: {  	v13 =	vadd.f32 v34, v13;
	v34 =	vld [tilespmem:$0x29B0]  }
0x264: {  	v50 =	vadd.f32 v61, v50;
	v61 =	vld [tilespmem:$0x1FF80]  }
0x265: {  	v54 =	vadd.f32 v60, v54;
	v60 =	vld [tilespmem:$0x1FF70]  }
0x266: {  	v47 =	vld [tilespmem:$0x2260]  }
0x267: {  	v54 =	vadd.f32 v63, v54;
	v63 =	vld [tilespmem:$0x1FF90]  }
0x268: {  	v13 =	vadd.f32 v36, v13;
	v36 =	vld [tilespmem:$0x2A40]  }
0x269: {  	v54 =	vadd.f32 v61, v54;
	v61 =	vld [tilespmem:$0x1FFB0]  }
0x26a: {  	v50 =	vadd.f32 v60, v50;
	v60 =	vld [tilespmem:$0x1FFA0]  }
0x26b: {  	v45 =	vld [tilespmem:$0x2AC0]  }
0x26c: {  	v50 =	vadd.f32 v63, v50;
	v63 =	vld [tilespmem:$0x1FFC0]  }
0x26d: {  	v51 =	vld [tilespmem:$0x1A80]  }
0x26e: {  	v50 =	vadd.f32 v61, v50;
	v61 =	vld [tilespmem:$0x1FFE0]  }
0x26f: {  	v49 =	vld [tilespmem:$0x22F0];
	v54 =	vadd.f32 v60, v54  }
0x270: {  	v60 =	vld [tilespmem:$0x1FFD0]  }
0x271: {  	v53 =	vld [tilespmem:$0x1B10];
	v54 =	vadd.f32 v63, v54  }
0x272: {  	v63 =	vld [tilespmem:$0x1FFF0]  }
0x273: {  	v13 =	vadd.f32 v38, v13;
	v57 =	vld [tilespmem:$0x1970];
	v54 =	vadd.f32 v61, v54  }
0x274: {  	v46 =	vadd.f32 v48, v46;
	v49 =	vadd.f32 v49, v47;
	v61 =	vld [tilespmem:$0x1A00]  }
0x275: {  	v52 =	vld [tilespmem:$0x2380];
	v50 =	vadd.f32 v60, v50;
	v54 =	vadd.f32 v58, v54  }
0x276: {  	v56 =	vld [tilespmem:$0x1BA0];
	v58 =	vadd.f32 v40, v13;
	v40 =	vadd.f32 v51, v46  }
0x277: {  	v55 =	vld [tilespmem:$0x2410];
	v60 =	vadd.f32 v41, v14;
	v50 =	vadd.f32 v63, v50  }
0x278: {  	v59 =	vld [tilespmem:$0x2270];
	v9 =	vadd.f32 v9, v54;
	v40 =	vadd.f32 v53, v40  }
0x279: {  	v50 =	vadd.f32 v62, v50;
	v62 =	vld [tilespmem:$0x2300];
	v14 =	vadd.f32 v61, v57  }
0x27a: {  	v63 =	vld [tilespmem:$0x1A90];
	v7 =	vadd.f32 v7, v9;
	v9 =	vadd.f32 v42, v58  }
0x27b: {  	v48 =	vld [tilespmem:$0x2390];
	v42 =	vadd.f32 v52, v49;
	v5 =	vadd.f32 v5, v50  }
0x27c: {  	v40 =	vadd.f32 v56, v40;
	v50 =	vld [tilespmem:$0x1B20];
	v7 =	vadd.f32 v10, v7  }
0x27d: {  	v51 =	vld [tilespmem:$0x2420];
	v9 =	vadd.f32 v44, v9;
	v5 =	vadd.f32 v11, v5  }
0x27e: {  	v52 =	vld [tilespmem:$0x1BB0];
	v42 =	vadd.f32 v55, v42;
	v10 =	vadd.f32 v62, v59  }
0x27f: {  	v54 =	vld [tilespmem:$0x24B0];
	v5 =	vadd.f32 v12, v5;
	v12 =	vadd.f32 v63, v14  }
0x280: {  	v57 =	vld [tilespmem:$0x1C40];
	v20 =	vadd.f32 v20, v40;
	v10 =	vadd.f32 v48, v10  }
0x281: {  	v58 =	vld [tilespmem:$0x2540];
	v11 =	vadd.f32 v43, v60;
	v12 =	vadd.f32 v50, v12  }
0x282: {  	v17 =	vadd.f32 v17, v42;
	v59 =	vld [tilespmem:$0x1CD0];
	v10 =	vadd.f32 v51, v10  }
0x283: {  	v60 =	vld [tilespmem:$0x25D0];
	v20 =	vadd.f32 v22, v20;
	v12 =	vadd.f32 v52, v12  }
0x284: {  	v61 =	vld [tilespmem:$0x1D60];
	v17 =	vadd.f32 v21, v17;
	v10 =	vadd.f32 v54, v10  }
0x285: {  	v62 =	vld [tilespmem:$0x2660];
	v11 =	vadd.f32 v45, v11;
	v12 =	vadd.f32 v57, v12  }
0x286: {  	v63 =	vld [tilespmem:$0x1DF0];
	v17 =	vadd.f32 v23, v17;
	v10 =	vadd.f32 v58, v10  }
0x287: {  	v20 =	vadd.f32 v24, v20;
	v24 =	vld [tilespmem:$0x26F0];
	v12 =	vadd.f32 v59, v12  }
0x288: {  	v17 =	vadd.f32 v25, v17;
	v25 =	vld [tilespmem:$0x1E80];
	v10 =	vadd.f32 v60, v10  }
0x289: {  	v20 =	vadd.f32 v28, v20;
	v28 =	vld [tilespmem:$0x2780];
	v12 =	vadd.f32 v61, v12  }
0x28a: {  	v17 =	vadd.f32 v29, v17;
	v29 =	vld [tilespmem:$0x1F10];
	v10 =	vadd.f32 v62, v10  }
0x28b: {  	v38 =	vld [tilespmem:$0x2AD0];
	v15 =	vadd.f32 v15, v20;
	v12 =	vadd.f32 v63, v12  }
0x28c: {  	v40 =	vld [tilespmem:$0x1FA0];
	v17 =	vadd.f32 v18, v17;
	v10 =	vadd.f32 v24, v10  }
0x28d: {  	[tilespmem:$0x2B00] =	vst v6;
	v42 =	vld [tilespmem:$0x28A0];
	v41 =	vadd.f32 v19, v15;
	v12 =	vadd.f32 v25, v12  }
0x28e: {  	[tilespmem:$0x2B10] =	vst v8;
	v44 =	vld [tilespmem:$0x2030];
	v43 =	vadd.f32 v26, v17;
	v10 =	vadd.f32 v28, v10  }
0x28f: {  	[tilespmem:$0x2B80] =	vst v16;
	v46 =	vld [tilespmem:$0x2930];
	v6 =	vadd.f32 v27, v41;
	v45 =	vadd.f32 v29, v12  }
0x290: {  	[tilespmem:$0x2B90] =	vst v4;
	v48 =	vld [tilespmem:$0x20C0];
	v47 =	vadd.f32 v30, v43;
	v10 =	vadd.f32 v39, v10  }
0x291: {  	[tilespmem:$0x2B20] =	vst v3;
	v51 =	vld [tilespmem:$0x29C0];
	v49 =	vadd.f32 v31, v6;
	v50 =	vadd.f32 v40, v45  }
0x292: {  	[tilespmem:$0x2BA0] =	vst v2;
	v54 =	vld [tilespmem:$0x2150];
	v52 =	vadd.f32 v32, v47;
	v53 =	vadd.f32 v42, v10  }
0x293: {  	[tilespmem:$0x2B30] =	vst v1;
	v57 =	vld [tilespmem:$0x2A50];
	v55 =	vadd.f32 v33, v49;
	v56 =	vadd.f32 v44, v50  }
0x294: {  	[tilespmem:$0x2BB0] =	vst v0;
	v60 =	vld [tilespmem:$0x21E0];
	v58 =	vadd.f32 v34, v52;
	v59 =	vadd.f32 v46, v53  }
0x295: {  	[tilespmem:$0x2B40] =	vst v7;
	v61 =	vld [tilespmem:$0x2AE0];
	v1 =	vadd.f32 v35, v55;
	v3 =	vadd.f32 v48, v56  }
0x296: {  	[tilespmem:$0x2B50] =	vst v9;
	v0 =	vadd.f32 v36, v58;
	v2 =	vadd.f32 v51, v59  }
0x297: {  	[tilespmem:$0x2BC0] =	vst v5;
	v1 =	vadd.f32 v37, v1;
	v3 =	vadd.f32 v54, v3  }
0x298: {  	[tilespmem:$0x2BD0] =	vst v11;
	v0 =	vadd.f32 v38, v0;
	v2 =	vadd.f32 v57, v2  }
0x299: {  	[tilespmem:$0x2B60] =	vst v1;
	v62 =	vadd.f32 v60, v3  }
0x29a: {  	[tilespmem:$0x2BE0] =	vst v0;
	v63 =	vadd.f32 v61, v2  }
0x29b: {  	s29 =	sshll.u32 s5, $0x7;
	[tilespmem:$0x2B70] =	vst v62  }
0x29c: {  	s8 =	simm.s32 $0x2B00;
	s30 =	sadd.s32 s29, s4;
	s6 =	simm.s32 $0x1;
	[tilespmem:$0x2BF0] =	vst v63  }
0x29d: {  	[spmem:s30] =	stream.linear.scatter [tilespmem:s8], [sflag:$0x1], $0x80, $0x38;
	[tilespmem:$0x3E00] =	vst v63  }
0x29e: {  	_ =	swait.ge [sflag:s6], $0x80  }
0x29f: {  	[sflag:s6] =	ssyncset.done $0x0  }
0x2a0: {  	s31 =	simm.s32 $0x2B80;
	s7 =	sadd.s32 s29, s3;
	[sflag:s6] =	ssyncadd.s32 $0xFFFFFF80  }
0x2a1: {  	[spmem:s7] =	stream.linear.scatter [tilespmem:s31], [sflag:$0x1], $0x80, $0x38;
	[tilespmem:$0x3E00] =	vst v63  }
0x2a2: {  	_ =	swait.ge [sflag:s6], $0x80  }
0x2a3: {  	[sflag:s6] =	ssyncset.done $0x0  }
0x2a4: {  	[sflag:s6] =	ssyncadd.s32 $0xFFFFFF80  }
0x2a5: {  	p0 =	sne.s32 s5, $0x0;
	[bflag:$0x0] =	sbarrier.arrive $0xFFFF  }
0x2a6: {  	_ =	sfence.sel @p0 $0x180000  }
0x2a7: {  	[bflag:$0x0] =	sbarrier.arrive @p0 $0xFFFF  }
0x2a8: {  	_ =	strace @p0 $0x90000047  }
0x2a9: {  	[bflag:$0x2] =	sbarrier.arrive @p0 $0xFFFF  }
0x2aa: {  	_ =	shalt @p0  }
.LBB2_3:
0x2ab: {  	s5 =	simm.s32 $0x2D00  }
0x2ac: {  	[tilespmem:s5], [sflag:$0x1] =	stream.linear.gather [spmem:s4], $0x800, $0x38;
	[tilespmem:$0x3E00] =	vst v63  }
0x2ad: {  	_ =	swait.ge [sflag:s6], $0x800  }
0x2ae: {  	[sflag:s6] =	ssyncset.done $0x0  }
0x2af: {  	s28 =	simm.s32 $0x3500;
	[sflag:s6] =	ssyncadd.s32 $0xFFFFF800  }
0x2b0: {  	[tilespmem:s28], [sflag:$0x1] =	stream.linear.gather [spmem:s3], $0x800, $0x38;
	[tilespmem:$0x3E00] =	vst v63  }
0x2b1: {  	_ =	swait.ge [sflag:s6], $0x800  }
0x2b2: {  	[sflag:s6] =	ssyncset.done $0x0  }
0x2b3: {  	s29 =	simm.s32 $0x0;
	s30 =	simm.s32 $0x3D00;
	[sflag:s6] =	ssyncadd.s32 $0xFFFFF800  }
0x2b4: {  	[tilespmem:s30], [sflag:$0x1] =	stream.linear.gather [hbm4b:s2+s29], $0x1, $0x38;
	[tilespmem:$0x3E00] =	vst v63  }
0x2b5: {  	_ =	swait.ge [sflag:s6], $0x1  }
0x2b6: {  	[sflag:s6] =	ssyncset.done $0x0  }
0x2b7: {  	[sflag:s6] =	ssyncadd.s32 $0xFFFFFFFF  }
0x2b8: {  	v0 =	vld.msk [tilespmem:s30+$0x0], $0xffff  }
0x2b9: {  	v11 =	vld [tilespmem:$0x2D00]  }
0x2ba: {  	v13 =	vld [tilespmem:$0x3500]  }
0x2bb: {  	v7 =	vld [tilespmem:$0x2D80]  }
0x2bc: {  	v9 =	vld [tilespmem:$0x3580]  }
0x2bd: {  	v10 =	vld [tilespmem:$0x2E00]  }
0x2be: {  	v14 =	vld [tilespmem:$0x3600]  }
0x2bf: {  	v15 =	vld [tilespmem:$0x2E80]  }
0x2c0: {  	v17 =	vld [tilespmem:$0x3680]  }
0x2c1: {  	v18 =	vld [tilespmem:$0x2F00]  }
0x2c2: {  	v19 =	vld [tilespmem:$0x3700]  }
0x2c3: {  	v21 =	vld [tilespmem:$0x2F80]  }
0x2c4: {  	v23 =	vld [tilespmem:$0x3780]  }
0x2c5: {  	v24 =	vld [tilespmem:$0x3000]  }
0x2c6: {  	v25 =	vld [tilespmem:$0x3800]  }
0x2c7: {  	v27 =	vld [tilespmem:$0x3080]  }
0x2c8: {  	v28 =	vld [tilespmem:$0x3880]  }
0x2c9: {  	v32 =	vld [tilespmem:$0x3100]  }
0x2ca: {  	v36 =	vld [tilespmem:$0x3900]  }
0x2cb: {  	v41 =	vld [tilespmem:$0x3180]  }
0x2cc: {  	v51 =	vld [tilespmem:$0x3980]  }
0x2cd: {  	v50 =	vld [tilespmem:$0x3200]  }
0x2ce: {  	v55 =	vld [tilespmem:$0x3A00]  }
0x2cf: {  	v59 =	vld [tilespmem:$0x3280]  }
0x2d0: {  	v1 =	vld [tilespmem:$0x3A80]  }
0x2d1: {  	v53 =	vld [tilespmem:$0x3300]  }
0x2d2: {  	v54 =	vld [tilespmem:$0x3B00]  }
0x2d3: {  	v56 =	vld [tilespmem:$0x3380]  }
0x2d4: {  	v57 =	vld [tilespmem:$0x3B80]  }
0x2d5: {  	v58 =	vld [tilespmem:$0x3400]  }
0x2d6: {  	v60 =	vld [tilespmem:$0x3C00]  }
0x2d7: {  	v61 =	vld [tilespmem:$0x3480]  }
0x2d8: {  	v62 =	vld [tilespmem:$0x3C80]  }
0x2d9: {  	v2 =	vld [tilespmem:$0x2D10]  }
0x2da: {  	v4 =	vld [tilespmem:$0x3510]  }
0x2db: {  	v3 =	vld [tilespmem:$0x3590]  }
0x2dc: {  	v5 =	vld [tilespmem:$0x2E10]  }
0x2dd: {  	v6 =	vld [tilespmem:$0x3610]  }
0x2de: {  	v8 =	vld [tilespmem:$0x2E90]  }
0x2df: {  	v12 =	vld [tilespmem:$0x3690]  }
0x2e0: {  	v16 =	vld [tilespmem:$0x2F10]  }
0x2e1: {  	v20 =	vld [tilespmem:$0x3710]  }
0x2e2: {  	v22 =	vld [tilespmem:$0x2F90]  }
0x2e3: {  	v26 =	vld [tilespmem:$0x3790]  }
0x2e4: {  	v29 =	vld [tilespmem:$0x3010]  }
0x2e5: {  	v30 =	vld [tilespmem:$0x3810]  }
0x2e6: {  	v34 =	vld [tilespmem:$0x3090]  }
0x2e7: {  	v40 =	vld [tilespmem:$0x3890]  }
0x2e8: {  	v45 =	vld [tilespmem:$0x3110]  }
0x2e9: {  	v49 =	vld [tilespmem:$0x3910]  }
0x2ea: {  	v31 =	vld [tilespmem:$0x3A10]  }
0x2eb: {  	v63 =	vld [tilespmem:$0x3290]  }
0x2ec: {  	v33 =	vld [tilespmem:$0x3A90]  }
0x2ed: {  	v35 =	vld [tilespmem:$0x3310]  }
0x2ee: {  	v37 =	vld [tilespmem:$0x3B10]  }
0x2ef: {  	v38 =	vld [tilespmem:$0x3390]  }
0x2f0: {  	v39 =	vld [tilespmem:$0x3B90]  }
0x2f1: {  	v42 =	vld [tilespmem:$0x3410]  }
0x2f2: {  	v43 =	vld [tilespmem:$0x3C10]  }
0x2f3: {  	v44 =	vld [tilespmem:$0x3490]  }
0x2f4: {  	v46 =	vld [tilespmem:$0x3C90]  }
0x2f5: {  	v47 =	vld [tilespmem:$0x37A0]  }
0x2f6: {  	v48 =	vld [tilespmem:$0x3020]  }
0x2f7: {  	v52 =	vld [tilespmem:$0x3820]  }
0x2f8: {  	[tilespmem:$0x1F4B0] =	vst v1;
	v1 =	vld [tilespmem:$0x2D90]  }
0x2f9: {  	[tilespmem:$0x1F4C0] =	vst v53;
	v53 =	vld [tilespmem:$0x3190]  }
0x2fa: {  	[tilespmem:$0x1F4F0] =	vst v57;
	v57 =	vld [tilespmem:$0x3990]  }
0x2fb: {  	[tilespmem:$0x1F510] =	vst v60;
	v60 =	vld [tilespmem:$0x3210]  }
0x2fc: {  	[tilespmem:$0x1F560] =	vst v33;
	v33 =	vld [tilespmem:$0x2D20]  }
0x2fd: {  	[tilespmem:$0x1F590] =	vst v38;
	v38 =	vld [tilespmem:$0x3520]  }
0x2fe: {  	[tilespmem:$0x1F540] =	vst v31;
	v31 =	vld [tilespmem:$0x2DA0]  }
0x2ff: {  	[tilespmem:$0x1F570] =	vst v35;
	v35 =	vld [tilespmem:$0x35A0]  }
0x300: {  	[tilespmem:$0x1F5A0] =	vst v39;
	v39 =	vld [tilespmem:$0x2E20]  }
0x301: {  	[tilespmem:$0x1F5B0] =	vst v42;
	v42 =	vld [tilespmem:$0x3620]  }
0x302: {  	[tilespmem:$0x1F610] =	vst v46;
	v46 =	vld [tilespmem:$0x2EA0]  }
0x303: {  	[tilespmem:$0x1F4D0] =	vst v54;
	v54 =	vld [tilespmem:$0x36A0]  }
0x304: {  	[tilespmem:$0x1F500] =	vst v58;
	v58 =	vld [tilespmem:$0x2F20]  }
0x305: {  	[tilespmem:$0x1F520] =	vst v61;
	v61 =	vld [tilespmem:$0x3720]  }
0x306: {  	[tilespmem:$0x1F580] =	vst v37;
	v37 =	vld [tilespmem:$0x2FA0]  }
0x307: {  	[tilespmem:$0x1F4E0] =	vst v56;
	v56 =	vld [tilespmem:$0x30A0]  }
0x308: {  	[tilespmem:$0x1F530] =	vst v62;
	v62 =	vld [tilespmem:$0x38A0]  }
0x309: {  	[tilespmem:$0x1F550] =	vst v63;
	v63 =	vld [tilespmem:$0x3120]  }
0x30a: {  	[tilespmem:$0x1F5D0] =	vst v43;
	v43 =	vld [tilespmem:$0x3920]  }
0x30b: {  	[tilespmem:$0x1F5F0] =	vst v44;
	v44 =	vld [tilespmem:$0x31A0]  }
0x30c: {  	[tilespmem:$0x1F5E0] =	vst v47;
	v47 =	vld [tilespmem:$0x39A0]  }
0x30d: {  	[tilespmem:$0x1F600] =	vst v48;
	v48 =	vld [tilespmem:$0x3220]  }
0x30e: {  	[tilespmem:$0x1F620] =	vst v52;
	v52 =	vld [tilespmem:$0x3A20]  }
0x30f: {  	v7 =	vadd.f32 v7, v11;
	v9 =	vadd.f32 v9, v13;
	v13 =	vld [tilespmem:$0x2EC0]  }
0x310: {  	v3 =	vadd.f32 v3, v4;
	v11 =	vld [tilespmem:$0x33C0]  }
0x311: {  	v7 =	vadd.f32 v10, v7;
	v9 =	vadd.f32 v14, v9;
	v14 =	vld [tilespmem:$0x3740]  }
0x312: {  	v10 =	vld [tilespmem:$0x1F4C0]  }
0x313: {  	v3 =	vadd.f32 v6, v3;
	v7 =	vadd.f32 v15, v7;
	v15 =	vld [tilespmem:$0x2FC0]  }
0x314: {  	v9 =	vadd.f32 v17, v9;
	v17 =	vld [tilespmem:$0x37C0]  }
0x315: {  	v3 =	vadd.f32 v12, v3;
	v12 =	vld [tilespmem:$0x1F4D0]  }
0x316: {  	[tilespmem:$0x1F630] =	vst v56;
	v56 =	vld [tilespmem:$0x32A0]  }
0x317: {  	[tilespmem:$0x1F640] =	vst v62;
	v62 =	vld [tilespmem:$0x3AA0]  }
0x318: {  	[tilespmem:$0x1F650] =	vst v63;
	v63 =	vld [tilespmem:$0x3320]  }
0x319: {  	[tilespmem:$0x1F660] =	vst v43;
	v43 =	vld [tilespmem:$0x3B20]  }
0x31a: {  	[tilespmem:$0x1F670] =	vst v44;
	v44 =	vld [tilespmem:$0x33A0]  }
0x31b: {  	[tilespmem:$0x1F680] =	vst v47;
	v47 =	vld [tilespmem:$0x3BA0]  }
0x31c: {  	[tilespmem:$0x1F690] =	vst v48;
	v48 =	vld [tilespmem:$0x3420]  }
0x31d: {  	[tilespmem:$0x1F6B0] =	vst v52;
	v52 =	vld [tilespmem:$0x3C20]  }
0x31e: {  	[tilespmem:$0x1F5C0] =	vst v37;
	v37 =	vld [tilespmem:$0x2DB0]  }
0x31f: {  	[tilespmem:$0x1F900] =	vst v13;
	v13 =	vld [tilespmem:$0x2F40]  }
0x320: {  	[tilespmem:$0x1FA40] =	vst v11;
	v11 =	vld [tilespmem:$0x2DD0]  }
0x321: {  	v7 =	vadd.f32 v18, v7;
	v18 =	vld [tilespmem:$0x3040]  }
0x322: {  	v9 =	vadd.f32 v19, v9;
	v19 =	vld [tilespmem:$0x3840]  }
0x323: {  	[tilespmem:$0x1F710] =	vst v63;
	v63 =	vld [tilespmem:$0x2F30]  }
0x324: {  	v1 =	vadd.f32 v1, v2;
	[tilespmem:$0x1F8E0] =	vst v14;
	v14 =	vld [tilespmem:$0x1F4F0]  }
0x325: {  	v3 =	vadd.f32 v20, v3;
	v7 =	vadd.f32 v21, v7;
	v21 =	vld [tilespmem:$0x30C0]  }
0x326: {  	v9 =	vadd.f32 v23, v9;
	v23 =	vld [tilespmem:$0x38C0]  }
0x327: {  	v1 =	vadd.f32 v5, v1;
	v3 =	vadd.f32 v26, v3;
	v26 =	vld [tilespmem:$0x35D0]  }
0x328: {  	[tilespmem:$0x1F6A0] =	vst v63;
	v63 =	vld [tilespmem:$0x3730]  }
0x329: {  	v1 =	vadd.f32 v8, v1;
	v8 =	vld [tilespmem:$0x3340]  }
0x32a: {  	[tilespmem:$0x1F970] =	vst v15;
	v15 =	vld [tilespmem:$0x1F500]  }
0x32b: {  	[tilespmem:$0x1F6D0] =	vst v56;
	v56 =	vld [tilespmem:$0x34A0]  }
0x32c: {  	[tilespmem:$0x1F6F0] =	vst v62;
	v62 =	vld [tilespmem:$0x3CA0]  }
0x32d: {  	[tilespmem:$0x1F6C0] =	vst v63;
	v63 =	vld [tilespmem:$0x2FB0]  }
0x32e: {  	[tilespmem:$0x1F730] =	vst v43;
	v43 =	vld [tilespmem:$0x2D30]  }
0x32f: {  	[tilespmem:$0x1F770] =	vst v47;
	v47 =	vld [tilespmem:$0x3530]  }
0x330: {  	[tilespmem:$0x1F750] =	vst v44;
	v44 =	vld [tilespmem:$0x35B0]  }
0x331: {  	[tilespmem:$0x1F790] =	vst v48;
	v48 =	vld [tilespmem:$0x2E30]  }
0x332: {  	[tilespmem:$0x1F6E0] =	vst v63;
	v63 =	vld [tilespmem:$0x37B0]  }
0x333: {  	[tilespmem:$0x1F7B0] =	vst v52;
	v52 =	vld [tilespmem:$0x3630]  }
0x334: {  	v7 =	vadd.f32 v24, v7;
	v24 =	vld [tilespmem:$0x3140]  }
0x335: {  	[tilespmem:$0x1F940] =	vst v13;
	v13 =	vld [tilespmem:$0x1F4E0]  }
0x336: {  	v3 =	vadd.f32 v30, v3;
	v30 =	vld [tilespmem:$0x1F580]  }
0x337: {  	[tilespmem:$0x1F700] =	vst v63;
	v63 =	vld [tilespmem:$0x3030]  }
0x338: {  	v1 =	vadd.f32 v16, v1;
	v16 =	vld [tilespmem:$0x1F510]  }
0x339: {  	[tilespmem:$0x1F9A0] =	vst v18;
	v18 =	vld [tilespmem:$0x1F520]  }
0x33a: {  	[tilespmem:$0x1F960] =	vst v19;
	v19 =	vld [tilespmem:$0x1F530]  }
0x33b: {  	v9 =	vadd.f32 v25, v9;
	v7 =	vadd.f32 v27, v7;
	v27 =	vld [tilespmem:$0x3940]  }
0x33c: {  	[tilespmem:$0x1F720] =	vst v63;
	v63 =	vld [tilespmem:$0x3830]  }
0x33d: {  	v25 =	vadd.f32 v28, v9;
	v9 =	vld [tilespmem:$0x1F4B0]  }
0x33e: {  	v3 =	vadd.f32 v40, v3;
	v40 =	vld [tilespmem:$0x1F610]  }
0x33f: {  	v1 =	vadd.f32 v22, v1;
	v22 =	vld [tilespmem:$0x1F540]  }
0x340: {  	[tilespmem:$0x1F9D0] =	vst v21;
	v21 =	vadd.f32 v31, v33;
	v31 =	vld [tilespmem:$0x1F590]  }
0x341: {  	[tilespmem:$0x1F740] =	vst v63;
	v63 =	vld [tilespmem:$0x30B0]  }
0x342: {  	v33 =	vld [tilespmem:$0x1F5B0]  }
0x343: {  	[tilespmem:$0x1F990] =	vst v23;
	v23 =	vadd.f32 v35, v38;
	v35 =	vld [tilespmem:$0x1F5D0]  }
0x344: {  	v38 =	vld [tilespmem:$0x1F5F0]  }
0x345: {  	v28 =	vadd.f32 v32, v7;
	v32 =	vld [tilespmem:$0x31C0]  }
0x346: {  	[tilespmem:$0x1F760] =	vst v63;
	v63 =	vld [tilespmem:$0x38B0]  }
0x347: {  	v2 =	vadd.f32 v36, v25;
	v36 =	vld [tilespmem:$0x39C0]  }
0x348: {  	v25 =	vld [tilespmem:$0x3B40]  }
0x349: {  	[tilespmem:$0x1FA30] =	vst v8;
	v8 =	vld [tilespmem:$0x3BC0]  }
0x34a: {  	[tilespmem:$0x1F920] =	vst v17;
	v17 =	vadd.f32 v49, v3;
	v3 =	vld [tilespmem:$0x3CC0]  }
0x34b: {  	[tilespmem:$0x1F780] =	vst v63;
	v63 =	vld [tilespmem:$0x3130]  }
0x34c: {  	v49 =	vld [tilespmem:$0x1F650]  }
0x34d: {  	[tilespmem:$0x1F7D0] =	vst v56;
	v56 =	vld [tilespmem:$0x2EB0]  }
0x34e: {  	[tilespmem:$0x1F820] =	vst v62;
	v62 =	vld [tilespmem:$0x36B0]  }
0x34f: {  	[tilespmem:$0x1F9F0] =	vst v24;
	v24 =	vld [tilespmem:$0x1F550]  }
0x350: {  	[tilespmem:$0x1F7A0] =	vst v63;
	v63 =	vld [tilespmem:$0x3930]  }
0x351: {  	v1 =	vadd.f32 v29, v1;
	v29 =	vld [tilespmem:$0x1F570]  }
0x352: {  	v5 =	vadd.f32 v42, v23;
	v42 =	vld [tilespmem:$0x1F630]  }
0x353: {  	v23 =	vld [tilespmem:$0x32D0]  }
0x354: {  	v4 =	vadd.f32 v41, v28;
	v41 =	vld [tilespmem:$0x3240]  }
0x355: {  	[tilespmem:$0x1F7C0] =	vst v63;
	v63 =	vld [tilespmem:$0x31B0]  }
0x356: {  	v2 =	vadd.f32 v51, v2;
	v51 =	vld [tilespmem:$0x3A40]  }
0x357: {  	v28 =	vld [tilespmem:$0x3AC0]  }
0x358: {  	v20 =	vadd.f32 v57, v17;
	v17 =	vld [tilespmem:$0x2FD0]  }
0x359: {  	[tilespmem:$0x1F9C0] =	vst v27;
	v27 =	vld [tilespmem:$0x1F560]  }
0x35a: {  	[tilespmem:$0x1F7E0] =	vst v63;
	v63 =	vld [tilespmem:$0x39B0]  }
0x35b: {  	v1 =	vadd.f32 v34, v1;
	v34 =	vld [tilespmem:$0x1F5C0]  }
0x35c: {  	v5 =	vadd.f32 v54, v5;
	v54 =	vld [tilespmem:$0x1F690]  }
0x35d: {  	v4 =	vadd.f32 v50, v4;
	v50 =	vld [tilespmem:$0x1F660]  }
0x35e: {  	v2 =	vadd.f32 v55, v2;
	v55 =	vld [tilespmem:$0x1F6A0]  }
0x35f: {  	[tilespmem:$0x1F7F0] =	vst v63;
	v63 =	vld [tilespmem:$0x3230]  }
0x360: {  	[tilespmem:$0x1FA00] =	vst v32;
	v32 =	vld [tilespmem:$0x1F5A0]  }
0x361: {  	[tilespmem:$0x1F9E0] =	vst v36;
	v36 =	vld [tilespmem:$0x1F5E0]  }
0x362: {  	v5 =	vadd.f32 v61, v5;
	v61 =	vld [tilespmem:$0x1F6F0]  }
0x363: {  	v1 =	vadd.f32 v45, v1;
	v45 =	vadd.f32 v37, v43;
	v37 =	vld [tilespmem:$0x3AD0]  }
0x364: {  	[tilespmem:$0x1F830] =	vst v63;
	v63 =	vld [tilespmem:$0x3A30]  }
0x365: {  	v43 =	vld [tilespmem:$0x1F770]  }
0x366: {  	v4 =	vadd.f32 v59, v4;
	v59 =	vld [tilespmem:$0x34C0]  }
0x367: {  	v2 =	vadd.f32 v9, v2;
	v9 =	vld [tilespmem:$0x2D50]  }
0x368: {  	[tilespmem:$0x1FA10] =	vst v41;
	v41 =	vld [tilespmem:$0x1F620]  }
0x369: {  	[tilespmem:$0x1F840] =	vst v63;
	v63 =	vld [tilespmem:$0x32B0]  }
0x36a: {  	v1 =	vadd.f32 v53, v1;
	v53 =	vld [tilespmem:$0x1F680]  }
0x36b: {  	v57 =	vld [tilespmem:$0x1F6C0];
	v4 =	vadd.f32 v10, v4  }
0x36c: {  	v2 =	vadd.f32 v12, v2;
	v12 =	vld [tilespmem:$0x3550]  }
0x36d: {  	v4 =	vadd.f32 v13, v4;
	v13 =	vld [tilespmem:$0x3C40]  }
0x36e: {  	[tilespmem:$0x1F860] =	vst v63;
	v63 =	vld [tilespmem:$0x3AB0]  }
0x36f: {  	v1 =	vadd.f32 v60, v1;
	v2 =	vadd.f32 v14, v2;
	v14 =	vld [tilespmem:$0x2E50]  }
0x370: {  	v6 =	vadd.f32 v36, v5;
	v36 =	vld [tilespmem:$0x3A50]  }
0x371: {  	v1 =	vadd.f32 v24, v1;
	v24 =	vld [tilespmem:$0x1F710]  }
0x372: {  	v9 =	vadd.f32 v11, v9;
	v11 =	vld [tilespmem:$0x38E0]  }
0x373: {  	[tilespmem:$0x1F890] =	vst v63;
	v63 =	vld [tilespmem:$0x3330]  }
0x374: {  	v4 =	vadd.f32 v15, v4;
	v15 =	vld [tilespmem:$0x2ED0]  }
0x375: {  	v2 =	vadd.f32 v16, v2;
	v16 =	vld [tilespmem:$0x2F50]  }
0x376: {  	v60 =	vld [tilespmem:$0x1F6E0]  }
0x377: {  	v1 =	vadd.f32 v29, v1;
	v29 =	vld [tilespmem:$0x36D0]  }
0x378: {  	[tilespmem:$0x1F8B0] =	vst v63;
	v63 =	vld [tilespmem:$0x3B30]  }
0x379: {  	v4 =	vadd.f32 v18, v4;
	v18 =	vld [tilespmem:$0x3050]  }
0x37a: {  	v2 =	vadd.f32 v19, v2;
	v19 =	vld [tilespmem:$0x30D0]  }
0x37b: {  	v1 =	vadd.f32 v31, v1;
	v31 =	vld [tilespmem:$0x37D0]  }
0x37c: {  	v9 =	vadd.f32 v14, v9;
	v14 =	vld [tilespmem:$0x3960]  }
0x37d: {  	[tilespmem:$0x1F8D0] =	vst v63;
	v63 =	vld [tilespmem:$0x33B0]  }
0x37e: {  	[tilespmem:$0x1FA60] =	vst v4;
	v4 =	vadd.f32 v39, v21;
	v39 =	vld [tilespmem:$0x1F600]  }
0x37f: {  	[tilespmem:$0x1FA50] =	vst v2;
	v2 =	vadd.f32 v22, v20;
	v20 =	vld [tilespmem:$0x3150]  }
0x380: {  	v21 =	vld [tilespmem:$0x31D0]  }
0x381: {  	v22 =	vld [tilespmem:$0x3250]  }
0x382: {  	[tilespmem:$0x1F8F0] =	vst v63;
	v63 =	vld [tilespmem:$0x3BB0]  }
0x383: {  	v1 =	vadd.f32 v33, v1;
	v33 =	vld [tilespmem:$0x38D0]  }
0x384: {  	v9 =	vadd.f32 v15, v9;
	v15 =	vld [tilespmem:$0x39E0]  }
0x385: {  	v2 =	vadd.f32 v27, v2;
	v27 =	vld [tilespmem:$0x3650]  }
0x386: {  	v4 =	vadd.f32 v46, v4;
	v46 =	vld [tilespmem:$0x1F640]  }
0x387: {  	[tilespmem:$0x1F910] =	vst v63;
	v63 =	vld [tilespmem:$0x3430]  }
0x388: {  	v9 =	vadd.f32 v16, v9;
	v16 =	vld [tilespmem:$0x3A60]  }
0x389: {  	v2 =	vadd.f32 v30, v2;
	v30 =	vld [tilespmem:$0x3750]  }
0x38a: {  	v4 =	vadd.f32 v58, v4;
	v58 =	vld [tilespmem:$0x1F6D0]  }
0x38b: {  	v9 =	vadd.f32 v17, v9;
	v17 =	vld [tilespmem:$0x3570]  }
0x38c: {  	[tilespmem:$0x1F930] =	vst v63;
	v63 =	vld [tilespmem:$0x3C30]  }
0x38d: {  	v2 =	vadd.f32 v32, v2;
	v32 =	vld [tilespmem:$0x3850]  }
0x38e: {  	v26 =	vadd.f32 v26, v12;
	v4 =	vadd.f32 v34, v4;
	v34 =	vld [tilespmem:$0x3950]  }
0x38f: {  	v5 =	vadd.f32 v38, v1;
	v38 =	vld [tilespmem:$0x1F720]  }
0x390: {  	v26 =	vadd.f32 v27, v26;
	v27 =	vld [tilespmem:$0x3060]  }
0x391: {  	[tilespmem:$0x1F950] =	vst v63;
	v63 =	vld [tilespmem:$0x34B0]  }
0x392: {  	v2 =	vadd.f32 v35, v2;
	v35 =	vld [tilespmem:$0x39D0]  }
0x393: {  	v1 =	vadd.f32 v39, v4;
	v39 =	vld [tilespmem:$0x1F730]  }
0x394: {  	v4 =	vadd.f32 v48, v45;
	v45 =	vld [tilespmem:$0x1F790]  }
0x395: {  	v47 =	vadd.f32 v44, v47;
	v26 =	vadd.f32 v29, v26;
	v29 =	vld [tilespmem:$0x30E0]  }
0x396: {  	v10 =	vadd.f32 v40, v2;
	[tilespmem:$0x1F980] =	vst v63;
	v63 =	vld [tilespmem:$0x3CB0]  }
0x397: {  	v2 =	vadd.f32 v41, v6;
	v6 =	vadd.f32 v52, v47;
	v52 =	vld [tilespmem:$0x1F670]  }
0x398: {  	v4 =	vadd.f32 v56, v4;
	v56 =	vld [tilespmem:$0x1F6B0]  }
0x399: {  	v41 =	vld [tilespmem:$0x1F750]  }
0x39a: {  	v47 =	vld [tilespmem:$0x1F7B0]  }
0x39b: {  	[tilespmem:$0x1F9B0] =	vst v63;
	v63 =	vld [tilespmem:$0x2D40]  }
0x39c: {  	v40 =	vld [tilespmem:$0x1F740]  }
0x39d: {  	v1 =	vadd.f32 v42, v1;
	v26 =	vadd.f32 v30, v26;
	v30 =	vld [tilespmem:$0x3160]  }
0x39e: {  	v6 =	vadd.f32 v62, v6;
	v62 =	vld [tilespmem:$0x1F700]  }
0x39f: {  	v1 =	vadd.f32 v49, v1;
	v49 =	vld [tilespmem:$0x1F7D0]  }
0x3a0: {  	v4 =	vadd.f32 v55, v4;
	[tilespmem:$0x1F870] =	vst v63;
	v63 =	vld [tilespmem:$0x3540]  }
0x3a1: {  	v55 =	vld [tilespmem:$0x1F820];
	v26 =	vadd.f32 v31, v26  }
0x3a2: {  	v31 =	vld [tilespmem:$0x31E0];
	v4 =	vadd.f32 v60, v4  }
0x3a3: {  	v26 =	vadd.f32 v32, v26;
	v32 =	vld [tilespmem:$0x3260]  }
0x3a4: {  	v6 =	vadd.f32 v57, v6;
	v4 =	vadd.f32 v38, v4;
	v38 =	vld [tilespmem:$0x3B50]  }
0x3a5: {  	[tilespmem:$0x1F800] =	vst v63;
	v63 =	vld [tilespmem:$0x2DC0]  }
0x3a6: {  	v42 =	vld [tilespmem:$0x1F760];
	v6 =	vadd.f32 v62, v6  }
0x3a7: {  	v2 =	vadd.f32 v46, v2;
	v26 =	vadd.f32 v33, v26;
	v33 =	vld [tilespmem:$0x3AE0]  }
0x3a8: {  	v6 =	vadd.f32 v40, v6;
	v40 =	vld [tilespmem:$0x3BD0]  }
0x3a9: {  	v2 =	vadd.f32 v50, v2;
	v44 =	vld [tilespmem:$0x1F780]  }
0x3aa: {  	[tilespmem:$0x1F880] =	vst v63;
	v63 =	vld [tilespmem:$0x35C0]  }
0x3ab: {  	v2 =	vadd.f32 v53, v2;
	v46 =	vld [tilespmem:$0x1F7A0]  }
0x3ac: {  	v48 =	vld [tilespmem:$0x1F7C0]  }
0x3ad: {  	v2 =	vadd.f32 v56, v2;
	v50 =	vld [tilespmem:$0x1F7E0]  }
0x3ae: {  	v1 =	vadd.f32 v52, v1;
	v52 =	vld [tilespmem:$0x1F7F0]  }
0x3af: {  	v2 =	vadd.f32 v61, v2;
	v6 =	vadd.f32 v44, v6;
	[tilespmem:$0x1F810] =	vst v63;
	v63 =	vld [tilespmem:$0x2E40]  }
0x3b0: {  	v56 =	vld [tilespmem:$0x1F830]  }
0x3b1: {  	v2 =	vadd.f32 v39, v2;
	v6 =	vadd.f32 v48, v6;
	v57 =	vld [tilespmem:$0x1F840]  }
0x3b2: {  	v7 =	vadd.f32 v42, v4;
	v60 =	vld [tilespmem:$0x1F860]  }
0x3b3: {  	v39 =	vadd.f32 v43, v2;
	v43 =	vadd.f32 v52, v6;
	v52 =	vld [tilespmem:$0x1F890]  }
0x3b4: {  	[tilespmem:$0x1F8C0] =	vst v63;
	v63 =	vld [tilespmem:$0x3640]  }
0x3b5: {  	v7 =	vadd.f32 v46, v7;
	v61 =	vld [tilespmem:$0x1F870]  }
0x3b6: {  	v53 =	vld [tilespmem:$0x1F800]  }
0x3b7: {  	v39 =	vadd.f32 v47, v39;
	v42 =	vadd.f32 v50, v7;
	v62 =	vld [tilespmem:$0x1F880]  }
0x3b8: {  	v1 =	vadd.f32 v54, v1;
	v54 =	vld [tilespmem:$0x1F810]  }
0x3b9: {  	v6 =	vadd.f32 v55, v39;
	v39 =	vadd.f32 v56, v42;
	[tilespmem:$0x1F850] =	vst v63;
	v63 =	vld [tilespmem:$0x36C0]  }
0x3ba: {  	v1 =	vadd.f32 v58, v1;
	v58 =	vld [tilespmem:$0x1F850]  }
0x3bb: {  	v39 =	vadd.f32 v60, v39;
	v60 =	vld [tilespmem:$0x1F900]  }
0x3bc: {  	v55 =	vld [tilespmem:$0x1F8C0]  }
0x3bd: {  	v44 =	vadd.f32 v54, v53;
	v54 =	vld [tilespmem:$0x1F8B0]  }
0x3be: {  	v56 =	vld [tilespmem:$0x1F8D0]  }
0x3bf: {  	v47 =	vadd.f32 v62, v61;
	[tilespmem:$0x1F8A0] =	vst v63;
	v44 =	vadd.f32 v58, v44;
	v58 =	vld [tilespmem:$0x1F8F0]  }
0x3c0: {  	v43 =	vadd.f32 v57, v43;
	v53 =	vld [tilespmem:$0x1F8A0]  }
0x3c1: {  	v61 =	vld [tilespmem:$0x1F910];
	v47 =	vadd.f32 v55, v47  }
0x3c2: {  	v57 =	vld [tilespmem:$0x1F8E0];
	v43 =	vadd.f32 v52, v43;
	v39 =	vadd.f32 v54, v39  }
0x3c3: {  	v47 =	vadd.f32 v60, v47;
	v60 =	vld [tilespmem:$0x1F950]  }
0x3c4: {  	v43 =	vadd.f32 v56, v43;
	v39 =	vadd.f32 v58, v39;
	v58 =	vld [tilespmem:$0x1F940]  }
0x3c5: {  	v62 =	vld [tilespmem:$0x1F920];
	v44 =	vadd.f32 v53, v44  }
0x3c6: {  	v43 =	vadd.f32 v61, v43;
	v61 =	vld [tilespmem:$0x1F960]  }
0x3c7: {  	v44 =	vadd.f32 v57, v44;
	v57 =	vld [tilespmem:$0x1F930]  }
0x3c8: {  	v43 =	vadd.f32 v60, v43;
	v60 =	vld [tilespmem:$0x1F990]  }
0x3c9: {  	v1 =	vadd.f32 v24, v1;
	v47 =	vadd.f32 v58, v47;
	v58 =	vld [tilespmem:$0x1F980]  }
0x3ca: {  	v24 =	vld [tilespmem:$0x3350];
	v44 =	vadd.f32 v62, v44  }
0x3cb: {  	v4 =	vld [tilespmem:$0x33D0];
	v1 =	vadd.f32 v41, v1  }
0x3cc: {  	v41 =	vld [tilespmem:$0x3C50];
	v44 =	vadd.f32 v61, v44;
	v39 =	vadd.f32 v57, v39  }
0x3cd: {  	v2 =	vld [tilespmem:$0x3450]  }
0x3ce: {  	v12 =	vadd.f32 v58, v39;
	v39 =	vadd.f32 v60, v44;
	v60 =	vld [tilespmem:$0x1F9C0]  }
0x3cf: {  	v62 =	vld [tilespmem:$0x1F970]  }
0x3d0: {  	v1 =	vadd.f32 v45, v1;
	v45 =	vld [tilespmem:$0x3CD0]  }
0x3d1: {  	v61 =	vld [tilespmem:$0x1F9A0]  }
0x3d2: {  	v1 =	vadd.f32 v49, v1;
	v49 =	vld [tilespmem:$0x35E0]  }
0x3d3: {  	v39 =	vadd.f32 v60, v39;
	v60 =	vld [tilespmem:$0x1F9D0]  }
0x3d4: {  	v46 =	vld [tilespmem:$0x3560];
	v47 =	vadd.f32 v62, v47  }
0x3d5: {  	v48 =	vld [tilespmem:$0x2DE0]  }
0x3d6: {  	v7 =	vld [tilespmem:$0x34D0];
	v47 =	vadd.f32 v61, v47  }
0x3d7: {  	v50 =	vld [tilespmem:$0x2E60]  }
0x3d8: {  	v47 =	vadd.f32 v60, v47;
	v60 =	vld [tilespmem:$0x1F9E0]  }
0x3d9: {  	v42 =	vld [tilespmem:$0x2D60]  }
0x3da: {  	v52 =	vld [tilespmem:$0x3660]  }
0x3db: {  	v56 =	vld [tilespmem:$0x3760]  }
0x3dc: {  	v62 =	vld [tilespmem:$0x1F9B0]  }
0x3dd: {  	v39 =	vadd.f32 v60, v39;
	v60 =	vld [tilespmem:$0x1F9F0]  }
0x3de: {  	v63 =	vld [tilespmem:$0x32C0]  }
0x3df: {  	v61 =	vld [tilespmem:$0x1FA00]  }
0x3e0: {  	v54 =	vld [tilespmem:$0x36E0]  }
0x3e1: {  	v43 =	vadd.f32 v62, v43;
	v62 =	vld [tilespmem:$0x1FA10]  }
0x3e2: {  	v55 =	vld [tilespmem:$0x2F60];
	v47 =	vadd.f32 v60, v47  }
0x3e3: {  	[tilespmem:$0x1FA20] =	vst v63;
	v63 =	vld [tilespmem:$0x3440]  }
0x3e4: {  	v53 =	vld [tilespmem:$0x2EE0];
	v39 =	vadd.f32 v51, v39;
	v47 =	vadd.f32 v61, v47  }
0x3e5: {  	v57 =	vld [tilespmem:$0x2FE0]  }
0x3e6: {  	v28 =	vadd.f32 v28, v39;
	v39 =	vadd.f32 v62, v47;
	v47 =	vld [tilespmem:$0x1FA20]  }
0x3e7: {  	v44 =	vld [tilespmem:$0x37E0]  }
0x3e8: {  	v51 =	vld [tilespmem:$0x1FA30]  }
0x3e9: {  	v26 =	vadd.f32 v34, v26;
	v58 =	vld [tilespmem:$0x3860]  }
0x3ea: {  	v60 =	vld [tilespmem:$0x1FA40];
	v25 =	vadd.f32 v25, v28  }
0x3eb: {  	v61 =	vadd.f32 v35, v26;
	v35 =	vld [tilespmem:$0x3270];
	v28 =	vadd.f32 v47, v39  }
0x3ec: {  	v8 =	vadd.f32 v8, v25;
	v62 =	vld [tilespmem:$0x3670]  }
0x3ed: {  	v9 =	vadd.f32 v18, v9;
	v25 =	vadd.f32 v51, v28;
	v28 =	vld [tilespmem:$0x35F0]  }
0x3ee: {  	v8 =	vadd.f32 v13, v8;
	v13 =	vld [tilespmem:$0x3B60]  }
0x3ef: {  	v42 =	vadd.f32 v48, v42;
	v39 =	vadd.f32 v19, v9;
	v9 =	vld [tilespmem:$0x3BE0]  }
0x3f0: {  	v3 =	vadd.f32 v3, v8;
	v47 =	vadd.f32 v36, v61;
	v61 =	vld [tilespmem:$0x3770]  }
0x3f1: {  	v51 =	vadd.f32 v49, v46;
	v18 =	vadd.f32 v60, v25;
	v60 =	vld [tilespmem:$0x36F0]  }
0x3f2: {  	v36 =	vld [tilespmem:$0x2D70];
	v8 =	vadd.f32 v20, v39;
	v17 =	vadd.f32 v28, v17  }
0x3f3: {  	v20 =	vld [tilespmem:$0x3C60];
	v19 =	vadd.f32 v37, v47;
	v25 =	vadd.f32 v52, v51  }
0x3f4: {  	v37 =	vld [tilespmem:$0x3870];
	v46 =	vadd.f32 v50, v42;
	v17 =	vadd.f32 v62, v17  }
0x3f5: {  	v8 =	vadd.f32 v21, v8;
	v25 =	vadd.f32 v54, v25;
	v62 =	vld [tilespmem:$0x37F0]  }
0x3f6: {  	v39 =	vld [tilespmem:$0x38F0];
	v19 =	vadd.f32 v38, v19;
	v17 =	vadd.f32 v60, v17  }
0x3f7: {  	v38 =	vld [tilespmem:$0x2DF0];
	v50 =	vadd.f32 v53, v46;
	v25 =	vadd.f32 v56, v25  }
0x3f8: {  	v47 =	vld [tilespmem:$0x2F70];
	v8 =	vadd.f32 v22, v8;
	v17 =	vadd.f32 v61, v17  }
0x3f9: {  	v49 =	vld [tilespmem:$0x3A70];
	v19 =	vadd.f32 v40, v19;
	v25 =	vadd.f32 v44, v25  }
0x3fa: {  	v40 =	vld [tilespmem:$0x2E70];
	v8 =	vadd.f32 v23, v8;
	v17 =	vadd.f32 v62, v17  }
0x3fb: {  	v19 =	vadd.f32 v41, v19;
	v41 =	vld [tilespmem:$0x3970];
	v25 =	vadd.f32 v58, v25  }
0x3fc: {  	v22 =	vadd.f32 v38, v36;
	v44 =	vld [tilespmem:$0x2EF0];
	v17 =	vadd.f32 v37, v17  }
0x3fd: {  	v19 =	vadd.f32 v45, v19;
	v45 =	vld [tilespmem:$0x39F0];
	v11 =	vadd.f32 v11, v25  }
0x3fe: {  	v21 =	vld [tilespmem:$0x3CE0];
	v8 =	vadd.f32 v24, v8;
	v17 =	vadd.f32 v39, v17  }
0x3ff: {  	v51 =	vld [tilespmem:$0x2FF0];
	v48 =	vadd.f32 v40, v22;
	v11 =	vadd.f32 v14, v11  }
0x400: {  	v52 =	vld [tilespmem:$0x3AF0];
	v24 =	vadd.f32 v55, v50;
	v17 =	vadd.f32 v41, v17  }
0x401: {  	v55 =	vld [tilespmem:$0x1FA50];
	v14 =	vadd.f32 v44, v48;
	v11 =	vadd.f32 v15, v11  }
0x402: {  	v10 =	vmax.f32 v10, $1.000000000e+00;
	v53 =	vld [tilespmem:$0x3070];
	v17 =	vadd.f32 v45, v17  }
0x403: {  	v6 =	vmax.f32 v6, $1.000000000e+00;
	v54 =	vld [tilespmem:$0x3B70];
	v14 =	vadd.f32 v47, v14;
	v11 =	vadd.f32 v16, v11  }
0x404: {  	v34 =	vmax.f32 v43, $1.000000000e+00;
	v56 =	vld [tilespmem:$0x30F0];
	v24 =	vadd.f32 v57, v24;
	v17 =	vadd.f32 v49, v17  }
0x405: {  	v3 =	vmax.f32 v3, $1.000000000e+00;
	v57 =	vld [tilespmem:$0x3BF0];
	v14 =	vadd.f32 v51, v14;
	v11 =	vadd.f32 v33, v11  }
0x406: {  	v58 =	vld [tilespmem:$0x3170];
	v24 =	vadd.f32 v27, v24;
	v26 =	vmax.f32 v55, $1.000000000e+00;
	v15 =	vadd.f32 v52, v17  }
0x407: {  	v62 =	vld [tilespmem:$0x3C70];
	(erf) = vrcp.f32 v26;
	v61 =	vadd.f32 v53, v14;
	v60 =	vadd.f32 v13, v11  }
0x408: {  	v24 =	vadd.f32 v29, v24;
	v26 =	vld [tilespmem:$0x31F0];
	(erf) = vrcp.f32 v10;
	v15 =	vadd.f32 v54, v15  }
0x409: {  	v29 =	vld [tilespmem:$0x3CF0];
	(erf) = vrcp.f32 v6;
	v28 =	vadd.f32 v56, v61;
	v27 =	vadd.f32 v9, v60  }
0x40a: {  	v42 =	vld [tilespmem:$0x3370];
	(erf) = vrcp.f32 v34;
	v33 =	vadd.f32 v30, v24;
	v15 =	vadd.f32 v57, v15  }
0x40b: {  	v36 =	vld [tilespmem:$0x32E0];
	(erf) = vrcp.f32 v3;
	v9 =	vadd.f32 v58, v28;
	v6 =	vadd.f32 v20, v27  }
0x40c: {  	v37 =	vld [tilespmem:$0x32F0];
	v41 =	vmax.f32 v19, $1.000000000e+00;
	v11 =	vadd.f32 v31, v33;
	v13 =	vadd.f32 v62, v15  }
0x40d: {  	v40 =	vld [tilespmem:$0x3360];
	(erf) = vrcp.f32 v41;
	v39 =	vadd.f32 v26, v9;
	v38 =	vadd.f32 v21, v6  }
0x40e: {  	v51 =	vld [tilespmem:$0x1FA60];
	v11 =	vadd.f32 v32, v11;
	v10 =	vadd.f32 v29, v13  }
0x40f: {  	v43 =	vld [tilespmem:$0x33E0];
	v4 =	vadd.f32 v4, v8;
	v6 =	vadd.f32 v35, v39;
	v3 =	vmax.f32 v38, $1.000000000e+00  }
0x410: {  	v44 =	vld [tilespmem:$0x33F0];
	v11 =	vadd.f32 v36, v11;
	(erf) = vrcp.f32 v3;
	v10 =	vmax.f32 v10, $1.000000000e+00  }
0x411: {  	v45 =	vld [tilespmem:$0x3460];
	v48 =	vpop (erf);
	v6 =	vadd.f32 v37, v6;
	(erf) = vrcp.f32 v10  }
0x412: {  	v2 =	vadd.f32 v2, v4;
	v47 =	vld [tilespmem:$0x3470];
	v50 =	vpop (erf);
	v9 =	vadd.f32 v40, v11  }
0x413: {  	v46 =	vadd.f32 v63, v18;
	v49 =	vld [tilespmem:$0x34E0];
	v14 =	vmul.f32 v48, v51;
	v53 =	vpop (erf);
	v6 =	vadd.f32 v42, v6  }
0x414: {  	v2 =	vadd.f32 v7, v2;
	v52 =	vld [tilespmem:$0x34F0];
	v5 =	vmul.f32 v50, v5;
	v54 =	vpop (erf);
	v9 =	vadd.f32 v43, v9  }
0x415: {  	v55 =	vadd.f32 v14, v0;
	v56 =	vpop (erf);
	v3 =	vadd.f32 v44, v6  }
0x416: {  	v1 =	vmul.f32 v53, v1;
	v5 =	vadd.f32 v5, v0;
	v57 =	vpop (erf);
	v8 =	vadd.f32 v45, v9  }
0x417: {  	v2 =	vmul.f32 v57, v2;
	v10 =	vadd.f32 v59, v46;
	v3 =	vadd.f32 v47, v3  }
0x418: {  	[tilespmem:$0x3D80] =	vst v55;
	v1 =	vadd.f32 v1, v0;
	v6 =	vmul.f32 v54, v12;
	v4 =	vadd.f32 v49, v8  }
0x419: {  	[tilespmem:$0x3D90] =	vst v5;
	v2 =	vadd.f32 v2, v0;
	v58 =	vmul.f32 v56, v10;
	v3 =	vadd.f32 v52, v3;
	v59 =	vpop (erf)  }
0x41a: {  	[tilespmem:$0x3DA0] =	vst v1;
	v60 =	vadd.f32 v6, v0;
	v4 =	vmul.f32 v59, v4;
	v62 =	vpop (erf)  }
0x41b: {  	[tilespmem:$0x3DD0] =	vst v2;
	v61 =	vadd.f32 v58, v0;
	v3 =	vmul.f32 v62, v3  }
0x41c: {  	[tilespmem:$0x3DB0] =	vst v60;
	v63 =	vadd.f32 v4, v0  }
0x41d: {  	[tilespmem:$0x3DC0] =	vst v61;
	v0 =	vadd.f32 v3, v0  }
0x41e: {  	[tilespmem:$0x3DE0] =	vst v63  }
0x41f: {  	s31 =	simm.s32 $0x3D80;
	[tilespmem:$0x3DF0] =	vst v0  }
0x420: {  	[hbm4b:s1+s29] =	stream.linear.scatter [tilespmem:s31], [sflag:$0x1], $0x80, $0x38;
	[tilespmem:$0x3E00] =	vst v63  }
0x421: {  	_ =	swait.ge [sflag:s6], $0x80  }
0x422: {  	[sflag:s6] =	ssyncset.done $0x0  }
0x423: {  	[sflag:s6] =	ssyncadd.s32 $0xFFFFFF80  }
0x424: {  	_ =	sfence.sel $0x180000  }
0x425: {  	[bflag:$0x0] =	sbarrier.arrive $0xFFFF  }
0x426: {  	_ =	strace $0x90000047  }
0x427: {  	s0 =	sadd.s32 $0x100000, s0;
	[bflag:$0x2] =	sbarrier.arrive $0xFFFF  }
0x428: {  	[sflag:s0] =	ssyncadd.tile.s32 $0x1;
	_ =	shalt  }
.Lfunc_end2:
_tile_overlayer_lowered:
.L_overlay_start_2:
0x429: {  	(tag) =	ssettag $0x2  }
0x42a: {  	s0 =	rddreg [dreg:$0x0];
	s2 =	stileid.u32  }
0x42b: {  	s1 =	rddreg [dreg:$0x1];
	p0 =	sne.s32 s2, $0x0  }
0x42c: {  	s3 =	rddreg [dreg:$0x2];
	[bflag:$0x3] =	sbarrier.arrive $0xFFFF;
	s2 =	simm.s32 @!p0 $0x1C01  }
0x42d: {  	[timem:s3], [sflag:s2] =	dma.local @!p0 [hbm:s0], s1  }
0x42e: {  	s0 =	simm.s32 @!p0 $0x1  }
0x42f: {  	_ =	swait.ge @!p0 [sflag:s0], s1  }
0x430: {  	s1 =	ssub.s32 @!p0 $0x0, s1;
	[sflag:s0] =	ssyncset.done @!p0 $0x0  }
0x431: {  	[sflag:s0] =	ssyncadd.s32 @!p0 s1  }
0x432: {  	[bflag:$0x3] =	sbarrier.arrive $0xFFFF  }
0x433: {  	_ =	shalt  }

</sc_bundles>
